<compile_context>
chip_gen: v7x
topology: tpu7x:2x2x1
jax: 0.10.2.dev20260603
libtpu: 0.0.44.dev20260713+nightly
codegen_flags: <defaults>
</compile_context>

<pallas_src>
import functools

import jax
import jax.numpy as jnp
from jax import lax
from jax.experimental import pallas as pl
from jax.experimental.pallas import tpu as pltpu
from jax.experimental.pallas import tpu_sc as plsc

N = 10000
E = 320000
D_FEAT = 128
HIDDEN = 16
NUM_CLASSES = 10
K1 = 2500
K2 = 625

NP = 10240
SPR = NP // 16
NTILES = 32
EPT = E // NTILES
CH = 125
NCH = EPT // CH
FIRE = 8
GRP = EPT // 16


def _sc_scalar_seg_body(src_hbm, row_hbm, col_hbm, out_hbm, srcv, rbuf, cbuf, acc,
                        sem):
    cid = lax.axis_index("c")
    sid = lax.axis_index("s")
    w = sid * 2 + cid
    base = w * EPT
    cps = [pltpu.async_copy(src_hbm, srcv, sem),
           pltpu.async_copy(row_hbm.at[pl.ds(base, EPT)], rbuf, sem),
           pltpu.async_copy(col_hbm.at[pl.ds(base, EPT)], cbuf, sem)]

    zero = jnp.zeros((16,), jnp.float32)

    def zbody(j5, carry):
        for u in range(5):
            acc[pl.ds((j5 * 5 + u) * 16, 16)] = zero
        return carry

    lax.fori_loop(0, GRP // 5, zbody, 0)
    for cp in cps:
        cp.wait()

    def body(j5, carry):
        for u in range(5):
            j = j5 * 5 + u
            r = rbuf[pl.ds(j * 16, 16)]
            c = cbuf[pl.ds(j * 16, 16)]
            vals = plsc.load_gather(srcv, [r])
            plsc.addupdate_scatter(acc, [c], vals)
        return carry

    lax.fori_loop(0, GRP // 5, body, 0)
    pltpu.sync_copy(acc, out_hbm.at[w])


def _sc_vec_seg_body(rows_hbm, row3_hbm, col3_hbm, zeros_hbm, out_hbm,
                     rbuf, cbuf, rva, rvb, spacc, sga, sgb, ssc):
    cid = lax.axis_index("c")
    sid = lax.axis_index("s")
    w = sid * 2 + cid
    sl = pl.ds(sid * SPR, SPR)
    cps = [pltpu.async_copy(row3_hbm.at[w], rbuf, sga),
           pltpu.async_copy(col3_hbm.at[w], cbuf, sgb),
           pltpu.async_copy(zeros_hbm.at[sl], spacc.at[sl], ssc)]
    for cp in cps:
        cp.wait()
    plsc.subcore_barrier()

    def fire(g, rv, sem):
        return [pltpu.async_copy(rows_hbm.at[rbuf.at[g * FIRE + b]],
                                 rv.at[pl.ds(b * CH, CH)], sem)
                for b in range(FIRE)]

    def scatter(g, rv):
        return [pltpu.async_copy(rv.at[pl.ds(b * CH, CH)],
                                 spacc.at[cbuf.at[g * FIRE + b]], ssc, add=True)
                for b in range(FIRE)]

    def pair(i2, carry):
        g0 = i2 * 2
        ga = fire(g0, rva, sga)
        gb = fire(g0 + 1, rvb, sgb)
        for cp in ga:
            cp.wait()
        sa = scatter(g0, rva)
        for cp in gb:
            cp.wait()
        sb = scatter(g0 + 1, rvb)
        for cp in sa + sb:
            cp.wait()
        return carry

    lax.fori_loop(0, NCH // (2 * FIRE), pair, 0)
    plsc.subcore_barrier()
    pltpu.sync_copy(spacc.at[sl], out_hbm.at[cid].at[sl])


@functools.lru_cache(maxsize=None)
def _sc_kernels():
    mesh = plsc.VectorSubcoreMesh(core_axis_name="c", subcore_axis_name="s")
    params = pltpu.CompilerParams(needs_layout_passes=False,
                                  use_tc_tiling_on_sc=False)
    scalar = pl.kernel(
        _sc_scalar_seg_body,
        mesh=mesh,
        compiler_params=params,
        out_type=jax.ShapeDtypeStruct((NTILES, N), jnp.float32),
        scratch_types=[
            pltpu.VMEM((N,), jnp.float32),
            pltpu.VMEM((EPT,), jnp.int32),
            pltpu.VMEM((EPT,), jnp.int32),
            pltpu.VMEM((N,), jnp.float32),
            pltpu.SemaphoreType.DMA,
        ],
    )
    vec = pl.kernel(
        _sc_vec_seg_body,
        mesh=mesh,
        compiler_params=params,
        out_type=jax.ShapeDtypeStruct((2, NP, HIDDEN), jnp.float32),
        scratch_types=[
            pltpu.VMEM((NCH, CH), jnp.int32),
            pltpu.VMEM((NCH, CH), jnp.int32),
            pltpu.VMEM((FIRE * CH, HIDDEN), jnp.float32),
            pltpu.VMEM((FIRE * CH, HIDDEN), jnp.float32),
            pltpu.VMEM_SHARED((NP, HIDDEN), jnp.float32),
            pltpu.SemaphoreType.DMA,
            pltpu.SemaphoreType.DMA,
            pltpu.SemaphoreType.DMA,
        ],
    )
    return scalar, vec



def _topk_mask(score, valid, k, iota_dim):
    imin = jnp.int32(-2147483648)
    b = lax.bitcast_convert_type(score, jnp.int32)
    v = jnp.where(b >= 0, b, imin - b)

    def cnt(pred):
        return jnp.sum(jnp.where(pred & valid, jnp.int32(1), jnp.int32(0)))

    t0 = jnp.where(cnt(v >= 0) >= k, jnp.int32(0), imin)

    def bit_body(i, t):
        tt = t | (jnp.int32(1) << (jnp.int32(30) - i))
        return jnp.where(cnt(v >= tt) >= k, tt, t)

    t = lax.fori_loop(0, 31, bit_body, t0)
    cnt_gt = cnt(v > t)
    need = jnp.int32(k) - cnt_gt
    eq = valid & (v == t)
    idx = lax.broadcasted_iota(jnp.int32, score.shape, iota_dim)

    def ib(i, lohi):
        lo, hi = lohi
        mid = (lo + hi) // 2
        c = jnp.sum(jnp.where(eq & (idx <= mid), jnp.int32(1), jnp.int32(0)))
        ok = c >= need
        return jnp.where(ok, lo, mid + 1), jnp.where(ok, mid, hi)

    lo, _ = lax.fori_loop(0, 14, ib, (jnp.int32(0), jnp.int32(N - 1)))
    return (valid & (v > t)) | (eq & (idx <= lo))


def _eye16():
    r = lax.broadcasted_iota(jnp.int32, (HIDDEN, HIDDEN), 0)
    c = lax.broadcasted_iota(jnp.int32, (HIDDEN, HIDDEN), 1)
    return jnp.where(r == c, 1.0, 0.0).astype(jnp.float32)


def _dg(a, b, ca, cb):
    return lax.dot_general(a, b, (((ca,), (cb,)), ((), ())),
                           preferred_element_type=jnp.float32)


def _to_fmajor(m):
    return _dg(_eye16(), m, 1, 1)


def _to_nmajor(m):
    return _dg(m, _eye16(), 0, 0)


def _tc(f, out_shape, *args):
    return pl.pallas_call(f, out_shape=out_shape)(*args)


def _tc_a(x, W1, degp):
    def f(x_r, w_r, dp_r, hs_r, dinv_r):
        deg = jnp.sum(dp_r[...], axis=0, keepdims=True) + 1.0
        dinv = lax.rsqrt(deg)
        hT = _dg(w_r[...], x_r[...], 0, 1)
        hs_r[...] = _to_nmajor(hT * dinv)
        dinv_r[...] = dinv

    return _tc(f, [jax.ShapeDtypeStruct((N, HIDDEN), jnp.float32),
                   jax.ShapeDtypeStruct((1, N), jnp.float32)],
               x, W1, degp)


def _tc_b(aggp, hs, dinv1, b1, p1r, p1o, p1b):
    def f(ap_r, hs_r, di_r, b1_r, pr_r, po_r, pb_r, h1_r, srel_r, base_r):
        agg = jnp.sum(ap_r[...], axis=0)[:N] + hs_r[...]
        mT = _to_fmajor(agg)
        h1T = jnp.maximum(di_r[...] * mT + b1_r[...], 0.0)
        h1_r[...] = _to_nmajor(h1T)
        srel_r[...] = _dg(pr_r[...], h1T, 0, 0)
        base_r[...] = _dg(po_r[...], h1T, 0, 0) + pb_r[...]

    return _tc(f, [jax.ShapeDtypeStruct((N, HIDDEN), jnp.float32),
                   jax.ShapeDtypeStruct((1, N), jnp.float32),
                   jax.ShapeDtypeStruct((1, N), jnp.float32)],
               aggp, hs, dinv1, b1, p1r, p1o, p1b)


def _tc_c(s1p, base1, h1, W2p):
    def f(sp_r, ba_r, h1_r, w2_r, self_r, z_r):
        score = jnp.sum(sp_r[...], axis=0, keepdims=True) + ba_r[...]
        sel = _topk_mask(score, score > jnp.float32(-jnp.inf), K1, 1)
        m1 = jnp.where(sel, jnp.tanh(score), 0.0)
        xpT = _to_fmajor(h1_r[...]) * m1
        zT = _dg(w2_r[...], xpT, 0, 0)
        self_r[...] = jnp.where(sel, 1.0, 0.0)
        z_r[...] = _to_nmajor(zT)

    return _tc(f, [jax.ShapeDtypeStruct((1, N), jnp.float32),
                   jax.ShapeDtypeStruct((N, HIDDEN), jnp.float32)],
               s1p, base1, h1, W2p)


def _tc_d(d2p, z16):
    def f(dp_r, z_r, zs_r, dinv_r):
        deg2 = jnp.sum(dp_r[...], axis=0, keepdims=True) + 1.0
        dinv2 = lax.rsqrt(deg2)
        zs_r[...] = _to_nmajor(_to_fmajor(z_r[...]) * dinv2)
        dinv_r[...] = dinv2

    return _tc(f, [jax.ShapeDtypeStruct((N, HIDDEN), jnp.float32),
                   jax.ShapeDtypeStruct((1, N), jnp.float32)],
               d2p, z16)


def _tc_e(a2p, zs16, dinv2, b2p, p2r, p2o, p2b, sel1f):
    def f(ap_r, zs_r, di_r, b2_r, pr_r, po_r, pb_r, sf_r, h2_r, srel_r, base_r):
        agg2 = jnp.sum(ap_r[...], axis=0)[:N] + zs_r[...]
        h2T = di_r[...] * _to_fmajor(agg2) + b2_r[...]
        h2_r[...] = h2T
        srel_r[...] = _dg(pr_r[...], h2T, 0, 0) * sf_r[...]
        base_r[...] = _dg(po_r[...], h2T, 0, 0) + pb_r[...]

    return _tc(f, [jax.ShapeDtypeStruct((HIDDEN, N), jnp.float32),
                   jax.ShapeDtypeStruct((1, N), jnp.float32),
                   jax.ShapeDtypeStruct((1, N), jnp.float32)],
               a2p, zs16, dinv2, b2p, p2r, p2o, p2b, sel1f)


def _tc_f(s2p, base2, h2T, sel1f):
    def f(sp_r, ba_r, h2_r, sf_r, out_r):
        score2 = jnp.sum(sp_r[...], axis=0, keepdims=True) + ba_r[...]
        sel2 = _topk_mask(score2, sf_r[...] > 0.5, K2, 1)
        m2 = jnp.where(sel2, jnp.tanh(score2), 0.0)
        gcol = jnp.sum(jnp.where(sel2, h2_r[...] * m2, 0.0), axis=1,
                       keepdims=True)
        grow = _dg(gcol, _eye16(), 0, 0)[:, :NUM_CLASSES] * jnp.float32(1.0 / K2)
        mx = jnp.max(grow, axis=1, keepdims=True)
        sh = grow - mx
        lse = jnp.log(jnp.sum(jnp.exp(sh), axis=1, keepdims=True))
        out_r[...] = sh - lse

    return _tc(f, [jax.ShapeDtypeStruct((1, NUM_CLASSES), jnp.float32)],
               s2p, base2, h2T, sel1f)[0]



def kernel(x, edge_index, batch, W1, b1, W2, b2,
           p1_wrel, p1_wroot, p1_b, p2_wrel, p2_wroot, p2_b):
    row = edge_index[0]
    col = edge_index[1]
    row3 = row.reshape(NTILES, NCH, CH)
    col3 = col.reshape(NTILES, NCH, CH)
    zeros16 = jnp.zeros((NP, HIDDEN), jnp.float32)
    ones_n = jnp.ones((N,), jnp.float32)

    b1r = b1.reshape(HIDDEN, 1)
    W2p = jnp.zeros((HIDDEN, HIDDEN), jnp.float32).at[:, :NUM_CLASSES].set(W2)
    b2p = jnp.zeros((HIDDEN, 1), jnp.float32).at[:NUM_CLASSES, 0].set(b2)
    p2rp = jnp.zeros((HIDDEN, 1), jnp.float32).at[:NUM_CLASSES].set(p2_wrel)
    p2op = jnp.zeros((HIDDEN, 1), jnp.float32).at[:NUM_CLASSES].set(p2_wroot)

    sc_scalar, sc_vec = _sc_kernels()

    degp = sc_scalar(ones_n, row, col)
    hs, dinv1 = _tc_a(x, W1, degp)
    aggp = sc_vec(hs, row3, col3, zeros16)
    h1, s1rel, base1 = _tc_b(aggp, hs, dinv1, b1r, p1_wrel, p1_wroot,
                             p1_b.reshape(1, 1))
    s1p = sc_scalar(s1rel.reshape(N), row, col)
    sel1f, z16 = _tc_c(s1p, base1, h1, W2p)
    d2p = sc_scalar(sel1f.reshape(N), row, col)
    zs16, dinv2 = _tc_d(d2p, z16)
    a2p = sc_vec(zs16, row3, col3, zeros16)
    h2T, s2rel, base2 = _tc_e(a2p, zs16, dinv2, b2p, p2rp, p2op,
                              p2_b.reshape(1, 1), sel1f)
    s2p = sc_scalar(s2rel.reshape(N), row, col)
    return _tc_f(s2p, base2, h2T, sel1f)

# --- scband reference (transcript-rebuilt; emitter-appended) ---
"""Pipeline reference for scband-gcn-sagpool-27161373180173 (READ-ONLY COPY).

The authoritative reference and input builder live on the scoring server;
editing this copy changes nothing except your own understanding.
"""

import jax, jax.numpy as jnp
import numpy as np

N = 10000
E = 320000
D_FEAT = 128
HIDDEN = 16
NUM_CLASSES = 10
RATIO = 0.25


def _glorot(key, shape):
    lim = (6.0 / (shape[0] + shape[1])) ** 0.5
    return jax.random.uniform(key, shape, jnp.float32, -lim, lim)


def setup_inputs(seed: int = 0):
    key = jax.random.key(seed)
    ks = jax.random.split(key, 10)
    x = jax.random.normal(ks[0], (N, D_FEAT), jnp.float32)
    edge_index = jax.random.randint(ks[1], (2, E), 0, N, jnp.int32)
    batch = jnp.zeros((N,), jnp.int32)
    W1 = _glorot(ks[2], (D_FEAT, HIDDEN))
    b1 = jnp.zeros((HIDDEN,), jnp.float32)
    W2 = _glorot(ks[3], (HIDDEN, NUM_CLASSES))
    b2 = jnp.zeros((NUM_CLASSES,), jnp.float32)
    p1_wrel = _glorot(ks[4], (HIDDEN, 1))
    p1_wroot = _glorot(ks[5], (HIDDEN, 1))
    p1_b = jnp.zeros((1,), jnp.float32)
    p2_wrel = _glorot(ks[6], (NUM_CLASSES, 1))
    p2_wroot = _glorot(ks[7], (NUM_CLASSES, 1))
    p2_b = jnp.zeros((1,), jnp.float32)
    return {"x": x, "edge_index": edge_index, "batch": batch, "W1": W1, "b1": b1,
            "W2": W2, "b2": b2, "p1_wrel": p1_wrel, "p1_wroot": p1_wroot, "p1_b": p1_b,
            "p2_wrel": p2_wrel, "p2_wroot": p2_wroot, "p2_b": p2_b}


def _gcn_conv(x, ei, ew, W, b, n):
    # GCNConv with add_self_loops=True and symmetric normalization; ew=0 emulates filtered edges
    loops = jnp.arange(n, dtype=ei.dtype)
    row = jnp.concatenate([ei[0], loops])
    col = jnp.concatenate([ei[1], loops])
    w = jnp.concatenate([ew, jnp.ones((n,), x.dtype)])
    deg = jax.ops.segment_sum(w, col, num_segments=n)
    safe = jnp.where(deg > 0, deg, 1.0)
    dinv = jnp.where(deg > 0, jax.lax.rsqrt(safe), 0.0)
    norm = dinv[row] * w * dinv[col]
    h = x @ W
    return jax.ops.segment_sum(h[row] * norm[:, None], col, num_segments=n) + b


def _graph_conv_score(x, ei, ew, wrel, wroot, b, n):
    # SAGPooling's scoring GNN = GraphConv(in, 1): lin_rel(sum-aggr(x_j)) + lin_root(x)
    aggr = jax.ops.segment_sum(x[ei[0]] * ew[:, None], ei[1], num_segments=n)
    return (aggr @ wrel + x @ wroot + b).reshape(-1)


def _sag_pool(x, ei, ew, wrel, wroot, b, n, k):
    score = _graph_conv_score(x, ei, ew, wrel, wroot, b, n)
    vals, perm = jax.lax.top_k(score, k)
    xp = x[perm] * jnp.tanh(vals)[:, None]
    node_idx = jnp.full((n,), -1, dtype=jnp.int32).at[perm].set(jnp.arange(k, dtype=jnp.int32))
    r = node_idx[ei[0]]
    c = node_idx[ei[1]]
    emask = (r >= 0) & (c >= 0)
    new_ei = jnp.stack([jnp.where(emask, r, 0), jnp.where(emask, c, 0)])
    new_ew = ew * emask.astype(x.dtype)
    return xp, new_ei, new_ew, perm


def reference(x, edge_index, batch, W1, b1, W2, b2, p1_wrel, p1_wroot, p1_b, p2_wrel, p2_wroot, p2_b):
    n = x.shape[0]
    e = edge_index.shape[1]
    k1 = int(np.ceil(RATIO * n))
    k2 = int(np.ceil(RATIO * k1))
    ew0 = jnp.ones((e,), x.dtype)
    h = jax.nn.relu(_gcn_conv(x, edge_index, ew0, W1, b1, n))
    # dropout: identity in eval mode
    h, ei1, ew1, perm1 = _sag_pool(h, edge_index, ew0, p1_wrel, p1_wroot, p1_b, n, k1)
    batch1 = batch[perm1]
    h = _gcn_conv(h, ei1, ew1, W2, b2, k1)
    h, ei2, ew2, perm2 = _sag_pool(h, ei1, ew1, p2_wrel, p2_wroot, p2_b, k1, k2)
    batch2 = batch1[perm2]
    num_graphs = 1
    sums = jax.ops.segment_sum(h, batch2, num_segments=num_graphs)
    counts = jax.ops.segment_sum(jnp.ones((h.shape[0],), h.dtype), batch2, num_segments=num_graphs)
    g = sums / jnp.maximum(counts, 1.0)[:, None]
    return jax.nn.log_softmax(g, axis=1)

if __name__ == "__main__":
    import jax
    _d = setup_inputs()
    print(jax.jit(kernel)(*tuple(_d.values())))

</pallas_src>

<mosaic_0001>
#map = affine_map<(d0, d1) -> (0)>
#map1 = affine_map<(d0, d1) -> (0, 0)>
module attributes {stable_mosaic.version = 14 : i64} {
  func.func @_sc_scalar_seg_body(%arg0: i32, %arg1: i32, %arg2: memref<10000xf32, #tpu.memory_space<hbm>>, %arg3: memref<320000xi32, #tpu.memory_space<hbm>>, %arg4: memref<320000xi32, #tpu.memory_space<hbm>>, %arg5: memref<32x10000xf32, #tpu.memory_space<hbm>>, %arg6: memref<10000xf32, #tpu.memory_space<vmem>>, %arg7: memref<10000xi32, #tpu.memory_space<vmem>>, %arg8: memref<10000xi32, #tpu.memory_space<vmem>>, %arg9: memref<10000xf32, #tpu.memory_space<vmem>>, %arg10: memref<!tpu.dma_semaphore, #tpu.memory_space<semaphore_mem>>) attributes {dimension_semantics = [#tpu.dimension_semantics<core_parallel>, #tpu.dimension_semantics<subcore_parallel>], iteration_bounds = array<i64: 2, 16>, scalar_prefetch = 0 : i64, scratch_operands = 5 : i64, tpu.core_type = #tpu.core_type<sc_vector_subcore>, window_params = [{transform_indices = #map}, {transform_indices = #map}, {transform_indices = #map}, {transform_indices = #map1}]} {
    %mul3A = arith.constant 2 : i32
    %mul3A_0 = arith.muli %arg1, %mul3A : i32
    %add3A = arith.addi %mul3A_0, %arg0 : i32
    %mul3A_1 = arith.constant 10000 : i32
    %mul3A_2 = arith.muli %add3A, %mul3A_1 : i32
    tpu.enqueue_dma source(%arg2 : memref<10000xf32, #tpu.memory_space<hbm>>) target(%arg6 : memref<10000xf32, #tpu.memory_space<vmem>>) target_semaphore(%arg10 : memref<!tpu.dma_semaphore, #tpu.memory_space<semaphore_mem>>)
    %dma_start3A = tpu.memref_slice %arg3[%mul3A_2] : memref<320000xi32, #tpu.memory_space<hbm>> -> memref<10000xi32, #tpu.memory_space<hbm>>
    %dma_start3A_3 = tpu.memref_slice %arg3[%mul3A_2] : memref<320000xi32, #tpu.memory_space<hbm>> -> memref<10000xi32, #tpu.memory_space<hbm>>
    tpu.enqueue_dma source(%dma_start3A_3 : memref<10000xi32, #tpu.memory_space<hbm>>) target(%arg7 : memref<10000xi32, #tpu.memory_space<vmem>>) target_semaphore(%arg10 : memref<!tpu.dma_semaphore, #tpu.memory_space<semaphore_mem>>)
    %dma_start3A_4 = tpu.memref_slice %arg4[%mul3A_2] : memref<320000xi32, #tpu.memory_space<hbm>> -> memref<10000xi32, #tpu.memory_space<hbm>>
    %dma_start3A_5 = tpu.memref_slice %arg4[%mul3A_2] : memref<320000xi32, #tpu.memory_space<hbm>> -> memref<10000xi32, #tpu.memory_space<hbm>>
    tpu.enqueue_dma source(%dma_start3A_5 : memref<10000xi32, #tpu.memory_space<hbm>>) target(%arg8 : memref<10000xi32, #tpu.memory_space<vmem>>) target_semaphore(%arg10 : memref<!tpu.dma_semaphore, #tpu.memory_space<semaphore_mem>>)
    %broadcast_in_dim3A = arith.constant 0.000000e+00 : f32
    %broadcast_in_dim3A_6 = vector.broadcast %broadcast_in_dim3A : f32 to vector<16xf32>
    %scan3A = arith.constant 0 : i32
    %scan3A_7 = arith.constant 0 : i32
    %scan3A_8 = arith.constant 125 : i32
    %scan3A_9 = arith.addi %scan3A_7, %scan3A_8 : i32
    %scan3A_10 = arith.constant 1 : i32
    scf.for %scan3A_21 = %scan3A_7 to %scan3A_9 step %scan3A_10  : i32 {
      %mul3A_22 = arith.constant 5 : i32
      %mul3A_23 = arith.muli %scan3A_21, %mul3A_22 : i32
      %add3A_24 = arith.constant 0 : i32
      %add3A_25 = arith.addi %mul3A_23, %add3A_24 : i32
      %mul3A_26 = arith.constant 16 : i32
      %mul3A_27 = arith.muli %add3A_25, %mul3A_26 : i32
      %swap3A = arith.index_cast %mul3A_27 : i32 to index
      %swap3A_28 = tpu.vector_load %arg9[%swap3A] {strides = array<i32>} : memref<10000xf32, #tpu.memory_space<vmem>>, vector<16xf32>,
      tpu.vector_store %arg9[%swap3A], %broadcast_in_dim3A_6 {strides = array<i32>} : memref<10000xf32, #tpu.memory_space<vmem>>, vector<16xf32>,
      %mul3A_29 = arith.constant 5 : i32
      %mul3A_30 = arith.muli %scan3A_21, %mul3A_29 : i32
      %add3A_31 = arith.constant 1 : i32
      %add3A_32 = arith.addi %mul3A_30, %add3A_31 : i32
      %mul3A_33 = arith.constant 16 : i32
      %mul3A_34 = arith.muli %add3A_32, %mul3A_33 : i32
      %swap3A_35 = arith.index_cast %mul3A_34 : i32 to index
      %swap3A_36 = tpu.vector_load %arg9[%swap3A_35] {strides = array<i32>} : memref<10000xf32, #tpu.memory_space<vmem>>, vector<16xf32>,
      tpu.vector_store %arg9[%swap3A_35], %broadcast_in_dim3A_6 {strides = array<i32>} : memref<10000xf32, #tpu.memory_space<vmem>>, vector<16xf32>,
      %mul3A_37 = arith.constant 5 : i32
      %mul3A_38 = arith.muli %scan3A_21, %mul3A_37 : i32
      %add3A_39 = arith.constant 2 : i32
      %add3A_40 = arith.addi %mul3A_38, %add3A_39 : i32
      %mul3A_41 = arith.constant 16 : i32
      %mul3A_42 = arith.muli %add3A_40, %mul3A_41 : i32
      %swap3A_43 = arith.index_cast %mul3A_42 : i32 to index
      %swap3A_44 = tpu.vector_load %arg9[%swap3A_43] {strides = array<i32>} : memref<10000xf32, #tpu.memory_space<vmem>>, vector<16xf32>,
      tpu.vector_store %arg9[%swap3A_43], %broadcast_in_dim3A_6 {strides = array<i32>} : memref<10000xf32, #tpu.memory_space<vmem>>, vector<16xf32>,
      %mul3A_45 = arith.constant 5 : i32
      %mul3A_46 = arith.muli %scan3A_21, %mul3A_45 : i32
      %add3A_47 = arith.constant 3 : i32
      %add3A_48 = arith.addi %mul3A_46, %add3A_47 : i32
      %mul3A_49 = arith.constant 16 : i32
      %mul3A_50 = arith.muli %add3A_48, %mul3A_49 : i32
      %swap3A_51 = arith.index_cast %mul3A_50 : i32 to index
      %swap3A_52 = tpu.vector_load %arg9[%swap3A_51] {strides = array<i32>} : memref<10000xf32, #tpu.memory_space<vmem>>, vector<16xf32>,
      tpu.vector_store %arg9[%swap3A_51], %broadcast_in_dim3A_6 {strides = array<i32>} : memref<10000xf32, #tpu.memory_space<vmem>>, vector<16xf32>,
      %mul3A_53 = arith.constant 5 : i32
      %mul3A_54 = arith.muli %scan3A_21, %mul3A_53 : i32
      %add3A_55 = arith.constant 4 : i32
      %add3A_56 = arith.addi %mul3A_54, %add3A_55 : i32
      %mul3A_57 = arith.constant 16 : i32
      %mul3A_58 = arith.muli %add3A_56, %mul3A_57 : i32
      %swap3A_59 = arith.index_cast %mul3A_58 : i32 to index
      %swap3A_60 = tpu.vector_load %arg9[%swap3A_59] {strides = array<i32>} : memref<10000xf32, #tpu.memory_space<vmem>>, vector<16xf32>,
      tpu.vector_store %arg9[%swap3A_59], %broadcast_in_dim3A_6 {strides = array<i32>} : memref<10000xf32, #tpu.memory_space<vmem>>, vector<16xf32>,
    }
    %scan3A_11 = arith.constant 125 : i32
    tpu.wait_dma2 semaphore(%arg10 : memref<!tpu.dma_semaphore, #tpu.memory_space<semaphore_mem>>) src(%arg2 : memref<10000xf32, #tpu.memory_space<hbm>>) dst(%arg6 : memref<10000xf32, #tpu.memory_space<vmem>>)
    %dma_wait3A = tpu.memref_slice %arg3[%mul3A_2] : memref<320000xi32, #tpu.memory_space<hbm>> -> memref<10000xi32, #tpu.memory_space<hbm>>
    %dma_wait3A_12 = tpu.memref_slice %arg3[%mul3A_2] : memref<320000xi32, #tpu.memory_space<hbm>> -> memref<10000xi32, #tpu.memory_space<hbm>>
    tpu.wait_dma2 semaphore(%arg10 : memref<!tpu.dma_semaphore, #tpu.memory_space<semaphore_mem>>) src(%dma_wait3A_12 : memref<10000xi32, #tpu.memory_space<hbm>>) dst(%arg7 : memref<10000xi32, #tpu.memory_space<vmem>>)
    %dma_wait3A_13 = tpu.memref_slice %arg4[%mul3A_2] : memref<320000xi32, #tpu.memory_space<hbm>> -> memref<10000xi32, #tpu.memory_space<hbm>>
    %dma_wait3A_14 = tpu.memref_slice %arg4[%mul3A_2] : memref<320000xi32, #tpu.memory_space<hbm>> -> memref<10000xi32, #tpu.memory_space<hbm>>
    tpu.wait_dma2 semaphore(%arg10 : memref<!tpu.dma_semaphore, #tpu.memory_space<semaphore_mem>>) src(%dma_wait3A_14 : memref<10000xi32, #tpu.memory_space<hbm>>) dst(%arg8 : memref<10000xi32, #tpu.memory_space<vmem>>)
    %scan3A_15 = arith.constant 0 : i32
    %scan3A_16 = arith.constant 0 : i32
    %scan3A_17 = arith.constant 125 : i32
    %scan3A_18 = arith.addi %scan3A_16, %scan3A_17 : i32
    %scan3A_19 = arith.constant 1 : i32
    scf.for %scan3A_21 = %scan3A_16 to %scan3A_18 step %scan3A_19  : i32 {
      %mul3A_22 = arith.constant 5 : i32
      %mul3A_23 = arith.muli %scan3A_21, %mul3A_22 : i32
      %add3A_24 = arith.constant 0 : i32
      %add3A_25 = arith.addi %mul3A_23, %add3A_24 : i32
      %mul3A_26 = arith.constant 16 : i32
      %mul3A_27 = arith.muli %add3A_25, %mul3A_26 : i32
      %get3A = arith.index_cast %mul3A_27 : i32 to index
      %get3A_28 = tpu.vector_load %arg7[%get3A] {strides = array<i32>} : memref<10000xi32, #tpu.memory_space<vmem>>, vector<16xi32>,
      %mul3A_29 = arith.constant 16 : i32
      %mul3A_30 = arith.muli %add3A_25, %mul3A_29 : i32
      %get3A_31 = arith.index_cast %mul3A_30 : i32 to index
      %get3A_32 = tpu.vector_load %arg8[%get3A_31] {strides = array<i32>} : memref<10000xi32, #tpu.memory_space<vmem>>, vector<16xi32>,
      %gather3A = tpu.vector_load_idx %arg6[%get3A_28] : memref<10000xf32, #tpu.memory_space<vmem>>[vector<16xi32>], vector<16xf32>,
      tpu.vector_store_idx %arg9[%get3A_32], %gather3A {add = true} : memref<10000xf32, #tpu.memory_space<vmem>>[vector<16xi32>], vector<16xf32>,
      %mul3A_33 = arith.constant 5 : i32
      %mul3A_34 = arith.muli %scan3A_21, %mul3A_33 : i32
      %add3A_35 = arith.constant 1 : i32
      %add3A_36 = arith.addi %mul3A_34, %add3A_35 : i32
      %mul3A_37 = arith.constant 16 : i32
      %mul3A_38 = arith.muli %add3A_36, %mul3A_37 : i32
      %get3A_39 = arith.index_cast %mul3A_38 : i32 to index
      %get3A_40 = tpu.vector_load %arg7[%get3A_39] {strides = array<i32>} : memref<10000xi32, #tpu.memory_space<vmem>>, vector<16xi32>,
      %mul3A_41 = arith.constant 16 : i32
      %mul3A_42 = arith.muli %add3A_36, %mul3A_41 : i32
      %get3A_43 = arith.index_cast %mul3A_42 : i32 to index
      %get3A_44 = tpu.vector_load %arg8[%get3A_43] {strides = array<i32>} : memref<10000xi32, #tpu.memory_space<vmem>>, vector<16xi32>,
      %gather3A_45 = tpu.vector_load_idx %arg6[%get3A_40] : memref<10000xf32, #tpu.memory_space<vmem>>[vector<16xi32>], vector<16xf32>,
      tpu.vector_store_idx %arg9[%get3A_44], %gather3A_45 {add = true} : memref<10000xf32, #tpu.memory_space<vmem>>[vector<16xi32>], vector<16xf32>,
      %mul3A_46 = arith.constant 5 : i32
      %mul3A_47 = arith.muli %scan3A_21, %mul3A_46 : i32
      %add3A_48 = arith.constant 2 : i32
      %add3A_49 = arith.addi %mul3A_47, %add3A_48 : i32
      %mul3A_50 = arith.constant 16 : i32
      %mul3A_51 = arith.muli %add3A_49, %mul3A_50 : i32
      %get3A_52 = arith.index_cast %mul3A_51 : i32 to index
      %get3A_53 = tpu.vector_load %arg7[%get3A_52] {strides = array<i32>} : memref<10000xi32, #tpu.memory_space<vmem>>, vector<16xi32>,
      %mul3A_54 = arith.constant 16 : i32
      %mul3A_55 = arith.muli %add3A_49, %mul3A_54 : i32
      %get3A_56 = arith.index_cast %mul3A_55 : i32 to index
      %get3A_57 = tpu.vector_load %arg8[%get3A_56] {strides = array<i32>} : memref<10000xi32, #tpu.memory_space<vmem>>, vector<16xi32>,
      %gather3A_58 = tpu.vector_load_idx %arg6[%get3A_53] : memref<10000xf32, #tpu.memory_space<vmem>>[vector<16xi32>], vector<16xf32>,
      tpu.vector_store_idx %arg9[%get3A_57], %gather3A_58 {add = true} : memref<10000xf32, #tpu.memory_space<vmem>>[vector<16xi32>], vector<16xf32>,
      %mul3A_59 = arith.constant 5 : i32
      %mul3A_60 = arith.muli %scan3A_21, %mul3A_59 : i32
      %add3A_61 = arith.constant 3 : i32
      %add3A_62 = arith.addi %mul3A_60, %add3A_61 : i32
      %mul3A_63 = arith.constant 16 : i32
      %mul3A_64 = arith.muli %add3A_62, %mul3A_63 : i32
      %get3A_65 = arith.index_cast %mul3A_64 : i32 to index
      %get3A_66 = tpu.vector_load %arg7[%get3A_65] {strides = array<i32>} : memref<10000xi32, #tpu.memory_space<vmem>>, vector<16xi32>,
      %mul3A_67 = arith.constant 16 : i32
      %mul3A_68 = arith.muli %add3A_62, %mul3A_67 : i32
      %get3A_69 = arith.index_cast %mul3A_68 : i32 to index
      %get3A_70 = tpu.vector_load %arg8[%get3A_69] {strides = array<i32>} : memref<10000xi32, #tpu.memory_space<vmem>>, vector<16xi32>,
      %gather3A_71 = tpu.vector_load_idx %arg6[%get3A_66] : memref<10000xf32, #tpu.memory_space<vmem>>[vector<16xi32>], vector<16xf32>,
      tpu.vector_store_idx %arg9[%get3A_70], %gather3A_71 {add = true} : memref<10000xf32, #tpu.memory_space<vmem>>[vector<16xi32>], vector<16xf32>,
      %mul3A_72 = arith.constant 5 : i32
      %mul3A_73 = arith.muli %scan3A_21, %mul3A_72 : i32
      %add3A_74 = arith.constant 4 : i32
      %add3A_75 = arith.addi %mul3A_73, %add3A_74 : i32
      %mul3A_76 = arith.constant 16 : i32
      %mul3A_77 = arith.muli %add3A_75, %mul3A_76 : i32
      %get3A_78 = arith.index_cast %mul3A_77 : i32 to index
      %get3A_79 = tpu.vector_load %arg7[%get3A_78] {strides = array<i32>} : memref<10000xi32, #tpu.memory_space<vmem>>, vector<16xi32>,
      %mul3A_80 = arith.constant 16 : i32
      %mul3A_81 = arith.muli %add3A_75, %mul3A_80 : i32
      %get3A_82 = arith.index_cast %mul3A_81 : i32 to index
      %get3A_83 = tpu.vector_load %arg8[%get3A_82] {strides = array<i32>} : memref<10000xi32, #tpu.memory_space<vmem>>, vector<16xi32>,
      %gather3A_84 = tpu.vector_load_idx %arg6[%get3A_79] : memref<10000xf32, #tpu.memory_space<vmem>>[vector<16xi32>], vector<16xf32>,
      tpu.vector_store_idx %arg9[%get3A_83], %gather3A_84 {add = true} : memref<10000xf32, #tpu.memory_space<vmem>>[vector<16xi32>], vector<16xf32>,
    }
    %scan3A_20 = arith.constant 125 : i32
    "tpu.region"() ({
      %run_scoped3A = tpu.sem_alloc : memref<!tpu.dma_semaphore, #tpu.memory_space<semaphore_mem>>
      %dma_start3A_21 = arith.constant 0 : i32
      %dma_start3A_22 = tpu.memref_slice %arg5[%add3A, %dma_start3A_21] : memref<32x10000xf32, #tpu.memory_space<hbm>> -> memref<1x10000xf32, #tpu.memory_space<hbm>>
      %dma_start3A_23 = tpu.memref_squeeze %dma_start3A_22 : memref<1x10000xf32, #tpu.memory_space<hbm>> -> memref<10000xf32, #tpu.memory_space<hbm>>
      %dma_start3A_24 = arith.constant 0 : i32
      %dma_start3A_25 = tpu.memref_slice %arg5[%add3A, %dma_start3A_24] : memref<32x10000xf32, #tpu.memory_space<hbm>> -> memref<1x10000xf32, #tpu.memory_space<hbm>>
      %dma_start3A_26 = tpu.memref_squeeze %dma_start3A_25 : memref<1x10000xf32, #tpu.memory_space<hbm>> -> memref<10000xf32, #tpu.memory_space<hbm>>
      tpu.enqueue_dma source(%arg9 : memref<10000xf32, #tpu.memory_space<vmem>>) target(%dma_start3A_26 : memref<10000xf32, #tpu.memory_space<hbm>>) target_semaphore(%run_scoped3A : memref<!tpu.dma_semaphore, #tpu.memory_space<semaphore_mem>>)
      %dma_wait3A_27 = arith.constant 0 : i32
      %dma_wait3A_28 = tpu.memref_slice %arg5[%add3A, %dma_wait3A_27] : memref<32x10000xf32, #tpu.memory_space<hbm>> -> memref<1x10000xf32, #tpu.memory_space<hbm>>
      %dma_wait3A_29 = tpu.memref_squeeze %dma_wait3A_28 : memref<1x10000xf32, #tpu.memory_space<hbm>> -> memref<10000xf32, #tpu.memory_space<hbm>>
      %dma_wait3A_30 = arith.constant 0 : i32
      %dma_wait3A_31 = tpu.memref_slice %arg5[%add3A, %dma_wait3A_30] : memref<32x10000xf32, #tpu.memory_space<hbm>> -> memref<1x10000xf32, #tpu.memory_space<hbm>>
      %dma_wait3A_32 = tpu.memref_squeeze %dma_wait3A_31 : memref<1x10000xf32, #tpu.memory_space<hbm>> -> memref<10000xf32, #tpu.memory_space<hbm>>
      tpu.wait_dma2 semaphore(%run_scoped3A : memref<!tpu.dma_semaphore, #tpu.memory_space<semaphore_mem>>) src(%arg9 : memref<10000xf32, #tpu.memory_space<vmem>>) dst(%dma_wait3A_32 : memref<10000xf32, #tpu.memory_space<hbm>>)
      tpu.yield
    }) : () -> ()
    return
  }
}

#map = affine_map<(d0, d1) -> (0)>
#map1 = affine_map<(d0, d1) -> (0, 0)>
module attributes {stable_mosaic.version = 14 : i64} {
  func.func @_sc_scalar_seg_body(%arg0: i32, %arg1: i32, %arg2: memref<10000xf32, #tpu.memory_space<hbm>>, %arg3: memref<320000xi32, #tpu.memory_space<hbm>>, %arg4: memref<320000xi32, #tpu.memory_space<hbm>>, %arg5: memref<32x10000xf32, #tpu.memory_space<hbm>>, %arg6: memref<10000xf32, #tpu.memory_space<vmem>>, %arg7: memref<10000xi32, #tpu.memory_space<vmem>>, %arg8: memref<10000xi32, #tpu.memory_space<vmem>>, %arg9: memref<10000xf32, #tpu.memory_space<vmem>>, %arg10: memref<!tpu.dma_semaphore, #tpu.memory_space<semaphore_mem>>) attributes {dimension_semantics = [#tpu.dimension_semantics<core_parallel>, #tpu.dimension_semantics<subcore_parallel>], iteration_bounds = array<i64: 2, 16>, scalar_prefetch = 0 : i64, scratch_operands = 5 : i64, tpu.core_type = #tpu.core_type<sc_vector_subcore>, window_params = [{transform_indices = #map}, {transform_indices = #map}, {transform_indices = #map}, {transform_indices = #map1}]} {
    %mul3A = arith.constant 2 : i32
    %mul3A_0 = arith.muli %arg1, %mul3A : i32
    %add3A = arith.addi %mul3A_0, %arg0 : i32
    %mul3A_1 = arith.constant 10000 : i32
    %mul3A_2 = arith.muli %add3A, %mul3A_1 : i32
    tpu.enqueue_dma source(%arg2 : memref<10000xf32, #tpu.memory_space<hbm>>) target(%arg6 : memref<10000xf32, #tpu.memory_space<vmem>>) target_semaphore(%arg10 : memref<!tpu.dma_semaphore, #tpu.memory_space<semaphore_mem>>)
    %dma_start3A = tpu.memref_slice %arg3[%mul3A_2] : memref<320000xi32, #tpu.memory_space<hbm>> -> memref<10000xi32, #tpu.memory_space<hbm>>
    %dma_start3A_3 = tpu.memref_slice %arg3[%mul3A_2] : memref<320000xi32, #tpu.memory_space<hbm>> -> memref<10000xi32, #tpu.memory_space<hbm>>
    tpu.enqueue_dma source(%dma_start3A_3 : memref<10000xi32, #tpu.memory_space<hbm>>) target(%arg7 : memref<10000xi32, #tpu.memory_space<vmem>>) target_semaphore(%arg10 : memref<!tpu.dma_semaphore, #tpu.memory_space<semaphore_mem>>)
    %dma_start3A_4 = tpu.memref_slice %arg4[%mul3A_2] : memref<320000xi32, #tpu.memory_space<hbm>> -> memref<10000xi32, #tpu.memory_space<hbm>>
    %dma_start3A_5 = tpu.memref_slice %arg4[%mul3A_2] : memref<320000xi32, #tpu.memory_space<hbm>> -> memref<10000xi32, #tpu.memory_space<hbm>>
    tpu.enqueue_dma source(%dma_start3A_5 : memref<10000xi32, #tpu.memory_space<hbm>>) target(%arg8 : memref<10000xi32, #tpu.memory_space<vmem>>) target_semaphore(%arg10 : memref<!tpu.dma_semaphore, #tpu.memory_space<semaphore_mem>>)
    %broadcast_in_dim3A = arith.constant 0.000000e+00 : f32
    %broadcast_in_dim3A_6 = vector.broadcast %broadcast_in_dim3A : f32 to vector<16xf32>
    %scan3A = arith.constant 0 : i32
    %scan3A_7 = arith.constant 0 : i32
    %scan3A_8 = arith.constant 125 : i32
    %scan3A_9 = arith.addi %scan3A_7, %scan3A_8 : i32
    %scan3A_10 = arith.constant 1 : i32
    scf.for %scan3A_21 = %scan3A_7 to %scan3A_9 step %scan3A_10  : i32 {
      %mul3A_22 = arith.constant 5 : i32
      %mul3A_23 = arith.muli %scan3A_21, %mul3A_22 : i32
      %add3A_24 = arith.constant 0 : i32
      %add3A_25 = arith.addi %mul3A_23, %add3A_24 : i32
      %mul3A_26 = arith.constant 16 : i32
      %mul3A_27 = arith.muli %add3A_25, %mul3A_26 : i32
      %swap3A = arith.index_cast %mul3A_27 : i32 to index
      %swap3A_28 = tpu.vector_load %arg9[%swap3A] {strides = array<i32>} : memref<10000xf32, #tpu.memory_space<vmem>>, vector<16xf32>,
      tpu.vector_store %arg9[%swap3A], %broadcast_in_dim3A_6 {strides = array<i32>} : memref<10000xf32, #tpu.memory_space<vmem>>, vector<16xf32>,
      %mul3A_29 = arith.constant 5 : i32
      %mul3A_30 = arith.muli %scan3A_21, %mul3A_29 : i32
      %add3A_31 = arith.constant 1 : i32
      %add3A_32 = arith.addi %mul3A_30, %add3A_31 : i32
      %mul3A_33 = arith.constant 16 : i32
      %mul3A_34 = arith.muli %add3A_32, %mul3A_33 : i32
      %swap3A_35 = arith.index_cast %mul3A_34 : i32 to index
      %swap3A_36 = tpu.vector_load %arg9[%swap3A_35] {strides = array<i32>} : memref<10000xf32, #tpu.memory_space<vmem>>, vector<16xf32>,
      tpu.vector_store %arg9[%swap3A_35], %broadcast_in_dim3A_6 {strides = array<i32>} : memref<10000xf32, #tpu.memory_space<vmem>>, vector<16xf32>,
      %mul3A_37 = arith.constant 5 : i32
      %mul3A_38 = arith.muli %scan3A_21, %mul3A_37 : i32
      %add3A_39 = arith.constant 2 : i32
      %add3A_40 = arith.addi %mul3A_38, %add3A_39 : i32
      %mul3A_41 = arith.constant 16 : i32
      %mul3A_42 = arith.muli %add3A_40, %mul3A_41 : i32
      %swap3A_43 = arith.index_cast %mul3A_42 : i32 to index
      %swap3A_44 = tpu.vector_load %arg9[%swap3A_43] {strides = array<i32>} : memref<10000xf32, #tpu.memory_space<vmem>>, vector<16xf32>,
      tpu.vector_store %arg9[%swap3A_43], %broadcast_in_dim3A_6 {strides = array<i32>} : memref<10000xf32, #tpu.memory_space<vmem>>, vector<16xf32>,
      %mul3A_45 = arith.constant 5 : i32
      %mul3A_46 = arith.muli %scan3A_21, %mul3A_45 : i32
      %add3A_47 = arith.constant 3 : i32
      %add3A_48 = arith.addi %mul3A_46, %add3A_47 : i32
      %mul3A_49 = arith.constant 16 : i32
      %mul3A_50 = arith.muli %add3A_48, %mul3A_49 : i32
      %swap3A_51 = arith.index_cast %mul3A_50 : i32 to index
      %swap3A_52 = tpu.vector_load %arg9[%swap3A_51] {strides = array<i32>} : memref<10000xf32, #tpu.memory_space<vmem>>, vector<16xf32>,
      tpu.vector_store %arg9[%swap3A_51], %broadcast_in_dim3A_6 {strides = array<i32>} : memref<10000xf32, #tpu.memory_space<vmem>>, vector<16xf32>,
      %mul3A_53 = arith.constant 5 : i32
      %mul3A_54 = arith.muli %scan3A_21, %mul3A_53 : i32
      %add3A_55 = arith.constant 4 : i32
      %add3A_56 = arith.addi %mul3A_54, %add3A_55 : i32
      %mul3A_57 = arith.constant 16 : i32
      %mul3A_58 = arith.muli %add3A_56, %mul3A_57 : i32
      %swap3A_59 = arith.index_cast %mul3A_58 : i32 to index
      %swap3A_60 = tpu.vector_load %arg9[%swap3A_59] {strides = array<i32>} : memref<10000xf32, #tpu.memory_space<vmem>>, vector<16xf32>,
      tpu.vector_store %arg9[%swap3A_59], %broadcast_in_dim3A_6 {strides = array<i32>} : memref<10000xf32, #tpu.memory_space<vmem>>, vector<16xf32>,
    }
    %scan3A_11 = arith.constant 125 : i32
    tpu.wait_dma2 semaphore(%arg10 : memref<!tpu.dma_semaphore, #tpu.memory_space<semaphore_mem>>) src(%arg2 : memref<10000xf32, #tpu.memory_space<hbm>>) dst(%arg6 : memref<10000xf32, #tpu.memory_space<vmem>>)
    %dma_wait3A = tpu.memref_slice %arg3[%mul3A_2] : memref<320000xi32, #tpu.memory_space<hbm>> -> memref<10000xi32, #tpu.memory_space<hbm>>
    %dma_wait3A_12 = tpu.memref_slice %arg3[%mul3A_2] : memref<320000xi32, #tpu.memory_space<hbm>> -> memref<10000xi32, #tpu.memory_space<hbm>>
    tpu.wait_dma2 semaphore(%arg10 : memref<!tpu.dma_semaphore, #tpu.memory_space<semaphore_mem>>) src(%dma_wait3A_12 : memref<10000xi32, #tpu.memory_space<hbm>>) dst(%arg7 : memref<10000xi32, #tpu.memory_space<vmem>>)
    %dma_wait3A_13 = tpu.memref_slice %arg4[%mul3A_2] : memref<320000xi32, #tpu.memory_space<hbm>> -> memref<10000xi32, #tpu.memory_space<hbm>>
    %dma_wait3A_14 = tpu.memref_slice %arg4[%mul3A_2] : memref<320000xi32, #tpu.memory_space<hbm>> -> memref<10000xi32, #tpu.memory_space<hbm>>
    tpu.wait_dma2 semaphore(%arg10 : memref<!tpu.dma_semaphore, #tpu.memory_space<semaphore_mem>>) src(%dma_wait3A_14 : memref<10000xi32, #tpu.memory_space<hbm>>) dst(%arg8 : memref<10000xi32, #tpu.memory_space<vmem>>)
    %scan3A_15 = arith.constant 0 : i32
    %scan3A_16 = arith.constant 0 : i32
    %scan3A_17 = arith.constant 125 : i32
    %scan3A_18 = arith.addi %scan3A_16, %scan3A_17 : i32
    %scan3A_19 = arith.constant 1 : i32
    scf.for %scan3A_21 = %scan3A_16 to %scan3A_18 step %scan3A_19  : i32 {
      %mul3A_22 = arith.constant 5 : i32
      %mul3A_23 = arith.muli %scan3A_21, %mul3A_22 : i32
      %add3A_24 = arith.constant 0 : i32
      %add3A_25 = arith.addi %mul3A_23, %add3A_24 : i32
      %mul3A_26 = arith.constant 16 : i32
      %mul3A_27 = arith.muli %add3A_25, %mul3A_26 : i32
      %get3A = arith.index_cast %mul3A_27 : i32 to index
      %get3A_28 = tpu.vector_load %arg7[%get3A] {strides = array<i32>} : memref<10000xi32, #tpu.memory_space<vmem>>, vector<16xi32>,
      %mul3A_29 = arith.constant 16 : i32
      %mul3A_30 = arith.muli %add3A_25, %mul3A_29 : i32
      %get3A_31 = arith.index_cast %mul3A_30 : i32 to index
      %get3A_32 = tpu.vector_load %arg8[%get3A_31] {strides = array<i32>} : memref<10000xi32, #tpu.memory_space<vmem>>, vector<16xi32>,
      %gather3A = tpu.vector_load_idx %arg6[%get3A_28] : memref<10000xf32, #tpu.memory_space<vmem>>[vector<16xi32>], vector<16xf32>,
      tpu.vector_store_idx %arg9[%get3A_32], %gather3A {add = true} : memref<10000xf32, #tpu.memory_space<vmem>>[vector<16xi32>], vector<16xf32>,
      %mul3A_33 = arith.constant 5 : i32
      %mul3A_34 = arith.muli %scan3A_21, %mul3A_33 : i32
      %add3A_35 = arith.constant 1 : i32
      %add3A_36 = arith.addi %mul3A_34, %add3A_35 : i32
      %mul3A_37 = arith.constant 16 : i32
      %mul3A_38 = arith.muli %add3A_36, %mul3A_37 : i32
      %get3A_39 = arith.index_cast %mul3A_38 : i32 to index
      %get3A_40 = tpu.vector_load %arg7[%get3A_39] {strides = array<i32>} : memref<10000xi32, #tpu.memory_space<vmem>>, vector<16xi32>,
      %mul3A_41 = arith.constant 16 : i32
      %mul3A_42 = arith.muli %add3A_36, %mul3A_41 : i32
      %get3A_43 = arith.index_cast %mul3A_42 : i32 to index
      %get3A_44 = tpu.vector_load %arg8[%get3A_43] {strides = array<i32>} : memref<10000xi32, #tpu.memory_space<vmem>>, vector<16xi32>,
      %gather3A_45 = tpu.vector_load_idx %arg6[%get3A_40] : memref<10000xf32, #tpu.memory_space<vmem>>[vector<16xi32>], vector<16xf32>,
      tpu.vector_store_idx %arg9[%get3A_44], %gather3A_45 {add = true} : memref<10000xf32, #tpu.memory_space<vmem>>[vector<16xi32>], vector<16xf32>,
      %mul3A_46 = arith.constant 5 : i32
      %mul3A_47 = arith.muli %scan3A_21, %mul3A_46 : i32
      %add3A_48 = arith.constant 2 : i32
      %add3A_49 = arith.addi %mul3A_47, %add3A_48 : i32
      %mul3A_50 = arith.constant 16 : i32
      %mul3A_51 = arith.muli %add3A_49, %mul3A_50 : i32
      %get3A_52 = arith.index_cast %mul3A_51 : i32 to index
      %get3A_53 = tpu.vector_load %arg7[%get3A_52] {strides = array<i32>} : memref<10000xi32, #tpu.memory_space<vmem>>, vector<16xi32>,
      %mul3A_54 = arith.constant 16 : i32
      %mul3A_55 = arith.muli %add3A_49, %mul3A_54 : i32
      %get3A_56 = arith.index_cast %mul3A_55 : i32 to index
      %get3A_57 = tpu.vector_load %arg8[%get3A_56] {strides = array<i32>} : memref<10000xi32, #tpu.memory_space<vmem>>, vector<16xi32>,
      %gather3A_58 = tpu.vector_load_idx %arg6[%get3A_53] : memref<10000xf32, #tpu.memory_space<vmem>>[vector<16xi32>], vector<16xf32>,
      tpu.vector_store_idx %arg9[%get3A_57], %gather3A_58 {add = true} : memref<10000xf32, #tpu.memory_space<vmem>>[vector<16xi32>], vector<16xf32>,
      %mul3A_59 = arith.constant 5 : i32
      %mul3A_60 = arith.muli %scan3A_21, %mul3A_59 : i32
      %add3A_61 = arith.constant 3 : i32
      %add3A_62 = arith.addi %mul3A_60, %add3A_61 : i32
      %mul3A_63 = arith.constant 16 : i32
      %mul3A_64 = arith.muli %add3A_62, %mul3A_63 : i32
      %get3A_65 = arith.index_cast %mul3A_64 : i32 to index
      %get3A_66 = tpu.vector_load %arg7[%get3A_65] {strides = array<i32>} : memref<10000xi32, #tpu.memory_space<vmem>>, vector<16xi32>,
      %mul3A_67 = arith.constant 16 : i32
      %mul3A_68 = arith.muli %add3A_62, %mul3A_67 : i32
      %get3A_69 = arith.index_cast %mul3A_68 : i32 to index
      %get3A_70 = tpu.vector_load %arg8[%get3A_69] {strides = array<i32>} : memref<10000xi32, #tpu.memory_space<vmem>>, vector<16xi32>,
      %gather3A_71 = tpu.vector_load_idx %arg6[%get3A_66] : memref<10000xf32, #tpu.memory_space<vmem>>[vector<16xi32>], vector<16xf32>,
      tpu.vector_store_idx %arg9[%get3A_70], %gather3A_71 {add = true} : memref<10000xf32, #tpu.memory_space<vmem>>[vector<16xi32>], vector<16xf32>,
      %mul3A_72 = arith.constant 5 : i32
      %mul3A_73 = arith.muli %scan3A_21, %mul3A_72 : i32
      %add3A_74 = arith.constant 4 : i32
      %add3A_75 = arith.addi %mul3A_73, %add3A_74 : i32
      %mul3A_76 = arith.constant 16 : i32
      %mul3A_77 = arith.muli %add3A_75, %mul3A_76 : i32
      %get3A_78 = arith.index_cast %mul3A_77 : i32 to index
      %get3A_79 = tpu.vector_load %arg7[%get3A_78] {strides = array<i32>} : memref<10000xi32, #tpu.memory_space<vmem>>, vector<16xi32>,
      %mul3A_80 = arith.constant 16 : i32
      %mul3A_81 = arith.muli %add3A_75, %mul3A_80 : i32
      %get3A_82 = arith.index_cast %mul3A_81 : i32 to index
      %get3A_83 = tpu.vector_load %arg8[%get3A_82] {strides = array<i32>} : memref<10000xi32, #tpu.memory_space<vmem>>, vector<16xi32>,
      %gather3A_84 = tpu.vector_load_idx %arg6[%get3A_79] : memref<10000xf32, #tpu.memory_space<vmem>>[vector<16xi32>], vector<16xf32>,
      tpu.vector_store_idx %arg9[%get3A_83], %gather3A_84 {add = true} : memref<10000xf32, #tpu.memory_space<vmem>>[vector<16xi32>], vector<16xf32>,
    }
    %scan3A_20 = arith.constant 125 : i32
    "tpu.region"() ({
      %run_scoped3A = tpu.sem_alloc : memref<!tpu.dma_semaphore, #tpu.memory_space<semaphore_mem>>
      %dma_start3A_21 = arith.constant 0 : i32
      %dma_start3A_22 = tpu.memref_slice %arg5[%add3A, %dma_start3A_21] : memref<32x10000xf32, #tpu.memory_space<hbm>> -> memref<1x10000xf32, #tpu.memory_space<hbm>>
      %dma_start3A_23 = tpu.memref_squeeze %dma_start3A_22 : memref<1x10000xf32, #tpu.memory_space<hbm>> -> memref<10000xf32, #tpu.memory_space<hbm>>
      %dma_start3A_24 = arith.constant 0 : i32
      %dma_start3A_25 = tpu.memref_slice %arg5[%add3A, %dma_start3A_24] : memref<32x10000xf32, #tpu.memory_space<hbm>> -> memref<1x10000xf32, #tpu.memory_space<hbm>>
      %dma_start3A_26 = tpu.memref_squeeze %dma_start3A_25 : memref<1x10000xf32, #tpu.memory_space<hbm>> -> memref<10000xf32, #tpu.memory_space<hbm>>
      tpu.enqueue_dma source(%arg9 : memref<10000xf32, #tpu.memory_space<vmem>>) target(%dma_start3A_26 : memref<10000xf32, #tpu.memory_space<hbm>>) target_semaphore(%run_scoped3A : memref<!tpu.dma_semaphore, #tpu.memory_space<semaphore_mem>>)
      %dma_wait3A_27 = arith.constant 0 : i32
      %dma_wait3A_28 = tpu.memref_slice %arg5[%add3A, %dma_wait3A_27] : memref<32x10000xf32, #tpu.memory_space<hbm>> -> memref<1x10000xf32, #tpu.memory_space<hbm>>
      %dma_wait3A_29 = tpu.memref_squeeze %dma_wait3A_28 : memref<1x10000xf32, #tpu.memory_space<hbm>> -> memref<10000xf32, #tpu.memory_space<hbm>>
      %dma_wait3A_30 = arith.constant 0 : i32
      %dma_wait3A_31 = tpu.memref_slice %arg5[%add3A, %dma_wait3A_30] : memref<32x10000xf32, #tpu.memory_space<hbm>> -> memref<1x10000xf32, #tpu.memory_space<hbm>>
      %dma_wait3A_32 = tpu.memref_squeeze %dma_wait3A_31 : memref<1x10000xf32, #tpu.memory_space<hbm>> -> memref<10000xf32, #tpu.memory_space<hbm>>
      tpu.wait_dma2 semaphore(%run_scoped3A : memref<!tpu.dma_semaphore, #tpu.memory_space<semaphore_mem>>) src(%arg9 : memref<10000xf32, #tpu.memory_space<vmem>>) dst(%dma_wait3A_32 : memref<10000xf32, #tpu.memory_space<hbm>>)
      tpu.yield
    }) : () -> ()
    return
  }
}

#map = affine_map<(d0, d1) -> (0, 0)>
#map1 = affine_map<(d0, d1) -> (0, 0, 0)>
module attributes {stable_mosaic.version = 14 : i64} {
  func.func @_sc_vec_seg_body(%arg0: i32, %arg1: i32, %arg2: memref<10000x16xf32, #tpu.memory_space<hbm>>, %arg3: memref<32x80x125xi32, #tpu.memory_space<hbm>>, %arg4: memref<32x80x125xi32, #tpu.memory_space<hbm>>, %arg5: memref<10240x16xf32, #tpu.memory_space<hbm>>, %arg6: memref<2x10240x16xf32, #tpu.memory_space<hbm>>, %arg7: memref<80x125xi32, #tpu.memory_space<vmem>>, %arg8: memref<80x125xi32, #tpu.memory_space<vmem>>, %arg9: memref<1000x16xf32, #tpu.memory_space<vmem>>, %arg10: memref<1000x16xf32, #tpu.memory_space<vmem>>, %arg11: memref<10240x16xf32, #tpu.memory_space<vmem_shared>>, %arg12: memref<!tpu.dma_semaphore, #tpu.memory_space<semaphore_mem>>, %arg13: memref<!tpu.dma_semaphore, #tpu.memory_space<semaphore_mem>>, %arg14: memref<!tpu.dma_semaphore, #tpu.memory_space<semaphore_mem>>) attributes {dimension_semantics = [#tpu.dimension_semantics<core_parallel>, #tpu.dimension_semantics<subcore_parallel>], iteration_bounds = array<i64: 2, 16>, scalar_prefetch = 0 : i64, scratch_operands = 8 : i64, tpu.core_type = #tpu.core_type<sc_vector_subcore>, window_params = [{transform_indices = #map}, {transform_indices = #map1}, {transform_indices = #map1}, {transform_indices = #map}, {transform_indices = #map1}]} {
    %mul3A = arith.constant 2 : i32
    %mul3A_0 = arith.muli %arg1, %mul3A : i32
    %add3A = arith.addi %mul3A_0, %arg0 : i32
    %mul3A_1 = arith.constant 640 : i32
    %mul3A_2 = arith.muli %arg1, %mul3A_1 : i32
    %dma_start3A = arith.constant 0 : i32
    %dma_start3A_3 = arith.constant 0 : i32
    %dma_start3A_4 = tpu.memref_slice %arg3[%add3A, %dma_start3A, %dma_start3A_3] : memref<32x80x125xi32, #tpu.memory_space<hbm>> -> memref<1x80x125xi32, #tpu.memory_space<hbm>>
    %dma_start3A_5 = tpu.memref_squeeze %dma_start3A_4 : memref<1x80x125xi32, #tpu.memory_space<hbm>> -> memref<80x125xi32, #tpu.memory_space<hbm>>
    %dma_start3A_6 = arith.constant 0 : i32
    %dma_start3A_7 = arith.constant 0 : i32
    %dma_start3A_8 = tpu.memref_slice %arg3[%add3A, %dma_start3A_6, %dma_start3A_7] : memref<32x80x125xi32, #tpu.memory_space<hbm>> -> memref<1x80x125xi32, #tpu.memory_space<hbm>>
    %dma_start3A_9 = tpu.memref_squeeze %dma_start3A_8 : memref<1x80x125xi32, #tpu.memory_space<hbm>> -> memref<80x125xi32, #tpu.memory_space<hbm>>
    tpu.enqueue_dma source(%dma_start3A_9 : memref<80x125xi32, #tpu.memory_space<hbm>>) target(%arg7 : memref<80x125xi32, #tpu.memory_space<vmem>>) target_semaphore(%arg12 : memref<!tpu.dma_semaphore, #tpu.memory_space<semaphore_mem>>)
    %dma_start3A_10 = arith.constant 0 : i32
    %dma_start3A_11 = arith.constant 0 : i32
    %dma_start3A_12 = tpu.memref_slice %arg4[%add3A, %dma_start3A_10, %dma_start3A_11] : memref<32x80x125xi32, #tpu.memory_space<hbm>> -> memref<1x80x125xi32, #tpu.memory_space<hbm>>
    %dma_start3A_13 = tpu.memref_squeeze %dma_start3A_12 : memref<1x80x125xi32, #tpu.memory_space<hbm>> -> memref<80x125xi32, #tpu.memory_space<hbm>>
    %dma_start3A_14 = arith.constant 0 : i32
    %dma_start3A_15 = arith.constant 0 : i32
    %dma_start3A_16 = tpu.memref_slice %arg4[%add3A, %dma_start3A_14, %dma_start3A_15] : memref<32x80x125xi32, #tpu.memory_space<hbm>> -> memref<1x80x125xi32, #tpu.memory_space<hbm>>
    %dma_start3A_17 = tpu.memref_squeeze %dma_start3A_16 : memref<1x80x125xi32, #tpu.memory_space<hbm>> -> memref<80x125xi32, #tpu.memory_space<hbm>>
    tpu.enqueue_dma source(%dma_start3A_17 : memref<80x125xi32, #tpu.memory_space<hbm>>) target(%arg8 : memref<80x125xi32, #tpu.memory_space<vmem>>) target_semaphore(%arg13 : memref<!tpu.dma_semaphore, #tpu.memory_space<semaphore_mem>>)
    %dma_start3A_18 = arith.constant 0 : i32
    %dma_start3A_19 = tpu.memref_slice %arg11[%mul3A_2, %dma_start3A_18] : memref<10240x16xf32, #tpu.memory_space<vmem_shared>> -> memref<640x16xf32, #tpu.memory_space<vmem_shared>>
    %dma_start3A_20 = arith.constant 0 : i32
    %dma_start3A_21 = tpu.memref_slice %arg5[%mul3A_2, %dma_start3A_20] : memref<10240x16xf32, #tpu.memory_space<hbm>> -> memref<640x16xf32, #tpu.memory_space<hbm>>
    tpu.enqueue_dma source(%dma_start3A_21 : memref<640x16xf32, #tpu.memory_space<hbm>>) target(%dma_start3A_19 : memref<640x16xf32, #tpu.memory_space<vmem_shared>>) target_semaphore(%arg14 : memref<!tpu.dma_semaphore, #tpu.memory_space<semaphore_mem>>)
    %dma_wait3A = arith.constant 0 : i32
    %dma_wait3A_22 = arith.constant 0 : i32
    %dma_wait3A_23 = tpu.memref_slice %arg3[%add3A, %dma_wait3A, %dma_wait3A_22] : memref<32x80x125xi32, #tpu.memory_space<hbm>> -> memref<1x80x125xi32, #tpu.memory_space<hbm>>
    %dma_wait3A_24 = tpu.memref_squeeze %dma_wait3A_23 : memref<1x80x125xi32, #tpu.memory_space<hbm>> -> memref<80x125xi32, #tpu.memory_space<hbm>>
    %dma_wait3A_25 = arith.constant 0 : i32
    %dma_wait3A_26 = arith.constant 0 : i32
    %dma_wait3A_27 = tpu.memref_slice %arg3[%add3A, %dma_wait3A_25, %dma_wait3A_26] : memref<32x80x125xi32, #tpu.memory_space<hbm>> -> memref<1x80x125xi32, #tpu.memory_space<hbm>>
    %dma_wait3A_28 = tpu.memref_squeeze %dma_wait3A_27 : memref<1x80x125xi32, #tpu.memory_space<hbm>> -> memref<80x125xi32, #tpu.memory_space<hbm>>
    tpu.wait_dma2 semaphore(%arg12 : memref<!tpu.dma_semaphore, #tpu.memory_space<semaphore_mem>>) src(%dma_wait3A_28 : memref<80x125xi32, #tpu.memory_space<hbm>>) dst(%arg7 : memref<80x125xi32, #tpu.memory_space<vmem>>)
    %dma_wait3A_29 = arith.constant 0 : i32
    %dma_wait3A_30 = arith.constant 0 : i32
    %dma_wait3A_31 = tpu.memref_slice %arg4[%add3A, %dma_wait3A_29, %dma_wait3A_30] : memref<32x80x125xi32, #tpu.memory_space<hbm>> -> memref<1x80x125xi32, #tpu.memory_space<hbm>>
    %dma_wait3A_32 = tpu.memref_squeeze %dma_wait3A_31 : memref<1x80x125xi32, #tpu.memory_space<hbm>> -> memref<80x125xi32, #tpu.memory_space<hbm>>
    %dma_wait3A_33 = arith.constant 0 : i32
    %dma_wait3A_34 = arith.constant 0 : i32
    %dma_wait3A_35 = tpu.memref_slice %arg4[%add3A, %dma_wait3A_33, %dma_wait3A_34] : memref<32x80x125xi32, #tpu.memory_space<hbm>> -> memref<1x80x125xi32, #tpu.memory_space<hbm>>
    %dma_wait3A_36 = tpu.memref_squeeze %dma_wait3A_35 : memref<1x80x125xi32, #tpu.memory_space<hbm>> -> memref<80x125xi32, #tpu.memory_space<hbm>>
    tpu.wait_dma2 semaphore(%arg13 : memref<!tpu.dma_semaphore, #tpu.memory_space<semaphore_mem>>) src(%dma_wait3A_36 : memref<80x125xi32, #tpu.memory_space<hbm>>) dst(%arg8 : memref<80x125xi32, #tpu.memory_space<vmem>>)
    %dma_wait3A_37 = arith.constant 0 : i32
    %dma_wait3A_38 = tpu.memref_slice %arg11[%mul3A_2, %dma_wait3A_37] : memref<10240x16xf32, #tpu.memory_space<vmem_shared>> -> memref<640x16xf32, #tpu.memory_space<vmem_shared>>
    %dma_wait3A_39 = arith.constant 0 : i32
    %dma_wait3A_40 = tpu.memref_slice %arg5[%mul3A_2, %dma_wait3A_39] : memref<10240x16xf32, #tpu.memory_space<hbm>> -> memref<640x16xf32, #tpu.memory_space<hbm>>
    tpu.wait_dma2 semaphore(%arg14 : memref<!tpu.dma_semaphore, #tpu.memory_space<semaphore_mem>>) src(%dma_wait3A_40 : memref<640x16xf32, #tpu.memory_space<hbm>>) dst(%dma_wait3A_38 : memref<640x16xf32, #tpu.memory_space<vmem_shared>>)
    %barrier3A = arith.constant 0 : index
    tpu.barrier barrier_id(%barrier3A)
    %scan3A = arith.constant 0 : i32
    %scan3A_41 = arith.constant 0 : i32
    %scan3A_42 = arith.constant 5 : i32
    %scan3A_43 = arith.addi %scan3A_41, %scan3A_42 : i32
    %scan3A_44 = arith.constant 1 : i32
    scf.for %scan3A_47 = %scan3A_41 to %scan3A_43 step %scan3A_44  : i32 {
      %mul3A_48 = arith.constant 2 : i32
      %mul3A_49 = arith.muli %scan3A_47, %mul3A_48 : i32
      %mul3A_50 = arith.constant 8 : i32
      %mul3A_51 = arith.muli %mul3A_49, %mul3A_50 : i32
      %add3A_52 = arith.constant 0 : i32
      %add3A_53 = arith.addi %mul3A_51, %add3A_52 : i32
      %dma_start3A_54 = arith.constant 0 : i32
      %dma_start3A_55 = arith.constant 0 : i32
      %dma_start3A_56 = tpu.memref_slice %arg9[%dma_start3A_54, %dma_start3A_55] : memref<1000x16xf32, #tpu.memory_space<vmem>> -> memref<125x16xf32, #tpu.memory_space<vmem>>
      %dma_start3A_57 = arith.constant 0 : i32
      %dma_start3A_58 = tpu.memref_slice %arg7[%add3A_53, %dma_start3A_57] : memref<80x125xi32, #tpu.memory_space<vmem>> -> memref<1x125xi32, #tpu.memory_space<vmem>>
      %dma_start3A_59 = tpu.memref_squeeze %dma_start3A_58 : memref<1x125xi32, #tpu.memory_space<vmem>> -> memref<125xi32, #tpu.memory_space<vmem>>
      %dma_start3A_60 = arith.constant 0 : i32
      %dma_start3A_61 = arith.constant 0 : i32
      %dma_start3A_62 = tpu.memref_slice %arg2[%dma_start3A_60, %dma_start3A_61] : memref<10000x16xf32, #tpu.memory_space<hbm>> -> memref<10000x16xf32, #tpu.memory_space<hbm>>
      tpu.enqueue_indirect_dma source(%dma_start3A_62 : memref<10000x16xf32, #tpu.memory_space<hbm>>) target(%dma_start3A_56 : memref<125x16xf32, #tpu.memory_space<vmem>>) offsets(%dma_start3A_59 : memref<125xi32, #tpu.memory_space<vmem>>) semaphore(%arg12 : memref<!tpu.dma_semaphore, #tpu.memory_space<semaphore_mem>>)
      %mul3A_63 = arith.constant 8 : i32
      %mul3A_64 = arith.muli %mul3A_49, %mul3A_63 : i32
      %add3A_65 = arith.constant 1 : i32
      %add3A_66 = arith.addi %mul3A_64, %add3A_65 : i32
      %dma_start3A_67 = arith.constant 125 : i32
      %dma_start3A_68 = arith.constant 0 : i32
      %dma_start3A_69 = tpu.memref_slice %arg9[%dma_start3A_67, %dma_start3A_68] : memref<1000x16xf32, #tpu.memory_space<vmem>> -> memref<125x16xf32, #tpu.memory_space<vmem>>
      %dma_start3A_70 = arith.constant 0 : i32
      %dma_start3A_71 = tpu.memref_slice %arg7[%add3A_66, %dma_start3A_70] : memref<80x125xi32, #tpu.memory_space<vmem>> -> memref<1x125xi32, #tpu.memory_space<vmem>>
      %dma_start3A_72 = tpu.memref_squeeze %dma_start3A_71 : memref<1x125xi32, #tpu.memory_space<vmem>> -> memref<125xi32, #tpu.memory_space<vmem>>
      %dma_start3A_73 = arith.constant 0 : i32
      %dma_start3A_74 = arith.constant 0 : i32
      %dma_start3A_75 = tpu.memref_slice %arg2[%dma_start3A_73, %dma_start3A_74] : memref<10000x16xf32, #tpu.memory_space<hbm>> -> memref<10000x16xf32, #tpu.memory_space<hbm>>
      tpu.enqueue_indirect_dma source(%dma_start3A_75 : memref<10000x16xf32, #tpu.memory_space<hbm>>) target(%dma_start3A_69 : memref<125x16xf32, #tpu.memory_space<vmem>>) offsets(%dma_start3A_72 : memref<125xi32, #tpu.memory_space<vmem>>) semaphore(%arg12 : memref<!tpu.dma_semaphore, #tpu.memory_space<semaphore_mem>>)
      %mul3A_76 = arith.constant 8 : i32
      %mul3A_77 = arith.muli %mul3A_49, %mul3A_76 : i32
      %add3A_78 = arith.constant 2 : i32
      %add3A_79 = arith.addi %mul3A_77, %add3A_78 : i32
      %dma_start3A_80 = arith.constant 250 : i32
      %dma_start3A_81 = arith.constant 0 : i32
      %dma_start3A_82 = tpu.memref_slice %arg9[%dma_start3A_80, %dma_start3A_81] : memref<1000x16xf32, #tpu.memory_space<vmem>> -> memref<125x16xf32, #tpu.memory_space<vmem>>
      %dma_start3A_83 = arith.constant 0 : i32
      %dma_start3A_84 = tpu.memref_slice %arg7[%add3A_79, %dma_start3A_83] : memref<80x125xi32, #tpu.memory_space<vmem>> -> memref<1x125xi32, #tpu.memory_space<vmem>>
      %dma_start3A_85 = tpu.memref_squeeze %dma_start3A_84 : memref<1x125xi32, #tpu.memory_space<vmem>> -> memref<125xi32, #tpu.memory_space<vmem>>
      %dma_start3A_86 = arith.constant 0 : i32
      %dma_start3A_87 = arith.constant 0 : i32
      %dma_start3A_88 = tpu.memref_slice %arg2[%dma_start3A_86, %dma_start3A_87] : memref<10000x16xf32, #tpu.memory_space<hbm>> -> memref<10000x16xf32, #tpu.memory_space<hbm>>
      tpu.enqueue_indirect_dma source(%dma_start3A_88 : memref<10000x16xf32, #tpu.memory_space<hbm>>) target(%dma_start3A_82 : memref<125x16xf32, #tpu.memory_space<vmem>>) offsets(%dma_start3A_85 : memref<125xi32, #tpu.memory_space<vmem>>) semaphore(%arg12 : memref<!tpu.dma_semaphore, #tpu.memory_space<semaphore_mem>>)
      %mul3A_89 = arith.constant 8 : i32
      %mul3A_90 = arith.muli %mul3A_49, %mul3A_89 : i32
      %add3A_91 = arith.constant 3 : i32
      %add3A_92 = arith.addi %mul3A_90, %add3A_91 : i32
      %dma_start3A_93 = arith.constant 375 : i32
      %dma_start3A_94 = arith.constant 0 : i32
      %dma_start3A_95 = tpu.memref_slice %arg9[%dma_start3A_93, %dma_start3A_94] : memref<1000x16xf32, #tpu.memory_space<vmem>> -> memref<125x16xf32, #tpu.memory_space<vmem>>
      %dma_start3A_96 = arith.constant 0 : i32
      %dma_start3A_97 = tpu.memref_slice %arg7[%add3A_92, %dma_start3A_96] : memref<80x125xi32, #tpu.memory_space<vmem>> -> memref<1x125xi32, #tpu.memory_space<vmem>>
      %dma_start3A_98 = tpu.memref_squeeze %dma_start3A_97 : memref<1x125xi32, #tpu.memory_space<vmem>> -> memref<125xi32, #tpu.memory_space<vmem>>
      %dma_start3A_99 = arith.constant 0 : i32
      %dma_start3A_100 = arith.constant 0 : i32
      %dma_start3A_101 = tpu.memref_slice %arg2[%dma_start3A_99, %dma_start3A_100] : memref<10000x16xf32, #tpu.memory_space<hbm>> -> memref<10000x16xf32, #tpu.memory_space<hbm>>
      tpu.enqueue_indirect_dma source(%dma_start3A_101 : memref<10000x16xf32, #tpu.memory_space<hbm>>) target(%dma_start3A_95 : memref<125x16xf32, #tpu.memory_space<vmem>>) offsets(%dma_start3A_98 : memref<125xi32, #tpu.memory_space<vmem>>) semaphore(%arg12 : memref<!tpu.dma_semaphore, #tpu.memory_space<semaphore_mem>>)
      %mul3A_102 = arith.constant 8 : i32
      %mul3A_103 = arith.muli %mul3A_49, %mul3A_102 : i32
      %add3A_104 = arith.constant 4 : i32
      %add3A_105 = arith.addi %mul3A_103, %add3A_104 : i32
      %dma_start3A_106 = arith.constant 500 : i32
      %dma_start3A_107 = arith.constant 0 : i32
      %dma_start3A_108 = tpu.memref_slice %arg9[%dma_start3A_106, %dma_start3A_107] : memref<1000x16xf32, #tpu.memory_space<vmem>> -> memref<125x16xf32, #tpu.memory_space<vmem>>
      %dma_start3A_109 = arith.constant 0 : i32
      %dma_start3A_110 = tpu.memref_slice %arg7[%add3A_105, %dma_start3A_109] : memref<80x125xi32, #tpu.memory_space<vmem>> -> memref<1x125xi32, #tpu.memory_space<vmem>>
      %dma_start3A_111 = tpu.memref_squeeze %dma_start3A_110 : memref<1x125xi32, #tpu.memory_space<vmem>> -> memref<125xi32, #tpu.memory_space<vmem>>
      %dma_start3A_112 = arith.constant 0 : i32
      %dma_start3A_113 = arith.constant 0 : i32
      %dma_start3A_114 = tpu.memref_slice %arg2[%dma_start3A_112, %dma_start3A_113] : memref<10000x16xf32, #tpu.memory_space<hbm>> -> memref<10000x16xf32, #tpu.memory_space<hbm>>
      tpu.enqueue_indirect_dma source(%dma_start3A_114 : memref<10000x16xf32, #tpu.memory_space<hbm>>) target(%dma_start3A_108 : memref<125x16xf32, #tpu.memory_space<vmem>>) offsets(%dma_start3A_111 : memref<125xi32, #tpu.memory_space<vmem>>) semaphore(%arg12 : memref<!tpu.dma_semaphore, #tpu.memory_space<semaphore_mem>>)
      %mul3A_115 = arith.constant 8 : i32
      %mul3A_116 = arith.muli %mul3A_49, %mul3A_115 : i32
      %add3A_117 = arith.constant 5 : i32
      %add3A_118 = arith.addi %mul3A_116, %add3A_117 : i32
      %dma_start3A_119 = arith.constant 625 : i32
      %dma_start3A_120 = arith.constant 0 : i32
      %dma_start3A_121 = tpu.memref_slice %arg9[%dma_start3A_119, %dma_start3A_120] : memref<1000x16xf32, #tpu.memory_space<vmem>> -> memref<125x16xf32, #tpu.memory_space<vmem>>
      %dma_start3A_122 = arith.constant 0 : i32
      %dma_start3A_123 = tpu.memref_slice %arg7[%add3A_118, %dma_start3A_122] : memref<80x125xi32, #tpu.memory_space<vmem>> -> memref<1x125xi32, #tpu.memory_space<vmem>>
      %dma_start3A_124 = tpu.memref_squeeze %dma_start3A_123 : memref<1x125xi32, #tpu.memory_space<vmem>> -> memref<125xi32, #tpu.memory_space<vmem>>
      %dma_start3A_125 = arith.constant 0 : i32
      %dma_start3A_126 = arith.constant 0 : i32
      %dma_start3A_127 = tpu.memref_slice %arg2[%dma_start3A_125, %dma_start3A_126] : memref<10000x16xf32, #tpu.memory_space<hbm>> -> memref<10000x16xf32, #tpu.memory_space<hbm>>
      tpu.enqueue_indirect_dma source(%dma_start3A_127 : memref<10000x16xf32, #tpu.memory_space<hbm>>) target(%dma_start3A_121 : memref<125x16xf32, #tpu.memory_space<vmem>>) offsets(%dma_start3A_124 : memref<125xi32, #tpu.memory_space<vmem>>) semaphore(%arg12 : memref<!tpu.dma_semaphore, #tpu.memory_space<semaphore_mem>>)
      %mul3A_128 = arith.constant 8 : i32
      %mul3A_129 = arith.muli %mul3A_49, %mul3A_128 : i32
      %add3A_130 = arith.constant 6 : i32
      %add3A_131 = arith.addi %mul3A_129, %add3A_130 : i32
      %dma_start3A_132 = arith.constant 750 : i32
      %dma_start3A_133 = arith.constant 0 : i32
      %dma_start3A_134 = tpu.memref_slice %arg9[%dma_start3A_132, %dma_start3A_133] : memref<1000x16xf32, #tpu.memory_space<vmem>> -> memref<125x16xf32, #tpu.memory_space<vmem>>
      %dma_start3A_135 = arith.constant 0 : i32
      %dma_start3A_136 = tpu.memref_slice %arg7[%add3A_131, %dma_start3A_135] : memref<80x125xi32, #tpu.memory_space<vmem>> -> memref<1x125xi32, #tpu.memory_space<vmem>>
      %dma_start3A_137 = tpu.memref_squeeze %dma_start3A_136 : memref<1x125xi32, #tpu.memory_space<vmem>> -> memref<125xi32, #tpu.memory_space<vmem>>
      %dma_start3A_138 = arith.constant 0 : i32
      %dma_start3A_139 = arith.constant 0 : i32
      %dma_start3A_140 = tpu.memref_slice %arg2[%dma_start3A_138, %dma_start3A_139] : memref<10000x16xf32, #tpu.memory_space<hbm>> -> memref<10000x16xf32, #tpu.memory_space<hbm>>
      tpu.enqueue_indirect_dma source(%dma_start3A_140 : memref<10000x16xf32, #tpu.memory_space<hbm>>) target(%dma_start3A_134 : memref<125x16xf32, #tpu.memory_space<vmem>>) offsets(%dma_start3A_137 : memref<125xi32, #tpu.memory_space<vmem>>) semaphore(%arg12 : memref<!tpu.dma_semaphore, #tpu.memory_space<semaphore_mem>>)
      %mul3A_141 = arith.constant 8 : i32
      %mul3A_142 = arith.muli %mul3A_49, %mul3A_141 : i32
      %add3A_143 = arith.constant 7 : i32
      %add3A_144 = arith.addi %mul3A_142, %add3A_143 : i32
      %dma_start3A_145 = arith.constant 875 : i32
      %dma_start3A_146 = arith.constant 0 : i32
      %dma_start3A_147 = tpu.memref_slice %arg9[%dma_start3A_145, %dma_start3A_146] : memref<1000x16xf32, #tpu.memory_space<vmem>> -> memref<125x16xf32, #tpu.memory_space<vmem>>
      %dma_start3A_148 = arith.constant 0 : i32
      %dma_start3A_149 = tpu.memref_slice %arg7[%add3A_144, %dma_start3A_148] : memref<80x125xi32, #tpu.memory_space<vmem>> -> memref<1x125xi32, #tpu.memory_space<vmem>>
      %dma_start3A_150 = tpu.memref_squeeze %dma_start3A_149 : memref<1x125xi32, #tpu.memory_space<vmem>> -> memref<125xi32, #tpu.memory_space<vmem>>
      %dma_start3A_151 = arith.constant 0 : i32
      %dma_start3A_152 = arith.constant 0 : i32
      %dma_start3A_153 = tpu.memref_slice %arg2[%dma_start3A_151, %dma_start3A_152] : memref<10000x16xf32, #tpu.memory_space<hbm>> -> memref<10000x16xf32, #tpu.memory_space<hbm>>
      tpu.enqueue_indirect_dma source(%dma_start3A_153 : memref<10000x16xf32, #tpu.memory_space<hbm>>) target(%dma_start3A_147 : memref<125x16xf32, #tpu.memory_space<vmem>>) offsets(%dma_start3A_150 : memref<125xi32, #tpu.memory_space<vmem>>) semaphore(%arg12 : memref<!tpu.dma_semaphore, #tpu.memory_space<semaphore_mem>>)
      %add3A_154 = arith.constant 1 : i32
      %add3A_155 = arith.addi %mul3A_49, %add3A_154 : i32
      %mul3A_156 = arith.constant 8 : i32
      %mul3A_157 = arith.muli %add3A_155, %mul3A_156 : i32
      %add3A_158 = arith.constant 0 : i32
      %add3A_159 = arith.addi %mul3A_157, %add3A_158 : i32
      %dma_start3A_160 = arith.constant 0 : i32
      %dma_start3A_161 = arith.constant 0 : i32
      %dma_start3A_162 = tpu.memref_slice %arg10[%dma_start3A_160, %dma_start3A_161] : memref<1000x16xf32, #tpu.memory_space<vmem>> -> memref<125x16xf32, #tpu.memory_space<vmem>>
      %dma_start3A_163 = arith.constant 0 : i32
      %dma_start3A_164 = tpu.memref_slice %arg7[%add3A_159, %dma_start3A_163] : memref<80x125xi32, #tpu.memory_space<vmem>> -> memref<1x125xi32, #tpu.memory_space<vmem>>
      %dma_start3A_165 = tpu.memref_squeeze %dma_start3A_164 : memref<1x125xi32, #tpu.memory_space<vmem>> -> memref<125xi32, #tpu.memory_space<vmem>>
      %dma_start3A_166 = arith.constant 0 : i32
      %dma_start3A_167 = arith.constant 0 : i32
      %dma_start3A_168 = tpu.memref_slice %arg2[%dma_start3A_166, %dma_start3A_167] : memref<10000x16xf32, #tpu.memory_space<hbm>> -> memref<10000x16xf32, #tpu.memory_space<hbm>>
      tpu.enqueue_indirect_dma source(%dma_start3A_168 : memref<10000x16xf32, #tpu.memory_space<hbm>>) target(%dma_start3A_162 : memref<125x16xf32, #tpu.memory_space<vmem>>) offsets(%dma_start3A_165 : memref<125xi32, #tpu.memory_space<vmem>>) semaphore(%arg13 : memref<!tpu.dma_semaphore, #tpu.memory_space<semaphore_mem>>)
      %mul3A_169 = arith.constant 8 : i32
      %mul3A_170 = arith.muli %add3A_155, %mul3A_169 : i32
      %add3A_171 = arith.constant 1 : i32
      %add3A_172 = arith.addi %mul3A_170, %add3A_171 : i32
      %dma_start3A_173 = arith.constant 125 : i32
      %dma_start3A_174 = arith.constant 0 : i32
      %dma_start3A_175 = tpu.memref_slice %arg10[%dma_start3A_173, %dma_start3A_174] : memref<1000x16xf32, #tpu.memory_space<vmem>> -> memref<125x16xf32, #tpu.memory_space<vmem>>
      %dma_start3A_176 = arith.constant 0 : i32
      %dma_start3A_177 = tpu.memref_slice %arg7[%add3A_172, %dma_start3A_176] : memref<80x125xi32, #tpu.memory_space<vmem>> -> memref<1x125xi32, #tpu.memory_space<vmem>>
      %dma_start3A_178 = tpu.memref_squeeze %dma_start3A_177 : memref<1x125xi32, #tpu.memory_space<vmem>> -> memref<125xi32, #tpu.memory_space<vmem>>
      %dma_start3A_179 = arith.constant 0 : i32
      %dma_start3A_180 = arith.constant 0 : i32
      %dma_start3A_181 = tpu.memref_slice %arg2[%dma_start3A_179, %dma_start3A_180] : memref<10000x16xf32, #tpu.memory_space<hbm>> -> memref<10000x16xf32, #tpu.memory_space<hbm>>
      tpu.enqueue_indirect_dma source(%dma_start3A_181 : memref<10000x16xf32, #tpu.memory_space<hbm>>) target(%dma_start3A_175 : memref<125x16xf32, #tpu.memory_space<vmem>>) offsets(%dma_start3A_178 : memref<125xi32, #tpu.memory_space<vmem>>) semaphore(%arg13 : memref<!tpu.dma_semaphore, #tpu.memory_space<semaphore_mem>>)
      %mul3A_182 = arith.constant 8 : i32
      %mul3A_183 = arith.muli %add3A_155, %mul3A_182 : i32
      %add3A_184 = arith.constant 2 : i32
      %add3A_185 = arith.addi %mul3A_183, %add3A_184 : i32
      %dma_start3A_186 = arith.constant 250 : i32
      %dma_start3A_187 = arith.constant 0 : i32
      %dma_start3A_188 = tpu.memref_slice %arg10[%dma_start3A_186, %dma_start3A_187] : memref<1000x16xf32, #tpu.memory_space<vmem>> -> memref<125x16xf32, #tpu.memory_space<vmem>>
      %dma_start3A_189 = arith.constant 0 : i32
      %dma_start3A_190 = tpu.memref_slice %arg7[%add3A_185, %dma_start3A_189] : memref<80x125xi32, #tpu.memory_space<vmem>> -> memref<1x125xi32, #tpu.memory_space<vmem>>
      %dma_start3A_191 = tpu.memref_squeeze %dma_start3A_190 : memref<1x125xi32, #tpu.memory_space<vmem>> -> memref<125xi32, #tpu.memory_space<vmem>>
      %dma_start3A_192 = arith.constant 0 : i32
      %dma_start3A_193 = arith.constant 0 : i32
      %dma_start3A_194 = tpu.memref_slice %arg2[%dma_start3A_192, %dma_start3A_193] : memref<10000x16xf32, #tpu.memory_space<hbm>> -> memref<10000x16xf32, #tpu.memory_space<hbm>>
      tpu.enqueue_indirect_dma source(%dma_start3A_194 : memref<10000x16xf32, #tpu.memory_space<hbm>>) target(%dma_start3A_188 : memref<125x16xf32, #tpu.memory_space<vmem>>) offsets(%dma_start3A_191 : memref<125xi32, #tpu.memory_space<vmem>>) semaphore(%arg13 : memref<!tpu.dma_semaphore, #tpu.memory_space<semaphore_mem>>)
      %mul3A_195 = arith.constant 8 : i32
      %mul3A_196 = arith.muli %add3A_155, %mul3A_195 : i32
      %add3A_197 = arith.constant 3 : i32
      %add3A_198 = arith.addi %mul3A_196, %add3A_197 : i32
      %dma_start3A_199 = arith.constant 375 : i32
      %dma_start3A_200 = arith.constant 0 : i32
      %dma_start3A_201 = tpu.memref_slice %arg10[%dma_start3A_199, %dma_start3A_200] : memref<1000x16xf32, #tpu.memory_space<vmem>> -> memref<125x16xf32, #tpu.memory_space<vmem>>
      %dma_start3A_202 = arith.constant 0 : i32
      %dma_start3A_203 = tpu.memref_slice %arg7[%add3A_198, %dma_start3A_202] : memref<80x125xi32, #tpu.memory_space<vmem>> -> memref<1x125xi32, #tpu.memory_space<vmem>>
      %dma_start3A_204 = tpu.memref_squeeze %dma_start3A_203 : memref<1x125xi32, #tpu.memory_space<vmem>> -> memref<125xi32, #tpu.memory_space<vmem>>
      %dma_start3A_205 = arith.constant 0 : i32
      %dma_start3A_206 = arith.constant 0 : i32
      %dma_start3A_207 = tpu.memref_slice %arg2[%dma_start3A_205, %dma_start3A_206] : memref<10000x16xf32, #tpu.memory_space<hbm>> -> memref<10000x16xf32, #tpu.memory_space<hbm>>
      tpu.enqueue_indirect_dma source(%dma_start3A_207 : memref<10000x16xf32, #tpu.memory_space<hbm>>) target(%dma_start3A_201 : memref<125x16xf32, #tpu.memory_space<vmem>>) offsets(%dma_start3A_204 : memref<125xi32, #tpu.memory_space<vmem>>) semaphore(%arg13 : memref<!tpu.dma_semaphore, #tpu.memory_space<semaphore_mem>>)
      %mul3A_208 = arith.constant 8 : i32
      %mul3A_209 = arith.muli %add3A_155, %mul3A_208 : i32
      %add3A_210 = arith.constant 4 : i32
      %add3A_211 = arith.addi %mul3A_209, %add3A_210 : i32
      %dma_start3A_212 = arith.constant 500 : i32
      %dma_start3A_213 = arith.constant 0 : i32
      %dma_start3A_214 = tpu.memref_slice %arg10[%dma_start3A_212, %dma_start3A_213] : memref<1000x16xf32, #tpu.memory_space<vmem>> -> memref<125x16xf32, #tpu.memory_space<vmem>>
      %dma_start3A_215 = arith.constant 0 : i32
      %dma_start3A_216 = tpu.memref_slice %arg7[%add3A_211, %dma_start3A_215] : memref<80x125xi32, #tpu.memory_space<vmem>> -> memref<1x125xi32, #tpu.memory_space<vmem>>
      %dma_start3A_217 = tpu.memref_squeeze %dma_start3A_216 : memref<1x125xi32, #tpu.memory_space<vmem>> -> memref<125xi32, #tpu.memory_space<vmem>>
      %dma_start3A_218 = arith.constant 0 : i32
      %dma_start3A_219 = arith.constant 0 : i32
      %dma_start3A_220 = tpu.memref_slice %arg2[%dma_start3A_218, %dma_start3A_219] : memref<10000x16xf32, #tpu.memory_space<hbm>> -> memref<10000x16xf32, #tpu.memory_space<hbm>>
      tpu.enqueue_indirect_dma source(%dma_start3A_220 : memref<10000x16xf32, #tpu.memory_space<hbm>>) target(%dma_start3A_214 : memref<125x16xf32, #tpu.memory_space<vmem>>) offsets(%dma_start3A_217 : memref<125xi32, #tpu.memory_space<vmem>>) semaphore(%arg13 : memref<!tpu.dma_semaphore, #tpu.memory_space<semaphore_mem>>)
      %mul3A_221 = arith.constant 8 : i32
      %mul3A_222 = arith.muli %add3A_155, %mul3A_221 : i32
      %add3A_223 = arith.constant 5 : i32
      %add3A_224 = arith.addi %mul3A_222, %add3A_223 : i32
      %dma_start3A_225 = arith.constant 625 : i32
      %dma_start3A_226 = arith.constant 0 : i32
      %dma_start3A_227 = tpu.memref_slice %arg10[%dma_start3A_225, %dma_start3A_226] : memref<1000x16xf32, #tpu.memory_space<vmem>> -> memref<125x16xf32, #tpu.memory_space<vmem>>
      %dma_start3A_228 = arith.constant 0 : i32
      %dma_start3A_229 = tpu.memref_slice %arg7[%add3A_224, %dma_start3A_228] : memref<80x125xi32, #tpu.memory_space<vmem>> -> memref<1x125xi32, #tpu.memory_space<vmem>>
      %dma_start3A_230 = tpu.memref_squeeze %dma_start3A_229 : memref<1x125xi32, #tpu.memory_space<vmem>> -> memref<125xi32, #tpu.memory_space<vmem>>
      %dma_start3A_231 = arith.constant 0 : i32
      %dma_start3A_232 = arith.constant 0 : i32
      %dma_start3A_233 = tpu.memref_slice %arg2[%dma_start3A_231, %dma_start3A_232] : memref<10000x16xf32, #tpu.memory_space<hbm>> -> memref<10000x16xf32, #tpu.memory_space<hbm>>
      tpu.enqueue_indirect_dma source(%dma_start3A_233 : memref<10000x16xf32, #tpu.memory_space<hbm>>) target(%dma_start3A_227 : memref<125x16xf32, #tpu.memory_space<vmem>>) offsets(%dma_start3A_230 : memref<125xi32, #tpu.memory_space<vmem>>) semaphore(%arg13 : memref<!tpu.dma_semaphore, #tpu.memory_space<semaphore_mem>>)
      %mul3A_234 = arith.constant 8 : i32
      %mul3A_235 = arith.muli %add3A_155, %mul3A_234 : i32
      %add3A_236 = arith.constant 6 : i32
      %add3A_237 = arith.addi %mul3A_235, %add3A_236 : i32
      %dma_start3A_238 = arith.constant 750 : i32
      %dma_start3A_239 = arith.constant 0 : i32
      %dma_start3A_240 = tpu.memref_slice %arg10[%dma_start3A_238, %dma_start3A_239] : memref<1000x16xf32, #tpu.memory_space<vmem>> -> memref<125x16xf32, #tpu.memory_space<vmem>>
      %dma_start3A_241 = arith.constant 0 : i32
      %dma_start3A_242 = tpu.memref_slice %arg7[%add3A_237, %dma_start3A_241] : memref<80x125xi32, #tpu.memory_space<vmem>> -> memref<1x125xi32, #tpu.memory_space<vmem>>
      %dma_start3A_243 = tpu.memref_squeeze %dma_start3A_242 : memref<1x125xi32, #tpu.memory_space<vmem>> -> memref<125xi32, #tpu.memory_space<vmem>>
      %dma_start3A_244 = arith.constant 0 : i32
      %dma_start3A_245 = arith.constant 0 : i32
      %dma_start3A_246 = tpu.memref_slice %arg2[%dma_start3A_244, %dma_start3A_245] : memref<10000x16xf32, #tpu.memory_space<hbm>> -> memref<10000x16xf32, #tpu.memory_space<hbm>>
      tpu.enqueue_indirect_dma source(%dma_start3A_246 : memref<10000x16xf32, #tpu.memory_space<hbm>>) target(%dma_start3A_240 : memref<125x16xf32, #tpu.memory_space<vmem>>) offsets(%dma_start3A_243 : memref<125xi32, #tpu.memory_space<vmem>>) semaphore(%arg13 : memref<!tpu.dma_semaphore, #tpu.memory_space<semaphore_mem>>)
      %mul3A_247 = arith.constant 8 : i32
      %mul3A_248 = arith.muli %add3A_155, %mul3A_247 : i32
      %add3A_249 = arith.constant 7 : i32
      %add3A_250 = arith.addi %mul3A_248, %add3A_249 : i32
      %dma_start3A_251 = arith.constant 875 : i32
      %dma_start3A_252 = arith.constant 0 : i32
      %dma_start3A_253 = tpu.memref_slice %arg10[%dma_start3A_251, %dma_start3A_252] : memref<1000x16xf32, #tpu.memory_space<vmem>> -> memref<125x16xf32, #tpu.memory_space<vmem>>
      %dma_start3A_254 = arith.constant 0 : i32
      %dma_start3A_255 = tpu.memref_slice %arg7[%add3A_250, %dma_start3A_254] : memref<80x125xi32, #tpu.memory_space<vmem>> -> memref<1x125xi32, #tpu.memory_space<vmem>>
      %dma_start3A_256 = tpu.memref_squeeze %dma_start3A_255 : memref<1x125xi32, #tpu.memory_space<vmem>> -> memref<125xi32, #tpu.memory_space<vmem>>
      %dma_start3A_257 = arith.constant 0 : i32
      %dma_start3A_258 = arith.constant 0 : i32
      %dma_start3A_259 = tpu.memref_slice %arg2[%dma_start3A_257, %dma_start3A_258] : memref<10000x16xf32, #tpu.memory_space<hbm>> -> memref<10000x16xf32, #tpu.memory_space<hbm>>
      tpu.enqueue_indirect_dma source(%dma_start3A_259 : memref<10000x16xf32, #tpu.memory_space<hbm>>) target(%dma_start3A_253 : memref<125x16xf32, #tpu.memory_space<vmem>>) offsets(%dma_start3A_256 : memref<125xi32, #tpu.memory_space<vmem>>) semaphore(%arg13 : memref<!tpu.dma_semaphore, #tpu.memory_space<semaphore_mem>>)
      %dma_wait3A_260 = arith.constant 0 : i32
      %dma_wait3A_261 = arith.constant 0 : i32
      %dma_wait3A_262 = tpu.memref_slice %arg9[%dma_wait3A_260, %dma_wait3A_261] : memref<1000x16xf32, #tpu.memory_space<vmem>> -> memref<125x16xf32, #tpu.memory_space<vmem>>
      %dma_wait3A_263 = arith.constant 0 : i32
      %dma_wait3A_264 = tpu.memref_slice %arg7[%add3A_53, %dma_wait3A_263] : memref<80x125xi32, #tpu.memory_space<vmem>> -> memref<1x125xi32, #tpu.memory_space<vmem>>
      %dma_wait3A_265 = tpu.memref_squeeze %dma_wait3A_264 : memref<1x125xi32, #tpu.memory_space<vmem>> -> memref<125xi32, #tpu.memory_space<vmem>>
      %dma_wait3A_266 = arith.constant 0 : i32
      %dma_wait3A_267 = arith.constant 0 : i32
      %dma_wait3A_268 = tpu.memref_slice %arg2[%dma_wait3A_266, %dma_wait3A_267] : memref<10000x16xf32, #tpu.memory_space<hbm>> -> memref<10000x16xf32, #tpu.memory_space<hbm>>
      tpu.wait_indirect_dma semaphore(%arg12 : memref<!tpu.dma_semaphore, #tpu.memory_space<semaphore_mem>>) src(%dma_wait3A_268 : memref<10000x16xf32, #tpu.memory_space<hbm>>) dst(%dma_wait3A_262 : memref<125x16xf32, #tpu.memory_space<vmem>>)
      %dma_wait3A_269 = arith.constant 125 : i32
      %dma_wait3A_270 = arith.constant 0 : i32
      %dma_wait3A_271 = tpu.memref_slice %arg9[%dma_wait3A_269, %dma_wait3A_270] : memref<1000x16xf32, #tpu.memory_space<vmem>> -> memref<125x16xf32, #tpu.memory_space<vmem>>
      %dma_wait3A_272 = arith.constant 0 : i32
      %dma_wait3A_273 = tpu.memref_slice %arg7[%add3A_66, %dma_wait3A_272] : memref<80x125xi32, #tpu.memory_space<vmem>> -> memref<1x125xi32, #tpu.memory_space<vmem>>
      %dma_wait3A_274 = tpu.memref_squeeze %dma_wait3A_273 : memref<1x125xi32, #tpu.memory_space<vmem>> -> memref<125xi32, #tpu.memory_space<vmem>>
      %dma_wait3A_275 = arith.constant 0 : i32
      %dma_wait3A_276 = arith.constant 0 : i32
      %dma_wait3A_277 = tpu.memref_slice %arg2[%dma_wait3A_275, %dma_wait3A_276] : memref<10000x16xf32, #tpu.memory_space<hbm>> -> memref<10000x16xf32, #tpu.memory_space<hbm>>
      tpu.wait_indirect_dma semaphore(%arg12 : memref<!tpu.dma_semaphore, #tpu.memory_space<semaphore_mem>>) src(%dma_wait3A_277 : memref<10000x16xf32, #tpu.memory_space<hbm>>) dst(%dma_wait3A_271 : memref<125x16xf32, #tpu.memory_space<vmem>>)
      %dma_wait3A_278 = arith.constant 250 : i32
      %dma_wait3A_279 = arith.constant 0 : i32
      %dma_wait3A_280 = tpu.memref_slice %arg9[%dma_wait3A_278, %dma_wait3A_279] : memref<1000x16xf32, #tpu.memory_space<vmem>> -> memref<125x16xf32, #tpu.memory_space<vmem>>
      %dma_wait3A_281 = arith.constant 0 : i32
      %dma_wait3A_282 = tpu.memref_slice %arg7[%add3A_79, %dma_wait3A_281] : memref<80x125xi32, #tpu.memory_space<vmem>> -> memref<1x125xi32, #tpu.memory_space<vmem>>
      %dma_wait3A_283 = tpu.memref_squeeze %dma_wait3A_282 : memref<1x125xi32, #tpu.memory_space<vmem>> -> memref<125xi32, #tpu.memory_space<vmem>>
      %dma_wait3A_284 = arith.constant 0 : i32
      %dma_wait3A_285 = arith.constant 0 : i32
      %dma_wait3A_286 = tpu.memref_slice %arg2[%dma_wait3A_284, %dma_wait3A_285] : memref<10000x16xf32, #tpu.memory_space<hbm>> -> memref<10000x16xf32, #tpu.memory_space<hbm>>
      tpu.wait_indirect_dma semaphore(%arg12 : memref<!tpu.dma_semaphore, #tpu.memory_space<semaphore_mem>>) src(%dma_wait3A_286 : memref<10000x16xf32, #tpu.memory_space<hbm>>) dst(%dma_wait3A_280 : memref<125x16xf32, #tpu.memory_space<vmem>>)
      %dma_wait3A_287 = arith.constant 375 : i32
      %dma_wait3A_288 = arith.constant 0 : i32
      %dma_wait3A_289 = tpu.memref_slice %arg9[%dma_wait3A_287, %dma_wait3A_288] : memref<1000x16xf32, #tpu.memory_space<vmem>> -> memref<125x16xf32, #tpu.memory_space<vmem>>
      %dma_wait3A_290 = arith.constant 0 : i32
      %dma_wait3A_291 = tpu.memref_slice %arg7[%add3A_92, %dma_wait3A_290] : memref<80x125xi32, #tpu.memory_space<vmem>> -> memref<1x125xi32, #tpu.memory_space<vmem>>
      %dma_wait3A_292 = tpu.memref_squeeze %dma_wait3A_291 : memref<1x125xi32, #tpu.memory_space<vmem>> -> memref<125xi32, #tpu.memory_space<vmem>>
      %dma_wait3A_293 = arith.constant 0 : i32
      %dma_wait3A_294 = arith.constant 0 : i32
      %dma_wait3A_295 = tpu.memref_slice %arg2[%dma_wait3A_293, %dma_wait3A_294] : memref<10000x16xf32, #tpu.memory_space<hbm>> -> memref<10000x16xf32, #tpu.memory_space<hbm>>
      tpu.wait_indirect_dma semaphore(%arg12 : memref<!tpu.dma_semaphore, #tpu.memory_space<semaphore_mem>>) src(%dma_wait3A_295 : memref<10000x16xf32, #tpu.memory_space<hbm>>) dst(%dma_wait3A_289 : memref<125x16xf32, #tpu.memory_space<vmem>>)
      %dma_wait3A_296 = arith.constant 500 : i32
      %dma_wait3A_297 = arith.constant 0 : i32
      %dma_wait3A_298 = tpu.memref_slice %arg9[%dma_wait3A_296, %dma_wait3A_297] : memref<1000x16xf32, #tpu.memory_space<vmem>> -> memref<125x16xf32, #tpu.memory_space<vmem>>
      %dma_wait3A_299 = arith.constant 0 : i32
      %dma_wait3A_300 = tpu.memref_slice %arg7[%add3A_105, %dma_wait3A_299] : memref<80x125xi32, #tpu.memory_space<vmem>> -> memref<1x125xi32, #tpu.memory_space<vmem>>
      %dma_wait3A_301 = tpu.memref_squeeze %dma_wait3A_300 : memref<1x125xi32, #tpu.memory_space<vmem>> -> memref<125xi32, #tpu.memory_space<vmem>>
      %dma_wait3A_302 = arith.constant 0 : i32
      %dma_wait3A_303 = arith.constant 0 : i32
      %dma_wait3A_304 = tpu.memref_slice %arg2[%dma_wait3A_302, %dma_wait3A_303] : memref<10000x16xf32, #tpu.memory_space<hbm>> -> memref<10000x16xf32, #tpu.memory_space<hbm>>
      tpu.wait_indirect_dma semaphore(%arg12 : memref<!tpu.dma_semaphore, #tpu.memory_space<semaphore_mem>>) src(%dma_wait3A_304 : memref<10000x16xf32, #tpu.memory_space<hbm>>) dst(%dma_wait3A_298 : memref<125x16xf32, #tpu.memory_space<vmem>>)
      %dma_wait3A_305 = arith.constant 625 : i32
      %dma_wait3A_306 = arith.constant 0 : i32
      %dma_wait3A_307 = tpu.memref_slice %arg9[%dma_wait3A_305, %dma_wait3A_306] : memref<1000x16xf32, #tpu.memory_space<vmem>> -> memref<125x16xf32, #tpu.memory_space<vmem>>
      %dma_wait3A_308 = arith.constant 0 : i32
      %dma_wait3A_309 = tpu.memref_slice %arg7[%add3A_118, %dma_wait3A_308] : memref<80x125xi32, #tpu.memory_space<vmem>> -> memref<1x125xi32, #tpu.memory_space<vmem>>
      %dma_wait3A_310 = tpu.memref_squeeze %dma_wait3A_309 : memref<1x125xi32, #tpu.memory_space<vmem>> -> memref<125xi32, #tpu.memory_space<vmem>>
      %dma_wait3A_311 = arith.constant 0 : i32
      %dma_wait3A_312 = arith.constant 0 : i32
      %dma_wait3A_313 = tpu.memref_slice %arg2[%dma_wait3A_311, %dma_wait3A_312] : memref<10000x16xf32, #tpu.memory_space<hbm>> -> memref<10000x16xf32, #tpu.memory_space<hbm>>
      tpu.wait_indirect_dma semaphore(%arg12 : memref<!tpu.dma_semaphore, #tpu.memory_space<semaphore_mem>>) src(%dma_wait3A_313 : memref<10000x16xf32, #tpu.memory_space<hbm>>) dst(%dma_wait3A_307 : memref<125x16xf32, #tpu.memory_space<vmem>>)
      %dma_wait3A_314 = arith.constant 750 : i32
      %dma_wait3A_315 = arith.constant 0 : i32
      %dma_wait3A_316 = tpu.memref_slice %arg9[%dma_wait3A_314, %dma_wait3A_315] : memref<1000x16xf32, #tpu.memory_space<vmem>> -> memref<125x16xf32, #tpu.memory_space<vmem>>
      %dma_wait3A_317 = arith.constant 0 : i32
      %dma_wait3A_318 = tpu.memref_slice %arg7[%add3A_131, %dma_wait3A_317] : memref<80x125xi32, #tpu.memory_space<vmem>> -> memref<1x125xi32, #tpu.memory_space<vmem>>
      %dma_wait3A_319 = tpu.memref_squeeze %dma_wait3A_318 : memref<1x125xi32, #tpu.memory_space<vmem>> -> memref<125xi32, #tpu.memory_space<vmem>>
      %dma_wait3A_320 = arith.constant 0 : i32
      %dma_wait3A_321 = arith.constant 0 : i32
      %dma_wait3A_322 = tpu.memref_slice %arg2[%dma_wait3A_320, %dma_wait3A_321] : memref<10000x16xf32, #tpu.memory_space<hbm>> -> memref<10000x16xf32, #tpu.memory_space<hbm>>
      tpu.wait_indirect_dma semaphore(%arg12 : memref<!tpu.dma_semaphore, #tpu.memory_space<semaphore_mem>>) src(%dma_wait3A_322 : memref<10000x16xf32, #tpu.memory_space<hbm>>) dst(%dma_wait3A_316 : memref<125x16xf32, #tpu.memory_space<vmem>>)
      %dma_wait3A_323 = arith.constant 875 : i32
      %dma_wait3A_324 = arith.constant 0 : i32
      %dma_wait3A_325 = tpu.memref_slice %arg9[%dma_wait3A_323, %dma_wait3A_324] : memref<1000x16xf32, #tpu.memory_space<vmem>> -> memref<125x16xf32, #tpu.memory_space<vmem>>
      %dma_wait3A_326 = arith.constant 0 : i32
      %dma_wait3A_327 = tpu.memref_slice %arg7[%add3A_144, %dma_wait3A_326] : memref<80x125xi32, #tpu.memory_space<vmem>> -> memref<1x125xi32, #tpu.memory_space<vmem>>
      %dma_wait3A_328 = tpu.memref_squeeze %dma_wait3A_327 : memref<1x125xi32, #tpu.memory_space<vmem>> -> memref<125xi32, #tpu.memory_space<vmem>>
      %dma_wait3A_329 = arith.constant 0 : i32
      %dma_wait3A_330 = arith.constant 0 : i32
      %dma_wait3A_331 = tpu.memref_slice %arg2[%dma_wait3A_329, %dma_wait3A_330] : memref<10000x16xf32, #tpu.memory_space<hbm>> -> memref<10000x16xf32, #tpu.memory_space<hbm>>
      tpu.wait_indirect_dma semaphore(%arg12 : memref<!tpu.dma_semaphore, #tpu.memory_space<semaphore_mem>>) src(%dma_wait3A_331 : memref<10000x16xf32, #tpu.memory_space<hbm>>) dst(%dma_wait3A_325 : memref<125x16xf32, #tpu.memory_space<vmem>>)
      %mul3A_332 = arith.constant 8 : i32
      %mul3A_333 = arith.muli %mul3A_49, %mul3A_332 : i32
      %add3A_334 = arith.constant 0 : i32
      %add3A_335 = arith.addi %mul3A_333, %add3A_334 : i32
      %dma_start3A_336 = arith.constant 0 : i32
      %dma_start3A_337 = arith.constant 0 : i32
      %dma_start3A_338 = tpu.memref_slice %arg9[%dma_start3A_336, %dma_start3A_337] : memref<1000x16xf32, #tpu.memory_space<vmem>> -> memref<125x16xf32, #tpu.memory_space<vmem>>
      %dma_start3A_339 = arith.constant 0 : i32
      %dma_start3A_340 = tpu.memref_slice %arg8[%add3A_335, %dma_start3A_339] : memref<80x125xi32, #tpu.memory_space<vmem>> -> memref<1x125xi32, #tpu.memory_space<vmem>>
      %dma_start3A_341 = tpu.memref_squeeze %dma_start3A_340 : memref<1x125xi32, #tpu.memory_space<vmem>> -> memref<125xi32, #tpu.memory_space<vmem>>
      %dma_start3A_342 = arith.constant 0 : i32
      %dma_start3A_343 = arith.constant 0 : i32
      %dma_start3A_344 = tpu.memref_slice %arg11[%dma_start3A_342, %dma_start3A_343] : memref<10240x16xf32, #tpu.memory_space<vmem_shared>> -> memref<10240x16xf32, #tpu.memory_space<vmem_shared>>
      tpu.enqueue_indirect_dma source(%dma_start3A_338 : memref<125x16xf32, #tpu.memory_space<vmem>>) target(%dma_start3A_344 : memref<10240x16xf32, #tpu.memory_space<vmem_shared>>) offsets(%dma_start3A_341 : memref<125xi32, #tpu.memory_space<vmem>>) semaphore(%arg14 : memref<!tpu.dma_semaphore, #tpu.memory_space<semaphore_mem>>) {add = true}
      %mul3A_345 = arith.constant 8 : i32
      %mul3A_346 = arith.muli %mul3A_49, %mul3A_345 : i32
      %add3A_347 = arith.constant 1 : i32
      %add3A_348 = arith.addi %mul3A_346, %add3A_347 : i32
      %dma_start3A_349 = arith.constant 125 : i32
      %dma_start3A_350 = arith.constant 0 : i32
      %dma_start3A_351 = tpu.memref_slice %arg9[%dma_start3A_349, %dma_start3A_350] : memref<1000x16xf32, #tpu.memory_space<vmem>> -> memref<125x16xf32, #tpu.memory_space<vmem>>
      %dma_start3A_352 = arith.constant 0 : i32
      %dma_start3A_353 = tpu.memref_slice %arg8[%add3A_348, %dma_start3A_352] : memref<80x125xi32, #tpu.memory_space<vmem>> -> memref<1x125xi32, #tpu.memory_space<vmem>>
      %dma_start3A_354 = tpu.memref_squeeze %dma_start3A_353 : memref<1x125xi32, #tpu.memory_space<vmem>> -> memref<125xi32, #tpu.memory_space<vmem>>
      %dma_start3A_355 = arith.constant 0 : i32
      %dma_start3A_356 = arith.constant 0 : i32
      %dma_start3A_357 = tpu.memref_slice %arg11[%dma_start3A_355, %dma_start3A_356] : memref<10240x16xf32, #tpu.memory_space<vmem_shared>> -> memref<10240x16xf32, #tpu.memory_space<vmem_shared>>
      tpu.enqueue_indirect_dma source(%dma_start3A_351 : memref<125x16xf32, #tpu.memory_space<vmem>>) target(%dma_start3A_357 : memref<10240x16xf32, #tpu.memory_space<vmem_shared>>) offsets(%dma_start3A_354 : memref<125xi32, #tpu.memory_space<vmem>>) semaphore(%arg14 : memref<!tpu.dma_semaphore, #tpu.memory_space<semaphore_mem>>) {add = true}
      %mul3A_358 = arith.constant 8 : i32
      %mul3A_359 = arith.muli %mul3A_49, %mul3A_358 : i32
      %add3A_360 = arith.constant 2 : i32
      %add3A_361 = arith.addi %mul3A_359, %add3A_360 : i32
      %dma_start3A_362 = arith.constant 250 : i32
      %dma_start3A_363 = arith.constant 0 : i32
      %dma_start3A_364 = tpu.memref_slice %arg9[%dma_start3A_362, %dma_start3A_363] : memref<1000x16xf32, #tpu.memory_space<vmem>> -> memref<125x16xf32, #tpu.memory_space<vmem>>
      %dma_start3A_365 = arith.constant 0 : i32
      %dma_start3A_366 = tpu.memref_slice %arg8[%add3A_361, %dma_start3A_365] : memref<80x125xi32, #tpu.memory_space<vmem>> -> memref<1x125xi32, #tpu.memory_space<vmem>>
      %dma_start3A_367 = tpu.memref_squeeze %dma_start3A_366 : memref<1x125xi32, #tpu.memory_space<vmem>> -> memref<125xi32, #tpu.memory_space<vmem>>
      %dma_start3A_368 = arith.constant 0 : i32
      %dma_start3A_369 = arith.constant 0 : i32
      %dma_start3A_370 = tpu.memref_slice %arg11[%dma_start3A_368, %dma_start3A_369] : memref<10240x16xf32, #tpu.memory_space<vmem_shared>> -> memref<10240x16xf32, #tpu.memory_space<vmem_shared>>
      tpu.enqueue_indirect_dma source(%dma_start3A_364 : memref<125x16xf32, #tpu.memory_space<vmem>>) target(%dma_start3A_370 : memref<10240x16xf32, #tpu.memory_space<vmem_shared>>) offsets(%dma_start3A_367 : memref<125xi32, #tpu.memory_space<vmem>>) semaphore(%arg14 : memref<!tpu.dma_semaphore, #tpu.memory_space<semaphore_mem>>) {add = true}
      %mul3A_371 = arith.constant 8 : i32
      %mul3A_372 = arith.muli %mul3A_49, %mul3A_371 : i32
      %add3A_373 = arith.constant 3 : i32
      %add3A_374 = arith.addi %mul3A_372, %add3A_373 : i32
      %dma_start3A_375 = arith.constant 375 : i32
      %dma_start3A_376 = arith.constant 0 : i32
      %dma_start3A_377 = tpu.memref_slice %arg9[%dma_start3A_375, %dma_start3A_376] : memref<1000x16xf32, #tpu.memory_space<vmem>> -> memref<125x16xf32, #tpu.memory_space<vmem>>
      %dma_start3A_378 = arith.constant 0 : i32
      %dma_start3A_379 = tpu.memref_slice %arg8[%add3A_374, %dma_start3A_378] : memref<80x125xi32, #tpu.memory_space<vmem>> -> memref<1x125xi32, #tpu.memory_space<vmem>>
      %dma_start3A_380 = tpu.memref_squeeze %dma_start3A_379 : memref<1x125xi32, #tpu.memory_space<vmem>> -> memref<125xi32, #tpu.memory_space<vmem>>
      %dma_start3A_381 = arith.constant 0 : i32
      %dma_start3A_382 = arith.constant 0 : i32
      %dma_start3A_383 = tpu.memref_slice %arg11[%dma_start3A_381, %dma_start3A_382] : memref<10240x16xf32, #tpu.memory_space<vmem_shared>> -> memref<10240x16xf32, #tpu.memory_space<vmem_shared>>
      tpu.enqueue_indirect_dma source(%dma_start3A_377 : memref<125x16xf32, #tpu.memory_space<vmem>>) target(%dma_start3A_383 : memref<10240x16xf32, #tpu.memory_space<vmem_shared>>) offsets(%dma_start3A_380 : memref<125xi32, #tpu.memory_space<vmem>>) semaphore(%arg14 : memref<!tpu.dma_semaphore, #tpu.memory_space<semaphore_mem>>) {add = true}
      %mul3A_384 = arith.constant 8 : i32
      %mul3A_385 = arith.muli %mul3A_49, %mul3A_384 : i32
      %add3A_386 = arith.constant 4 : i32
      %add3A_387 = arith.addi %mul3A_385, %add3A_386 : i32
      %dma_start3A_388 = arith.constant 500 : i32
      %dma_start3A_389 = arith.constant 0 : i32
      %dma_start3A_390 = tpu.memref_slice %arg9[%dma_start3A_388, %dma_start3A_389] : memref<1000x16xf32, #tpu.memory_space<vmem>> -> memref<125x16xf32, #tpu.memory_space<vmem>>
      %dma_start3A_391 = arith.constant 0 : i32
      %dma_start3A_392 = tpu.memref_slice %arg8[%add3A_387, %dma_start3A_391] : memref<80x125xi32, #tpu.memory_space<vmem>> -> memref<1x125xi32, #tpu.memory_space<vmem>>
      %dma_start3A_393 = tpu.memref_squeeze %dma_start3A_392 : memref<1x125xi32, #tpu.memory_space<vmem>> -> memref<125xi32, #tpu.memory_space<vmem>>
      %dma_start3A_394 = arith.constant 0 : i32
      %dma_start3A_395 = arith.constant 0 : i32
      %dma_start3A_396 = tpu.memref_slice %arg11[%dma_start3A_394, %dma_start3A_395] : memref<10240x16xf32, #tpu.memory_space<vmem_shared>> -> memref<10240x16xf32, #tpu.memory_space<vmem_shared>>
      tpu.enqueue_indirect_dma source(%dma_start3A_390 : memref<125x16xf32, #tpu.memory_space<vmem>>) target(%dma_start3A_396 : memref<10240x16xf32, #tpu.memory_space<vmem_shared>>) offsets(%dma_start3A_393 : memref<125xi32, #tpu.memory_space<vmem>>) semaphore(%arg14 : memref<!tpu.dma_semaphore, #tpu.memory_space<semaphore_mem>>) {add = true}
      %mul3A_397 = arith.constant 8 : i32
      %mul3A_398 = arith.muli %mul3A_49, %mul3A_397 : i32
      %add3A_399 = arith.constant 5 : i32
      %add3A_400 = arith.addi %mul3A_398, %add3A_399 : i32
      %dma_start3A_401 = arith.constant 625 : i32
      %dma_start3A_402 = arith.constant 0 : i32
      %dma_start3A_403 = tpu.memref_slice %arg9[%dma_start3A_401, %dma_start3A_402] : memref<1000x16xf32, #tpu.memory_space<vmem>> -> memref<125x16xf32, #tpu.memory_space<vmem>>
      %dma_start3A_404 = arith.constant 0 : i32
      %dma_start3A_405 = tpu.memref_slice %arg8[%add3A_400, %dma_start3A_404] : memref<80x125xi32, #tpu.memory_space<vmem>> -> memref<1x125xi32, #tpu.memory_space<vmem>>
      %dma_start3A_406 = tpu.memref_squeeze %dma_start3A_405 : memref<1x125xi32, #tpu.memory_space<vmem>> -> memref<125xi32, #tpu.memory_space<vmem>>
      %dma_start3A_407 = arith.constant 0 : i32
      %dma_start3A_408 = arith.constant 0 : i32
      %dma_start3A_409 = tpu.memref_slice %arg11[%dma_start3A_407, %dma_start3A_408] : memref<10240x16xf32, #tpu.memory_space<vmem_shared>> -> memref<10240x16xf32, #tpu.memory_space<vmem_shared>>
      tpu.enqueue_indirect_dma source(%dma_start3A_403 : memref<125x16xf32, #tpu.memory_space<vmem>>) target(%dma_start3A_409 : memref<10240x16xf32, #tpu.memory_space<vmem_shared>>) offsets(%dma_start3A_406 : memref<125xi32, #tpu.memory_space<vmem>>) semaphore(%arg14 : memref<!tpu.dma_semaphore, #tpu.memory_space<semaphore_mem>>) {add = true}
      %mul3A_410 = arith.constant 8 : i32
      %mul3A_411 = arith.muli %mul3A_49, %mul3A_410 : i32
      %add3A_412 = arith.constant 6 : i32
      %add3A_413 = arith.addi %mul3A_411, %add3A_412 : i32
      %dma_start3A_414 = arith.constant 750 : i32
      %dma_start3A_415 = arith.constant 0 : i32
      %dma_start3A_416 = tpu.memref_slice %arg9[%dma_start3A_414, %dma_start3A_415] : memref<1000x16xf32, #tpu.memory_space<vmem>> -> memref<125x16xf32, #tpu.memory_space<vmem>>
      %dma_start3A_417 = arith.constant 0 : i32
      %dma_start3A_418 = tpu.memref_slice %arg8[%add3A_413, %dma_start3A_417] : memref<80x125xi32, #tpu.memory_space<vmem>> -> memref<1x125xi32, #tpu.memory_space<vmem>>
      %dma_start3A_419 = tpu.memref_squeeze %dma_start3A_418 : memref<1x125xi32, #tpu.memory_space<vmem>> -> memref<125xi32, #tpu.memory_space<vmem>>
      %dma_start3A_420 = arith.constant 0 : i32
      %dma_start3A_421 = arith.constant 0 : i32
      %dma_start3A_422 = tpu.memref_slice %arg11[%dma_start3A_420, %dma_start3A_421] : memref<10240x16xf32, #tpu.memory_space<vmem_shared>> -> memref<10240x16xf32, #tpu.memory_space<vmem_shared>>
      tpu.enqueue_indirect_dma source(%dma_start3A_416 : memref<125x16xf32, #tpu.memory_space<vmem>>) target(%dma_start3A_422 : memref<10240x16xf32, #tpu.memory_space<vmem_shared>>) offsets(%dma_start3A_419 : memref<125xi32, #tpu.memory_space<vmem>>) semaphore(%arg14 : memref<!tpu.dma_semaphore, #tpu.memory_space<semaphore_mem>>) {add = true}
      %mul3A_423 = arith.constant 8 : i32
      %mul3A_424 = arith.muli %mul3A_49, %mul3A_423 : i32
      %add3A_425 = arith.constant 7 : i32
      %add3A_426 = arith.addi %mul3A_424, %add3A_425 : i32
      %dma_start3A_427 = arith.constant 875 : i32
      %dma_start3A_428 = arith.constant 0 : i32
      %dma_start3A_429 = tpu.memref_slice %arg9[%dma_start3A_427, %dma_start3A_428] : memref<1000x16xf32, #tpu.memory_space<vmem>> -> memref<125x16xf32, #tpu.memory_space<vmem>>
      %dma_start3A_430 = arith.constant 0 : i32
      %dma_start3A_431 = tpu.memref_slice %arg8[%add3A_426, %dma_start3A_430] : memref<80x125xi32, #tpu.memory_space<vmem>> -> memref<1x125xi32, #tpu.memory_space<vmem>>
      %dma_start3A_432 = tpu.memref_squeeze %dma_start3A_431 : memref<1x125xi32, #tpu.memory_space<vmem>> -> memref<125xi32, #tpu.memory_space<vmem>>
      %dma_start3A_433 = arith.constant 0 : i32
      %dma_start3A_434 = arith.constant 0 : i32
      %dma_start3A_435 = tpu.memref_slice %arg11[%dma_start3A_433, %dma_start3A_434] : memref<10240x16xf32, #tpu.memory_space<vmem_shared>> -> memref<10240x16xf32, #tpu.memory_space<vmem_shared>>
      tpu.enqueue_indirect_dma source(%dma_start3A_429 : memref<125x16xf32, #tpu.memory_space<vmem>>) target(%dma_start3A_435 : memref<10240x16xf32, #tpu.memory_space<vmem_shared>>) offsets(%dma_start3A_432 : memref<125xi32, #tpu.memory_space<vmem>>) semaphore(%arg14 : memref<!tpu.dma_semaphore, #tpu.memory_space<semaphore_mem>>) {add = true}
      %dma_wait3A_436 = arith.constant 0 : i32
      %dma_wait3A_437 = arith.constant 0 : i32
      %dma_wait3A_438 = tpu.memref_slice %arg10[%dma_wait3A_436, %dma_wait3A_437] : memref<1000x16xf32, #tpu.memory_space<vmem>> -> memref<125x16xf32, #tpu.memory_space<vmem>>
      %dma_wait3A_439 = arith.constant 0 : i32
      %dma_wait3A_440 = tpu.memref_slice %arg7[%add3A_159, %dma_wait3A_439] : memref<80x125xi32, #tpu.memory_space<vmem>> -> memref<1x125xi32, #tpu.memory_space<vmem>>
      %dma_wait3A_441 = tpu.memref_squeeze %dma_wait3A_440 : memref<1x125xi32, #tpu.memory_space<vmem>> -> memref<125xi32, #tpu.memory_space<vmem>>
      %dma_wait3A_442 = arith.constant 0 : i32
      %dma_wait3A_443 = arith.constant 0 : i32
      %dma_wait3A_444 = tpu.memref_slice %arg2[%dma_wait3A_442, %dma_wait3A_443] : memref<10000x16xf32, #tpu.memory_space<hbm>> -> memref<10000x16xf32, #tpu.memory_space<hbm>>
      tpu.wait_indirect_dma semaphore(%arg13 : memref<!tpu.dma_semaphore, #tpu.memory_space<semaphore_mem>>) src(%dma_wait3A_444 : memref<10000x16xf32, #tpu.memory_space<hbm>>) dst(%dma_wait3A_438 : memref<125x16xf32, #tpu.memory_space<vmem>>)
      %dma_wait3A_445 = arith.constant 125 : i32
      %dma_wait3A_446 = arith.constant 0 : i32
      %dma_wait3A_447 = tpu.memref_slice %arg10[%dma_wait3A_445, %dma_wait3A_446] : memref<1000x16xf32, #tpu.memory_space<vmem>> -> memref<125x16xf32, #tpu.memory_space<vmem>>
      %dma_wait3A_448 = arith.constant 0 : i32
      %dma_wait3A_449 = tpu.memref_slice %arg7[%add3A_172, %dma_wait3A_448] : memref<80x125xi32, #tpu.memory_space<vmem>> -> memref<1x125xi32, #tpu.memory_space<vmem>>
      %dma_wait3A_450 = tpu.memref_squeeze %dma_wait3A_449 : memref<1x125xi32, #tpu.memory_space<vmem>> -> memref<125xi32, #tpu.memory_space<vmem>>
      %dma_wait3A_451 = arith.constant 0 : i32
      %dma_wait3A_452 = arith.constant 0 : i32
      %dma_wait3A_453 = tpu.memref_slice %arg2[%dma_wait3A_451, %dma_wait3A_452] : memref<10000x16xf32, #tpu.memory_space<hbm>> -> memref<10000x16xf32, #tpu.memory_space<hbm>>
      tpu.wait_indirect_dma semaphore(%arg13 : memref<!tpu.dma_semaphore, #tpu.memory_space<semaphore_mem>>) src(%dma_wait3A_453 : memref<10000x16xf32, #tpu.memory_space<hbm>>) dst(%dma_wait3A_447 : memref<125x16xf32, #tpu.memory_space<vmem>>)
      %dma_wait3A_454 = arith.constant 250 : i32
      %dma_wait3A_455 = arith.constant 0 : i32
      %dma_wait3A_456 = tpu.memref_slice %arg10[%dma_wait3A_454, %dma_wait3A_455] : memref<1000x16xf32, #tpu.memory_space<vmem>> -> memref<125x16xf32, #tpu.memory_space<vmem>>
      %dma_wait3A_457 = arith.constant 0 : i32
      %dma_wait3A_458 = tpu.memref_slice %arg7[%add3A_185, %dma_wait3A_457] : memref<80x125xi32, #tpu.memory_space<vmem>> -> memref<1x125xi32, #tpu.memory_space<vmem>>
      %dma_wait3A_459 = tpu.memref_squeeze %dma_wait3A_458 : memref<1x125xi32, #tpu.memory_space<vmem>> -> memref<125xi32, #tpu.memory_space<vmem>>
      %dma_wait3A_460 = arith.constant 0 : i32
      %dma_wait3A_461 = arith.constant 0 : i32
      %dma_wait3A_462 = tpu.memref_slice %arg2[%dma_wait3A_460, %dma_wait3A_461] : memref<10000x16xf32, #tpu.memory_space<hbm>> -> memref<10000x16xf32, #tpu.memory_space<hbm>>
      tpu.wait_indirect_dma semaphore(%arg13 : memref<!tpu.dma_semaphore, #tpu.memory_space<semaphore_mem>>) src(%dma_wait3A_462 : memref<10000x16xf32, #tpu.memory_space<hbm>>) dst(%dma_wait3A_456 : memref<125x16xf32, #tpu.memory_space<vmem>>)
      %dma_wait3A_463 = arith.constant 375 : i32
      %dma_wait3A_464 = arith.constant 0 : i32
      %dma_wait3A_465 = tpu.memref_slice %arg10[%dma_wait3A_463, %dma_wait3A_464] : memref<1000x16xf32, #tpu.memory_space<vmem>> -> memref<125x16xf32, #tpu.memory_space<vmem>>
      %dma_wait3A_466 = arith.constant 0 : i32
      %dma_wait3A_467 = tpu.memref_slice %arg7[%add3A_198, %dma_wait3A_466] : memref<80x125xi32, #tpu.memory_space<vmem>> -> memref<1x125xi32, #tpu.memory_space<vmem>>
      %dma_wait3A_468 = tpu.memref_squeeze %dma_wait3A_467 : memref<1x125xi32, #tpu.memory_space<vmem>> -> memref<125xi32, #tpu.memory_space<vmem>>
      %dma_wait3A_469 = arith.constant 0 : i32
      %dma_wait3A_470 = arith.constant 0 : i32
      %dma_wait3A_471 = tpu.memref_slice %arg2[%dma_wait3A_469, %dma_wait3A_470] : memref<10000x16xf32, #tpu.memory_space<hbm>> -> memref<10000x16xf32, #tpu.memory_space<hbm>>
      tpu.wait_indirect_dma semaphore(%arg13 : memref<!tpu.dma_semaphore, #tpu.memory_space<semaphore_mem>>) src(%dma_wait3A_471 : memref<10000x16xf32, #tpu.memory_space<hbm>>) dst(%dma_wait3A_465 : memref<125x16xf32, #tpu.memory_space<vmem>>)
      %dma_wait3A_472 = arith.constant 500 : i32
      %dma_wait3A_473 = arith.constant 0 : i32
      %dma_wait3A_474 = tpu.memref_slice %arg10[%dma_wait3A_472, %dma_wait3A_473] : memref<1000x16xf32, #tpu.memory_space<vmem>> -> memref<125x16xf32, #tpu.memory_space<vmem>>
      %dma_wait3A_475 = arith.constant 0 : i32
      %dma_wait3A_476 = tpu.memref_slice %arg7[%add3A_211, %dma_wait3A_475] : memref<80x125xi32, #tpu.memory_space<vmem>> -> memref<1x125xi32, #tpu.memory_space<vmem>>
      %dma_wait3A_477 = tpu.memref_squeeze %dma_wait3A_476 : memref<1x125xi32, #tpu.memory_space<vmem>> -> memref<125xi32, #tpu.memory_space<vmem>>
      %dma_wait3A_478 = arith.constant 0 : i32
      %dma_wait3A_479 = arith.constant 0 : i32
      %dma_wait3A_480 = tpu.memref_slice %arg2[%dma_wait3A_478, %dma_wait3A_479] : memref<10000x16xf32, #tpu.memory_space<hbm>> -> memref<10000x16xf32, #tpu.memory_space<hbm>>
      tpu.wait_indirect_dma semaphore(%arg13 : memref<!tpu.dma_semaphore, #tpu.memory_space<semaphore_mem>>) src(%dma_wait3A_480 : memref<10000x16xf32, #tpu.memory_space<hbm>>) dst(%dma_wait3A_474 : memref<125x16xf32, #tpu.memory_space<vmem>>)
      %dma_wait3A_481 = arith.constant 625 : i32
      %dma_wait3A_482 = arith.constant 0 : i32
      %dma_wait3A_483 = tpu.memref_slice %arg10[%dma_wait3A_481, %dma_wait3A_482] : memref<1000x16xf32, #tpu.memory_space<vmem>> -> memref<125x16xf32, #tpu.memory_space<vmem>>
      %dma_wait3A_484 = arith.constant 0 : i32
      %dma_wait3A_485 = tpu.memref_slice %arg7[%add3A_224, %dma_wait3A_484] : memref<80x125xi32, #tpu.memory_space<vmem>> -> memref<1x125xi32, #tpu.memory_space<vmem>>
      %dma_wait3A_486 = tpu.memref_squeeze %dma_wait3A_485 : memref<1x125xi32, #tpu.memory_space<vmem>> -> memref<125xi32, #tpu.memory_space<vmem>>
      %dma_wait3A_487 = arith.constant 0 : i32
      %dma_wait3A_488 = arith.constant 0 : i32
      %dma_wait3A_489 = tpu.memref_slice %arg2[%dma_wait3A_487, %dma_wait3A_488] : memref<10000x16xf32, #tpu.memory_space<hbm>> -> memref<10000x16xf32, #tpu.memory_space<hbm>>
      tpu.wait_indirect_dma semaphore(%arg13 : memref<!tpu.dma_semaphore, #tpu.memory_space<semaphore_mem>>) src(%dma_wait3A_489 : memref<10000x16xf32, #tpu.memory_space<hbm>>) dst(%dma_wait3A_483 : memref<125x16xf32, #tpu.memory_space<vmem>>)
      %dma_wait3A_490 = arith.constant 750 : i32
      %dma_wait3A_491 = arith.constant 0 : i32
      %dma_wait3A_492 = tpu.memref_slice %arg10[%dma_wait3A_490, %dma_wait3A_491] : memref<1000x16xf32, #tpu.memory_space<vmem>> -> memref<125x16xf32, #tpu.memory_space<vmem>>
      %dma_wait3A_493 = arith.constant 0 : i32
      %dma_wait3A_494 = tpu.memref_slice %arg7[%add3A_237, %dma_wait3A_493] : memref<80x125xi32, #tpu.memory_space<vmem>> -> memref<1x125xi32, #tpu.memory_space<vmem>>
      %dma_wait3A_495 = tpu.memref_squeeze %dma_wait3A_494 : memref<1x125xi32, #tpu.memory_space<vmem>> -> memref<125xi32, #tpu.memory_space<vmem>>
      %dma_wait3A_496 = arith.constant 0 : i32
      %dma_wait3A_497 = arith.constant 0 : i32
      %dma_wait3A_498 = tpu.memref_slice %arg2[%dma_wait3A_496, %dma_wait3A_497] : memref<10000x16xf32, #tpu.memory_space<hbm>> -> memref<10000x16xf32, #tpu.memory_space<hbm>>
      tpu.wait_indirect_dma semaphore(%arg13 : memref<!tpu.dma_semaphore, #tpu.memory_space<semaphore_mem>>) src(%dma_wait3A_498 : memref<10000x16xf32, #tpu.memory_space<hbm>>) dst(%dma_wait3A_492 : memref<125x16xf32, #tpu.memory_space<vmem>>)
      %dma_wait3A_499 = arith.constant 875 : i32
      %dma_wait3A_500 = arith.constant 0 : i32
      %dma_wait3A_501 = tpu.memref_slice %arg10[%dma_wait3A_499, %dma_wait3A_500] : memref<1000x16xf32, #tpu.memory_space<vmem>> -> memref<125x16xf32, #tpu.memory_space<vmem>>
      %dma_wait3A_502 = arith.constant 0 : i32
      %dma_wait3A_503 = tpu.memref_slice %arg7[%add3A_250, %dma_wait3A_502] : memref<80x125xi32, #tpu.memory_space<vmem>> -> memref<1x125xi32, #tpu.memory_space<vmem>>
      %dma_wait3A_504 = tpu.memref_squeeze %dma_wait3A_503 : memref<1x125xi32, #tpu.memory_space<vmem>> -> memref<125xi32, #tpu.memory_space<vmem>>
      %dma_wait3A_505 = arith.constant 0 : i32
      %dma_wait3A_506 = arith.constant 0 : i32
      %dma_wait3A_507 = tpu.memref_slice %arg2[%dma_wait3A_505, %dma_wait3A_506] : memref<10000x16xf32, #tpu.memory_space<hbm>> -> memref<10000x16xf32, #tpu.memory_space<hbm>>
      tpu.wait_indirect_dma semaphore(%arg13 : memref<!tpu.dma_semaphore, #tpu.memory_space<semaphore_mem>>) src(%dma_wait3A_507 : memref<10000x16xf32, #tpu.memory_space<hbm>>) dst(%dma_wait3A_501 : memref<125x16xf32, #tpu.memory_space<vmem>>)
      %add3A_508 = arith.constant 1 : i32
      %add3A_509 = arith.addi %mul3A_49, %add3A_508 : i32
      %mul3A_510 = arith.constant 8 : i32
      %mul3A_511 = arith.muli %add3A_509, %mul3A_510 : i32
      %add3A_512 = arith.constant 0 : i32
      %add3A_513 = arith.addi %mul3A_511, %add3A_512 : i32
      %dma_start3A_514 = arith.constant 0 : i32
      %dma_start3A_515 = arith.constant 0 : i32
      %dma_start3A_516 = tpu.memref_slice %arg10[%dma_start3A_514, %dma_start3A_515] : memref<1000x16xf32, #tpu.memory_space<vmem>> -> memref<125x16xf32, #tpu.memory_space<vmem>>
      %dma_start3A_517 = arith.constant 0 : i32
      %dma_start3A_518 = tpu.memref_slice %arg8[%add3A_513, %dma_start3A_517] : memref<80x125xi32, #tpu.memory_space<vmem>> -> memref<1x125xi32, #tpu.memory_space<vmem>>
      %dma_start3A_519 = tpu.memref_squeeze %dma_start3A_518 : memref<1x125xi32, #tpu.memory_space<vmem>> -> memref<125xi32, #tpu.memory_space<vmem>>
      %dma_start3A_520 = arith.constant 0 : i32
      %dma_start3A_521 = arith.constant 0 : i32
      %dma_start3A_522 = tpu.memref_slice %arg11[%dma_start3A_520, %dma_start3A_521] : memref<10240x16xf32, #tpu.memory_space<vmem_shared>> -> memref<10240x16xf32, #tpu.memory_space<vmem_shared>>
      tpu.enqueue_indirect_dma source(%dma_start3A_516 : memref<125x16xf32, #tpu.memory_space<vmem>>) target(%dma_start3A_522 : memref<10240x16xf32, #tpu.memory_space<vmem_shared>>) offsets(%dma_start3A_519 : memref<125xi32, #tpu.memory_space<vmem>>) semaphore(%arg14 : memref<!tpu.dma_semaphore, #tpu.memory_space<semaphore_mem>>) {add = true}
      %mul3A_523 = arith.constant 8 : i32
      %mul3A_524 = arith.muli %add3A_509, %mul3A_523 : i32
      %add3A_525 = arith.constant 1 : i32
      %add3A_526 = arith.addi %mul3A_524, %add3A_525 : i32
      %dma_start3A_527 = arith.constant 125 : i32
      %dma_start3A_528 = arith.constant 0 : i32
      %dma_start3A_529 = tpu.memref_slice %arg10[%dma_start3A_527, %dma_start3A_528] : memref<1000x16xf32, #tpu.memory_space<vmem>> -> memref<125x16xf32, #tpu.memory_space<vmem>>
      %dma_start3A_530 = arith.constant 0 : i32
      %dma_start3A_531 = tpu.memref_slice %arg8[%add3A_526, %dma_start3A_530] : memref<80x125xi32, #tpu.memory_space<vmem>> -> memref<1x125xi32, #tpu.memory_space<vmem>>
      %dma_start3A_532 = tpu.memref_squeeze %dma_start3A_531 : memref<1x125xi32, #tpu.memory_space<vmem>> -> memref<125xi32, #tpu.memory_space<vmem>>
      %dma_start3A_533 = arith.constant 0 : i32
      %dma_start3A_534 = arith.constant 0 : i32
      %dma_start3A_535 = tpu.memref_slice %arg11[%dma_start3A_533, %dma_start3A_534] : memref<10240x16xf32, #tpu.memory_space<vmem_shared>> -> memref<10240x16xf32, #tpu.memory_space<vmem_shared>>
      tpu.enqueue_indirect_dma source(%dma_start3A_529 : memref<125x16xf32, #tpu.memory_space<vmem>>) target(%dma_start3A_535 : memref<10240x16xf32, #tpu.memory_space<vmem_shared>>) offsets(%dma_start3A_532 : memref<125xi32, #tpu.memory_space<vmem>>) semaphore(%arg14 : memref<!tpu.dma_semaphore, #tpu.memory_space<semaphore_mem>>) {add = true}
      %mul3A_536 = arith.constant 8 : i32
      %mul3A_537 = arith.muli %add3A_509, %mul3A_536 : i32
      %add3A_538 = arith.constant 2 : i32
      %add3A_539 = arith.addi %mul3A_537, %add3A_538 : i32
      %dma_start3A_540 = arith.constant 250 : i32
      %dma_start3A_541 = arith.constant 0 : i32
      %dma_start3A_542 = tpu.memref_slice %arg10[%dma_start3A_540, %dma_start3A_541] : memref<1000x16xf32, #tpu.memory_space<vmem>> -> memref<125x16xf32, #tpu.memory_space<vmem>>
      %dma_start3A_543 = arith.constant 0 : i32
      %dma_start3A_544 = tpu.memref_slice %arg8[%add3A_539, %dma_start3A_543] : memref<80x125xi32, #tpu.memory_space<vmem>> -> memref<1x125xi32, #tpu.memory_space<vmem>>
      %dma_start3A_545 = tpu.memref_squeeze %dma_start3A_544 : memref<1x125xi32, #tpu.memory_space<vmem>> -> memref<125xi32, #tpu.memory_space<vmem>>
      %dma_start3A_546 = arith.constant 0 : i32
      %dma_start3A_547 = arith.constant 0 : i32
      %dma_start3A_548 = tpu.memref_slice %arg11[%dma_start3A_546, %dma_start3A_547] : memref<10240x16xf32, #tpu.memory_space<vmem_shared>> -> memref<10240x16xf32, #tpu.memory_space<vmem_shared>>
      tpu.enqueue_indirect_dma source(%dma_start3A_542 : memref<125x16xf32, #tpu.memory_space<vmem>>) target(%dma_start3A_548 : memref<10240x16xf32, #tpu.memory_space<vmem_shared>>) offsets(%dma_start3A_545 : memref<125xi32, #tpu.memory_space<vmem>>) semaphore(%arg14 : memref<!tpu.dma_semaphore, #tpu.memory_space<semaphore_mem>>) {add = true}
      %mul3A_549 = arith.constant 8 : i32
      %mul3A_550 = arith.muli %add3A_509, %mul3A_549 : i32
      %add3A_551 = arith.constant 3 : i32
      %add3A_552 = arith.addi %mul3A_550, %add3A_551 : i32
      %dma_start3A_553 = arith.constant 375 : i32
      %dma_start3A_554 = arith.constant 0 : i32
      %dma_start3A_555 = tpu.memref_slice %arg10[%dma_start3A_553, %dma_start3A_554] : memref<1000x16xf32, #tpu.memory_space<vmem>> -> memref<125x16xf32, #tpu.memory_space<vmem>>
      %dma_start3A_556 = arith.constant 0 : i32
      %dma_start3A_557 = tpu.memref_slice %arg8[%add3A_552, %dma_start3A_556] : memref<80x125xi32, #tpu.memory_space<vmem>> -> memref<1x125xi32, #tpu.memory_space<vmem>>
      %dma_start3A_558 = tpu.memref_squeeze %dma_start3A_557 : memref<1x125xi32, #tpu.memory_space<vmem>> -> memref<125xi32, #tpu.memory_space<vmem>>
      %dma_start3A_559 = arith.constant 0 : i32
      %dma_start3A_560 = arith.constant 0 : i32
      %dma_start3A_561 = tpu.memref_slice %arg11[%dma_start3A_559, %dma_start3A_560] : memref<10240x16xf32, #tpu.memory_space<vmem_shared>> -> memref<10240x16xf32, #tpu.memory_space<vmem_shared>>
      tpu.enqueue_indirect_dma source(%dma_start3A_555 : memref<125x16xf32, #tpu.memory_space<vmem>>) target(%dma_start3A_561 : memref<10240x16xf32, #tpu.memory_space<vmem_shared>>) offsets(%dma_start3A_558 : memref<125xi32, #tpu.memory_space<vmem>>) semaphore(%arg14 : memref<!tpu.dma_semaphore, #tpu.memory_space<semaphore_mem>>) {add = true}
      %mul3A_562 = arith.constant 8 : i32
      %mul3A_563 = arith.muli %add3A_509, %mul3A_562 : i32
      %add3A_564 = arith.constant 4 : i32
      %add3A_565 = arith.addi %mul3A_563, %add3A_564 : i32
      %dma_start3A_566 = arith.constant 500 : i32
      %dma_start3A_567 = arith.constant 0 : i32
      %dma_start3A_568 = tpu.memref_slice %arg10[%dma_start3A_566, %dma_start3A_567] : memref<1000x16xf32, #tpu.memory_space<vmem>> -> memref<125x16xf32, #tpu.memory_space<vmem>>
      %dma_start3A_569 = arith.constant 0 : i32
      %dma_start3A_570 = tpu.memref_slice %arg8[%add3A_565, %dma_start3A_569] : memref<80x125xi32, #tpu.memory_space<vmem>> -> memref<1x125xi32, #tpu.memory_space<vmem>>
      %dma_start3A_571 = tpu.memref_squeeze %dma_start3A_570 : memref<1x125xi32, #tpu.memory_space<vmem>> -> memref<125xi32, #tpu.memory_space<vmem>>
      %dma_start3A_572 = arith.constant 0 : i32
      %dma_start3A_573 = arith.constant 0 : i32
      %dma_start3A_574 = tpu.memref_slice %arg11[%dma_start3A_572, %dma_start3A_573] : memref<10240x16xf32, #tpu.memory_space<vmem_shared>> -> memref<10240x16xf32, #tpu.memory_space<vmem_shared>>
      tpu.enqueue_indirect_dma source(%dma_start3A_568 : memref<125x16xf32, #tpu.memory_space<vmem>>) target(%dma_start3A_574 : memref<10240x16xf32, #tpu.memory_space<vmem_shared>>) offsets(%dma_start3A_571 : memref<125xi32, #tpu.memory_space<vmem>>) semaphore(%arg14 : memref<!tpu.dma_semaphore, #tpu.memory_space<semaphore_mem>>) {add = true}
      %mul3A_575 = arith.constant 8 : i32
      %mul3A_576 = arith.muli %add3A_509, %mul3A_575 : i32
      %add3A_577 = arith.constant 5 : i32
      %add3A_578 = arith.addi %mul3A_576, %add3A_577 : i32
      %dma_start3A_579 = arith.constant 625 : i32
      %dma_start3A_580 = arith.constant 0 : i32
      %dma_start3A_581 = tpu.memref_slice %arg10[%dma_start3A_579, %dma_start3A_580] : memref<1000x16xf32, #tpu.memory_space<vmem>> -> memref<125x16xf32, #tpu.memory_space<vmem>>
      %dma_start3A_582 = arith.constant 0 : i32
      %dma_start3A_583 = tpu.memref_slice %arg8[%add3A_578, %dma_start3A_582] : memref<80x125xi32, #tpu.memory_space<vmem>> -> memref<1x125xi32, #tpu.memory_space<vmem>>
      %dma_start3A_584 = tpu.memref_squeeze %dma_start3A_583 : memref<1x125xi32, #tpu.memory_space<vmem>> -> memref<125xi32, #tpu.memory_space<vmem>>
      %dma_start3A_585 = arith.constant 0 : i32
      %dma_start3A_586 = arith.constant 0 : i32
      %dma_start3A_587 = tpu.memref_slice %arg11[%dma_start3A_585, %dma_start3A_586] : memref<10240x16xf32, #tpu.memory_space<vmem_shared>> -> memref<10240x16xf32, #tpu.memory_space<vmem_shared>>
      tpu.enqueue_indirect_dma source(%dma_start3A_581 : memref<125x16xf32, #tpu.memory_space<vmem>>) target(%dma_start3A_587 : memref<10240x16xf32, #tpu.memory_space<vmem_shared>>) offsets(%dma_start3A_584 : memref<125xi32, #tpu.memory_space<vmem>>) semaphore(%arg14 : memref<!tpu.dma_semaphore, #tpu.memory_space<semaphore_mem>>) {add = true}
      %mul3A_588 = arith.constant 8 : i32
      %mul3A_589 = arith.muli %add3A_509, %mul3A_588 : i32
      %add3A_590 = arith.constant 6 : i32
      %add3A_591 = arith.addi %mul3A_589, %add3A_590 : i32
      %dma_start3A_592 = arith.constant 750 : i32
      %dma_start3A_593 = arith.constant 0 : i32
      %dma_start3A_594 = tpu.memref_slice %arg10[%dma_start3A_592, %dma_start3A_593] : memref<1000x16xf32, #tpu.memory_space<vmem>> -> memref<125x16xf32, #tpu.memory_space<vmem>>
      %dma_start3A_595 = arith.constant 0 : i32
      %dma_start3A_596 = tpu.memref_slice %arg8[%add3A_591, %dma_start3A_595] : memref<80x125xi32, #tpu.memory_space<vmem>> -> memref<1x125xi32, #tpu.memory_space<vmem>>
      %dma_start3A_597 = tpu.memref_squeeze %dma_start3A_596 : memref<1x125xi32, #tpu.memory_space<vmem>> -> memref<125xi32, #tpu.memory_space<vmem>>
      %dma_start3A_598 = arith.constant 0 : i32
      %dma_start3A_599 = arith.constant 0 : i32
      %dma_start3A_600 = tpu.memref_slice %arg11[%dma_start3A_598, %dma_start3A_599] : memref<10240x16xf32, #tpu.memory_space<vmem_shared>> -> memref<10240x16xf32, #tpu.memory_space<vmem_shared>>
      tpu.enqueue_indirect_dma source(%dma_start3A_594 : memref<125x16xf32, #tpu.memory_space<vmem>>) target(%dma_start3A_600 : memref<10240x16xf32, #tpu.memory_space<vmem_shared>>) offsets(%dma_start3A_597 : memref<125xi32, #tpu.memory_space<vmem>>) semaphore(%arg14 : memref<!tpu.dma_semaphore, #tpu.memory_space<semaphore_mem>>) {add = true}
      %mul3A_601 = arith.constant 8 : i32
      %mul3A_602 = arith.muli %add3A_509, %mul3A_601 : i32
      %add3A_603 = arith.constant 7 : i32
      %add3A_604 = arith.addi %mul3A_602, %add3A_603 : i32
      %dma_start3A_605 = arith.constant 875 : i32
      %dma_start3A_606 = arith.constant 0 : i32
      %dma_start3A_607 = tpu.memref_slice %arg10[%dma_start3A_605, %dma_start3A_606] : memref<1000x16xf32, #tpu.memory_space<vmem>> -> memref<125x16xf32, #tpu.memory_space<vmem>>
      %dma_start3A_608 = arith.constant 0 : i32
      %dma_start3A_609 = tpu.memref_slice %arg8[%add3A_604, %dma_start3A_608] : memref<80x125xi32, #tpu.memory_space<vmem>> -> memref<1x125xi32, #tpu.memory_space<vmem>>
      %dma_start3A_610 = tpu.memref_squeeze %dma_start3A_609 : memref<1x125xi32, #tpu.memory_space<vmem>> -> memref<125xi32, #tpu.memory_space<vmem>>
      %dma_start3A_611 = arith.constant 0 : i32
      %dma_start3A_612 = arith.constant 0 : i32
      %dma_start3A_613 = tpu.memref_slice %arg11[%dma_start3A_611, %dma_start3A_612] : memref<10240x16xf32, #tpu.memory_space<vmem_shared>> -> memref<10240x16xf32, #tpu.memory_space<vmem_shared>>
      tpu.enqueue_indirect_dma source(%dma_start3A_607 : memref<125x16xf32, #tpu.memory_space<vmem>>) target(%dma_start3A_613 : memref<10240x16xf32, #tpu.memory_space<vmem_shared>>) offsets(%dma_start3A_610 : memref<125xi32, #tpu.memory_space<vmem>>) semaphore(%arg14 : memref<!tpu.dma_semaphore, #tpu.memory_space<semaphore_mem>>) {add = true}
      %dma_wait3A_614 = arith.constant 0 : i32
      %dma_wait3A_615 = arith.constant 0 : i32
      %dma_wait3A_616 = tpu.memref_slice %arg9[%dma_wait3A_614, %dma_wait3A_615] : memref<1000x16xf32, #tpu.memory_space<vmem>> -> memref<125x16xf32, #tpu.memory_space<vmem>>
      %dma_wait3A_617 = arith.constant 0 : i32
      %dma_wait3A_618 = tpu.memref_slice %arg8[%add3A_335, %dma_wait3A_617] : memref<80x125xi32, #tpu.memory_space<vmem>> -> memref<1x125xi32, #tpu.memory_space<vmem>>
      %dma_wait3A_619 = tpu.memref_squeeze %dma_wait3A_618 : memref<1x125xi32, #tpu.memory_space<vmem>> -> memref<125xi32, #tpu.memory_space<vmem>>
      %dma_wait3A_620 = arith.constant 0 : i32
      %dma_wait3A_621 = arith.constant 0 : i32
      %dma_wait3A_622 = tpu.memref_slice %arg11[%dma_wait3A_620, %dma_wait3A_621] : memref<10240x16xf32, #tpu.memory_space<vmem_shared>> -> memref<10240x16xf32, #tpu.memory_space<vmem_shared>>
      tpu.wait_indirect_dma semaphore(%arg14 : memref<!tpu.dma_semaphore, #tpu.memory_space<semaphore_mem>>) src(%dma_wait3A_616 : memref<125x16xf32, #tpu.memory_space<vmem>>) dst(%dma_wait3A_622 : memref<10240x16xf32, #tpu.memory_space<vmem_shared>>)
      %dma_wait3A_623 = arith.constant 125 : i32
      %dma_wait3A_624 = arith.constant 0 : i32
      %dma_wait3A_625 = tpu.memref_slice %arg9[%dma_wait3A_623, %dma_wait3A_624] : memref<1000x16xf32, #tpu.memory_space<vmem>> -> memref<125x16xf32, #tpu.memory_space<vmem>>
      %dma_wait3A_626 = arith.constant 0 : i32
      %dma_wait3A_627 = tpu.memref_slice %arg8[%add3A_348, %dma_wait3A_626] : memref<80x125xi32, #tpu.memory_space<vmem>> -> memref<1x125xi32, #tpu.memory_space<vmem>>
      %dma_wait3A_628 = tpu.memref_squeeze %dma_wait3A_627 : memref<1x125xi32, #tpu.memory_space<vmem>> -> memref<125xi32, #tpu.memory_space<vmem>>
      %dma_wait3A_629 = arith.constant 0 : i32
      %dma_wait3A_630 = arith.constant 0 : i32
      %dma_wait3A_631 = tpu.memref_slice %arg11[%dma_wait3A_629, %dma_wait3A_630] : memref<10240x16xf32, #tpu.memory_space<vmem_shared>> -> memref<10240x16xf32, #tpu.memory_space<vmem_shared>>
      tpu.wait_indirect_dma semaphore(%arg14 : memref<!tpu.dma_semaphore, #tpu.memory_space<semaphore_mem>>) src(%dma_wait3A_625 : memref<125x16xf32, #tpu.memory_space<vmem>>) dst(%dma_wait3A_631 : memref<10240x16xf32, #tpu.memory_space<vmem_shared>>)
      %dma_wait3A_632 = arith.constant 250 : i32
      %dma_wait3A_633 = arith.constant 0 : i32
      %dma_wait3A_634 = tpu.memref_slice %arg9[%dma_wait3A_632, %dma_wait3A_633] : memref<1000x16xf32, #tpu.memory_space<vmem>> -> memref<125x16xf32, #tpu.memory_space<vmem>>
      %dma_wait3A_635 = arith.constant 0 : i32
      %dma_wait3A_636 = tpu.memref_slice %arg8[%add3A_361, %dma_wait3A_635] : memref<80x125xi32, #tpu.memory_space<vmem>> -> memref<1x125xi32, #tpu.memory_space<vmem>>
      %dma_wait3A_637 = tpu.memref_squeeze %dma_wait3A_636 : memref<1x125xi32, #tpu.memory_space<vmem>> -> memref<125xi32, #tpu.memory_space<vmem>>
      %dma_wait3A_638 = arith.constant 0 : i32
      %dma_wait3A_639 = arith.constant 0 : i32
      %dma_wait3A_640 = tpu.memref_slice %arg11[%dma_wait3A_638, %dma_wait3A_639] : memref<10240x16xf32, #tpu.memory_space<vmem_shared>> -> memref<10240x16xf32, #tpu.memory_space<vmem_shared>>
      tpu.wait_indirect_dma semaphore(%arg14 : memref<!tpu.dma_semaphore, #tpu.memory_space<semaphore_mem>>) src(%dma_wait3A_634 : memref<125x16xf32, #tpu.memory_space<vmem>>) dst(%dma_wait3A_640 : memref<10240x16xf32, #tpu.memory_space<vmem_shared>>)
      %dma_wait3A_641 = arith.constant 375 : i32
      %dma_wait3A_642 = arith.constant 0 : i32
      %dma_wait3A_643 = tpu.memref_slice %arg9[%dma_wait3A_641, %dma_wait3A_642] : memref<1000x16xf32, #tpu.memory_space<vmem>> -> memref<125x16xf32, #tpu.memory_space<vmem>>
      %dma_wait3A_644 = arith.constant 0 : i32
      %dma_wait3A_645 = tpu.memref_slice %arg8[%add3A_374, %dma_wait3A_644] : memref<80x125xi32, #tpu.memory_space<vmem>> -> memref<1x125xi32, #tpu.memory_space<vmem>>
      %dma_wait3A_646 = tpu.memref_squeeze %dma_wait3A_645 : memref<1x125xi32, #tpu.memory_space<vmem>> -> memref<125xi32, #tpu.memory_space<vmem>>
      %dma_wait3A_647 = arith.constant 0 : i32
      %dma_wait3A_648 = arith.constant 0 : i32
      %dma_wait3A_649 = tpu.memref_slice %arg11[%dma_wait3A_647, %dma_wait3A_648] : memref<10240x16xf32, #tpu.memory_space<vmem_shared>> -> memref<10240x16xf32, #tpu.memory_space<vmem_shared>>
      tpu.wait_indirect_dma semaphore(%arg14 : memref<!tpu.dma_semaphore, #tpu.memory_space<semaphore_mem>>) src(%dma_wait3A_643 : memref<125x16xf32, #tpu.memory_space<vmem>>) dst(%dma_wait3A_649 : memref<10240x16xf32, #tpu.memory_space<vmem_shared>>)
      %dma_wait3A_650 = arith.constant 500 : i32
      %dma_wait3A_651 = arith.constant 0 : i32
      %dma_wait3A_652 = tpu.memref_slice %arg9[%dma_wait3A_650, %dma_wait3A_651] : memref<1000x16xf32, #tpu.memory_space<vmem>> -> memref<125x16xf32, #tpu.memory_space<vmem>>
      %dma_wait3A_653 = arith.constant 0 : i32
      %dma_wait3A_654 = tpu.memref_slice %arg8[%add3A_387, %dma_wait3A_653] : memref<80x125xi32, #tpu.memory_space<vmem>> -> memref<1x125xi32, #tpu.memory_space<vmem>>
      %dma_wait3A_655 = tpu.memref_squeeze %dma_wait3A_654 : memref<1x125xi32, #tpu.memory_space<vmem>> -> memref<125xi32, #tpu.memory_space<vmem>>
      %dma_wait3A_656 = arith.constant 0 : i32
      %dma_wait3A_657 = arith.constant 0 : i32
      %dma_wait3A_658 = tpu.memref_slice %arg11[%dma_wait3A_656, %dma_wait3A_657] : memref<10240x16xf32, #tpu.memory_space<vmem_shared>> -> memref<10240x16xf32, #tpu.memory_space<vmem_shared>>
      tpu.wait_indirect_dma semaphore(%arg14 : memref<!tpu.dma_semaphore, #tpu.memory_space<semaphore_mem>>) src(%dma_wait3A_652 : memref<125x16xf32, #tpu.memory_space<vmem>>) dst(%dma_wait3A_658 : memref<10240x16xf32, #tpu.memory_space<vmem_shared>>)
      %dma_wait3A_659 = arith.constant 625 : i32
      %dma_wait3A_660 = arith.constant 0 : i32
      %dma_wait3A_661 = tpu.memref_slice %arg9[%dma_wait3A_659, %dma_wait3A_660] : memref<1000x16xf32, #tpu.memory_space<vmem>> -> memref<125x16xf32, #tpu.memory_space<vmem>>
      %dma_wait3A_662 = arith.constant 0 : i32
      %dma_wait3A_663 = tpu.memref_slice %arg8[%add3A_400, %dma_wait3A_662] : memref<80x125xi32, #tpu.memory_space<vmem>> -> memref<1x125xi32, #tpu.memory_space<vmem>>
      %dma_wait3A_664 = tpu.memref_squeeze %dma_wait3A_663 : memref<1x125xi32, #tpu.memory_space<vmem>> -> memref<125xi32, #tpu.memory_space<vmem>>
      %dma_wait3A_665 = arith.constant 0 : i32
      %dma_wait3A_666 = arith.constant 0 : i32
      %dma_wait3A_667 = tpu.memref_slice %arg11[%dma_wait3A_665, %dma_wait3A_666] : memref<10240x16xf32, #tpu.memory_space<vmem_shared>> -> memref<10240x16xf32, #tpu.memory_space<vmem_shared>>
      tpu.wait_indirect_dma semaphore(%arg14 : memref<!tpu.dma_semaphore, #tpu.memory_space<semaphore_mem>>) src(%dma_wait3A_661 : memref<125x16xf32, #tpu.memory_space<vmem>>) dst(%dma_wait3A_667 : memref<10240x16xf32, #tpu.memory_space<vmem_shared>>)
      %dma_wait3A_668 = arith.constant 750 : i32
      %dma_wait3A_669 = arith.constant 0 : i32
      %dma_wait3A_670 = tpu.memref_slice %arg9[%dma_wait3A_668, %dma_wait3A_669] : memref<1000x16xf32, #tpu.memory_space<vmem>> -> memref<125x16xf32, #tpu.memory_space<vmem>>
      %dma_wait3A_671 = arith.constant 0 : i32
      %dma_wait3A_672 = tpu.memref_slice %arg8[%add3A_413, %dma_wait3A_671] : memref<80x125xi32, #tpu.memory_space<vmem>> -> memref<1x125xi32, #tpu.memory_space<vmem>>
      %dma_wait3A_673 = tpu.memref_squeeze %dma_wait3A_672 : memref<1x125xi32, #tpu.memory_space<vmem>> -> memref<125xi32, #tpu.memory_space<vmem>>
      %dma_wait3A_674 = arith.constant 0 : i32
      %dma_wait3A_675 = arith.constant 0 : i32
      %dma_wait3A_676 = tpu.memref_slice %arg11[%dma_wait3A_674, %dma_wait3A_675] : memref<10240x16xf32, #tpu.memory_space<vmem_shared>> -> memref<10240x16xf32, #tpu.memory_space<vmem_shared>>
      tpu.wait_indirect_dma semaphore(%arg14 : memref<!tpu.dma_semaphore, #tpu.memory_space<semaphore_mem>>) src(%dma_wait3A_670 : memref<125x16xf32, #tpu.memory_space<vmem>>) dst(%dma_wait3A_676 : memref<10240x16xf32, #tpu.memory_space<vmem_shared>>)
      %dma_wait3A_677 = arith.constant 875 : i32
      %dma_wait3A_678 = arith.constant 0 : i32
      %dma_wait3A_679 = tpu.memref_slice %arg9[%dma_wait3A_677, %dma_wait3A_678] : memref<1000x16xf32, #tpu.memory_space<vmem>> -> memref<125x16xf32, #tpu.memory_space<vmem>>
      %dma_wait3A_680 = arith.constant 0 : i32
      %dma_wait3A_681 = tpu.memref_slice %arg8[%add3A_426, %dma_wait3A_680] : memref<80x125xi32, #tpu.memory_space<vmem>> -> memref<1x125xi32, #tpu.memory_space<vmem>>
      %dma_wait3A_682 = tpu.memref_squeeze %dma_wait3A_681 : memref<1x125xi32, #tpu.memory_space<vmem>> -> memref<125xi32, #tpu.memory_space<vmem>>
      %dma_wait3A_683 = arith.constant 0 : i32
      %dma_wait3A_684 = arith.constant 0 : i32
      %dma_wait3A_685 = tpu.memref_slice %arg11[%dma_wait3A_683, %dma_wait3A_684] : memref<10240x16xf32, #tpu.memory_space<vmem_shared>> -> memref<10240x16xf32, #tpu.memory_space<vmem_shared>>
      tpu.wait_indirect_dma semaphore(%arg14 : memref<!tpu.dma_semaphore, #tpu.memory_space<semaphore_mem>>) src(%dma_wait3A_679 : memref<125x16xf32, #tpu.memory_space<vmem>>) dst(%dma_wait3A_685 : memref<10240x16xf32, #tpu.memory_space<vmem_shared>>)
      %dma_wait3A_686 = arith.constant 0 : i32
      %dma_wait3A_687 = arith.constant 0 : i32
      %dma_wait3A_688 = tpu.memref_slice %arg10[%dma_wait3A_686, %dma_wait3A_687] : memref<1000x16xf32, #tpu.memory_space<vmem>> -> memref<125x16xf32, #tpu.memory_space<vmem>>
      %dma_wait3A_689 = arith.constant 0 : i32
      %dma_wait3A_690 = tpu.memref_slice %arg8[%add3A_513, %dma_wait3A_689] : memref<80x125xi32, #tpu.memory_space<vmem>> -> memref<1x125xi32, #tpu.memory_space<vmem>>
      %dma_wait3A_691 = tpu.memref_squeeze %dma_wait3A_690 : memref<1x125xi32, #tpu.memory_space<vmem>> -> memref<125xi32, #tpu.memory_space<vmem>>
      %dma_wait3A_692 = arith.constant 0 : i32
      %dma_wait3A_693 = arith.constant 0 : i32
      %dma_wait3A_694 = tpu.memref_slice %arg11[%dma_wait3A_692, %dma_wait3A_693] : memref<10240x16xf32, #tpu.memory_space<vmem_shared>> -> memref<10240x16xf32, #tpu.memory_space<vmem_shared>>
      tpu.wait_indirect_dma semaphore(%arg14 : memref<!tpu.dma_semaphore, #tpu.memory_space<semaphore_mem>>) src(%dma_wait3A_688 : memref<125x16xf32, #tpu.memory_space<vmem>>) dst(%dma_wait3A_694 : memref<10240x16xf32, #tpu.memory_space<vmem_shared>>)
      %dma_wait3A_695 = arith.constant 125 : i32
      %dma_wait3A_696 = arith.constant 0 : i32
      %dma_wait3A_697 = tpu.memref_slice %arg10[%dma_wait3A_695, %dma_wait3A_696] : memref<1000x16xf32, #tpu.memory_space<vmem>> -> memref<125x16xf32, #tpu.memory_space<vmem>>
      %dma_wait3A_698 = arith.constant 0 : i32
      %dma_wait3A_699 = tpu.memref_slice %arg8[%add3A_526, %dma_wait3A_698] : memref<80x125xi32, #tpu.memory_space<vmem>> -> memref<1x125xi32, #tpu.memory_space<vmem>>
      %dma_wait3A_700 = tpu.memref_squeeze %dma_wait3A_699 : memref<1x125xi32, #tpu.memory_space<vmem>> -> memref<125xi32, #tpu.memory_space<vmem>>
      %dma_wait3A_701 = arith.constant 0 : i32
      %dma_wait3A_702 = arith.constant 0 : i32
      %dma_wait3A_703 = tpu.memref_slice %arg11[%dma_wait3A_701, %dma_wait3A_702] : memref<10240x16xf32, #tpu.memory_space<vmem_shared>> -> memref<10240x16xf32, #tpu.memory_space<vmem_shared>>
      tpu.wait_indirect_dma semaphore(%arg14 : memref<!tpu.dma_semaphore, #tpu.memory_space<semaphore_mem>>) src(%dma_wait3A_697 : memref<125x16xf32, #tpu.memory_space<vmem>>) dst(%dma_wait3A_703 : memref<10240x16xf32, #tpu.memory_space<vmem_shared>>)
      %dma_wait3A_704 = arith.constant 250 : i32
      %dma_wait3A_705 = arith.constant 0 : i32
      %dma_wait3A_706 = tpu.memref_slice %arg10[%dma_wait3A_704, %dma_wait3A_705] : memref<1000x16xf32, #tpu.memory_space<vmem>> -> memref<125x16xf32, #tpu.memory_space<vmem>>
      %dma_wait3A_707 = arith.constant 0 : i32
      %dma_wait3A_708 = tpu.memref_slice %arg8[%add3A_539, %dma_wait3A_707] : memref<80x125xi32, #tpu.memory_space<vmem>> -> memref<1x125xi32, #tpu.memory_space<vmem>>
      %dma_wait3A_709 = tpu.memref_squeeze %dma_wait3A_708 : memref<1x125xi32, #tpu.memory_space<vmem>> -> memref<125xi32, #tpu.memory_space<vmem>>
      %dma_wait3A_710 = arith.constant 0 : i32
      %dma_wait3A_711 = arith.constant 0 : i32
      %dma_wait3A_712 = tpu.memref_slice %arg11[%dma_wait3A_710, %dma_wait3A_711] : memref<10240x16xf32, #tpu.memory_space<vmem_shared>> -> memref<10240x16xf32, #tpu.memory_space<vmem_shared>>
      tpu.wait_indirect_dma semaphore(%arg14 : memref<!tpu.dma_semaphore, #tpu.memory_space<semaphore_mem>>) src(%dma_wait3A_706 : memref<125x16xf32, #tpu.memory_space<vmem>>) dst(%dma_wait3A_712 : memref<10240x16xf32, #tpu.memory_space<vmem_shared>>)
      %dma_wait3A_713 = arith.constant 375 : i32
      %dma_wait3A_714 = arith.constant 0 : i32
      %dma_wait3A_715 = tpu.memref_slice %arg10[%dma_wait3A_713, %dma_wait3A_714] : memref<1000x16xf32, #tpu.memory_space<vmem>> -> memref<125x16xf32, #tpu.memory_space<vmem>>
      %dma_wait3A_716 = arith.constant 0 : i32
      %dma_wait3A_717 = tpu.memref_slice %arg8[%add3A_552, %dma_wait3A_716] : memref<80x125xi32, #tpu.memory_space<vmem>> -> memref<1x125xi32, #tpu.memory_space<vmem>>
      %dma_wait3A_718 = tpu.memref_squeeze %dma_wait3A_717 : memref<1x125xi32, #tpu.memory_space<vmem>> -> memref<125xi32, #tpu.memory_space<vmem>>
      %dma_wait3A_719 = arith.constant 0 : i32
      %dma_wait3A_720 = arith.constant 0 : i32
      %dma_wait3A_721 = tpu.memref_slice %arg11[%dma_wait3A_719, %dma_wait3A_720] : memref<10240x16xf32, #tpu.memory_space<vmem_shared>> -> memref<10240x16xf32, #tpu.memory_space<vmem_shared>>
      tpu.wait_indirect_dma semaphore(%arg14 : memref<!tpu.dma_semaphore, #tpu.memory_space<semaphore_mem>>) src(%dma_wait3A_715 : memref<125x16xf32, #tpu.memory_space<vmem>>) dst(%dma_wait3A_721 : memref<10240x16xf32, #tpu.memory_space<vmem_shared>>)
      %dma_wait3A_722 = arith.constant 500 : i32
      %dma_wait3A_723 = arith.constant 0 : i32
      %dma_wait3A_724 = tpu.memref_slice %arg10[%dma_wait3A_722, %dma_wait3A_723] : memref<1000x16xf32, #tpu.memory_space<vmem>> -> memref<125x16xf32, #tpu.memory_space<vmem>>
      %dma_wait3A_725 = arith.constant 0 : i32
      %dma_wait3A_726 = tpu.memref_slice %arg8[%add3A_565, %dma_wait3A_725] : memref<80x125xi32, #tpu.memory_space<vmem>> -> memref<1x125xi32, #tpu.memory_space<vmem>>
      %dma_wait3A_727 = tpu.memref_squeeze %dma_wait3A_726 : memref<1x125xi32, #tpu.memory_space<vmem>> -> memref<125xi32, #tpu.memory_space<vmem>>
      %dma_wait3A_728 = arith.constant 0 : i32
      %dma_wait3A_729 = arith.constant 0 : i32
      %dma_wait3A_730 = tpu.memref_slice %arg11[%dma_wait3A_728, %dma_wait3A_729] : memref<10240x16xf32, #tpu.memory_space<vmem_shared>> -> memref<10240x16xf32, #tpu.memory_space<vmem_shared>>
      tpu.wait_indirect_dma semaphore(%arg14 : memref<!tpu.dma_semaphore, #tpu.memory_space<semaphore_mem>>) src(%dma_wait3A_724 : memref<125x16xf32, #tpu.memory_space<vmem>>) dst(%dma_wait3A_730 : memref<10240x16xf32, #tpu.memory_space<vmem_shared>>)
      %dma_wait3A_731 = arith.constant 625 : i32
      %dma_wait3A_732 = arith.constant 0 : i32
      %dma_wait3A_733 = tpu.memref_slice %arg10[%dma_wait3A_731, %dma_wait3A_732] : memref<1000x16xf32, #tpu.memory_space<vmem>> -> memref<125x16xf32, #tpu.memory_space<vmem>>
      %dma_wait3A_734 = arith.constant 0 : i32
      %dma_wait3A_735 = tpu.memref_slice %arg8[%add3A_578, %dma_wait3A_734] : memref<80x125xi32, #tpu.memory_space<vmem>> -> memref<1x125xi32, #tpu.memory_space<vmem>>
      %dma_wait3A_736 = tpu.memref_squeeze %dma_wait3A_735 : memref<1x125xi32, #tpu.memory_space<vmem>> -> memref<125xi32, #tpu.memory_space<vmem>>
      %dma_wait3A_737 = arith.constant 0 : i32
      %dma_wait3A_738 = arith.constant 0 : i32
      %dma_wait3A_739 = tpu.memref_slice %arg11[%dma_wait3A_737, %dma_wait3A_738] : memref<10240x16xf32, #tpu.memory_space<vmem_shared>> -> memref<10240x16xf32, #tpu.memory_space<vmem_shared>>
      tpu.wait_indirect_dma semaphore(%arg14 : memref<!tpu.dma_semaphore, #tpu.memory_space<semaphore_mem>>) src(%dma_wait3A_733 : memref<125x16xf32, #tpu.memory_space<vmem>>) dst(%dma_wait3A_739 : memref<10240x16xf32, #tpu.memory_space<vmem_shared>>)
      %dma_wait3A_740 = arith.constant 750 : i32
      %dma_wait3A_741 = arith.constant 0 : i32
      %dma_wait3A_742 = tpu.memref_slice %arg10[%dma_wait3A_740, %dma_wait3A_741] : memref<1000x16xf32, #tpu.memory_space<vmem>> -> memref<125x16xf32, #tpu.memory_space<vmem>>
      %dma_wait3A_743 = arith.constant 0 : i32
      %dma_wait3A_744 = tpu.memref_slice %arg8[%add3A_591, %dma_wait3A_743] : memref<80x125xi32, #tpu.memory_space<vmem>> -> memref<1x125xi32, #tpu.memory_space<vmem>>
      %dma_wait3A_745 = tpu.memref_squeeze %dma_wait3A_744 : memref<1x125xi32, #tpu.memory_space<vmem>> -> memref<125xi32, #tpu.memory_space<vmem>>
      %dma_wait3A_746 = arith.constant 0 : i32
      %dma_wait3A_747 = arith.constant 0 : i32
      %dma_wait3A_748 = tpu.memref_slice %arg11[%dma_wait3A_746, %dma_wait3A_747] : memref<10240x16xf32, #tpu.memory_space<vmem_shared>> -> memref<10240x16xf32, #tpu.memory_space<vmem_shared>>
      tpu.wait_indirect_dma semaphore(%arg14 : memref<!tpu.dma_semaphore, #tpu.memory_space<semaphore_mem>>) src(%dma_wait3A_742 : memref<125x16xf32, #tpu.memory_space<vmem>>) dst(%dma_wait3A_748 : memref<10240x16xf32, #tpu.memory_space<vmem_shared>>)
      %dma_wait3A_749 = arith.constant 875 : i32
      %dma_wait3A_750 = arith.constant 0 : i32
      %dma_wait3A_751 = tpu.memref_slice %arg10[%dma_wait3A_749, %dma_wait3A_750] : memref<1000x16xf32, #tpu.memory_space<vmem>> -> memref<125x16xf32, #tpu.memory_space<vmem>>
      %dma_wait3A_752 = arith.constant 0 : i32
      %dma_wait3A_753 = tpu.memref_slice %arg8[%add3A_604, %dma_wait3A_752] : memref<80x125xi32, #tpu.memory_space<vmem>> -> memref<1x125xi32, #tpu.memory_space<vmem>>
      %dma_wait3A_754 = tpu.memref_squeeze %dma_wait3A_753 : memref<1x125xi32, #tpu.memory_space<vmem>> -> memref<125xi32, #tpu.memory_space<vmem>>
      %dma_wait3A_755 = arith.constant 0 : i32
      %dma_wait3A_756 = arith.constant 0 : i32
      %dma_wait3A_757 = tpu.memref_slice %arg11[%dma_wait3A_755, %dma_wait3A_756] : memref<10240x16xf32, #tpu.memory_space<vmem_shared>> -> memref<10240x16xf32, #tpu.memory_space<vmem_shared>>
      tpu.wait_indirect_dma semaphore(%arg14 : memref<!tpu.dma_semaphore, #tpu.memory_space<semaphore_mem>>) src(%dma_wait3A_751 : memref<125x16xf32, #tpu.memory_space<vmem>>) dst(%dma_wait3A_757 : memref<10240x16xf32, #tpu.memory_space<vmem_shared>>)
    }
    %scan3A_45 = arith.constant 5 : i32
    %barrier3A_46 = arith.constant 0 : index
    tpu.barrier barrier_id(%barrier3A_46)
    "tpu.region"() ({
      %run_scoped3A = tpu.sem_alloc : memref<!tpu.dma_semaphore, #tpu.memory_space<semaphore_mem>>
      %dma_start3A_47 = arith.constant 0 : i32
      %dma_start3A_48 = arith.constant 0 : i32
      %dma_start3A_49 = tpu.memref_slice %arg6[%arg0, %dma_start3A_47, %dma_start3A_48] : memref<2x10240x16xf32, #tpu.memory_space<hbm>> -> memref<1x10240x16xf32, #tpu.memory_space<hbm>>
      %dma_start3A_50 = tpu.memref_squeeze %dma_start3A_49 : memref<1x10240x16xf32, #tpu.memory_space<hbm>> -> memref<10240x16xf32, #tpu.memory_space<hbm>>
      %dma_start3A_51 = arith.constant 0 : i32
      %dma_start3A_52 = tpu.memref_slice %dma_start3A_50[%mul3A_2, %dma_start3A_51] : memref<10240x16xf32, #tpu.memory_space<hbm>> -> memref<640x16xf32, #tpu.memory_space<hbm>>
      %dma_start3A_53 = arith.constant 0 : i32
      %dma_start3A_54 = tpu.memref_slice %arg11[%mul3A_2, %dma_start3A_53] : memref<10240x16xf32, #tpu.memory_space<vmem_shared>> -> memref<640x16xf32, #tpu.memory_space<vmem_shared>>
      tpu.enqueue_dma source(%dma_start3A_54 : memref<640x16xf32, #tpu.memory_space<vmem_shared>>) target(%dma_start3A_52 : memref<640x16xf32, #tpu.memory_space<hbm>>) target_semaphore(%run_scoped3A : memref<!tpu.dma_semaphore, #tpu.memory_space<semaphore_mem>>)
      %dma_wait3A_55 = arith.constant 0 : i32
      %dma_wait3A_56 = arith.constant 0 : i32
      %dma_wait3A_57 = tpu.memref_slice %arg6[%arg0, %dma_wait3A_55, %dma_wait3A_56] : memref<2x10240x16xf32, #tpu.memory_space<hbm>> -> memref<1x10240x16xf32, #tpu.memory_space<hbm>>
      %dma_wait3A_58 = tpu.memref_squeeze %dma_wait3A_57 : memref<1x10240x16xf32, #tpu.memory_space<hbm>> -> memref<10240x16xf32, #tpu.memory_space<hbm>>
      %dma_wait3A_59 = arith.constant 0 : i32
      %dma_wait3A_60 = tpu.memref_slice %dma_wait3A_58[%mul3A_2, %dma_wait3A_59] : memref<10240x16xf32, #tpu.memory_space<hbm>> -> memref<640x16xf32, #tpu.memory_space<hbm>>
      %dma_wait3A_61 = arith.constant 0 : i32
      %dma_wait3A_62 = tpu.memref_slice %arg11[%mul3A_2, %dma_wait3A_61] : memref<10240x16xf32, #tpu.memory_space<vmem_shared>> -> memref<640x16xf32, #tpu.memory_space<vmem_shared>>
      tpu.wait_dma2 semaphore(%run_scoped3A : memref<!tpu.dma_semaphore, #tpu.memory_space<semaphore_mem>>) src(%dma_wait3A_62 : memref<640x16xf32, #tpu.memory_space<vmem_shared>>) dst(%dma_wait3A_60 : memref<640x16xf32, #tpu.memory_space<hbm>>)
      tpu.yield
    }) : () -> ()
    return
  }
}

#map = affine_map<(d0, d1) -> (0)>
#map1 = affine_map<(d0, d1) -> (0, 0)>
module attributes {stable_mosaic.version = 14 : i64} {
  func.func @_sc_scalar_seg_body(%arg0: i32, %arg1: i32, %arg2: memref<10000xf32, #tpu.memory_space<hbm>>, %arg3: memref<320000xi32, #tpu.memory_space<hbm>>, %arg4: memref<320000xi32, #tpu.memory_space<hbm>>, %arg5: memref<32x10000xf32, #tpu.memory_space<hbm>>, %arg6: memref<10000xf32, #tpu.memory_space<vmem>>, %arg7: memref<10000xi32, #tpu.memory_space<vmem>>, %arg8: memref<10000xi32, #tpu.memory_space<vmem>>, %arg9: memref<10000xf32, #tpu.memory_space<vmem>>, %arg10: memref<!tpu.dma_semaphore, #tpu.memory_space<semaphore_mem>>) attributes {dimension_semantics = [#tpu.dimension_semantics<core_parallel>, #tpu.dimension_semantics<subcore_parallel>], iteration_bounds = array<i64: 2, 16>, scalar_prefetch = 0 : i64, scratch_operands = 5 : i64, tpu.core_type = #tpu.core_type<sc_vector_subcore>, window_params = [{transform_indices = #map}, {transform_indices = #map}, {transform_indices = #map}, {transform_indices = #map1}]} {
    %mul3A = arith.constant 2 : i32
    %mul3A_0 = arith.muli %arg1, %mul3A : i32
    %add3A = arith.addi %mul3A_0, %arg0 : i32
    %mul3A_1 = arith.constant 10000 : i32
    %mul3A_2 = arith.muli %add3A, %mul3A_1 : i32
    tpu.enqueue_dma source(%arg2 : memref<10000xf32, #tpu.memory_space<hbm>>) target(%arg6 : memref<10000xf32, #tpu.memory_space<vmem>>) target_semaphore(%arg10 : memref<!tpu.dma_semaphore, #tpu.memory_space<semaphore_mem>>)
    %dma_start3A = tpu.memref_slice %arg3[%mul3A_2] : memref<320000xi32, #tpu.memory_space<hbm>> -> memref<10000xi32, #tpu.memory_space<hbm>>
    %dma_start3A_3 = tpu.memref_slice %arg3[%mul3A_2] : memref<320000xi32, #tpu.memory_space<hbm>> -> memref<10000xi32, #tpu.memory_space<hbm>>
    tpu.enqueue_dma source(%dma_start3A_3 : memref<10000xi32, #tpu.memory_space<hbm>>) target(%arg7 : memref<10000xi32, #tpu.memory_space<vmem>>) target_semaphore(%arg10 : memref<!tpu.dma_semaphore, #tpu.memory_space<semaphore_mem>>)
    %dma_start3A_4 = tpu.memref_slice %arg4[%mul3A_2] : memref<320000xi32, #tpu.memory_space<hbm>> -> memref<10000xi32, #tpu.memory_space<hbm>>
    %dma_start3A_5 = tpu.memref_slice %arg4[%mul3A_2] : memref<320000xi32, #tpu.memory_space<hbm>> -> memref<10000xi32, #tpu.memory_space<hbm>>
    tpu.enqueue_dma source(%dma_start3A_5 : memref<10000xi32, #tpu.memory_space<hbm>>) target(%arg8 : memref<10000xi32, #tpu.memory_space<vmem>>) target_semaphore(%arg10 : memref<!tpu.dma_semaphore, #tpu.memory_space<semaphore_mem>>)
    %broadcast_in_dim3A = arith.constant 0.000000e+00 : f32
    %broadcast_in_dim3A_6 = vector.broadcast %broadcast_in_dim3A : f32 to vector<16xf32>
    %scan3A = arith.constant 0 : i32
    %scan3A_7 = arith.constant 0 : i32
    %scan3A_8 = arith.constant 125 : i32
    %scan3A_9 = arith.addi %scan3A_7, %scan3A_8 : i32
    %scan3A_10 = arith.constant 1 : i32
    scf.for %scan3A_21 = %scan3A_7 to %scan3A_9 step %scan3A_10  : i32 {
      %mul3A_22 = arith.constant 5 : i32
      %mul3A_23 = arith.muli %scan3A_21, %mul3A_22 : i32
      %add3A_24 = arith.constant 0 : i32
      %add3A_25 = arith.addi %mul3A_23, %add3A_24 : i32
      %mul3A_26 = arith.constant 16 : i32
      %mul3A_27 = arith.muli %add3A_25, %mul3A_26 : i32
      %swap3A = arith.index_cast %mul3A_27 : i32 to index
      %swap3A_28 = tpu.vector_load %arg9[%swap3A] {strides = array<i32>} : memref<10000xf32, #tpu.memory_space<vmem>>, vector<16xf32>,
      tpu.vector_store %arg9[%swap3A], %broadcast_in_dim3A_6 {strides = array<i32>} : memref<10000xf32, #tpu.memory_space<vmem>>, vector<16xf32>,
      %mul3A_29 = arith.constant 5 : i32
      %mul3A_30 = arith.muli %scan3A_21, %mul3A_29 : i32
      %add3A_31 = arith.constant 1 : i32
      %add3A_32 = arith.addi %mul3A_30, %add3A_31 : i32
      %mul3A_33 = arith.constant 16 : i32
      %mul3A_34 = arith.muli %add3A_32, %mul3A_33 : i32
      %swap3A_35 = arith.index_cast %mul3A_34 : i32 to index
      %swap3A_36 = tpu.vector_load %arg9[%swap3A_35] {strides = array<i32>} : memref<10000xf32, #tpu.memory_space<vmem>>, vector<16xf32>,
      tpu.vector_store %arg9[%swap3A_35], %broadcast_in_dim3A_6 {strides = array<i32>} : memref<10000xf32, #tpu.memory_space<vmem>>, vector<16xf32>,
      %mul3A_37 = arith.constant 5 : i32
      %mul3A_38 = arith.muli %scan3A_21, %mul3A_37 : i32
      %add3A_39 = arith.constant 2 : i32
      %add3A_40 = arith.addi %mul3A_38, %add3A_39 : i32
      %mul3A_41 = arith.constant 16 : i32
      %mul3A_42 = arith.muli %add3A_40, %mul3A_41 : i32
      %swap3A_43 = arith.index_cast %mul3A_42 : i32 to index
      %swap3A_44 = tpu.vector_load %arg9[%swap3A_43] {strides = array<i32>} : memref<10000xf32, #tpu.memory_space<vmem>>, vector<16xf32>,
      tpu.vector_store %arg9[%swap3A_43], %broadcast_in_dim3A_6 {strides = array<i32>} : memref<10000xf32, #tpu.memory_space<vmem>>, vector<16xf32>,
      %mul3A_45 = arith.constant 5 : i32
      %mul3A_46 = arith.muli %scan3A_21, %mul3A_45 : i32
      %add3A_47 = arith.constant 3 : i32
      %add3A_48 = arith.addi %mul3A_46, %add3A_47 : i32
      %mul3A_49 = arith.constant 16 : i32
      %mul3A_50 = arith.muli %add3A_48, %mul3A_49 : i32
      %swap3A_51 = arith.index_cast %mul3A_50 : i32 to index
      %swap3A_52 = tpu.vector_load %arg9[%swap3A_51] {strides = array<i32>} : memref<10000xf32, #tpu.memory_space<vmem>>, vector<16xf32>,
      tpu.vector_store %arg9[%swap3A_51], %broadcast_in_dim3A_6 {strides = array<i32>} : memref<10000xf32, #tpu.memory_space<vmem>>, vector<16xf32>,
      %mul3A_53 = arith.constant 5 : i32
      %mul3A_54 = arith.muli %scan3A_21, %mul3A_53 : i32
      %add3A_55 = arith.constant 4 : i32
      %add3A_56 = arith.addi %mul3A_54, %add3A_55 : i32
      %mul3A_57 = arith.constant 16 : i32
      %mul3A_58 = arith.muli %add3A_56, %mul3A_57 : i32
      %swap3A_59 = arith.index_cast %mul3A_58 : i32 to index
      %swap3A_60 = tpu.vector_load %arg9[%swap3A_59] {strides = array<i32>} : memref<10000xf32, #tpu.memory_space<vmem>>, vector<16xf32>,
      tpu.vector_store %arg9[%swap3A_59], %broadcast_in_dim3A_6 {strides = array<i32>} : memref<10000xf32, #tpu.memory_space<vmem>>, vector<16xf32>,
    }
    %scan3A_11 = arith.constant 125 : i32
    tpu.wait_dma2 semaphore(%arg10 : memref<!tpu.dma_semaphore, #tpu.memory_space<semaphore_mem>>) src(%arg2 : memref<10000xf32, #tpu.memory_space<hbm>>) dst(%arg6 : memref<10000xf32, #tpu.memory_space<vmem>>)
    %dma_wait3A = tpu.memref_slice %arg3[%mul3A_2] : memref<320000xi32, #tpu.memory_space<hbm>> -> memref<10000xi32, #tpu.memory_space<hbm>>
    %dma_wait3A_12 = tpu.memref_slice %arg3[%mul3A_2] : memref<320000xi32, #tpu.memory_space<hbm>> -> memref<10000xi32, #tpu.memory_space<hbm>>
    tpu.wait_dma2 semaphore(%arg10 : memref<!tpu.dma_semaphore, #tpu.memory_space<semaphore_mem>>) src(%dma_wait3A_12 : memref<10000xi32, #tpu.memory_space<hbm>>) dst(%arg7 : memref<10000xi32, #tpu.memory_space<vmem>>)
    %dma_wait3A_13 = tpu.memref_slice %arg4[%mul3A_2] : memref<320000xi32, #tpu.memory_space<hbm>> -> memref<10000xi32, #tpu.memory_space<hbm>>
    %dma_wait3A_14 = tpu.memref_slice %arg4[%mul3A_2] : memref<320000xi32, #tpu.memory_space<hbm>> -> memref<10000xi32, #tpu.memory_space<hbm>>
    tpu.wait_dma2 semaphore(%arg10 : memref<!tpu.dma_semaphore, #tpu.memory_space<semaphore_mem>>) src(%dma_wait3A_14 : memref<10000xi32, #tpu.memory_space<hbm>>) dst(%arg8 : memref<10000xi32, #tpu.memory_space<vmem>>)
    %scan3A_15 = arith.constant 0 : i32
    %scan3A_16 = arith.constant 0 : i32
    %scan3A_17 = arith.constant 125 : i32
    %scan3A_18 = arith.addi %scan3A_16, %scan3A_17 : i32
    %scan3A_19 = arith.constant 1 : i32
    scf.for %scan3A_21 = %scan3A_16 to %scan3A_18 step %scan3A_19  : i32 {
      %mul3A_22 = arith.constant 5 : i32
      %mul3A_23 = arith.muli %scan3A_21, %mul3A_22 : i32
      %add3A_24 = arith.constant 0 : i32
      %add3A_25 = arith.addi %mul3A_23, %add3A_24 : i32
      %mul3A_26 = arith.constant 16 : i32
      %mul3A_27 = arith.muli %add3A_25, %mul3A_26 : i32
      %get3A = arith.index_cast %mul3A_27 : i32 to index
      %get3A_28 = tpu.vector_load %arg7[%get3A] {strides = array<i32>} : memref<10000xi32, #tpu.memory_space<vmem>>, vector<16xi32>,
      %mul3A_29 = arith.constant 16 : i32
      %mul3A_30 = arith.muli %add3A_25, %mul3A_29 : i32
      %get3A_31 = arith.index_cast %mul3A_30 : i32 to index
      %get3A_32 = tpu.vector_load %arg8[%get3A_31] {strides = array<i32>} : memref<10000xi32, #tpu.memory_space<vmem>>, vector<16xi32>,
      %gather3A = tpu.vector_load_idx %arg6[%get3A_28] : memref<10000xf32, #tpu.memory_space<vmem>>[vector<16xi32>], vector<16xf32>,
      tpu.vector_store_idx %arg9[%get3A_32], %gather3A {add = true} : memref<10000xf32, #tpu.memory_space<vmem>>[vector<16xi32>], vector<16xf32>,
      %mul3A_33 = arith.constant 5 : i32
      %mul3A_34 = arith.muli %scan3A_21, %mul3A_33 : i32
      %add3A_35 = arith.constant 1 : i32
      %add3A_36 = arith.addi %mul3A_34, %add3A_35 : i32
      %mul3A_37 = arith.constant 16 : i32
      %mul3A_38 = arith.muli %add3A_36, %mul3A_37 : i32
      %get3A_39 = arith.index_cast %mul3A_38 : i32 to index
      %get3A_40 = tpu.vector_load %arg7[%get3A_39] {strides = array<i32>} : memref<10000xi32, #tpu.memory_space<vmem>>, vector<16xi32>,
      %mul3A_41 = arith.constant 16 : i32
      %mul3A_42 = arith.muli %add3A_36, %mul3A_41 : i32
      %get3A_43 = arith.index_cast %mul3A_42 : i32 to index
      %get3A_44 = tpu.vector_load %arg8[%get3A_43] {strides = array<i32>} : memref<10000xi32, #tpu.memory_space<vmem>>, vector<16xi32>,
      %gather3A_45 = tpu.vector_load_idx %arg6[%get3A_40] : memref<10000xf32, #tpu.memory_space<vmem>>[vector<16xi32>], vector<16xf32>,
      tpu.vector_store_idx %arg9[%get3A_44], %gather3A_45 {add = true} : memref<10000xf32, #tpu.memory_space<vmem>>[vector<16xi32>], vector<16xf32>,
      %mul3A_46 = arith.constant 5 : i32
      %mul3A_47 = arith.muli %scan3A_21, %mul3A_46 : i32
      %add3A_48 = arith.constant 2 : i32
      %add3A_49 = arith.addi %mul3A_47, %add3A_48 : i32
      %mul3A_50 = arith.constant 16 : i32
      %mul3A_51 = arith.muli %add3A_49, %mul3A_50 : i32
      %get3A_52 = arith.index_cast %mul3A_51 : i32 to index
      %get3A_53 = tpu.vector_load %arg7[%get3A_52] {strides = array<i32>} : memref<10000xi32, #tpu.memory_space<vmem>>, vector<16xi32>,
      %mul3A_54 = arith.constant 16 : i32
      %mul3A_55 = arith.muli %add3A_49, %mul3A_54 : i32
      %get3A_56 = arith.index_cast %mul3A_55 : i32 to index
      %get3A_57 = tpu.vector_load %arg8[%get3A_56] {strides = array<i32>} : memref<10000xi32, #tpu.memory_space<vmem>>, vector<16xi32>,
      %gather3A_58 = tpu.vector_load_idx %arg6[%get3A_53] : memref<10000xf32, #tpu.memory_space<vmem>>[vector<16xi32>], vector<16xf32>,
      tpu.vector_store_idx %arg9[%get3A_57], %gather3A_58 {add = true} : memref<10000xf32, #tpu.memory_space<vmem>>[vector<16xi32>], vector<16xf32>,
      %mul3A_59 = arith.constant 5 : i32
      %mul3A_60 = arith.muli %scan3A_21, %mul3A_59 : i32
      %add3A_61 = arith.constant 3 : i32
      %add3A_62 = arith.addi %mul3A_60, %add3A_61 : i32
      %mul3A_63 = arith.constant 16 : i32
      %mul3A_64 = arith.muli %add3A_62, %mul3A_63 : i32
      %get3A_65 = arith.index_cast %mul3A_64 : i32 to index
      %get3A_66 = tpu.vector_load %arg7[%get3A_65] {strides = array<i32>} : memref<10000xi32, #tpu.memory_space<vmem>>, vector<16xi32>,
      %mul3A_67 = arith.constant 16 : i32
      %mul3A_68 = arith.muli %add3A_62, %mul3A_67 : i32
      %get3A_69 = arith.index_cast %mul3A_68 : i32 to index
      %get3A_70 = tpu.vector_load %arg8[%get3A_69] {strides = array<i32>} : memref<10000xi32, #tpu.memory_space<vmem>>, vector<16xi32>,
      %gather3A_71 = tpu.vector_load_idx %arg6[%get3A_66] : memref<10000xf32, #tpu.memory_space<vmem>>[vector<16xi32>], vector<16xf32>,
      tpu.vector_store_idx %arg9[%get3A_70], %gather3A_71 {add = true} : memref<10000xf32, #tpu.memory_space<vmem>>[vector<16xi32>], vector<16xf32>,
      %mul3A_72 = arith.constant 5 : i32
      %mul3A_73 = arith.muli %scan3A_21, %mul3A_72 : i32
      %add3A_74 = arith.constant 4 : i32
      %add3A_75 = arith.addi %mul3A_73, %add3A_74 : i32
      %mul3A_76 = arith.constant 16 : i32
      %mul3A_77 = arith.muli %add3A_75, %mul3A_76 : i32
      %get3A_78 = arith.index_cast %mul3A_77 : i32 to index
      %get3A_79 = tpu.vector_load %arg7[%get3A_78] {strides = array<i32>} : memref<10000xi32, #tpu.memory_space<vmem>>, vector<16xi32>,
      %mul3A_80 = arith.constant 16 : i32
      %mul3A_81 = arith.muli %add3A_75, %mul3A_80 : i32
      %get3A_82 = arith.index_cast %mul3A_81 : i32 to index
      %get3A_83 = tpu.vector_load %arg8[%get3A_82] {strides = array<i32>} : memref<10000xi32, #tpu.memory_space<vmem>>, vector<16xi32>,
      %gather3A_84 = tpu.vector_load_idx %arg6[%get3A_79] : memref<10000xf32, #tpu.memory_space<vmem>>[vector<16xi32>], vector<16xf32>,
      tpu.vector_store_idx %arg9[%get3A_83], %gather3A_84 {add = true} : memref<10000xf32, #tpu.memory_space<vmem>>[vector<16xi32>], vector<16xf32>,
    }
    %scan3A_20 = arith.constant 125 : i32
    "tpu.region"() ({
      %run_scoped3A = tpu.sem_alloc : memref<!tpu.dma_semaphore, #tpu.memory_space<semaphore_mem>>
      %dma_start3A_21 = arith.constant 0 : i32
      %dma_start3A_22 = tpu.memref_slice %arg5[%add3A, %dma_start3A_21] : memref<32x10000xf32, #tpu.memory_space<hbm>> -> memref<1x10000xf32, #tpu.memory_space<hbm>>
      %dma_start3A_23 = tpu.memref_squeeze %dma_start3A_22 : memref<1x10000xf32, #tpu.memory_space<hbm>> -> memref<10000xf32, #tpu.memory_space<hbm>>
      %dma_start3A_24 = arith.constant 0 : i32
      %dma_start3A_25 = tpu.memref_slice %arg5[%add3A, %dma_start3A_24] : memref<32x10000xf32, #tpu.memory_space<hbm>> -> memref<1x10000xf32, #tpu.memory_space<hbm>>
      %dma_start3A_26 = tpu.memref_squeeze %dma_start3A_25 : memref<1x10000xf32, #tpu.memory_space<hbm>> -> memref<10000xf32, #tpu.memory_space<hbm>>
      tpu.enqueue_dma source(%arg9 : memref<10000xf32, #tpu.memory_space<vmem>>) target(%dma_start3A_26 : memref<10000xf32, #tpu.memory_space<hbm>>) target_semaphore(%run_scoped3A : memref<!tpu.dma_semaphore, #tpu.memory_space<semaphore_mem>>)
      %dma_wait3A_27 = arith.constant 0 : i32
      %dma_wait3A_28 = tpu.memref_slice %arg5[%add3A, %dma_wait3A_27] : memref<32x10000xf32, #tpu.memory_space<hbm>> -> memref<1x10000xf32, #tpu.memory_space<hbm>>
      %dma_wait3A_29 = tpu.memref_squeeze %dma_wait3A_28 : memref<1x10000xf32, #tpu.memory_space<hbm>> -> memref<10000xf32, #tpu.memory_space<hbm>>
      %dma_wait3A_30 = arith.constant 0 : i32
      %dma_wait3A_31 = tpu.memref_slice %arg5[%add3A, %dma_wait3A_30] : memref<32x10000xf32, #tpu.memory_space<hbm>> -> memref<1x10000xf32, #tpu.memory_space<hbm>>
      %dma_wait3A_32 = tpu.memref_squeeze %dma_wait3A_31 : memref<1x10000xf32, #tpu.memory_space<hbm>> -> memref<10000xf32, #tpu.memory_space<hbm>>
      tpu.wait_dma2 semaphore(%run_scoped3A : memref<!tpu.dma_semaphore, #tpu.memory_space<semaphore_mem>>) src(%arg9 : memref<10000xf32, #tpu.memory_space<vmem>>) dst(%dma_wait3A_32 : memref<10000xf32, #tpu.memory_space<hbm>>)
      tpu.yield
    }) : () -> ()
    return
  }
}

#map = affine_map<(d0, d1) -> (0, 0)>
#map1 = affine_map<(d0, d1) -> (0, 0, 0)>
module attributes {stable_mosaic.version = 14 : i64} {
  func.func @_sc_vec_seg_body(%arg0: i32, %arg1: i32, %arg2: memref<10000x16xf32, #tpu.memory_space<hbm>>, %arg3: memref<32x80x125xi32, #tpu.memory_space<hbm>>, %arg4: memref<32x80x125xi32, #tpu.memory_space<hbm>>, %arg5: memref<10240x16xf32, #tpu.memory_space<hbm>>, %arg6: memref<2x10240x16xf32, #tpu.memory_space<hbm>>, %arg7: memref<80x125xi32, #tpu.memory_space<vmem>>, %arg8: memref<80x125xi32, #tpu.memory_space<vmem>>, %arg9: memref<1000x16xf32, #tpu.memory_space<vmem>>, %arg10: memref<1000x16xf32, #tpu.memory_space<vmem>>, %arg11: memref<10240x16xf32, #tpu.memory_space<vmem_shared>>, %arg12: memref<!tpu.dma_semaphore, #tpu.memory_space<semaphore_mem>>, %arg13: memref<!tpu.dma_semaphore, #tpu.memory_space<semaphore_mem>>, %arg14: memref<!tpu.dma_semaphore, #tpu.memory_space<semaphore_mem>>) attributes {dimension_semantics = [#tpu.dimension_semantics<core_parallel>, #tpu.dimension_semantics<subcore_parallel>], iteration_bounds = array<i64: 2, 16>, scalar_prefetch = 0 : i64, scratch_operands = 8 : i64, tpu.core_type = #tpu.core_type<sc_vector_subcore>, window_params = [{transform_indices = #map}, {transform_indices = #map1}, {transform_indices = #map1}, {transform_indices = #map}, {transform_indices = #map1}]} {
    %mul3A = arith.constant 2 : i32
    %mul3A_0 = arith.muli %arg1, %mul3A : i32
    %add3A = arith.addi %mul3A_0, %arg0 : i32
    %mul3A_1 = arith.constant 640 : i32
    %mul3A_2 = arith.muli %arg1, %mul3A_1 : i32
    %dma_start3A = arith.constant 0 : i32
    %dma_start3A_3 = arith.constant 0 : i32
    %dma_start3A_4 = tpu.memref_slice %arg3[%add3A, %dma_start3A, %dma_start3A_3] : memref<32x80x125xi32, #tpu.memory_space<hbm>> -> memref<1x80x125xi32, #tpu.memory_space<hbm>>
    %dma_start3A_5 = tpu.memref_squeeze %dma_start3A_4 : memref<1x80x125xi32, #tpu.memory_space<hbm>> -> memref<80x125xi32, #tpu.memory_space<hbm>>
    %dma_start3A_6 = arith.constant 0 : i32
    %dma_start3A_7 = arith.constant 0 : i32
    %dma_start3A_8 = tpu.memref_slice %arg3[%add3A, %dma_start3A_6, %dma_start3A_7] : memref<32x80x125xi32, #tpu.memory_space<hbm>> -> memref<1x80x125xi32, #tpu.memory_space<hbm>>
    %dma_start3A_9 = tpu.memref_squeeze %dma_start3A_8 : memref<1x80x125xi32, #tpu.memory_space<hbm>> -> memref<80x125xi32, #tpu.memory_space<hbm>>
    tpu.enqueue_dma source(%dma_start3A_9 : memref<80x125xi32, #tpu.memory_space<hbm>>) target(%arg7 : memref<80x125xi32, #tpu.memory_space<vmem>>) target_semaphore(%arg12 : memref<!tpu.dma_semaphore, #tpu.memory_space<semaphore_mem>>)
    %dma_start3A_10 = arith.constant 0 : i32
    %dma_start3A_11 = arith.constant 0 : i32
    %dma_start3A_12 = tpu.memref_slice %arg4[%add3A, %dma_start3A_10, %dma_start3A_11] : memref<32x80x125xi32, #tpu.memory_space<hbm>> -> memref<1x80x125xi32, #tpu.memory_space<hbm>>
    %dma_start3A_13 = tpu.memref_squeeze %dma_start3A_12 : memref<1x80x125xi32, #tpu.memory_space<hbm>> -> memref<80x125xi32, #tpu.memory_space<hbm>>
    %dma_start3A_14 = arith.constant 0 : i32
    %dma_start3A_15 = arith.constant 0 : i32
    %dma_start3A_16 = tpu.memref_slice %arg4[%add3A, %dma_start3A_14, %dma_start3A_15] : memref<32x80x125xi32, #tpu.memory_space<hbm>> -> memref<1x80x125xi32, #tpu.memory_space<hbm>>
    %dma_start3A_17 = tpu.memref_squeeze %dma_start3A_16 : memref<1x80x125xi32, #tpu.memory_space<hbm>> -> memref<80x125xi32, #tpu.memory_space<hbm>>
    tpu.enqueue_dma source(%dma_start3A_17 : memref<80x125xi32, #tpu.memory_space<hbm>>) target(%arg8 : memref<80x125xi32, #tpu.memory_space<vmem>>) target_semaphore(%arg13 : memref<!tpu.dma_semaphore, #tpu.memory_space<semaphore_mem>>)
    %dma_start3A_18 = arith.constant 0 : i32
    %dma_start3A_19 = tpu.memref_slice %arg11[%mul3A_2, %dma_start3A_18] : memref<10240x16xf32, #tpu.memory_space<vmem_shared>> -> memref<640x16xf32, #tpu.memory_space<vmem_shared>>
    %dma_start3A_20 = arith.constant 0 : i32
    %dma_start3A_21 = tpu.memref_slice %arg5[%mul3A_2, %dma_start3A_20] : memref<10240x16xf32, #tpu.memory_space<hbm>> -> memref<640x16xf32, #tpu.memory_space<hbm>>
    tpu.enqueue_dma source(%dma_start3A_21 : memref<640x16xf32, #tpu.memory_space<hbm>>) target(%dma_start3A_19 : memref<640x16xf32, #tpu.memory_space<vmem_shared>>) target_semaphore(%arg14 : memref<!tpu.dma_semaphore, #tpu.memory_space<semaphore_mem>>)
    %dma_wait3A = arith.constant 0 : i32
    %dma_wait3A_22 = arith.constant 0 : i32
    %dma_wait3A_23 = tpu.memref_slice %arg3[%add3A, %dma_wait3A, %dma_wait3A_22] : memref<32x80x125xi32, #tpu.memory_space<hbm>> -> memref<1x80x125xi32, #tpu.memory_space<hbm>>
    %dma_wait3A_24 = tpu.memref_squeeze %dma_wait3A_23 : memref<1x80x125xi32, #tpu.memory_space<hbm>> -> memref<80x125xi32, #tpu.memory_space<hbm>>
    %dma_wait3A_25 = arith.constant 0 : i32
    %dma_wait3A_26 = arith.constant 0 : i32
    %dma_wait3A_27 = tpu.memref_slice %arg3[%add3A, %dma_wait3A_25, %dma_wait3A_26] : memref<32x80x125xi32, #tpu.memory_space<hbm>> -> memref<1x80x125xi32, #tpu.memory_space<hbm>>
    %dma_wait3A_28 = tpu.memref_squeeze %dma_wait3A_27 : memref<1x80x125xi32, #tpu.memory_space<hbm>> -> memref<80x125xi32, #tpu.memory_space<hbm>>
    tpu.wait_dma2 semaphore(%arg12 : memref<!tpu.dma_semaphore, #tpu.memory_space<semaphore_mem>>) src(%dma_wait3A_28 : memref<80x125xi32, #tpu.memory_space<hbm>>) dst(%arg7 : memref<80x125xi32, #tpu.memory_space<vmem>>)
    %dma_wait3A_29 = arith.constant 0 : i32
    %dma_wait3A_30 = arith.constant 0 : i32
    %dma_wait3A_31 = tpu.memref_slice %arg4[%add3A, %dma_wait3A_29, %dma_wait3A_30] : memref<32x80x125xi32, #tpu.memory_space<hbm>> -> memref<1x80x125xi32, #tpu.memory_space<hbm>>
    %dma_wait3A_32 = tpu.memref_squeeze %dma_wait3A_31 : memref<1x80x125xi32, #tpu.memory_space<hbm>> -> memref<80x125xi32, #tpu.memory_space<hbm>>
    %dma_wait3A_33 = arith.constant 0 : i32
    %dma_wait3A_34 = arith.constant 0 : i32
    %dma_wait3A_35 = tpu.memref_slice %arg4[%add3A, %dma_wait3A_33, %dma_wait3A_34] : memref<32x80x125xi32, #tpu.memory_space<hbm>> -> memref<1x80x125xi32, #tpu.memory_space<hbm>>
    %dma_wait3A_36 = tpu.memref_squeeze %dma_wait3A_35 : memref<1x80x125xi32, #tpu.memory_space<hbm>> -> memref<80x125xi32, #tpu.memory_space<hbm>>
    tpu.wait_dma2 semaphore(%arg13 : memref<!tpu.dma_semaphore, #tpu.memory_space<semaphore_mem>>) src(%dma_wait3A_36 : memref<80x125xi32, #tpu.memory_space<hbm>>) dst(%arg8 : memref<80x125xi32, #tpu.memory_space<vmem>>)
    %dma_wait3A_37 = arith.constant 0 : i32
    %dma_wait3A_38 = tpu.memref_slice %arg11[%mul3A_2, %dma_wait3A_37] : memref<10240x16xf32, #tpu.memory_space<vmem_shared>> -> memref<640x16xf32, #tpu.memory_space<vmem_shared>>
    %dma_wait3A_39 = arith.constant 0 : i32
    %dma_wait3A_40 = tpu.memref_slice %arg5[%mul3A_2, %dma_wait3A_39] : memref<10240x16xf32, #tpu.memory_space<hbm>> -> memref<640x16xf32, #tpu.memory_space<hbm>>
    tpu.wait_dma2 semaphore(%arg14 : memref<!tpu.dma_semaphore, #tpu.memory_space<semaphore_mem>>) src(%dma_wait3A_40 : memref<640x16xf32, #tpu.memory_space<hbm>>) dst(%dma_wait3A_38 : memref<640x16xf32, #tpu.memory_space<vmem_shared>>)
    %barrier3A = arith.constant 0 : index
    tpu.barrier barrier_id(%barrier3A)
    %scan3A = arith.constant 0 : i32
    %scan3A_41 = arith.constant 0 : i32
    %scan3A_42 = arith.constant 5 : i32
    %scan3A_43 = arith.addi %scan3A_41, %scan3A_42 : i32
    %scan3A_44 = arith.constant 1 : i32
    scf.for %scan3A_47 = %scan3A_41 to %scan3A_43 step %scan3A_44  : i32 {
      %mul3A_48 = arith.constant 2 : i32
      %mul3A_49 = arith.muli %scan3A_47, %mul3A_48 : i32
      %mul3A_50 = arith.constant 8 : i32
      %mul3A_51 = arith.muli %mul3A_49, %mul3A_50 : i32
      %add3A_52 = arith.constant 0 : i32
      %add3A_53 = arith.addi %mul3A_51, %add3A_52 : i32
      %dma_start3A_54 = arith.constant 0 : i32
      %dma_start3A_55 = arith.constant 0 : i32
      %dma_start3A_56 = tpu.memref_slice %arg9[%dma_start3A_54, %dma_start3A_55] : memref<1000x16xf32, #tpu.memory_space<vmem>> -> memref<125x16xf32, #tpu.memory_space<vmem>>
      %dma_start3A_57 = arith.constant 0 : i32
      %dma_start3A_58 = tpu.memref_slice %arg7[%add3A_53, %dma_start3A_57] : memref<80x125xi32, #tpu.memory_space<vmem>> -> memref<1x125xi32, #tpu.memory_space<vmem>>
      %dma_start3A_59 = tpu.memref_squeeze %dma_start3A_58 : memref<1x125xi32, #tpu.memory_space<vmem>> -> memref<125xi32, #tpu.memory_space<vmem>>
      %dma_start3A_60 = arith.constant 0 : i32
      %dma_start3A_61 = arith.constant 0 : i32
      %dma_start3A_62 = tpu.memref_slice %arg2[%dma_start3A_60, %dma_start3A_61] : memref<10000x16xf32, #tpu.memory_space<hbm>> -> memref<10000x16xf32, #tpu.memory_space<hbm>>
      tpu.enqueue_indirect_dma source(%dma_start3A_62 : memref<10000x16xf32, #tpu.memory_space<hbm>>) target(%dma_start3A_56 : memref<125x16xf32, #tpu.memory_space<vmem>>) offsets(%dma_start3A_59 : memref<125xi32, #tpu.memory_space<vmem>>) semaphore(%arg12 : memref<!tpu.dma_semaphore, #tpu.memory_space<semaphore_mem>>)
      %mul3A_63 = arith.constant 8 : i32
      %mul3A_64 = arith.muli %mul3A_49, %mul3A_63 : i32
      %add3A_65 = arith.constant 1 : i32
      %add3A_66 = arith.addi %mul3A_64, %add3A_65 : i32
      %dma_start3A_67 = arith.constant 125 : i32
      %dma_start3A_68 = arith.constant 0 : i32
      %dma_start3A_69 = tpu.memref_slice %arg9[%dma_start3A_67, %dma_start3A_68] : memref<1000x16xf32, #tpu.memory_space<vmem>> -> memref<125x16xf32, #tpu.memory_space<vmem>>
      %dma_start3A_70 = arith.constant 0 : i32
      %dma_start3A_71 = tpu.memref_slice %arg7[%add3A_66, %dma_start3A_70] : memref<80x125xi32, #tpu.memory_space<vmem>> -> memref<1x125xi32, #tpu.memory_space<vmem>>
      %dma_start3A_72 = tpu.memref_squeeze %dma_start3A_71 : memref<1x125xi32, #tpu.memory_space<vmem>> -> memref<125xi32, #tpu.memory_space<vmem>>
      %dma_start3A_73 = arith.constant 0 : i32
      %dma_start3A_74 = arith.constant 0 : i32
      %dma_start3A_75 = tpu.memref_slice %arg2[%dma_start3A_73, %dma_start3A_74] : memref<10000x16xf32, #tpu.memory_space<hbm>> -> memref<10000x16xf32, #tpu.memory_space<hbm>>
      tpu.enqueue_indirect_dma source(%dma_start3A_75 : memref<10000x16xf32, #tpu.memory_space<hbm>>) target(%dma_start3A_69 : memref<125x16xf32, #tpu.memory_space<vmem>>) offsets(%dma_start3A_72 : memref<125xi32, #tpu.memory_space<vmem>>) semaphore(%arg12 : memref<!tpu.dma_semaphore, #tpu.memory_space<semaphore_mem>>)
      %mul3A_76 = arith.constant 8 : i32
      %mul3A_77 = arith.muli %mul3A_49, %mul3A_76 : i32
      %add3A_78 = arith.constant 2 : i32
      %add3A_79 = arith.addi %mul3A_77, %add3A_78 : i32
      %dma_start3A_80 = arith.constant 250 : i32
      %dma_start3A_81 = arith.constant 0 : i32
      %dma_start3A_82 = tpu.memref_slice %arg9[%dma_start3A_80, %dma_start3A_81] : memref<1000x16xf32, #tpu.memory_space<vmem>> -> memref<125x16xf32, #tpu.memory_space<vmem>>
      %dma_start3A_83 = arith.constant 0 : i32
      %dma_start3A_84 = tpu.memref_slice %arg7[%add3A_79, %dma_start3A_83] : memref<80x125xi32, #tpu.memory_space<vmem>> -> memref<1x125xi32, #tpu.memory_space<vmem>>
      %dma_start3A_85 = tpu.memref_squeeze %dma_start3A_84 : memref<1x125xi32, #tpu.memory_space<vmem>> -> memref<125xi32, #tpu.memory_space<vmem>>
      %dma_start3A_86 = arith.constant 0 : i32
      %dma_start3A_87 = arith.constant 0 : i32
      %dma_start3A_88 = tpu.memref_slice %arg2[%dma_start3A_86, %dma_start3A_87] : memref<10000x16xf32, #tpu.memory_space<hbm>> -> memref<10000x16xf32, #tpu.memory_space<hbm>>
      tpu.enqueue_indirect_dma source(%dma_start3A_88 : memref<10000x16xf32, #tpu.memory_space<hbm>>) target(%dma_start3A_82 : memref<125x16xf32, #tpu.memory_space<vmem>>) offsets(%dma_start3A_85 : memref<125xi32, #tpu.memory_space<vmem>>) semaphore(%arg12 : memref<!tpu.dma_semaphore, #tpu.memory_space<semaphore_mem>>)
      %mul3A_89 = arith.constant 8 : i32
      %mul3A_90 = arith.muli %mul3A_49, %mul3A_89 : i32
      %add3A_91 = arith.constant 3 : i32
      %add3A_92 = arith.addi %mul3A_90, %add3A_91 : i32
      %dma_start3A_93 = arith.constant 375 : i32
      %dma_start3A_94 = arith.constant 0 : i32
      %dma_start3A_95 = tpu.memref_slice %arg9[%dma_start3A_93, %dma_start3A_94] : memref<1000x16xf32, #tpu.memory_space<vmem>> -> memref<125x16xf32, #tpu.memory_space<vmem>>
      %dma_start3A_96 = arith.constant 0 : i32
      %dma_start3A_97 = tpu.memref_slice %arg7[%add3A_92, %dma_start3A_96] : memref<80x125xi32, #tpu.memory_space<vmem>> -> memref<1x125xi32, #tpu.memory_space<vmem>>
      %dma_start3A_98 = tpu.memref_squeeze %dma_start3A_97 : memref<1x125xi32, #tpu.memory_space<vmem>> -> memref<125xi32, #tpu.memory_space<vmem>>
      %dma_start3A_99 = arith.constant 0 : i32
      %dma_start3A_100 = arith.constant 0 : i32
      %dma_start3A_101 = tpu.memref_slice %arg2[%dma_start3A_99, %dma_start3A_100] : memref<10000x16xf32, #tpu.memory_space<hbm>> -> memref<10000x16xf32, #tpu.memory_space<hbm>>
      tpu.enqueue_indirect_dma source(%dma_start3A_101 : memref<10000x16xf32, #tpu.memory_space<hbm>>) target(%dma_start3A_95 : memref<125x16xf32, #tpu.memory_space<vmem>>) offsets(%dma_start3A_98 : memref<125xi32, #tpu.memory_space<vmem>>) semaphore(%arg12 : memref<!tpu.dma_semaphore, #tpu.memory_space<semaphore_mem>>)
      %mul3A_102 = arith.constant 8 : i32
      %mul3A_103 = arith.muli %mul3A_49, %mul3A_102 : i32
      %add3A_104 = arith.constant 4 : i32
      %add3A_105 = arith.addi %mul3A_103, %add3A_104 : i32
      %dma_start3A_106 = arith.constant 500 : i32
      %dma_start3A_107 = arith.constant 0 : i32
      %dma_start3A_108 = tpu.memref_slice %arg9[%dma_start3A_106, %dma_start3A_107] : memref<1000x16xf32, #tpu.memory_space<vmem>> -> memref<125x16xf32, #tpu.memory_space<vmem>>
      %dma_start3A_109 = arith.constant 0 : i32
      %dma_start3A_110 = tpu.memref_slice %arg7[%add3A_105, %dma_start3A_109] : memref<80x125xi32, #tpu.memory_space<vmem>> -> memref<1x125xi32, #tpu.memory_space<vmem>>
      %dma_start3A_111 = tpu.memref_squeeze %dma_start3A_110 : memref<1x125xi32, #tpu.memory_space<vmem>> -> memref<125xi32, #tpu.memory_space<vmem>>
      %dma_start3A_112 = arith.constant 0 : i32
      %dma_start3A_113 = arith.constant 0 : i32
      %dma_start3A_114 = tpu.memref_slice %arg2[%dma_start3A_112, %dma_start3A_113] : memref<10000x16xf32, #tpu.memory_space<hbm>> -> memref<10000x16xf32, #tpu.memory_space<hbm>>
      tpu.enqueue_indirect_dma source(%dma_start3A_114 : memref<10000x16xf32, #tpu.memory_space<hbm>>) target(%dma_start3A_108 : memref<125x16xf32, #tpu.memory_space<vmem>>) offsets(%dma_start3A_111 : memref<125xi32, #tpu.memory_space<vmem>>) semaphore(%arg12 : memref<!tpu.dma_semaphore, #tpu.memory_space<semaphore_mem>>)
      %mul3A_115 = arith.constant 8 : i32
      %mul3A_116 = arith.muli %mul3A_49, %mul3A_115 : i32
      %add3A_117 = arith.constant 5 : i32
      %add3A_118 = arith.addi %mul3A_116, %add3A_117 : i32
      %dma_start3A_119 = arith.constant 625 : i32
      %dma_start3A_120 = arith.constant 0 : i32
      %dma_start3A_121 = tpu.memref_slice %arg9[%dma_start3A_119, %dma_start3A_120] : memref<1000x16xf32, #tpu.memory_space<vmem>> -> memref<125x16xf32, #tpu.memory_space<vmem>>
      %dma_start3A_122 = arith.constant 0 : i32
      %dma_start3A_123 = tpu.memref_slice %arg7[%add3A_118, %dma_start3A_122] : memref<80x125xi32, #tpu.memory_space<vmem>> -> memref<1x125xi32, #tpu.memory_space<vmem>>
      %dma_start3A_124 = tpu.memref_squeeze %dma_start3A_123 : memref<1x125xi32, #tpu.memory_space<vmem>> -> memref<125xi32, #tpu.memory_space<vmem>>
      %dma_start3A_125 = arith.constant 0 : i32
      %dma_start3A_126 = arith.constant 0 : i32
      %dma_start3A_127 = tpu.memref_slice %arg2[%dma_start3A_125, %dma_start3A_126] : memref<10000x16xf32, #tpu.memory_space<hbm>> -> memref<10000x16xf32, #tpu.memory_space<hbm>>
      tpu.enqueue_indirect_dma source(%dma_start3A_127 : memref<10000x16xf32, #tpu.memory_space<hbm>>) target(%dma_start3A_121 : memref<125x16xf32, #tpu.memory_space<vmem>>) offsets(%dma_start3A_124 : memref<125xi32, #tpu.memory_space<vmem>>) semaphore(%arg12 : memref<!tpu.dma_semaphore, #tpu.memory_space<semaphore_mem>>)
      %mul3A_128 = arith.constant 8 : i32
      %mul3A_129 = arith.muli %mul3A_49, %mul3A_128 : i32
      %add3A_130 = arith.constant 6 : i32
      %add3A_131 = arith.addi %mul3A_129, %add3A_130 : i32
      %dma_start3A_132 = arith.constant 750 : i32
      %dma_start3A_133 = arith.constant 0 : i32
      %dma_start3A_134 = tpu.memref_slice %arg9[%dma_start3A_132, %dma_start3A_133] : memref<1000x16xf32, #tpu.memory_space<vmem>> -> memref<125x16xf32, #tpu.memory_space<vmem>>
      %dma_start3A_135 = arith.constant 0 : i32
      %dma_start3A_136 = tpu.memref_slice %arg7[%add3A_131, %dma_start3A_135] : memref<80x125xi32, #tpu.memory_space<vmem>> -> memref<1x125xi32, #tpu.memory_space<vmem>>
      %dma_start3A_137 = tpu.memref_squeeze %dma_start3A_136 : memref<1x125xi32, #tpu.memory_space<vmem>> -> memref<125xi32, #tpu.memory_space<vmem>>
      %dma_start3A_138 = arith.constant 0 : i32
      %dma_start3A_139 = arith.constant 0 : i32
      %dma_start3A_140 = tpu.memref_slice %arg2[%dma_start3A_138, %dma_start3A_139] : memref<10000x16xf32, #tpu.memory_space<hbm>> -> memref<10000x16xf32, #tpu.memory_space<hbm>>
      tpu.enqueue_indirect_dma source(%dma_start3A_140 : memref<10000x16xf32, #tpu.memory_space<hbm>>) target(%dma_start3A_134 : memref<125x16xf32, #tpu.memory_space<vmem>>) offsets(%dma_start3A_137 : memref<125xi32, #tpu.memory_space<vmem>>) semaphore(%arg12 : memref<!tpu.dma_semaphore, #tpu.memory_space<semaphore_mem>>)
      %mul3A_141 = arith.constant 8 : i32
      %mul3A_142 = arith.muli %mul3A_49, %mul3A_141 : i32
      %add3A_143 = arith.constant 7 : i32
      %add3A_144 = arith.addi %mul3A_142, %add3A_143 : i32
      %dma_start3A_145 = arith.constant 875 : i32
      %dma_start3A_146 = arith.constant 0 : i32
      %dma_start3A_147 = tpu.memref_slice %arg9[%dma_start3A_145, %dma_start3A_146] : memref<1000x16xf32, #tpu.memory_space<vmem>> -> memref<125x16xf32, #tpu.memory_space<vmem>>
      %dma_start3A_148 = arith.constant 0 : i32
      %dma_start3A_149 = tpu.memref_slice %arg7[%add3A_144, %dma_start3A_148] : memref<80x125xi32, #tpu.memory_space<vmem>> -> memref<1x125xi32, #tpu.memory_space<vmem>>
      %dma_start3A_150 = tpu.memref_squeeze %dma_start3A_149 : memref<1x125xi32, #tpu.memory_space<vmem>> -> memref<125xi32, #tpu.memory_space<vmem>>
      %dma_start3A_151 = arith.constant 0 : i32
      %dma_start3A_152 = arith.constant 0 : i32
      %dma_start3A_153 = tpu.memref_slice %arg2[%dma_start3A_151, %dma_start3A_152] : memref<10000x16xf32, #tpu.memory_space<hbm>> -> memref<10000x16xf32, #tpu.memory_space<hbm>>
      tpu.enqueue_indirect_dma source(%dma_start3A_153 : memref<10000x16xf32, #tpu.memory_space<hbm>>) target(%dma_start3A_147 : memref<125x16xf32, #tpu.memory_space<vmem>>) offsets(%dma_start3A_150 : memref<125xi32, #tpu.memory_space<vmem>>) semaphore(%arg12 : memref<!tpu.dma_semaphore, #tpu.memory_space<semaphore_mem>>)
      %add3A_154 = arith.constant 1 : i32
      %add3A_155 = arith.addi %mul3A_49, %add3A_154 : i32
      %mul3A_156 = arith.constant 8 : i32
      %mul3A_157 = arith.muli %add3A_155, %mul3A_156 : i32
      %add3A_158 = arith.constant 0 : i32
      %add3A_159 = arith.addi %mul3A_157, %add3A_158 : i32
      %dma_start3A_160 = arith.constant 0 : i32
      %dma_start3A_161 = arith.constant 0 : i32
      %dma_start3A_162 = tpu.memref_slice %arg10[%dma_start3A_160, %dma_start3A_161] : memref<1000x16xf32, #tpu.memory_space<vmem>> -> memref<125x16xf32, #tpu.memory_space<vmem>>
      %dma_start3A_163 = arith.constant 0 : i32
      %dma_start3A_164 = tpu.memref_slice %arg7[%add3A_159, %dma_start3A_163] : memref<80x125xi32, #tpu.memory_space<vmem>> -> memref<1x125xi32, #tpu.memory_space<vmem>>
      %dma_start3A_165 = tpu.memref_squeeze %dma_start3A_164 : memref<1x125xi32, #tpu.memory_space<vmem>> -> memref<125xi32, #tpu.memory_space<vmem>>
      %dma_start3A_166 = arith.constant 0 : i32
      %dma_start3A_167 = arith.constant 0 : i32
      %dma_start3A_168 = tpu.memref_slice %arg2[%dma_start3A_166, %dma_start3A_167] : memref<10000x16xf32, #tpu.memory_space<hbm>> -> memref<10000x16xf32, #tpu.memory_space<hbm>>
      tpu.enqueue_indirect_dma source(%dma_start3A_168 : memref<10000x16xf32, #tpu.memory_space<hbm>>) target(%dma_start3A_162 : memref<125x16xf32, #tpu.memory_space<vmem>>) offsets(%dma_start3A_165 : memref<125xi32, #tpu.memory_space<vmem>>) semaphore(%arg13 : memref<!tpu.dma_semaphore, #tpu.memory_space<semaphore_mem>>)
      %mul3A_169 = arith.constant 8 : i32
      %mul3A_170 = arith.muli %add3A_155, %mul3A_169 : i32
      %add3A_171 = arith.constant 1 : i32
      %add3A_172 = arith.addi %mul3A_170, %add3A_171 : i32
      %dma_start3A_173 = arith.constant 125 : i32
      %dma_start3A_174 = arith.constant 0 : i32
      %dma_start3A_175 = tpu.memref_slice %arg10[%dma_start3A_173, %dma_start3A_174] : memref<1000x16xf32, #tpu.memory_space<vmem>> -> memref<125x16xf32, #tpu.memory_space<vmem>>
      %dma_start3A_176 = arith.constant 0 : i32
      %dma_start3A_177 = tpu.memref_slice %arg7[%add3A_172, %dma_start3A_176] : memref<80x125xi32, #tpu.memory_space<vmem>> -> memref<1x125xi32, #tpu.memory_space<vmem>>
      %dma_start3A_178 = tpu.memref_squeeze %dma_start3A_177 : memref<1x125xi32, #tpu.memory_space<vmem>> -> memref<125xi32, #tpu.memory_space<vmem>>
      %dma_start3A_179 = arith.constant 0 : i32
      %dma_start3A_180 = arith.constant 0 : i32
      %dma_start3A_181 = tpu.memref_slice %arg2[%dma_start3A_179, %dma_start3A_180] : memref<10000x16xf32, #tpu.memory_space<hbm>> -> memref<10000x16xf32, #tpu.memory_space<hbm>>
      tpu.enqueue_indirect_dma source(%dma_start3A_181 : memref<10000x16xf32, #tpu.memory_space<hbm>>) target(%dma_start3A_175 : memref<125x16xf32, #tpu.memory_space<vmem>>) offsets(%dma_start3A_178 : memref<125xi32, #tpu.memory_space<vmem>>) semaphore(%arg13 : memref<!tpu.dma_semaphore, #tpu.memory_space<semaphore_mem>>)
      %mul3A_182 = arith.constant 8 : i32
      %mul3A_183 = arith.muli %add3A_155, %mul3A_182 : i32
      %add3A_184 = arith.constant 2 : i32
      %add3A_185 = arith.addi %mul3A_183, %add3A_184 : i32
      %dma_start3A_186 = arith.constant 250 : i32
      %dma_start3A_187 = arith.constant 0 : i32
      %dma_start3A_188 = tpu.memref_slice %arg10[%dma_start3A_186, %dma_start3A_187] : memref<1000x16xf32, #tpu.memory_space<vmem>> -> memref<125x16xf32, #tpu.memory_space<vmem>>
      %dma_start3A_189 = arith.constant 0 : i32
      %dma_start3A_190 = tpu.memref_slice %arg7[%add3A_185, %dma_start3A_189] : memref<80x125xi32, #tpu.memory_space<vmem>> -> memref<1x125xi32, #tpu.memory_space<vmem>>
      %dma_start3A_191 = tpu.memref_squeeze %dma_start3A_190 : memref<1x125xi32, #tpu.memory_space<vmem>> -> memref<125xi32, #tpu.memory_space<vmem>>
      %dma_start3A_192 = arith.constant 0 : i32
      %dma_start3A_193 = arith.constant 0 : i32
      %dma_start3A_194 = tpu.memref_slice %arg2[%dma_start3A_192, %dma_start3A_193] : memref<10000x16xf32, #tpu.memory_space<hbm>> -> memref<10000x16xf32, #tpu.memory_space<hbm>>
      tpu.enqueue_indirect_dma source(%dma_start3A_194 : memref<10000x16xf32, #tpu.memory_space<hbm>>) target(%dma_start3A_188 : memref<125x16xf32, #tpu.memory_space<vmem>>) offsets(%dma_start3A_191 : memref<125xi32, #tpu.memory_space<vmem>>) semaphore(%arg13 : memref<!tpu.dma_semaphore, #tpu.memory_space<semaphore_mem>>)
      %mul3A_195 = arith.constant 8 : i32
      %mul3A_196 = arith.muli %add3A_155, %mul3A_195 : i32
      %add3A_197 = arith.constant 3 : i32
      %add3A_198 = arith.addi %mul3A_196, %add3A_197 : i32
      %dma_start3A_199 = arith.constant 375 : i32
      %dma_start3A_200 = arith.constant 0 : i32
      %dma_start3A_201 = tpu.memref_slice %arg10[%dma_start3A_199, %dma_start3A_200] : memref<1000x16xf32, #tpu.memory_space<vmem>> -> memref<125x16xf32, #tpu.memory_space<vmem>>
      %dma_start3A_202 = arith.constant 0 : i32
      %dma_start3A_203 = tpu.memref_slice %arg7[%add3A_198, %dma_start3A_202] : memref<80x125xi32, #tpu.memory_space<vmem>> -> memref<1x125xi32, #tpu.memory_space<vmem>>
      %dma_start3A_204 = tpu.memref_squeeze %dma_start3A_203 : memref<1x125xi32, #tpu.memory_space<vmem>> -> memref<125xi32, #tpu.memory_space<vmem>>
      %dma_start3A_205 = arith.constant 0 : i32
      %dma_start3A_206 = arith.constant 0 : i32
      %dma_start3A_207 = tpu.memref_slice %arg2[%dma_start3A_205, %dma_start3A_206] : memref<10000x16xf32, #tpu.memory_space<hbm>> -> memref<10000x16xf32, #tpu.memory_space<hbm>>
      tpu.enqueue_indirect_dma source(%dma_start3A_207 : memref<10000x16xf32, #tpu.memory_space<hbm>>) target(%dma_start3A_201 : memref<125x16xf32, #tpu.memory_space<vmem>>) offsets(%dma_start3A_204 : memref<125xi32, #tpu.memory_space<vmem>>) semaphore(%arg13 : memref<!tpu.dma_semaphore, #tpu.memory_space<semaphore_mem>>)
      %mul3A_208 = arith.constant 8 : i32
      %mul3A_209 = arith.muli %add3A_155, %mul3A_208 : i32
      %add3A_210 = arith.constant 4 : i32
      %add3A_211 = arith.addi %mul3A_209, %add3A_210 : i32
      %dma_start3A_212 = arith.constant 500 : i32
      %dma_start3A_213 = arith.constant 0 : i32
      %dma_start3A_214 = tpu.memref_slice %arg10[%dma_start3A_212, %dma_start3A_213] : memref<1000x16xf32, #tpu.memory_space<vmem>> -> memref<125x16xf32, #tpu.memory_space<vmem>>
      %dma_start3A_215 = arith.constant 0 : i32
      %dma_start3A_216 = tpu.memref_slice %arg7[%add3A_211, %dma_start3A_215] : memref<80x125xi32, #tpu.memory_space<vmem>> -> memref<1x125xi32, #tpu.memory_space<vmem>>
      %dma_start3A_217 = tpu.memref_squeeze %dma_start3A_216 : memref<1x125xi32, #tpu.memory_space<vmem>> -> memref<125xi32, #tpu.memory_space<vmem>>
      %dma_start3A_218 = arith.constant 0 : i32
      %dma_start3A_219 = arith.constant 0 : i32
      %dma_start3A_220 = tpu.memref_slice %arg2[%dma_start3A_218, %dma_start3A_219] : memref<10000x16xf32, #tpu.memory_space<hbm>> -> memref<10000x16xf32, #tpu.memory_space<hbm>>
      tpu.enqueue_indirect_dma source(%dma_start3A_220 : memref<10000x16xf32, #tpu.memory_space<hbm>>) target(%dma_start3A_214 : memref<125x16xf32, #tpu.memory_space<vmem>>) offsets(%dma_start3A_217 : memref<125xi32, #tpu.memory_space<vmem>>) semaphore(%arg13 : memref<!tpu.dma_semaphore, #tpu.memory_space<semaphore_mem>>)
      %mul3A_221 = arith.constant 8 : i32
      %mul3A_222 = arith.muli %add3A_155, %mul3A_221 : i32
      %add3A_223 = arith.constant 5 : i32
      %add3A_224 = arith.addi %mul3A_222, %add3A_223 : i32
      %dma_start3A_225 = arith.constant 625 : i32
      %dma_start3A_226 = arith.constant 0 : i32
      %dma_start3A_227 = tpu.memref_slice %arg10[%dma_start3A_225, %dma_start3A_226] : memref<1000x16xf32, #tpu.memory_space<vmem>> -> memref<125x16xf32, #tpu.memory_space<vmem>>
      %dma_start3A_228 = arith.constant 0 : i32
      %dma_start3A_229 = tpu.memref_slice %arg7[%add3A_224, %dma_start3A_228] : memref<80x125xi32, #tpu.memory_space<vmem>> -> memref<1x125xi32, #tpu.memory_space<vmem>>
      %dma_start3A_230 = tpu.memref_squeeze %dma_start3A_229 : memref<1x125xi32, #tpu.memory_space<vmem>> -> memref<125xi32, #tpu.memory_space<vmem>>
      %dma_start3A_231 = arith.constant 0 : i32
      %dma_start3A_232 = arith.constant 0 : i32
      %dma_start3A_233 = tpu.memref_slice %arg2[%dma_start3A_231, %dma_start3A_232] : memref<10000x16xf32, #tpu.memory_space<hbm>> -> memref<10000x16xf32, #tpu.memory_space<hbm>>
      tpu.enqueue_indirect_dma source(%dma_start3A_233 : memref<10000x16xf32, #tpu.memory_space<hbm>>) target(%dma_start3A_227 : memref<125x16xf32, #tpu.memory_space<vmem>>) offsets(%dma_start3A_230 : memref<125xi32, #tpu.memory_space<vmem>>) semaphore(%arg13 : memref<!tpu.dma_semaphore, #tpu.memory_space<semaphore_mem>>)
      %mul3A_234 = arith.constant 8 : i32
      %mul3A_235 = arith.muli %add3A_155, %mul3A_234 : i32
      %add3A_236 = arith.constant 6 : i32
      %add3A_237 = arith.addi %mul3A_235, %add3A_236 : i32
      %dma_start3A_238 = arith.constant 750 : i32
      %dma_start3A_239 = arith.constant 0 : i32
      %dma_start3A_240 = tpu.memref_slice %arg10[%dma_start3A_238, %dma_start3A_239] : memref<1000x16xf32, #tpu.memory_space<vmem>> -> memref<125x16xf32, #tpu.memory_space<vmem>>
      %dma_start3A_241 = arith.constant 0 : i32
      %dma_start3A_242 = tpu.memref_slice %arg7[%add3A_237, %dma_start3A_241] : memref<80x125xi32, #tpu.memory_space<vmem>> -> memref<1x125xi32, #tpu.memory_space<vmem>>
      %dma_start3A_243 = tpu.memref_squeeze %dma_start3A_242 : memref<1x125xi32, #tpu.memory_space<vmem>> -> memref<125xi32, #tpu.memory_space<vmem>>
      %dma_start3A_244 = arith.constant 0 : i32
      %dma_start3A_245 = arith.constant 0 : i32
      %dma_start3A_246 = tpu.memref_slice %arg2[%dma_start3A_244, %dma_start3A_245] : memref<10000x16xf32, #tpu.memory_space<hbm>> -> memref<10000x16xf32, #tpu.memory_space<hbm>>
      tpu.enqueue_indirect_dma source(%dma_start3A_246 : memref<10000x16xf32, #tpu.memory_space<hbm>>) target(%dma_start3A_240 : memref<125x16xf32, #tpu.memory_space<vmem>>) offsets(%dma_start3A_243 : memref<125xi32, #tpu.memory_space<vmem>>) semaphore(%arg13 : memref<!tpu.dma_semaphore, #tpu.memory_space<semaphore_mem>>)
      %mul3A_247 = arith.constant 8 : i32
      %mul3A_248 = arith.muli %add3A_155, %mul3A_247 : i32
      %add3A_249 = arith.constant 7 : i32
      %add3A_250 = arith.addi %mul3A_248, %add3A_249 : i32
      %dma_start3A_251 = arith.constant 875 : i32
      %dma_start3A_252 = arith.constant 0 : i32
      %dma_start3A_253 = tpu.memref_slice %arg10[%dma_start3A_251, %dma_start3A_252] : memref<1000x16xf32, #tpu.memory_space<vmem>> -> memref<125x16xf32, #tpu.memory_space<vmem>>
      %dma_start3A_254 = arith.constant 0 : i32
      %dma_start3A_255 = tpu.memref_slice %arg7[%add3A_250, %dma_start3A_254] : memref<80x125xi32, #tpu.memory_space<vmem>> -> memref<1x125xi32, #tpu.memory_space<vmem>>
      %dma_start3A_256 = tpu.memref_squeeze %dma_start3A_255 : memref<1x125xi32, #tpu.memory_space<vmem>> -> memref<125xi32, #tpu.memory_space<vmem>>
      %dma_start3A_257 = arith.constant 0 : i32
      %dma_start3A_258 = arith.constant 0 : i32
      %dma_start3A_259 = tpu.memref_slice %arg2[%dma_start3A_257, %dma_start3A_258] : memref<10000x16xf32, #tpu.memory_space<hbm>> -> memref<10000x16xf32, #tpu.memory_space<hbm>>
      tpu.enqueue_indirect_dma source(%dma_start3A_259 : memref<10000x16xf32, #tpu.memory_space<hbm>>) target(%dma_start3A_253 : memref<125x16xf32, #tpu.memory_space<vmem>>) offsets(%dma_start3A_256 : memref<125xi32, #tpu.memory_space<vmem>>) semaphore(%arg13 : memref<!tpu.dma_semaphore, #tpu.memory_space<semaphore_mem>>)
      %dma_wait3A_260 = arith.constant 0 : i32
      %dma_wait3A_261 = arith.constant 0 : i32
      %dma_wait3A_262 = tpu.memref_slice %arg9[%dma_wait3A_260, %dma_wait3A_261] : memref<1000x16xf32, #tpu.memory_space<vmem>> -> memref<125x16xf32, #tpu.memory_space<vmem>>
      %dma_wait3A_263 = arith.constant 0 : i32
      %dma_wait3A_264 = tpu.memref_slice %arg7[%add3A_53, %dma_wait3A_263] : memref<80x125xi32, #tpu.memory_space<vmem>> -> memref<1x125xi32, #tpu.memory_space<vmem>>
      %dma_wait3A_265 = tpu.memref_squeeze %dma_wait3A_264 : memref<1x125xi32, #tpu.memory_space<vmem>> -> memref<125xi32, #tpu.memory_space<vmem>>
      %dma_wait3A_266 = arith.constant 0 : i32
      %dma_wait3A_267 = arith.constant 0 : i32
      %dma_wait3A_268 = tpu.memref_slice %arg2[%dma_wait3A_266, %dma_wait3A_267] : memref<10000x16xf32, #tpu.memory_space<hbm>> -> memref<10000x16xf32, #tpu.memory_space<hbm>>
      tpu.wait_indirect_dma semaphore(%arg12 : memref<!tpu.dma_semaphore, #tpu.memory_space<semaphore_mem>>) src(%dma_wait3A_268 : memref<10000x16xf32, #tpu.memory_space<hbm>>) dst(%dma_wait3A_262 : memref<125x16xf32, #tpu.memory_space<vmem>>)
      %dma_wait3A_269 = arith.constant 125 : i32
      %dma_wait3A_270 = arith.constant 0 : i32
      %dma_wait3A_271 = tpu.memref_slice %arg9[%dma_wait3A_269, %dma_wait3A_270] : memref<1000x16xf32, #tpu.memory_space<vmem>> -> memref<125x16xf32, #tpu.memory_space<vmem>>
      %dma_wait3A_272 = arith.constant 0 : i32
      %dma_wait3A_273 = tpu.memref_slice %arg7[%add3A_66, %dma_wait3A_272] : memref<80x125xi32, #tpu.memory_space<vmem>> -> memref<1x125xi32, #tpu.memory_space<vmem>>
      %dma_wait3A_274 = tpu.memref_squeeze %dma_wait3A_273 : memref<1x125xi32, #tpu.memory_space<vmem>> -> memref<125xi32, #tpu.memory_space<vmem>>
      %dma_wait3A_275 = arith.constant 0 : i32
      %dma_wait3A_276 = arith.constant 0 : i32
      %dma_wait3A_277 = tpu.memref_slice %arg2[%dma_wait3A_275, %dma_wait3A_276] : memref<10000x16xf32, #tpu.memory_space<hbm>> -> memref<10000x16xf32, #tpu.memory_space<hbm>>
      tpu.wait_indirect_dma semaphore(%arg12 : memref<!tpu.dma_semaphore, #tpu.memory_space<semaphore_mem>>) src(%dma_wait3A_277 : memref<10000x16xf32, #tpu.memory_space<hbm>>) dst(%dma_wait3A_271 : memref<125x16xf32, #tpu.memory_space<vmem>>)
      %dma_wait3A_278 = arith.constant 250 : i32
      %dma_wait3A_279 = arith.constant 0 : i32
      %dma_wait3A_280 = tpu.memref_slice %arg9[%dma_wait3A_278, %dma_wait3A_279] : memref<1000x16xf32, #tpu.memory_space<vmem>> -> memref<125x16xf32, #tpu.memory_space<vmem>>
      %dma_wait3A_281 = arith.constant 0 : i32
      %dma_wait3A_282 = tpu.memref_slice %arg7[%add3A_79, %dma_wait3A_281] : memref<80x125xi32, #tpu.memory_space<vmem>> -> memref<1x125xi32, #tpu.memory_space<vmem>>
      %dma_wait3A_283 = tpu.memref_squeeze %dma_wait3A_282 : memref<1x125xi32, #tpu.memory_space<vmem>> -> memref<125xi32, #tpu.memory_space<vmem>>
      %dma_wait3A_284 = arith.constant 0 : i32
      %dma_wait3A_285 = arith.constant 0 : i32
      %dma_wait3A_286 = tpu.memref_slice %arg2[%dma_wait3A_284, %dma_wait3A_285] : memref<10000x16xf32, #tpu.memory_space<hbm>> -> memref<10000x16xf32, #tpu.memory_space<hbm>>
      tpu.wait_indirect_dma semaphore(%arg12 : memref<!tpu.dma_semaphore, #tpu.memory_space<semaphore_mem>>) src(%dma_wait3A_286 : memref<10000x16xf32, #tpu.memory_space<hbm>>) dst(%dma_wait3A_280 : memref<125x16xf32, #tpu.memory_space<vmem>>)
      %dma_wait3A_287 = arith.constant 375 : i32
      %dma_wait3A_288 = arith.constant 0 : i32
      %dma_wait3A_289 = tpu.memref_slice %arg9[%dma_wait3A_287, %dma_wait3A_288] : memref<1000x16xf32, #tpu.memory_space<vmem>> -> memref<125x16xf32, #tpu.memory_space<vmem>>
      %dma_wait3A_290 = arith.constant 0 : i32
      %dma_wait3A_291 = tpu.memref_slice %arg7[%add3A_92, %dma_wait3A_290] : memref<80x125xi32, #tpu.memory_space<vmem>> -> memref<1x125xi32, #tpu.memory_space<vmem>>
      %dma_wait3A_292 = tpu.memref_squeeze %dma_wait3A_291 : memref<1x125xi32, #tpu.memory_space<vmem>> -> memref<125xi32, #tpu.memory_space<vmem>>
      %dma_wait3A_293 = arith.constant 0 : i32
      %dma_wait3A_294 = arith.constant 0 : i32
      %dma_wait3A_295 = tpu.memref_slice %arg2[%dma_wait3A_293, %dma_wait3A_294] : memref<10000x16xf32, #tpu.memory_space<hbm>> -> memref<10000x16xf32, #tpu.memory_space<hbm>>
      tpu.wait_indirect_dma semaphore(%arg12 : memref<!tpu.dma_semaphore, #tpu.memory_space<semaphore_mem>>) src(%dma_wait3A_295 : memref<10000x16xf32, #tpu.memory_space<hbm>>) dst(%dma_wait3A_289 : memref<125x16xf32, #tpu.memory_space<vmem>>)
      %dma_wait3A_296 = arith.constant 500 : i32
      %dma_wait3A_297 = arith.constant 0 : i32
      %dma_wait3A_298 = tpu.memref_slice %arg9[%dma_wait3A_296, %dma_wait3A_297] : memref<1000x16xf32, #tpu.memory_space<vmem>> -> memref<125x16xf32, #tpu.memory_space<vmem>>
      %dma_wait3A_299 = arith.constant 0 : i32
      %dma_wait3A_300 = tpu.memref_slice %arg7[%add3A_105, %dma_wait3A_299] : memref<80x125xi32, #tpu.memory_space<vmem>> -> memref<1x125xi32, #tpu.memory_space<vmem>>
      %dma_wait3A_301 = tpu.memref_squeeze %dma_wait3A_300 : memref<1x125xi32, #tpu.memory_space<vmem>> -> memref<125xi32, #tpu.memory_space<vmem>>
      %dma_wait3A_302 = arith.constant 0 : i32
      %dma_wait3A_303 = arith.constant 0 : i32
      %dma_wait3A_304 = tpu.memref_slice %arg2[%dma_wait3A_302, %dma_wait3A_303] : memref<10000x16xf32, #tpu.memory_space<hbm>> -> memref<10000x16xf32, #tpu.memory_space<hbm>>
      tpu.wait_indirect_dma semaphore(%arg12 : memref<!tpu.dma_semaphore, #tpu.memory_space<semaphore_mem>>) src(%dma_wait3A_304 : memref<10000x16xf32, #tpu.memory_space<hbm>>) dst(%dma_wait3A_298 : memref<125x16xf32, #tpu.memory_space<vmem>>)
      %dma_wait3A_305 = arith.constant 625 : i32
      %dma_wait3A_306 = arith.constant 0 : i32
      %dma_wait3A_307 = tpu.memref_slice %arg9[%dma_wait3A_305, %dma_wait3A_306] : memref<1000x16xf32, #tpu.memory_space<vmem>> -> memref<125x16xf32, #tpu.memory_space<vmem>>
      %dma_wait3A_308 = arith.constant 0 : i32
      %dma_wait3A_309 = tpu.memref_slice %arg7[%add3A_118, %dma_wait3A_308] : memref<80x125xi32, #tpu.memory_space<vmem>> -> memref<1x125xi32, #tpu.memory_space<vmem>>
      %dma_wait3A_310 = tpu.memref_squeeze %dma_wait3A_309 : memref<1x125xi32, #tpu.memory_space<vmem>> -> memref<125xi32, #tpu.memory_space<vmem>>
      %dma_wait3A_311 = arith.constant 0 : i32
      %dma_wait3A_312 = arith.constant 0 : i32
      %dma_wait3A_313 = tpu.memref_slice %arg2[%dma_wait3A_311, %dma_wait3A_312] : memref<10000x16xf32, #tpu.memory_space<hbm>> -> memref<10000x16xf32, #tpu.memory_space<hbm>>
      tpu.wait_indirect_dma semaphore(%arg12 : memref<!tpu.dma_semaphore, #tpu.memory_space<semaphore_mem>>) src(%dma_wait3A_313 : memref<10000x16xf32, #tpu.memory_space<hbm>>) dst(%dma_wait3A_307 : memref<125x16xf32, #tpu.memory_space<vmem>>)
      %dma_wait3A_314 = arith.constant 750 : i32
      %dma_wait3A_315 = arith.constant 0 : i32
      %dma_wait3A_316 = tpu.memref_slice %arg9[%dma_wait3A_314, %dma_wait3A_315] : memref<1000x16xf32, #tpu.memory_space<vmem>> -> memref<125x16xf32, #tpu.memory_space<vmem>>
      %dma_wait3A_317 = arith.constant 0 : i32
      %dma_wait3A_318 = tpu.memref_slice %arg7[%add3A_131, %dma_wait3A_317] : memref<80x125xi32, #tpu.memory_space<vmem>> -> memref<1x125xi32, #tpu.memory_space<vmem>>
      %dma_wait3A_319 = tpu.memref_squeeze %dma_wait3A_318 : memref<1x125xi32, #tpu.memory_space<vmem>> -> memref<125xi32, #tpu.memory_space<vmem>>
      %dma_wait3A_320 = arith.constant 0 : i32
      %dma_wait3A_321 = arith.constant 0 : i32
      %dma_wait3A_322 = tpu.memref_slice %arg2[%dma_wait3A_320, %dma_wait3A_321] : memref<10000x16xf32, #tpu.memory_space<hbm>> -> memref<10000x16xf32, #tpu.memory_space<hbm>>
      tpu.wait_indirect_dma semaphore(%arg12 : memref<!tpu.dma_semaphore, #tpu.memory_space<semaphore_mem>>) src(%dma_wait3A_322 : memref<10000x16xf32, #tpu.memory_space<hbm>>) dst(%dma_wait3A_316 : memref<125x16xf32, #tpu.memory_space<vmem>>)
      %dma_wait3A_323 = arith.constant 875 : i32
      %dma_wait3A_324 = arith.constant 0 : i32
      %dma_wait3A_325 = tpu.memref_slice %arg9[%dma_wait3A_323, %dma_wait3A_324] : memref<1000x16xf32, #tpu.memory_space<vmem>> -> memref<125x16xf32, #tpu.memory_space<vmem>>
      %dma_wait3A_326 = arith.constant 0 : i32
      %dma_wait3A_327 = tpu.memref_slice %arg7[%add3A_144, %dma_wait3A_326] : memref<80x125xi32, #tpu.memory_space<vmem>> -> memref<1x125xi32, #tpu.memory_space<vmem>>
      %dma_wait3A_328 = tpu.memref_squeeze %dma_wait3A_327 : memref<1x125xi32, #tpu.memory_space<vmem>> -> memref<125xi32, #tpu.memory_space<vmem>>
      %dma_wait3A_329 = arith.constant 0 : i32
      %dma_wait3A_330 = arith.constant 0 : i32
      %dma_wait3A_331 = tpu.memref_slice %arg2[%dma_wait3A_329, %dma_wait3A_330] : memref<10000x16xf32, #tpu.memory_space<hbm>> -> memref<10000x16xf32, #tpu.memory_space<hbm>>
      tpu.wait_indirect_dma semaphore(%arg12 : memref<!tpu.dma_semaphore, #tpu.memory_space<semaphore_mem>>) src(%dma_wait3A_331 : memref<10000x16xf32, #tpu.memory_space<hbm>>) dst(%dma_wait3A_325 : memref<125x16xf32, #tpu.memory_space<vmem>>)
      %mul3A_332 = arith.constant 8 : i32
      %mul3A_333 = arith.muli %mul3A_49, %mul3A_332 : i32
      %add3A_334 = arith.constant 0 : i32
      %add3A_335 = arith.addi %mul3A_333, %add3A_334 : i32
      %dma_start3A_336 = arith.constant 0 : i32
      %dma_start3A_337 = arith.constant 0 : i32
      %dma_start3A_338 = tpu.memref_slice %arg9[%dma_start3A_336, %dma_start3A_337] : memref<1000x16xf32, #tpu.memory_space<vmem>> -> memref<125x16xf32, #tpu.memory_space<vmem>>
      %dma_start3A_339 = arith.constant 0 : i32
      %dma_start3A_340 = tpu.memref_slice %arg8[%add3A_335, %dma_start3A_339] : memref<80x125xi32, #tpu.memory_space<vmem>> -> memref<1x125xi32, #tpu.memory_space<vmem>>
      %dma_start3A_341 = tpu.memref_squeeze %dma_start3A_340 : memref<1x125xi32, #tpu.memory_space<vmem>> -> memref<125xi32, #tpu.memory_space<vmem>>
      %dma_start3A_342 = arith.constant 0 : i32
      %dma_start3A_343 = arith.constant 0 : i32
      %dma_start3A_344 = tpu.memref_slice %arg11[%dma_start3A_342, %dma_start3A_343] : memref<10240x16xf32, #tpu.memory_space<vmem_shared>> -> memref<10240x16xf32, #tpu.memory_space<vmem_shared>>
      tpu.enqueue_indirect_dma source(%dma_start3A_338 : memref<125x16xf32, #tpu.memory_space<vmem>>) target(%dma_start3A_344 : memref<10240x16xf32, #tpu.memory_space<vmem_shared>>) offsets(%dma_start3A_341 : memref<125xi32, #tpu.memory_space<vmem>>) semaphore(%arg14 : memref<!tpu.dma_semaphore, #tpu.memory_space<semaphore_mem>>) {add = true}
      %mul3A_345 = arith.constant 8 : i32
      %mul3A_346 = arith.muli %mul3A_49, %mul3A_345 : i32
      %add3A_347 = arith.constant 1 : i32
      %add3A_348 = arith.addi %mul3A_346, %add3A_347 : i32
      %dma_start3A_349 = arith.constant 125 : i32
      %dma_start3A_350 = arith.constant 0 : i32
      %dma_start3A_351 = tpu.memref_slice %arg9[%dma_start3A_349, %dma_start3A_350] : memref<1000x16xf32, #tpu.memory_space<vmem>> -> memref<125x16xf32, #tpu.memory_space<vmem>>
      %dma_start3A_352 = arith.constant 0 : i32
      %dma_start3A_353 = tpu.memref_slice %arg8[%add3A_348, %dma_start3A_352] : memref<80x125xi32, #tpu.memory_space<vmem>> -> memref<1x125xi32, #tpu.memory_space<vmem>>
      %dma_start3A_354 = tpu.memref_squeeze %dma_start3A_353 : memref<1x125xi32, #tpu.memory_space<vmem>> -> memref<125xi32, #tpu.memory_space<vmem>>
      %dma_start3A_355 = arith.constant 0 : i32
      %dma_start3A_356 = arith.constant 0 : i32
      %dma_start3A_357 = tpu.memref_slice %arg11[%dma_start3A_355, %dma_start3A_356] : memref<10240x16xf32, #tpu.memory_space<vmem_shared>> -> memref<10240x16xf32, #tpu.memory_space<vmem_shared>>
      tpu.enqueue_indirect_dma source(%dma_start3A_351 : memref<125x16xf32, #tpu.memory_space<vmem>>) target(%dma_start3A_357 : memref<10240x16xf32, #tpu.memory_space<vmem_shared>>) offsets(%dma_start3A_354 : memref<125xi32, #tpu.memory_space<vmem>>) semaphore(%arg14 : memref<!tpu.dma_semaphore, #tpu.memory_space<semaphore_mem>>) {add = true}
      %mul3A_358 = arith.constant 8 : i32
      %mul3A_359 = arith.muli %mul3A_49, %mul3A_358 : i32
      %add3A_360 = arith.constant 2 : i32
      %add3A_361 = arith.addi %mul3A_359, %add3A_360 : i32
      %dma_start3A_362 = arith.constant 250 : i32
      %dma_start3A_363 = arith.constant 0 : i32
      %dma_start3A_364 = tpu.memref_slice %arg9[%dma_start3A_362, %dma_start3A_363] : memref<1000x16xf32, #tpu.memory_space<vmem>> -> memref<125x16xf32, #tpu.memory_space<vmem>>
      %dma_start3A_365 = arith.constant 0 : i32
      %dma_start3A_366 = tpu.memref_slice %arg8[%add3A_361, %dma_start3A_365] : memref<80x125xi32, #tpu.memory_space<vmem>> -> memref<1x125xi32, #tpu.memory_space<vmem>>
      %dma_start3A_367 = tpu.memref_squeeze %dma_start3A_366 : memref<1x125xi32, #tpu.memory_space<vmem>> -> memref<125xi32, #tpu.memory_space<vmem>>
      %dma_start3A_368 = arith.constant 0 : i32
      %dma_start3A_369 = arith.constant 0 : i32
      %dma_start3A_370 = tpu.memref_slice %arg11[%dma_start3A_368, %dma_start3A_369] : memref<10240x16xf32, #tpu.memory_space<vmem_shared>> -> memref<10240x16xf32, #tpu.memory_space<vmem_shared>>
      tpu.enqueue_indirect_dma source(%dma_start3A_364 : memref<125x16xf32, #tpu.memory_space<vmem>>) target(%dma_start3A_370 : memref<10240x16xf32, #tpu.memory_space<vmem_shared>>) offsets(%dma_start3A_367 : memref<125xi32, #tpu.memory_space<vmem>>) semaphore(%arg14 : memref<!tpu.dma_semaphore, #tpu.memory_space<semaphore_mem>>) {add = true}
      %mul3A_371 = arith.constant 8 : i32
      %mul3A_372 = arith.muli %mul3A_49, %mul3A_371 : i32
      %add3A_373 = arith.constant 3 : i32
      %add3A_374 = arith.addi %mul3A_372, %add3A_373 : i32
      %dma_start3A_375 = arith.constant 375 : i32
      %dma_start3A_376 = arith.constant 0 : i32
      %dma_start3A_377 = tpu.memref_slice %arg9[%dma_start3A_375, %dma_start3A_376] : memref<1000x16xf32, #tpu.memory_space<vmem>> -> memref<125x16xf32, #tpu.memory_space<vmem>>
      %dma_start3A_378 = arith.constant 0 : i32
      %dma_start3A_379 = tpu.memref_slice %arg8[%add3A_374, %dma_start3A_378] : memref<80x125xi32, #tpu.memory_space<vmem>> -> memref<1x125xi32, #tpu.memory_space<vmem>>
      %dma_start3A_380 = tpu.memref_squeeze %dma_start3A_379 : memref<1x125xi32, #tpu.memory_space<vmem>> -> memref<125xi32, #tpu.memory_space<vmem>>
      %dma_start3A_381 = arith.constant 0 : i32
      %dma_start3A_382 = arith.constant 0 : i32
      %dma_start3A_383 = tpu.memref_slice %arg11[%dma_start3A_381, %dma_start3A_382] : memref<10240x16xf32, #tpu.memory_space<vmem_shared>> -> memref<10240x16xf32, #tpu.memory_space<vmem_shared>>
      tpu.enqueue_indirect_dma source(%dma_start3A_377 : memref<125x16xf32, #tpu.memory_space<vmem>>) target(%dma_start3A_383 : memref<10240x16xf32, #tpu.memory_space<vmem_shared>>) offsets(%dma_start3A_380 : memref<125xi32, #tpu.memory_space<vmem>>) semaphore(%arg14 : memref<!tpu.dma_semaphore, #tpu.memory_space<semaphore_mem>>) {add = true}
      %mul3A_384 = arith.constant 8 : i32
      %mul3A_385 = arith.muli %mul3A_49, %mul3A_384 : i32
      %add3A_386 = arith.constant 4 : i32
      %add3A_387 = arith.addi %mul3A_385, %add3A_386 : i32
      %dma_start3A_388 = arith.constant 500 : i32
      %dma_start3A_389 = arith.constant 0 : i32
      %dma_start3A_390 = tpu.memref_slice %arg9[%dma_start3A_388, %dma_start3A_389] : memref<1000x16xf32, #tpu.memory_space<vmem>> -> memref<125x16xf32, #tpu.memory_space<vmem>>
      %dma_start3A_391 = arith.constant 0 : i32
      %dma_start3A_392 = tpu.memref_slice %arg8[%add3A_387, %dma_start3A_391] : memref<80x125xi32, #tpu.memory_space<vmem>> -> memref<1x125xi32, #tpu.memory_space<vmem>>
      %dma_start3A_393 = tpu.memref_squeeze %dma_start3A_392 : memref<1x125xi32, #tpu.memory_space<vmem>> -> memref<125xi32, #tpu.memory_space<vmem>>
      %dma_start3A_394 = arith.constant 0 : i32
      %dma_start3A_395 = arith.constant 0 : i32
      %dma_start3A_396 = tpu.memref_slice %arg11[%dma_start3A_394, %dma_start3A_395] : memref<10240x16xf32, #tpu.memory_space<vmem_shared>> -> memref<10240x16xf32, #tpu.memory_space<vmem_shared>>
      tpu.enqueue_indirect_dma source(%dma_start3A_390 : memref<125x16xf32, #tpu.memory_space<vmem>>) target(%dma_start3A_396 : memref<10240x16xf32, #tpu.memory_space<vmem_shared>>) offsets(%dma_start3A_393 : memref<125xi32, #tpu.memory_space<vmem>>) semaphore(%arg14 : memref<!tpu.dma_semaphore, #tpu.memory_space<semaphore_mem>>) {add = true}
      %mul3A_397 = arith.constant 8 : i32
      %mul3A_398 = arith.muli %mul3A_49, %mul3A_397 : i32
      %add3A_399 = arith.constant 5 : i32
      %add3A_400 = arith.addi %mul3A_398, %add3A_399 : i32
      %dma_start3A_401 = arith.constant 625 : i32
      %dma_start3A_402 = arith.constant 0 : i32
      %dma_start3A_403 = tpu.memref_slice %arg9[%dma_start3A_401, %dma_start3A_402] : memref<1000x16xf32, #tpu.memory_space<vmem>> -> memref<125x16xf32, #tpu.memory_space<vmem>>
      %dma_start3A_404 = arith.constant 0 : i32
      %dma_start3A_405 = tpu.memref_slice %arg8[%add3A_400, %dma_start3A_404] : memref<80x125xi32, #tpu.memory_space<vmem>> -> memref<1x125xi32, #tpu.memory_space<vmem>>
      %dma_start3A_406 = tpu.memref_squeeze %dma_start3A_405 : memref<1x125xi32, #tpu.memory_space<vmem>> -> memref<125xi32, #tpu.memory_space<vmem>>
      %dma_start3A_407 = arith.constant 0 : i32
      %dma_start3A_408 = arith.constant 0 : i32
      %dma_start3A_409 = tpu.memref_slice %arg11[%dma_start3A_407, %dma_start3A_408] : memref<10240x16xf32, #tpu.memory_space<vmem_shared>> -> memref<10240x16xf32, #tpu.memory_space<vmem_shared>>
      tpu.enqueue_indirect_dma source(%dma_start3A_403 : memref<125x16xf32, #tpu.memory_space<vmem>>) target(%dma_start3A_409 : memref<10240x16xf32, #tpu.memory_space<vmem_shared>>) offsets(%dma_start3A_406 : memref<125xi32, #tpu.memory_space<vmem>>) semaphore(%arg14 : memref<!tpu.dma_semaphore, #tpu.memory_space<semaphore_mem>>) {add = true}
      %mul3A_410 = arith.constant 8 : i32
      %mul3A_411 = arith.muli %mul3A_49, %mul3A_410 : i32
      %add3A_412 = arith.constant 6 : i32
      %add3A_413 = arith.addi %mul3A_411, %add3A_412 : i32
      %dma_start3A_414 = arith.constant 750 : i32
      %dma_start3A_415 = arith.constant 0 : i32
      %dma_start3A_416 = tpu.memref_slice %arg9[%dma_start3A_414, %dma_start3A_415] : memref<1000x16xf32, #tpu.memory_space<vmem>> -> memref<125x16xf32, #tpu.memory_space<vmem>>
      %dma_start3A_417 = arith.constant 0 : i32
      %dma_start3A_418 = tpu.memref_slice %arg8[%add3A_413, %dma_start3A_417] : memref<80x125xi32, #tpu.memory_space<vmem>> -> memref<1x125xi32, #tpu.memory_space<vmem>>
      %dma_start3A_419 = tpu.memref_squeeze %dma_start3A_418 : memref<1x125xi32, #tpu.memory_space<vmem>> -> memref<125xi32, #tpu.memory_space<vmem>>
      %dma_start3A_420 = arith.constant 0 : i32
      %dma_start3A_421 = arith.constant 0 : i32
      %dma_start3A_422 = tpu.memref_slice %arg11[%dma_start3A_420, %dma_start3A_421] : memref<10240x16xf32, #tpu.memory_space<vmem_shared>> -> memref<10240x16xf32, #tpu.memory_space<vmem_shared>>
      tpu.enqueue_indirect_dma source(%dma_start3A_416 : memref<125x16xf32, #tpu.memory_space<vmem>>) target(%dma_start3A_422 : memref<10240x16xf32, #tpu.memory_space<vmem_shared>>) offsets(%dma_start3A_419 : memref<125xi32, #tpu.memory_space<vmem>>) semaphore(%arg14 : memref<!tpu.dma_semaphore, #tpu.memory_space<semaphore_mem>>) {add = true}
      %mul3A_423 = arith.constant 8 : i32
      %mul3A_424 = arith.muli %mul3A_49, %mul3A_423 : i32
      %add3A_425 = arith.constant 7 : i32
      %add3A_426 = arith.addi %mul3A_424, %add3A_425 : i32
      %dma_start3A_427 = arith.constant 875 : i32
      %dma_start3A_428 = arith.constant 0 : i32
      %dma_start3A_429 = tpu.memref_slice %arg9[%dma_start3A_427, %dma_start3A_428] : memref<1000x16xf32, #tpu.memory_space<vmem>> -> memref<125x16xf32, #tpu.memory_space<vmem>>
      %dma_start3A_430 = arith.constant 0 : i32
      %dma_start3A_431 = tpu.memref_slice %arg8[%add3A_426, %dma_start3A_430] : memref<80x125xi32, #tpu.memory_space<vmem>> -> memref<1x125xi32, #tpu.memory_space<vmem>>
      %dma_start3A_432 = tpu.memref_squeeze %dma_start3A_431 : memref<1x125xi32, #tpu.memory_space<vmem>> -> memref<125xi32, #tpu.memory_space<vmem>>
      %dma_start3A_433 = arith.constant 0 : i32
      %dma_start3A_434 = arith.constant 0 : i32
      %dma_start3A_435 = tpu.memref_slice %arg11[%dma_start3A_433, %dma_start3A_434] : memref<10240x16xf32, #tpu.memory_space<vmem_shared>> -> memref<10240x16xf32, #tpu.memory_space<vmem_shared>>
      tpu.enqueue_indirect_dma source(%dma_start3A_429 : memref<125x16xf32, #tpu.memory_space<vmem>>) target(%dma_start3A_435 : memref<10240x16xf32, #tpu.memory_space<vmem_shared>>) offsets(%dma_start3A_432 : memref<125xi32, #tpu.memory_space<vmem>>) semaphore(%arg14 : memref<!tpu.dma_semaphore, #tpu.memory_space<semaphore_mem>>) {add = true}
      %dma_wait3A_436 = arith.constant 0 : i32
      %dma_wait3A_437 = arith.constant 0 : i32
      %dma_wait3A_438 = tpu.memref_slice %arg10[%dma_wait3A_436, %dma_wait3A_437] : memref<1000x16xf32, #tpu.memory_space<vmem>> -> memref<125x16xf32, #tpu.memory_space<vmem>>
      %dma_wait3A_439 = arith.constant 0 : i32
      %dma_wait3A_440 = tpu.memref_slice %arg7[%add3A_159, %dma_wait3A_439] : memref<80x125xi32, #tpu.memory_space<vmem>> -> memref<1x125xi32, #tpu.memory_space<vmem>>
      %dma_wait3A_441 = tpu.memref_squeeze %dma_wait3A_440 : memref<1x125xi32, #tpu.memory_space<vmem>> -> memref<125xi32, #tpu.memory_space<vmem>>
      %dma_wait3A_442 = arith.constant 0 : i32
      %dma_wait3A_443 = arith.constant 0 : i32
      %dma_wait3A_444 = tpu.memref_slice %arg2[%dma_wait3A_442, %dma_wait3A_443] : memref<10000x16xf32, #tpu.memory_space<hbm>> -> memref<10000x16xf32, #tpu.memory_space<hbm>>
      tpu.wait_indirect_dma semaphore(%arg13 : memref<!tpu.dma_semaphore, #tpu.memory_space<semaphore_mem>>) src(%dma_wait3A_444 : memref<10000x16xf32, #tpu.memory_space<hbm>>) dst(%dma_wait3A_438 : memref<125x16xf32, #tpu.memory_space<vmem>>)
      %dma_wait3A_445 = arith.constant 125 : i32
      %dma_wait3A_446 = arith.constant 0 : i32
      %dma_wait3A_447 = tpu.memref_slice %arg10[%dma_wait3A_445, %dma_wait3A_446] : memref<1000x16xf32, #tpu.memory_space<vmem>> -> memref<125x16xf32, #tpu.memory_space<vmem>>
      %dma_wait3A_448 = arith.constant 0 : i32
      %dma_wait3A_449 = tpu.memref_slice %arg7[%add3A_172, %dma_wait3A_448] : memref<80x125xi32, #tpu.memory_space<vmem>> -> memref<1x125xi32, #tpu.memory_space<vmem>>
      %dma_wait3A_450 = tpu.memref_squeeze %dma_wait3A_449 : memref<1x125xi32, #tpu.memory_space<vmem>> -> memref<125xi32, #tpu.memory_space<vmem>>
      %dma_wait3A_451 = arith.constant 0 : i32
      %dma_wait3A_452 = arith.constant 0 : i32
      %dma_wait3A_453 = tpu.memref_slice %arg2[%dma_wait3A_451, %dma_wait3A_452] : memref<10000x16xf32, #tpu.memory_space<hbm>> -> memref<10000x16xf32, #tpu.memory_space<hbm>>
      tpu.wait_indirect_dma semaphore(%arg13 : memref<!tpu.dma_semaphore, #tpu.memory_space<semaphore_mem>>) src(%dma_wait3A_453 : memref<10000x16xf32, #tpu.memory_space<hbm>>) dst(%dma_wait3A_447 : memref<125x16xf32, #tpu.memory_space<vmem>>)
      %dma_wait3A_454 = arith.constant 250 : i32
      %dma_wait3A_455 = arith.constant 0 : i32
      %dma_wait3A_456 = tpu.memref_slice %arg10[%dma_wait3A_454, %dma_wait3A_455] : memref<1000x16xf32, #tpu.memory_space<vmem>> -> memref<125x16xf32, #tpu.memory_space<vmem>>
      %dma_wait3A_457 = arith.constant 0 : i32
      %dma_wait3A_458 = tpu.memref_slice %arg7[%add3A_185, %dma_wait3A_457] : memref<80x125xi32, #tpu.memory_space<vmem>> -> memref<1x125xi32, #tpu.memory_space<vmem>>
      %dma_wait3A_459 = tpu.memref_squeeze %dma_wait3A_458 : memref<1x125xi32, #tpu.memory_space<vmem>> -> memref<125xi32, #tpu.memory_space<vmem>>
      %dma_wait3A_460 = arith.constant 0 : i32
      %dma_wait3A_461 = arith.constant 0 : i32
      %dma_wait3A_462 = tpu.memref_slice %arg2[%dma_wait3A_460, %dma_wait3A_461] : memref<10000x16xf32, #tpu.memory_space<hbm>> -> memref<10000x16xf32, #tpu.memory_space<hbm>>
      tpu.wait_indirect_dma semaphore(%arg13 : memref<!tpu.dma_semaphore, #tpu.memory_space<semaphore_mem>>) src(%dma_wait3A_462 : memref<10000x16xf32, #tpu.memory_space<hbm>>) dst(%dma_wait3A_456 : memref<125x16xf32, #tpu.memory_space<vmem>>)
      %dma_wait3A_463 = arith.constant 375 : i32
      %dma_wait3A_464 = arith.constant 0 : i32
      %dma_wait3A_465 = tpu.memref_slice %arg10[%dma_wait3A_463, %dma_wait3A_464] : memref<1000x16xf32, #tpu.memory_space<vmem>> -> memref<125x16xf32, #tpu.memory_space<vmem>>
      %dma_wait3A_466 = arith.constant 0 : i32
      %dma_wait3A_467 = tpu.memref_slice %arg7[%add3A_198, %dma_wait3A_466] : memref<80x125xi32, #tpu.memory_space<vmem>> -> memref<1x125xi32, #tpu.memory_space<vmem>>
      %dma_wait3A_468 = tpu.memref_squeeze %dma_wait3A_467 : memref<1x125xi32, #tpu.memory_space<vmem>> -> memref<125xi32, #tpu.memory_space<vmem>>
      %dma_wait3A_469 = arith.constant 0 : i32
      %dma_wait3A_470 = arith.constant 0 : i32
      %dma_wait3A_471 = tpu.memref_slice %arg2[%dma_wait3A_469, %dma_wait3A_470] : memref<10000x16xf32, #tpu.memory_space<hbm>> -> memref<10000x16xf32, #tpu.memory_space<hbm>>
      tpu.wait_indirect_dma semaphore(%arg13 : memref<!tpu.dma_semaphore, #tpu.memory_space<semaphore_mem>>) src(%dma_wait3A_471 : memref<10000x16xf32, #tpu.memory_space<hbm>>) dst(%dma_wait3A_465 : memref<125x16xf32, #tpu.memory_space<vmem>>)
      %dma_wait3A_472 = arith.constant 500 : i32
      %dma_wait3A_473 = arith.constant 0 : i32
      %dma_wait3A_474 = tpu.memref_slice %arg10[%dma_wait3A_472, %dma_wait3A_473] : memref<1000x16xf32, #tpu.memory_space<vmem>> -> memref<125x16xf32, #tpu.memory_space<vmem>>
      %dma_wait3A_475 = arith.constant 0 : i32
      %dma_wait3A_476 = tpu.memref_slice %arg7[%add3A_211, %dma_wait3A_475] : memref<80x125xi32, #tpu.memory_space<vmem>> -> memref<1x125xi32, #tpu.memory_space<vmem>>
      %dma_wait3A_477 = tpu.memref_squeeze %dma_wait3A_476 : memref<1x125xi32, #tpu.memory_space<vmem>> -> memref<125xi32, #tpu.memory_space<vmem>>
      %dma_wait3A_478 = arith.constant 0 : i32
      %dma_wait3A_479 = arith.constant 0 : i32
      %dma_wait3A_480 = tpu.memref_slice %arg2[%dma_wait3A_478, %dma_wait3A_479] : memref<10000x16xf32, #tpu.memory_space<hbm>> -> memref<10000x16xf32, #tpu.memory_space<hbm>>
      tpu.wait_indirect_dma semaphore(%arg13 : memref<!tpu.dma_semaphore, #tpu.memory_space<semaphore_mem>>) src(%dma_wait3A_480 : memref<10000x16xf32, #tpu.memory_space<hbm>>) dst(%dma_wait3A_474 : memref<125x16xf32, #tpu.memory_space<vmem>>)
      %dma_wait3A_481 = arith.constant 625 : i32
      %dma_wait3A_482 = arith.constant 0 : i32
      %dma_wait3A_483 = tpu.memref_slice %arg10[%dma_wait3A_481, %dma_wait3A_482] : memref<1000x16xf32, #tpu.memory_space<vmem>> -> memref<125x16xf32, #tpu.memory_space<vmem>>
      %dma_wait3A_484 = arith.constant 0 : i32
      %dma_wait3A_485 = tpu.memref_slice %arg7[%add3A_224, %dma_wait3A_484] : memref<80x125xi32, #tpu.memory_space<vmem>> -> memref<1x125xi32, #tpu.memory_space<vmem>>
      %dma_wait3A_486 = tpu.memref_squeeze %dma_wait3A_485 : memref<1x125xi32, #tpu.memory_space<vmem>> -> memref<125xi32, #tpu.memory_space<vmem>>
      %dma_wait3A_487 = arith.constant 0 : i32
      %dma_wait3A_488 = arith.constant 0 : i32
      %dma_wait3A_489 = tpu.memref_slice %arg2[%dma_wait3A_487, %dma_wait3A_488] : memref<10000x16xf32, #tpu.memory_space<hbm>> -> memref<10000x16xf32, #tpu.memory_space<hbm>>
      tpu.wait_indirect_dma semaphore(%arg13 : memref<!tpu.dma_semaphore, #tpu.memory_space<semaphore_mem>>) src(%dma_wait3A_489 : memref<10000x16xf32, #tpu.memory_space<hbm>>) dst(%dma_wait3A_483 : memref<125x16xf32, #tpu.memory_space<vmem>>)
      %dma_wait3A_490 = arith.constant 750 : i32
      %dma_wait3A_491 = arith.constant 0 : i32
      %dma_wait3A_492 = tpu.memref_slice %arg10[%dma_wait3A_490, %dma_wait3A_491] : memref<1000x16xf32, #tpu.memory_space<vmem>> -> memref<125x16xf32, #tpu.memory_space<vmem>>
      %dma_wait3A_493 = arith.constant 0 : i32
      %dma_wait3A_494 = tpu.memref_slice %arg7[%add3A_237, %dma_wait3A_493] : memref<80x125xi32, #tpu.memory_space<vmem>> -> memref<1x125xi32, #tpu.memory_space<vmem>>
      %dma_wait3A_495 = tpu.memref_squeeze %dma_wait3A_494 : memref<1x125xi32, #tpu.memory_space<vmem>> -> memref<125xi32, #tpu.memory_space<vmem>>
      %dma_wait3A_496 = arith.constant 0 : i32
      %dma_wait3A_497 = arith.constant 0 : i32
      %dma_wait3A_498 = tpu.memref_slice %arg2[%dma_wait3A_496, %dma_wait3A_497] : memref<10000x16xf32, #tpu.memory_space<hbm>> -> memref<10000x16xf32, #tpu.memory_space<hbm>>
      tpu.wait_indirect_dma semaphore(%arg13 : memref<!tpu.dma_semaphore, #tpu.memory_space<semaphore_mem>>) src(%dma_wait3A_498 : memref<10000x16xf32, #tpu.memory_space<hbm>>) dst(%dma_wait3A_492 : memref<125x16xf32, #tpu.memory_space<vmem>>)
      %dma_wait3A_499 = arith.constant 875 : i32
      %dma_wait3A_500 = arith.constant 0 : i32
      %dma_wait3A_501 = tpu.memref_slice %arg10[%dma_wait3A_499, %dma_wait3A_500] : memref<1000x16xf32, #tpu.memory_space<vmem>> -> memref<125x16xf32, #tpu.memory_space<vmem>>
      %dma_wait3A_502 = arith.constant 0 : i32
      %dma_wait3A_503 = tpu.memref_slice %arg7[%add3A_250, %dma_wait3A_502] : memref<80x125xi32, #tpu.memory_space<vmem>> -> memref<1x125xi32, #tpu.memory_space<vmem>>
      %dma_wait3A_504 = tpu.memref_squeeze %dma_wait3A_503 : memref<1x125xi32, #tpu.memory_space<vmem>> -> memref<125xi32, #tpu.memory_space<vmem>>
      %dma_wait3A_505 = arith.constant 0 : i32
      %dma_wait3A_506 = arith.constant 0 : i32
      %dma_wait3A_507 = tpu.memref_slice %arg2[%dma_wait3A_505, %dma_wait3A_506] : memref<10000x16xf32, #tpu.memory_space<hbm>> -> memref<10000x16xf32, #tpu.memory_space<hbm>>
      tpu.wait_indirect_dma semaphore(%arg13 : memref<!tpu.dma_semaphore, #tpu.memory_space<semaphore_mem>>) src(%dma_wait3A_507 : memref<10000x16xf32, #tpu.memory_space<hbm>>) dst(%dma_wait3A_501 : memref<125x16xf32, #tpu.memory_space<vmem>>)
      %add3A_508 = arith.constant 1 : i32
      %add3A_509 = arith.addi %mul3A_49, %add3A_508 : i32
      %mul3A_510 = arith.constant 8 : i32
      %mul3A_511 = arith.muli %add3A_509, %mul3A_510 : i32
      %add3A_512 = arith.constant 0 : i32
      %add3A_513 = arith.addi %mul3A_511, %add3A_512 : i32
      %dma_start3A_514 = arith.constant 0 : i32
      %dma_start3A_515 = arith.constant 0 : i32
      %dma_start3A_516 = tpu.memref_slice %arg10[%dma_start3A_514, %dma_start3A_515] : memref<1000x16xf32, #tpu.memory_space<vmem>> -> memref<125x16xf32, #tpu.memory_space<vmem>>
      %dma_start3A_517 = arith.constant 0 : i32
      %dma_start3A_518 = tpu.memref_slice %arg8[%add3A_513, %dma_start3A_517] : memref<80x125xi32, #tpu.memory_space<vmem>> -> memref<1x125xi32, #tpu.memory_space<vmem>>
      %dma_start3A_519 = tpu.memref_squeeze %dma_start3A_518 : memref<1x125xi32, #tpu.memory_space<vmem>> -> memref<125xi32, #tpu.memory_space<vmem>>
      %dma_start3A_520 = arith.constant 0 : i32
      %dma_start3A_521 = arith.constant 0 : i32
      %dma_start3A_522 = tpu.memref_slice %arg11[%dma_start3A_520, %dma_start3A_521] : memref<10240x16xf32, #tpu.memory_space<vmem_shared>> -> memref<10240x16xf32, #tpu.memory_space<vmem_shared>>
      tpu.enqueue_indirect_dma source(%dma_start3A_516 : memref<125x16xf32, #tpu.memory_space<vmem>>) target(%dma_start3A_522 : memref<10240x16xf32, #tpu.memory_space<vmem_shared>>) offsets(%dma_start3A_519 : memref<125xi32, #tpu.memory_space<vmem>>) semaphore(%arg14 : memref<!tpu.dma_semaphore, #tpu.memory_space<semaphore_mem>>) {add = true}
      %mul3A_523 = arith.constant 8 : i32
      %mul3A_524 = arith.muli %add3A_509, %mul3A_523 : i32
      %add3A_525 = arith.constant 1 : i32
      %add3A_526 = arith.addi %mul3A_524, %add3A_525 : i32
      %dma_start3A_527 = arith.constant 125 : i32
      %dma_start3A_528 = arith.constant 0 : i32
      %dma_start3A_529 = tpu.memref_slice %arg10[%dma_start3A_527, %dma_start3A_528] : memref<1000x16xf32, #tpu.memory_space<vmem>> -> memref<125x16xf32, #tpu.memory_space<vmem>>
      %dma_start3A_530 = arith.constant 0 : i32
      %dma_start3A_531 = tpu.memref_slice %arg8[%add3A_526, %dma_start3A_530] : memref<80x125xi32, #tpu.memory_space<vmem>> -> memref<1x125xi32, #tpu.memory_space<vmem>>
      %dma_start3A_532 = tpu.memref_squeeze %dma_start3A_531 : memref<1x125xi32, #tpu.memory_space<vmem>> -> memref<125xi32, #tpu.memory_space<vmem>>
      %dma_start3A_533 = arith.constant 0 : i32
      %dma_start3A_534 = arith.constant 0 : i32
      %dma_start3A_535 = tpu.memref_slice %arg11[%dma_start3A_533, %dma_start3A_534] : memref<10240x16xf32, #tpu.memory_space<vmem_shared>> -> memref<10240x16xf32, #tpu.memory_space<vmem_shared>>
      tpu.enqueue_indirect_dma source(%dma_start3A_529 : memref<125x16xf32, #tpu.memory_space<vmem>>) target(%dma_start3A_535 : memref<10240x16xf32, #tpu.memory_space<vmem_shared>>) offsets(%dma_start3A_532 : memref<125xi32, #tpu.memory_space<vmem>>) semaphore(%arg14 : memref<!tpu.dma_semaphore, #tpu.memory_space<semaphore_mem>>) {add = true}
      %mul3A_536 = arith.constant 8 : i32
      %mul3A_537 = arith.muli %add3A_509, %mul3A_536 : i32
      %add3A_538 = arith.constant 2 : i32
      %add3A_539 = arith.addi %mul3A_537, %add3A_538 : i32
      %dma_start3A_540 = arith.constant 250 : i32
      %dma_start3A_541 = arith.constant 0 : i32
      %dma_start3A_542 = tpu.memref_slice %arg10[%dma_start3A_540, %dma_start3A_541] : memref<1000x16xf32, #tpu.memory_space<vmem>> -> memref<125x16xf32, #tpu.memory_space<vmem>>
      %dma_start3A_543 = arith.constant 0 : i32
      %dma_start3A_544 = tpu.memref_slice %arg8[%add3A_539, %dma_start3A_543] : memref<80x125xi32, #tpu.memory_space<vmem>> -> memref<1x125xi32, #tpu.memory_space<vmem>>
      %dma_start3A_545 = tpu.memref_squeeze %dma_start3A_544 : memref<1x125xi32, #tpu.memory_space<vmem>> -> memref<125xi32, #tpu.memory_space<vmem>>
      %dma_start3A_546 = arith.constant 0 : i32
      %dma_start3A_547 = arith.constant 0 : i32
      %dma_start3A_548 = tpu.memref_slice %arg11[%dma_start3A_546, %dma_start3A_547] : memref<10240x16xf32, #tpu.memory_space<vmem_shared>> -> memref<10240x16xf32, #tpu.memory_space<vmem_shared>>
      tpu.enqueue_indirect_dma source(%dma_start3A_542 : memref<125x16xf32, #tpu.memory_space<vmem>>) target(%dma_start3A_548 : memref<10240x16xf32, #tpu.memory_space<vmem_shared>>) offsets(%dma_start3A_545 : memref<125xi32, #tpu.memory_space<vmem>>) semaphore(%arg14 : memref<!tpu.dma_semaphore, #tpu.memory_space<semaphore_mem>>) {add = true}
      %mul3A_549 = arith.constant 8 : i32
      %mul3A_550 = arith.muli %add3A_509, %mul3A_549 : i32
      %add3A_551 = arith.constant 3 : i32
      %add3A_552 = arith.addi %mul3A_550, %add3A_551 : i32
      %dma_start3A_553 = arith.constant 375 : i32
      %dma_start3A_554 = arith.constant 0 : i32
      %dma_start3A_555 = tpu.memref_slice %arg10[%dma_start3A_553, %dma_start3A_554] : memref<1000x16xf32, #tpu.memory_space<vmem>> -> memref<125x16xf32, #tpu.memory_space<vmem>>
      %dma_start3A_556 = arith.constant 0 : i32
      %dma_start3A_557 = tpu.memref_slice %arg8[%add3A_552, %dma_start3A_556] : memref<80x125xi32, #tpu.memory_space<vmem>> -> memref<1x125xi32, #tpu.memory_space<vmem>>
      %dma_start3A_558 = tpu.memref_squeeze %dma_start3A_557 : memref<1x125xi32, #tpu.memory_space<vmem>> -> memref<125xi32, #tpu.memory_space<vmem>>
      %dma_start3A_559 = arith.constant 0 : i32
      %dma_start3A_560 = arith.constant 0 : i32
      %dma_start3A_561 = tpu.memref_slice %arg11[%dma_start3A_559, %dma_start3A_560] : memref<10240x16xf32, #tpu.memory_space<vmem_shared>> -> memref<10240x16xf32, #tpu.memory_space<vmem_shared>>
      tpu.enqueue_indirect_dma source(%dma_start3A_555 : memref<125x16xf32, #tpu.memory_space<vmem>>) target(%dma_start3A_561 : memref<10240x16xf32, #tpu.memory_space<vmem_shared>>) offsets(%dma_start3A_558 : memref<125xi32, #tpu.memory_space<vmem>>) semaphore(%arg14 : memref<!tpu.dma_semaphore, #tpu.memory_space<semaphore_mem>>) {add = true}
      %mul3A_562 = arith.constant 8 : i32
      %mul3A_563 = arith.muli %add3A_509, %mul3A_562 : i32
      %add3A_564 = arith.constant 4 : i32
      %add3A_565 = arith.addi %mul3A_563, %add3A_564 : i32
      %dma_start3A_566 = arith.constant 500 : i32
      %dma_start3A_567 = arith.constant 0 : i32
      %dma_start3A_568 = tpu.memref_slice %arg10[%dma_start3A_566, %dma_start3A_567] : memref<1000x16xf32, #tpu.memory_space<vmem>> -> memref<125x16xf32, #tpu.memory_space<vmem>>
      %dma_start3A_569 = arith.constant 0 : i32
      %dma_start3A_570 = tpu.memref_slice %arg8[%add3A_565, %dma_start3A_569] : memref<80x125xi32, #tpu.memory_space<vmem>> -> memref<1x125xi32, #tpu.memory_space<vmem>>
      %dma_start3A_571 = tpu.memref_squeeze %dma_start3A_570 : memref<1x125xi32, #tpu.memory_space<vmem>> -> memref<125xi32, #tpu.memory_space<vmem>>
      %dma_start3A_572 = arith.constant 0 : i32
      %dma_start3A_573 = arith.constant 0 : i32
      %dma_start3A_574 = tpu.memref_slice %arg11[%dma_start3A_572, %dma_start3A_573] : memref<10240x16xf32, #tpu.memory_space<vmem_shared>> -> memref<10240x16xf32, #tpu.memory_space<vmem_shared>>
      tpu.enqueue_indirect_dma source(%dma_start3A_568 : memref<125x16xf32, #tpu.memory_space<vmem>>) target(%dma_start3A_574 : memref<10240x16xf32, #tpu.memory_space<vmem_shared>>) offsets(%dma_start3A_571 : memref<125xi32, #tpu.memory_space<vmem>>) semaphore(%arg14 : memref<!tpu.dma_semaphore, #tpu.memory_space<semaphore_mem>>) {add = true}
      %mul3A_575 = arith.constant 8 : i32
      %mul3A_576 = arith.muli %add3A_509, %mul3A_575 : i32
      %add3A_577 = arith.constant 5 : i32
      %add3A_578 = arith.addi %mul3A_576, %add3A_577 : i32
      %dma_start3A_579 = arith.constant 625 : i32
      %dma_start3A_580 = arith.constant 0 : i32
      %dma_start3A_581 = tpu.memref_slice %arg10[%dma_start3A_579, %dma_start3A_580] : memref<1000x16xf32, #tpu.memory_space<vmem>> -> memref<125x16xf32, #tpu.memory_space<vmem>>
      %dma_start3A_582 = arith.constant 0 : i32
      %dma_start3A_583 = tpu.memref_slice %arg8[%add3A_578, %dma_start3A_582] : memref<80x125xi32, #tpu.memory_space<vmem>> -> memref<1x125xi32, #tpu.memory_space<vmem>>
      %dma_start3A_584 = tpu.memref_squeeze %dma_start3A_583 : memref<1x125xi32, #tpu.memory_space<vmem>> -> memref<125xi32, #tpu.memory_space<vmem>>
      %dma_start3A_585 = arith.constant 0 : i32
      %dma_start3A_586 = arith.constant 0 : i32
      %dma_start3A_587 = tpu.memref_slice %arg11[%dma_start3A_585, %dma_start3A_586] : memref<10240x16xf32, #tpu.memory_space<vmem_shared>> -> memref<10240x16xf32, #tpu.memory_space<vmem_shared>>
      tpu.enqueue_indirect_dma source(%dma_start3A_581 : memref<125x16xf32, #tpu.memory_space<vmem>>) target(%dma_start3A_587 : memref<10240x16xf32, #tpu.memory_space<vmem_shared>>) offsets(%dma_start3A_584 : memref<125xi32, #tpu.memory_space<vmem>>) semaphore(%arg14 : memref<!tpu.dma_semaphore, #tpu.memory_space<semaphore_mem>>) {add = true}
      %mul3A_588 = arith.constant 8 : i32
      %mul3A_589 = arith.muli %add3A_509, %mul3A_588 : i32
      %add3A_590 = arith.constant 6 : i32
      %add3A_591 = arith.addi %mul3A_589, %add3A_590 : i32
      %dma_start3A_592 = arith.constant 750 : i32
      %dma_start3A_593 = arith.constant 0 : i32
      %dma_start3A_594 = tpu.memref_slice %arg10[%dma_start3A_592, %dma_start3A_593] : memref<1000x16xf32, #tpu.memory_space<vmem>> -> memref<125x16xf32, #tpu.memory_space<vmem>>
      %dma_start3A_595 = arith.constant 0 : i32
      %dma_start3A_596 = tpu.memref_slice %arg8[%add3A_591, %dma_start3A_595] : memref<80x125xi32, #tpu.memory_space<vmem>> -> memref<1x125xi32, #tpu.memory_space<vmem>>
      %dma_start3A_597 = tpu.memref_squeeze %dma_start3A_596 : memref<1x125xi32, #tpu.memory_space<vmem>> -> memref<125xi32, #tpu.memory_space<vmem>>
      %dma_start3A_598 = arith.constant 0 : i32
      %dma_start3A_599 = arith.constant 0 : i32
      %dma_start3A_600 = tpu.memref_slice %arg11[%dma_start3A_598, %dma_start3A_599] : memref<10240x16xf32, #tpu.memory_space<vmem_shared>> -> memref<10240x16xf32, #tpu.memory_space<vmem_shared>>
      tpu.enqueue_indirect_dma source(%dma_start3A_594 : memref<125x16xf32, #tpu.memory_space<vmem>>) target(%dma_start3A_600 : memref<10240x16xf32, #tpu.memory_space<vmem_shared>>) offsets(%dma_start3A_597 : memref<125xi32, #tpu.memory_space<vmem>>) semaphore(%arg14 : memref<!tpu.dma_semaphore, #tpu.memory_space<semaphore_mem>>) {add = true}
      %mul3A_601 = arith.constant 8 : i32
      %mul3A_602 = arith.muli %add3A_509, %mul3A_601 : i32
      %add3A_603 = arith.constant 7 : i32
      %add3A_604 = arith.addi %mul3A_602, %add3A_603 : i32
      %dma_start3A_605 = arith.constant 875 : i32
      %dma_start3A_606 = arith.constant 0 : i32
      %dma_start3A_607 = tpu.memref_slice %arg10[%dma_start3A_605, %dma_start3A_606] : memref<1000x16xf32, #tpu.memory_space<vmem>> -> memref<125x16xf32, #tpu.memory_space<vmem>>
      %dma_start3A_608 = arith.constant 0 : i32
      %dma_start3A_609 = tpu.memref_slice %arg8[%add3A_604, %dma_start3A_608] : memref<80x125xi32, #tpu.memory_space<vmem>> -> memref<1x125xi32, #tpu.memory_space<vmem>>
      %dma_start3A_610 = tpu.memref_squeeze %dma_start3A_609 : memref<1x125xi32, #tpu.memory_space<vmem>> -> memref<125xi32, #tpu.memory_space<vmem>>
      %dma_start3A_611 = arith.constant 0 : i32
      %dma_start3A_612 = arith.constant 0 : i32
      %dma_start3A_613 = tpu.memref_slice %arg11[%dma_start3A_611, %dma_start3A_612] : memref<10240x16xf32, #tpu.memory_space<vmem_shared>> -> memref<10240x16xf32, #tpu.memory_space<vmem_shared>>
      tpu.enqueue_indirect_dma source(%dma_start3A_607 : memref<125x16xf32, #tpu.memory_space<vmem>>) target(%dma_start3A_613 : memref<10240x16xf32, #tpu.memory_space<vmem_shared>>) offsets(%dma_start3A_610 : memref<125xi32, #tpu.memory_space<vmem>>) semaphore(%arg14 : memref<!tpu.dma_semaphore, #tpu.memory_space<semaphore_mem>>) {add = true}
      %dma_wait3A_614 = arith.constant 0 : i32
      %dma_wait3A_615 = arith.constant 0 : i32
      %dma_wait3A_616 = tpu.memref_slice %arg9[%dma_wait3A_614, %dma_wait3A_615] : memref<1000x16xf32, #tpu.memory_space<vmem>> -> memref<125x16xf32, #tpu.memory_space<vmem>>
      %dma_wait3A_617 = arith.constant 0 : i32
      %dma_wait3A_618 = tpu.memref_slice %arg8[%add3A_335, %dma_wait3A_617] : memref<80x125xi32, #tpu.memory_space<vmem>> -> memref<1x125xi32, #tpu.memory_space<vmem>>
      %dma_wait3A_619 = tpu.memref_squeeze %dma_wait3A_618 : memref<1x125xi32, #tpu.memory_space<vmem>> -> memref<125xi32, #tpu.memory_space<vmem>>
      %dma_wait3A_620 = arith.constant 0 : i32
      %dma_wait3A_621 = arith.constant 0 : i32
      %dma_wait3A_622 = tpu.memref_slice %arg11[%dma_wait3A_620, %dma_wait3A_621] : memref<10240x16xf32, #tpu.memory_space<vmem_shared>> -> memref<10240x16xf32, #tpu.memory_space<vmem_shared>>
      tpu.wait_indirect_dma semaphore(%arg14 : memref<!tpu.dma_semaphore, #tpu.memory_space<semaphore_mem>>) src(%dma_wait3A_616 : memref<125x16xf32, #tpu.memory_space<vmem>>) dst(%dma_wait3A_622 : memref<10240x16xf32, #tpu.memory_space<vmem_shared>>)
      %dma_wait3A_623 = arith.constant 125 : i32
      %dma_wait3A_624 = arith.constant 0 : i32
      %dma_wait3A_625 = tpu.memref_slice %arg9[%dma_wait3A_623, %dma_wait3A_624] : memref<1000x16xf32, #tpu.memory_space<vmem>> -> memref<125x16xf32, #tpu.memory_space<vmem>>
      %dma_wait3A_626 = arith.constant 0 : i32
      %dma_wait3A_627 = tpu.memref_slice %arg8[%add3A_348, %dma_wait3A_626] : memref<80x125xi32, #tpu.memory_space<vmem>> -> memref<1x125xi32, #tpu.memory_space<vmem>>
      %dma_wait3A_628 = tpu.memref_squeeze %dma_wait3A_627 : memref<1x125xi32, #tpu.memory_space<vmem>> -> memref<125xi32, #tpu.memory_space<vmem>>
      %dma_wait3A_629 = arith.constant 0 : i32
      %dma_wait3A_630 = arith.constant 0 : i32
      %dma_wait3A_631 = tpu.memref_slice %arg11[%dma_wait3A_629, %dma_wait3A_630] : memref<10240x16xf32, #tpu.memory_space<vmem_shared>> -> memref<10240x16xf32, #tpu.memory_space<vmem_shared>>
      tpu.wait_indirect_dma semaphore(%arg14 : memref<!tpu.dma_semaphore, #tpu.memory_space<semaphore_mem>>) src(%dma_wait3A_625 : memref<125x16xf32, #tpu.memory_space<vmem>>) dst(%dma_wait3A_631 : memref<10240x16xf32, #tpu.memory_space<vmem_shared>>)
      %dma_wait3A_632 = arith.constant 250 : i32
      %dma_wait3A_633 = arith.constant 0 : i32
      %dma_wait3A_634 = tpu.memref_slice %arg9[%dma_wait3A_632, %dma_wait3A_633] : memref<1000x16xf32, #tpu.memory_space<vmem>> -> memref<125x16xf32, #tpu.memory_space<vmem>>
      %dma_wait3A_635 = arith.constant 0 : i32
      %dma_wait3A_636 = tpu.memref_slice %arg8[%add3A_361, %dma_wait3A_635] : memref<80x125xi32, #tpu.memory_space<vmem>> -> memref<1x125xi32, #tpu.memory_space<vmem>>
      %dma_wait3A_637 = tpu.memref_squeeze %dma_wait3A_636 : memref<1x125xi32, #tpu.memory_space<vmem>> -> memref<125xi32, #tpu.memory_space<vmem>>
      %dma_wait3A_638 = arith.constant 0 : i32
      %dma_wait3A_639 = arith.constant 0 : i32
      %dma_wait3A_640 = tpu.memref_slice %arg11[%dma_wait3A_638, %dma_wait3A_639] : memref<10240x16xf32, #tpu.memory_space<vmem_shared>> -> memref<10240x16xf32, #tpu.memory_space<vmem_shared>>
      tpu.wait_indirect_dma semaphore(%arg14 : memref<!tpu.dma_semaphore, #tpu.memory_space<semaphore_mem>>) src(%dma_wait3A_634 : memref<125x16xf32, #tpu.memory_space<vmem>>) dst(%dma_wait3A_640 : memref<10240x16xf32, #tpu.memory_space<vmem_shared>>)
      %dma_wait3A_641 = arith.constant 375 : i32
      %dma_wait3A_642 = arith.constant 0 : i32
      %dma_wait3A_643 = tpu.memref_slice %arg9[%dma_wait3A_641, %dma_wait3A_642] : memref<1000x16xf32, #tpu.memory_space<vmem>> -> memref<125x16xf32, #tpu.memory_space<vmem>>
      %dma_wait3A_644 = arith.constant 0 : i32
      %dma_wait3A_645 = tpu.memref_slice %arg8[%add3A_374, %dma_wait3A_644] : memref<80x125xi32, #tpu.memory_space<vmem>> -> memref<1x125xi32, #tpu.memory_space<vmem>>
      %dma_wait3A_646 = tpu.memref_squeeze %dma_wait3A_645 : memref<1x125xi32, #tpu.memory_space<vmem>> -> memref<125xi32, #tpu.memory_space<vmem>>
      %dma_wait3A_647 = arith.constant 0 : i32
      %dma_wait3A_648 = arith.constant 0 : i32
      %dma_wait3A_649 = tpu.memref_slice %arg11[%dma_wait3A_647, %dma_wait3A_648] : memref<10240x16xf32, #tpu.memory_space<vmem_shared>> -> memref<10240x16xf32, #tpu.memory_space<vmem_shared>>
      tpu.wait_indirect_dma semaphore(%arg14 : memref<!tpu.dma_semaphore, #tpu.memory_space<semaphore_mem>>) src(%dma_wait3A_643 : memref<125x16xf32, #tpu.memory_space<vmem>>) dst(%dma_wait3A_649 : memref<10240x16xf32, #tpu.memory_space<vmem_shared>>)
      %dma_wait3A_650 = arith.constant 500 : i32
      %dma_wait3A_651 = arith.constant 0 : i32
      %dma_wait3A_652 = tpu.memref_slice %arg9[%dma_wait3A_650, %dma_wait3A_651] : memref<1000x16xf32, #tpu.memory_space<vmem>> -> memref<125x16xf32, #tpu.memory_space<vmem>>
      %dma_wait3A_653 = arith.constant 0 : i32
      %dma_wait3A_654 = tpu.memref_slice %arg8[%add3A_387, %dma_wait3A_653] : memref<80x125xi32, #tpu.memory_space<vmem>> -> memref<1x125xi32, #tpu.memory_space<vmem>>
      %dma_wait3A_655 = tpu.memref_squeeze %dma_wait3A_654 : memref<1x125xi32, #tpu.memory_space<vmem>> -> memref<125xi32, #tpu.memory_space<vmem>>
      %dma_wait3A_656 = arith.constant 0 : i32
      %dma_wait3A_657 = arith.constant 0 : i32
      %dma_wait3A_658 = tpu.memref_slice %arg11[%dma_wait3A_656, %dma_wait3A_657] : memref<10240x16xf32, #tpu.memory_space<vmem_shared>> -> memref<10240x16xf32, #tpu.memory_space<vmem_shared>>
      tpu.wait_indirect_dma semaphore(%arg14 : memref<!tpu.dma_semaphore, #tpu.memory_space<semaphore_mem>>) src(%dma_wait3A_652 : memref<125x16xf32, #tpu.memory_space<vmem>>) dst(%dma_wait3A_658 : memref<10240x16xf32, #tpu.memory_space<vmem_shared>>)
      %dma_wait3A_659 = arith.constant 625 : i32
      %dma_wait3A_660 = arith.constant 0 : i32
      %dma_wait3A_661 = tpu.memref_slice %arg9[%dma_wait3A_659, %dma_wait3A_660] : memref<1000x16xf32, #tpu.memory_space<vmem>> -> memref<125x16xf32, #tpu.memory_space<vmem>>
      %dma_wait3A_662 = arith.constant 0 : i32
      %dma_wait3A_663 = tpu.memref_slice %arg8[%add3A_400, %dma_wait3A_662] : memref<80x125xi32, #tpu.memory_space<vmem>> -> memref<1x125xi32, #tpu.memory_space<vmem>>
      %dma_wait3A_664 = tpu.memref_squeeze %dma_wait3A_663 : memref<1x125xi32, #tpu.memory_space<vmem>> -> memref<125xi32, #tpu.memory_space<vmem>>
      %dma_wait3A_665 = arith.constant 0 : i32
      %dma_wait3A_666 = arith.constant 0 : i32
      %dma_wait3A_667 = tpu.memref_slice %arg11[%dma_wait3A_665, %dma_wait3A_666] : memref<10240x16xf32, #tpu.memory_space<vmem_shared>> -> memref<10240x16xf32, #tpu.memory_space<vmem_shared>>
      tpu.wait_indirect_dma semaphore(%arg14 : memref<!tpu.dma_semaphore, #tpu.memory_space<semaphore_mem>>) src(%dma_wait3A_661 : memref<125x16xf32, #tpu.memory_space<vmem>>) dst(%dma_wait3A_667 : memref<10240x16xf32, #tpu.memory_space<vmem_shared>>)
      %dma_wait3A_668 = arith.constant 750 : i32
      %dma_wait3A_669 = arith.constant 0 : i32
      %dma_wait3A_670 = tpu.memref_slice %arg9[%dma_wait3A_668, %dma_wait3A_669] : memref<1000x16xf32, #tpu.memory_space<vmem>> -> memref<125x16xf32, #tpu.memory_space<vmem>>
      %dma_wait3A_671 = arith.constant 0 : i32
      %dma_wait3A_672 = tpu.memref_slice %arg8[%add3A_413, %dma_wait3A_671] : memref<80x125xi32, #tpu.memory_space<vmem>> -> memref<1x125xi32, #tpu.memory_space<vmem>>
      %dma_wait3A_673 = tpu.memref_squeeze %dma_wait3A_672 : memref<1x125xi32, #tpu.memory_space<vmem>> -> memref<125xi32, #tpu.memory_space<vmem>>
      %dma_wait3A_674 = arith.constant 0 : i32
      %dma_wait3A_675 = arith.constant 0 : i32
      %dma_wait3A_676 = tpu.memref_slice %arg11[%dma_wait3A_674, %dma_wait3A_675] : memref<10240x16xf32, #tpu.memory_space<vmem_shared>> -> memref<10240x16xf32, #tpu.memory_space<vmem_shared>>
      tpu.wait_indirect_dma semaphore(%arg14 : memref<!tpu.dma_semaphore, #tpu.memory_space<semaphore_mem>>) src(%dma_wait3A_670 : memref<125x16xf32, #tpu.memory_space<vmem>>) dst(%dma_wait3A_676 : memref<10240x16xf32, #tpu.memory_space<vmem_shared>>)
      %dma_wait3A_677 = arith.constant 875 : i32
      %dma_wait3A_678 = arith.constant 0 : i32
      %dma_wait3A_679 = tpu.memref_slice %arg9[%dma_wait3A_677, %dma_wait3A_678] : memref<1000x16xf32, #tpu.memory_space<vmem>> -> memref<125x16xf32, #tpu.memory_space<vmem>>
      %dma_wait3A_680 = arith.constant 0 : i32
      %dma_wait3A_681 = tpu.memref_slice %arg8[%add3A_426, %dma_wait3A_680] : memref<80x125xi32, #tpu.memory_space<vmem>> -> memref<1x125xi32, #tpu.memory_space<vmem>>
      %dma_wait3A_682 = tpu.memref_squeeze %dma_wait3A_681 : memref<1x125xi32, #tpu.memory_space<vmem>> -> memref<125xi32, #tpu.memory_space<vmem>>
      %dma_wait3A_683 = arith.constant 0 : i32
      %dma_wait3A_684 = arith.constant 0 : i32
      %dma_wait3A_685 = tpu.memref_slice %arg11[%dma_wait3A_683, %dma_wait3A_684] : memref<10240x16xf32, #tpu.memory_space<vmem_shared>> -> memref<10240x16xf32, #tpu.memory_space<vmem_shared>>
      tpu.wait_indirect_dma semaphore(%arg14 : memref<!tpu.dma_semaphore, #tpu.memory_space<semaphore_mem>>) src(%dma_wait3A_679 : memref<125x16xf32, #tpu.memory_space<vmem>>) dst(%dma_wait3A_685 : memref<10240x16xf32, #tpu.memory_space<vmem_shared>>)
      %dma_wait3A_686 = arith.constant 0 : i32
      %dma_wait3A_687 = arith.constant 0 : i32
      %dma_wait3A_688 = tpu.memref_slice %arg10[%dma_wait3A_686, %dma_wait3A_687] : memref<1000x16xf32, #tpu.memory_space<vmem>> -> memref<125x16xf32, #tpu.memory_space<vmem>>
      %dma_wait3A_689 = arith.constant 0 : i32
      %dma_wait3A_690 = tpu.memref_slice %arg8[%add3A_513, %dma_wait3A_689] : memref<80x125xi32, #tpu.memory_space<vmem>> -> memref<1x125xi32, #tpu.memory_space<vmem>>
      %dma_wait3A_691 = tpu.memref_squeeze %dma_wait3A_690 : memref<1x125xi32, #tpu.memory_space<vmem>> -> memref<125xi32, #tpu.memory_space<vmem>>
      %dma_wait3A_692 = arith.constant 0 : i32
      %dma_wait3A_693 = arith.constant 0 : i32
      %dma_wait3A_694 = tpu.memref_slice %arg11[%dma_wait3A_692, %dma_wait3A_693] : memref<10240x16xf32, #tpu.memory_space<vmem_shared>> -> memref<10240x16xf32, #tpu.memory_space<vmem_shared>>
      tpu.wait_indirect_dma semaphore(%arg14 : memref<!tpu.dma_semaphore, #tpu.memory_space<semaphore_mem>>) src(%dma_wait3A_688 : memref<125x16xf32, #tpu.memory_space<vmem>>) dst(%dma_wait3A_694 : memref<10240x16xf32, #tpu.memory_space<vmem_shared>>)
      %dma_wait3A_695 = arith.constant 125 : i32
      %dma_wait3A_696 = arith.constant 0 : i32
      %dma_wait3A_697 = tpu.memref_slice %arg10[%dma_wait3A_695, %dma_wait3A_696] : memref<1000x16xf32, #tpu.memory_space<vmem>> -> memref<125x16xf32, #tpu.memory_space<vmem>>
      %dma_wait3A_698 = arith.constant 0 : i32
      %dma_wait3A_699 = tpu.memref_slice %arg8[%add3A_526, %dma_wait3A_698] : memref<80x125xi32, #tpu.memory_space<vmem>> -> memref<1x125xi32, #tpu.memory_space<vmem>>
      %dma_wait3A_700 = tpu.memref_squeeze %dma_wait3A_699 : memref<1x125xi32, #tpu.memory_space<vmem>> -> memref<125xi32, #tpu.memory_space<vmem>>
      %dma_wait3A_701 = arith.constant 0 : i32
      %dma_wait3A_702 = arith.constant 0 : i32
      %dma_wait3A_703 = tpu.memref_slice %arg11[%dma_wait3A_701, %dma_wait3A_702] : memref<10240x16xf32, #tpu.memory_space<vmem_shared>> -> memref<10240x16xf32, #tpu.memory_space<vmem_shared>>
      tpu.wait_indirect_dma semaphore(%arg14 : memref<!tpu.dma_semaphore, #tpu.memory_space<semaphore_mem>>) src(%dma_wait3A_697 : memref<125x16xf32, #tpu.memory_space<vmem>>) dst(%dma_wait3A_703 : memref<10240x16xf32, #tpu.memory_space<vmem_shared>>)
      %dma_wait3A_704 = arith.constant 250 : i32
      %dma_wait3A_705 = arith.constant 0 : i32
      %dma_wait3A_706 = tpu.memref_slice %arg10[%dma_wait3A_704, %dma_wait3A_705] : memref<1000x16xf32, #tpu.memory_space<vmem>> -> memref<125x16xf32, #tpu.memory_space<vmem>>
      %dma_wait3A_707 = arith.constant 0 : i32
      %dma_wait3A_708 = tpu.memref_slice %arg8[%add3A_539, %dma_wait3A_707] : memref<80x125xi32, #tpu.memory_space<vmem>> -> memref<1x125xi32, #tpu.memory_space<vmem>>
      %dma_wait3A_709 = tpu.memref_squeeze %dma_wait3A_708 : memref<1x125xi32, #tpu.memory_space<vmem>> -> memref<125xi32, #tpu.memory_space<vmem>>
      %dma_wait3A_710 = arith.constant 0 : i32
      %dma_wait3A_711 = arith.constant 0 : i32
      %dma_wait3A_712 = tpu.memref_slice %arg11[%dma_wait3A_710, %dma_wait3A_711] : memref<10240x16xf32, #tpu.memory_space<vmem_shared>> -> memref<10240x16xf32, #tpu.memory_space<vmem_shared>>
      tpu.wait_indirect_dma semaphore(%arg14 : memref<!tpu.dma_semaphore, #tpu.memory_space<semaphore_mem>>) src(%dma_wait3A_706 : memref<125x16xf32, #tpu.memory_space<vmem>>) dst(%dma_wait3A_712 : memref<10240x16xf32, #tpu.memory_space<vmem_shared>>)
      %dma_wait3A_713 = arith.constant 375 : i32
      %dma_wait3A_714 = arith.constant 0 : i32
      %dma_wait3A_715 = tpu.memref_slice %arg10[%dma_wait3A_713, %dma_wait3A_714] : memref<1000x16xf32, #tpu.memory_space<vmem>> -> memref<125x16xf32, #tpu.memory_space<vmem>>
      %dma_wait3A_716 = arith.constant 0 : i32
      %dma_wait3A_717 = tpu.memref_slice %arg8[%add3A_552, %dma_wait3A_716] : memref<80x125xi32, #tpu.memory_space<vmem>> -> memref<1x125xi32, #tpu.memory_space<vmem>>
      %dma_wait3A_718 = tpu.memref_squeeze %dma_wait3A_717 : memref<1x125xi32, #tpu.memory_space<vmem>> -> memref<125xi32, #tpu.memory_space<vmem>>
      %dma_wait3A_719 = arith.constant 0 : i32
      %dma_wait3A_720 = arith.constant 0 : i32
      %dma_wait3A_721 = tpu.memref_slice %arg11[%dma_wait3A_719, %dma_wait3A_720] : memref<10240x16xf32, #tpu.memory_space<vmem_shared>> -> memref<10240x16xf32, #tpu.memory_space<vmem_shared>>
      tpu.wait_indirect_dma semaphore(%arg14 : memref<!tpu.dma_semaphore, #tpu.memory_space<semaphore_mem>>) src(%dma_wait3A_715 : memref<125x16xf32, #tpu.memory_space<vmem>>) dst(%dma_wait3A_721 : memref<10240x16xf32, #tpu.memory_space<vmem_shared>>)
      %dma_wait3A_722 = arith.constant 500 : i32
      %dma_wait3A_723 = arith.constant 0 : i32
      %dma_wait3A_724 = tpu.memref_slice %arg10[%dma_wait3A_722, %dma_wait3A_723] : memref<1000x16xf32, #tpu.memory_space<vmem>> -> memref<125x16xf32, #tpu.memory_space<vmem>>
      %dma_wait3A_725 = arith.constant 0 : i32
      %dma_wait3A_726 = tpu.memref_slice %arg8[%add3A_565, %dma_wait3A_725] : memref<80x125xi32, #tpu.memory_space<vmem>> -> memref<1x125xi32, #tpu.memory_space<vmem>>
      %dma_wait3A_727 = tpu.memref_squeeze %dma_wait3A_726 : memref<1x125xi32, #tpu.memory_space<vmem>> -> memref<125xi32, #tpu.memory_space<vmem>>
      %dma_wait3A_728 = arith.constant 0 : i32
      %dma_wait3A_729 = arith.constant 0 : i32
      %dma_wait3A_730 = tpu.memref_slice %arg11[%dma_wait3A_728, %dma_wait3A_729] : memref<10240x16xf32, #tpu.memory_space<vmem_shared>> -> memref<10240x16xf32, #tpu.memory_space<vmem_shared>>
      tpu.wait_indirect_dma semaphore(%arg14 : memref<!tpu.dma_semaphore, #tpu.memory_space<semaphore_mem>>) src(%dma_wait3A_724 : memref<125x16xf32, #tpu.memory_space<vmem>>) dst(%dma_wait3A_730 : memref<10240x16xf32, #tpu.memory_space<vmem_shared>>)
      %dma_wait3A_731 = arith.constant 625 : i32
      %dma_wait3A_732 = arith.constant 0 : i32
      %dma_wait3A_733 = tpu.memref_slice %arg10[%dma_wait3A_731, %dma_wait3A_732] : memref<1000x16xf32, #tpu.memory_space<vmem>> -> memref<125x16xf32, #tpu.memory_space<vmem>>
      %dma_wait3A_734 = arith.constant 0 : i32
      %dma_wait3A_735 = tpu.memref_slice %arg8[%add3A_578, %dma_wait3A_734] : memref<80x125xi32, #tpu.memory_space<vmem>> -> memref<1x125xi32, #tpu.memory_space<vmem>>
      %dma_wait3A_736 = tpu.memref_squeeze %dma_wait3A_735 : memref<1x125xi32, #tpu.memory_space<vmem>> -> memref<125xi32, #tpu.memory_space<vmem>>
      %dma_wait3A_737 = arith.constant 0 : i32
      %dma_wait3A_738 = arith.constant 0 : i32
      %dma_wait3A_739 = tpu.memref_slice %arg11[%dma_wait3A_737, %dma_wait3A_738] : memref<10240x16xf32, #tpu.memory_space<vmem_shared>> -> memref<10240x16xf32, #tpu.memory_space<vmem_shared>>
      tpu.wait_indirect_dma semaphore(%arg14 : memref<!tpu.dma_semaphore, #tpu.memory_space<semaphore_mem>>) src(%dma_wait3A_733 : memref<125x16xf32, #tpu.memory_space<vmem>>) dst(%dma_wait3A_739 : memref<10240x16xf32, #tpu.memory_space<vmem_shared>>)
      %dma_wait3A_740 = arith.constant 750 : i32
      %dma_wait3A_741 = arith.constant 0 : i32
      %dma_wait3A_742 = tpu.memref_slice %arg10[%dma_wait3A_740, %dma_wait3A_741] : memref<1000x16xf32, #tpu.memory_space<vmem>> -> memref<125x16xf32, #tpu.memory_space<vmem>>
      %dma_wait3A_743 = arith.constant 0 : i32
      %dma_wait3A_744 = tpu.memref_slice %arg8[%add3A_591, %dma_wait3A_743] : memref<80x125xi32, #tpu.memory_space<vmem>> -> memref<1x125xi32, #tpu.memory_space<vmem>>
      %dma_wait3A_745 = tpu.memref_squeeze %dma_wait3A_744 : memref<1x125xi32, #tpu.memory_space<vmem>> -> memref<125xi32, #tpu.memory_space<vmem>>
      %dma_wait3A_746 = arith.constant 0 : i32
      %dma_wait3A_747 = arith.constant 0 : i32
      %dma_wait3A_748 = tpu.memref_slice %arg11[%dma_wait3A_746, %dma_wait3A_747] : memref<10240x16xf32, #tpu.memory_space<vmem_shared>> -> memref<10240x16xf32, #tpu.memory_space<vmem_shared>>
      tpu.wait_indirect_dma semaphore(%arg14 : memref<!tpu.dma_semaphore, #tpu.memory_space<semaphore_mem>>) src(%dma_wait3A_742 : memref<125x16xf32, #tpu.memory_space<vmem>>) dst(%dma_wait3A_748 : memref<10240x16xf32, #tpu.memory_space<vmem_shared>>)
      %dma_wait3A_749 = arith.constant 875 : i32
      %dma_wait3A_750 = arith.constant 0 : i32
      %dma_wait3A_751 = tpu.memref_slice %arg10[%dma_wait3A_749, %dma_wait3A_750] : memref<1000x16xf32, #tpu.memory_space<vmem>> -> memref<125x16xf32, #tpu.memory_space<vmem>>
      %dma_wait3A_752 = arith.constant 0 : i32
      %dma_wait3A_753 = tpu.memref_slice %arg8[%add3A_604, %dma_wait3A_752] : memref<80x125xi32, #tpu.memory_space<vmem>> -> memref<1x125xi32, #tpu.memory_space<vmem>>
      %dma_wait3A_754 = tpu.memref_squeeze %dma_wait3A_753 : memref<1x125xi32, #tpu.memory_space<vmem>> -> memref<125xi32, #tpu.memory_space<vmem>>
      %dma_wait3A_755 = arith.constant 0 : i32
      %dma_wait3A_756 = arith.constant 0 : i32
      %dma_wait3A_757 = tpu.memref_slice %arg11[%dma_wait3A_755, %dma_wait3A_756] : memref<10240x16xf32, #tpu.memory_space<vmem_shared>> -> memref<10240x16xf32, #tpu.memory_space<vmem_shared>>
      tpu.wait_indirect_dma semaphore(%arg14 : memref<!tpu.dma_semaphore, #tpu.memory_space<semaphore_mem>>) src(%dma_wait3A_751 : memref<125x16xf32, #tpu.memory_space<vmem>>) dst(%dma_wait3A_757 : memref<10240x16xf32, #tpu.memory_space<vmem_shared>>)
    }
    %scan3A_45 = arith.constant 5 : i32
    %barrier3A_46 = arith.constant 0 : index
    tpu.barrier barrier_id(%barrier3A_46)
    "tpu.region"() ({
      %run_scoped3A = tpu.sem_alloc : memref<!tpu.dma_semaphore, #tpu.memory_space<semaphore_mem>>
      %dma_start3A_47 = arith.constant 0 : i32
      %dma_start3A_48 = arith.constant 0 : i32
      %dma_start3A_49 = tpu.memref_slice %arg6[%arg0, %dma_start3A_47, %dma_start3A_48] : memref<2x10240x16xf32, #tpu.memory_space<hbm>> -> memref<1x10240x16xf32, #tpu.memory_space<hbm>>
      %dma_start3A_50 = tpu.memref_squeeze %dma_start3A_49 : memref<1x10240x16xf32, #tpu.memory_space<hbm>> -> memref<10240x16xf32, #tpu.memory_space<hbm>>
      %dma_start3A_51 = arith.constant 0 : i32
      %dma_start3A_52 = tpu.memref_slice %dma_start3A_50[%mul3A_2, %dma_start3A_51] : memref<10240x16xf32, #tpu.memory_space<hbm>> -> memref<640x16xf32, #tpu.memory_space<hbm>>
      %dma_start3A_53 = arith.constant 0 : i32
      %dma_start3A_54 = tpu.memref_slice %arg11[%mul3A_2, %dma_start3A_53] : memref<10240x16xf32, #tpu.memory_space<vmem_shared>> -> memref<640x16xf32, #tpu.memory_space<vmem_shared>>
      tpu.enqueue_dma source(%dma_start3A_54 : memref<640x16xf32, #tpu.memory_space<vmem_shared>>) target(%dma_start3A_52 : memref<640x16xf32, #tpu.memory_space<hbm>>) target_semaphore(%run_scoped3A : memref<!tpu.dma_semaphore, #tpu.memory_space<semaphore_mem>>)
      %dma_wait3A_55 = arith.constant 0 : i32
      %dma_wait3A_56 = arith.constant 0 : i32
      %dma_wait3A_57 = tpu.memref_slice %arg6[%arg0, %dma_wait3A_55, %dma_wait3A_56] : memref<2x10240x16xf32, #tpu.memory_space<hbm>> -> memref<1x10240x16xf32, #tpu.memory_space<hbm>>
      %dma_wait3A_58 = tpu.memref_squeeze %dma_wait3A_57 : memref<1x10240x16xf32, #tpu.memory_space<hbm>> -> memref<10240x16xf32, #tpu.memory_space<hbm>>
      %dma_wait3A_59 = arith.constant 0 : i32
      %dma_wait3A_60 = tpu.memref_slice %dma_wait3A_58[%mul3A_2, %dma_wait3A_59] : memref<10240x16xf32, #tpu.memory_space<hbm>> -> memref<640x16xf32, #tpu.memory_space<hbm>>
      %dma_wait3A_61 = arith.constant 0 : i32
      %dma_wait3A_62 = tpu.memref_slice %arg11[%mul3A_2, %dma_wait3A_61] : memref<10240x16xf32, #tpu.memory_space<vmem_shared>> -> memref<640x16xf32, #tpu.memory_space<vmem_shared>>
      tpu.wait_dma2 semaphore(%run_scoped3A : memref<!tpu.dma_semaphore, #tpu.memory_space<semaphore_mem>>) src(%dma_wait3A_62 : memref<640x16xf32, #tpu.memory_space<vmem_shared>>) dst(%dma_wait3A_60 : memref<640x16xf32, #tpu.memory_space<hbm>>)
      tpu.yield
    }) : () -> ()
    return
  }
}

#map = affine_map<(d0, d1) -> (0)>
#map1 = affine_map<(d0, d1) -> (0, 0)>
module attributes {stable_mosaic.version = 14 : i64} {
  func.func @_sc_scalar_seg_body(%arg0: i32, %arg1: i32, %arg2: memref<10000xf32, #tpu.memory_space<hbm>>, %arg3: memref<320000xi32, #tpu.memory_space<hbm>>, %arg4: memref<320000xi32, #tpu.memory_space<hbm>>, %arg5: memref<32x10000xf32, #tpu.memory_space<hbm>>, %arg6: memref<10000xf32, #tpu.memory_space<vmem>>, %arg7: memref<10000xi32, #tpu.memory_space<vmem>>, %arg8: memref<10000xi32, #tpu.memory_space<vmem>>, %arg9: memref<10000xf32, #tpu.memory_space<vmem>>, %arg10: memref<!tpu.dma_semaphore, #tpu.memory_space<semaphore_mem>>) attributes {dimension_semantics = [#tpu.dimension_semantics<core_parallel>, #tpu.dimension_semantics<subcore_parallel>], iteration_bounds = array<i64: 2, 16>, scalar_prefetch = 0 : i64, scratch_operands = 5 : i64, tpu.core_type = #tpu.core_type<sc_vector_subcore>, window_params = [{transform_indices = #map}, {transform_indices = #map}, {transform_indices = #map}, {transform_indices = #map1}]} {
    %mul3A = arith.constant 2 : i32
    %mul3A_0 = arith.muli %arg1, %mul3A : i32
    %add3A = arith.addi %mul3A_0, %arg0 : i32
    %mul3A_1 = arith.constant 10000 : i32
    %mul3A_2 = arith.muli %add3A, %mul3A_1 : i32
    tpu.enqueue_dma source(%arg2 : memref<10000xf32, #tpu.memory_space<hbm>>) target(%arg6 : memref<10000xf32, #tpu.memory_space<vmem>>) target_semaphore(%arg10 : memref<!tpu.dma_semaphore, #tpu.memory_space<semaphore_mem>>)
    %dma_start3A = tpu.memref_slice %arg3[%mul3A_2] : memref<320000xi32, #tpu.memory_space<hbm>> -> memref<10000xi32, #tpu.memory_space<hbm>>
    %dma_start3A_3 = tpu.memref_slice %arg3[%mul3A_2] : memref<320000xi32, #tpu.memory_space<hbm>> -> memref<10000xi32, #tpu.memory_space<hbm>>
    tpu.enqueue_dma source(%dma_start3A_3 : memref<10000xi32, #tpu.memory_space<hbm>>) target(%arg7 : memref<10000xi32, #tpu.memory_space<vmem>>) target_semaphore(%arg10 : memref<!tpu.dma_semaphore, #tpu.memory_space<semaphore_mem>>)
    %dma_start3A_4 = tpu.memref_slice %arg4[%mul3A_2] : memref<320000xi32, #tpu.memory_space<hbm>> -> memref<10000xi32, #tpu.memory_space<hbm>>
    %dma_start3A_5 = tpu.memref_slice %arg4[%mul3A_2] : memref<320000xi32, #tpu.memory_space<hbm>> -> memref<10000xi32, #tpu.memory_space<hbm>>
    tpu.enqueue_dma source(%dma_start3A_5 : memref<10000xi32, #tpu.memory_space<hbm>>) target(%arg8 : memref<10000xi32, #tpu.memory_space<vmem>>) target_semaphore(%arg10 : memref<!tpu.dma_semaphore, #tpu.memory_space<semaphore_mem>>)
    %broadcast_in_dim3A = arith.constant 0.000000e+00 : f32
    %broadcast_in_dim3A_6 = vector.broadcast %broadcast_in_dim3A : f32 to vector<16xf32>
    %scan3A = arith.constant 0 : i32
    %scan3A_7 = arith.constant 0 : i32
    %scan3A_8 = arith.constant 125 : i32
    %scan3A_9 = arith.addi %scan3A_7, %scan3A_8 : i32
    %scan3A_10 = arith.constant 1 : i32
    scf.for %scan3A_21 = %scan3A_7 to %scan3A_9 step %scan3A_10  : i32 {
      %mul3A_22 = arith.constant 5 : i32
      %mul3A_23 = arith.muli %scan3A_21, %mul3A_22 : i32
      %add3A_24 = arith.constant 0 : i32
      %add3A_25 = arith.addi %mul3A_23, %add3A_24 : i32
      %mul3A_26 = arith.constant 16 : i32
      %mul3A_27 = arith.muli %add3A_25, %mul3A_26 : i32
      %swap3A = arith.index_cast %mul3A_27 : i32 to index
      %swap3A_28 = tpu.vector_load %arg9[%swap3A] {strides = array<i32>} : memref<10000xf32, #tpu.memory_space<vmem>>, vector<16xf32>,
      tpu.vector_store %arg9[%swap3A], %broadcast_in_dim3A_6 {strides = array<i32>} : memref<10000xf32, #tpu.memory_space<vmem>>, vector<16xf32>,
      %mul3A_29 = arith.constant 5 : i32
      %mul3A_30 = arith.muli %scan3A_21, %mul3A_29 : i32
      %add3A_31 = arith.constant 1 : i32
      %add3A_32 = arith.addi %mul3A_30, %add3A_31 : i32
      %mul3A_33 = arith.constant 16 : i32
      %mul3A_34 = arith.muli %add3A_32, %mul3A_33 : i32
      %swap3A_35 = arith.index_cast %mul3A_34 : i32 to index
      %swap3A_36 = tpu.vector_load %arg9[%swap3A_35] {strides = array<i32>} : memref<10000xf32, #tpu.memory_space<vmem>>, vector<16xf32>,
      tpu.vector_store %arg9[%swap3A_35], %broadcast_in_dim3A_6 {strides = array<i32>} : memref<10000xf32, #tpu.memory_space<vmem>>, vector<16xf32>,
      %mul3A_37 = arith.constant 5 : i32
      %mul3A_38 = arith.muli %scan3A_21, %mul3A_37 : i32
      %add3A_39 = arith.constant 2 : i32
      %add3A_40 = arith.addi %mul3A_38, %add3A_39 : i32
      %mul3A_41 = arith.constant 16 : i32
      %mul3A_42 = arith.muli %add3A_40, %mul3A_41 : i32
      %swap3A_43 = arith.index_cast %mul3A_42 : i32 to index
      %swap3A_44 = tpu.vector_load %arg9[%swap3A_43] {strides = array<i32>} : memref<10000xf32, #tpu.memory_space<vmem>>, vector<16xf32>,
      tpu.vector_store %arg9[%swap3A_43], %broadcast_in_dim3A_6 {strides = array<i32>} : memref<10000xf32, #tpu.memory_space<vmem>>, vector<16xf32>,
      %mul3A_45 = arith.constant 5 : i32
      %mul3A_46 = arith.muli %scan3A_21, %mul3A_45 : i32
      %add3A_47 = arith.constant 3 : i32
      %add3A_48 = arith.addi %mul3A_46, %add3A_47 : i32
      %mul3A_49 = arith.constant 16 : i32
      %mul3A_50 = arith.muli %add3A_48, %mul3A_49 : i32
      %swap3A_51 = arith.index_cast %mul3A_50 : i32 to index
      %swap3A_52 = tpu.vector_load %arg9[%swap3A_51] {strides = array<i32>} : memref<10000xf32, #tpu.memory_space<vmem>>, vector<16xf32>,
      tpu.vector_store %arg9[%swap3A_51], %broadcast_in_dim3A_6 {strides = array<i32>} : memref<10000xf32, #tpu.memory_space<vmem>>, vector<16xf32>,
      %mul3A_53 = arith.constant 5 : i32
      %mul3A_54 = arith.muli %scan3A_21, %mul3A_53 : i32
      %add3A_55 = arith.constant 4 : i32
      %add3A_56 = arith.addi %mul3A_54, %add3A_55 : i32
      %mul3A_57 = arith.constant 16 : i32
      %mul3A_58 = arith.muli %add3A_56, %mul3A_57 : i32
      %swap3A_59 = arith.index_cast %mul3A_58 : i32 to index
      %swap3A_60 = tpu.vector_load %arg9[%swap3A_59] {strides = array<i32>} : memref<10000xf32, #tpu.memory_space<vmem>>, vector<16xf32>,
      tpu.vector_store %arg9[%swap3A_59], %broadcast_in_dim3A_6 {strides = array<i32>} : memref<10000xf32, #tpu.memory_space<vmem>>, vector<16xf32>,
    }
    %scan3A_11 = arith.constant 125 : i32
    tpu.wait_dma2 semaphore(%arg10 : memref<!tpu.dma_semaphore, #tpu.memory_space<semaphore_mem>>) src(%arg2 : memref<10000xf32, #tpu.memory_space<hbm>>) dst(%arg6 : memref<10000xf32, #tpu.memory_space<vmem>>)
    %dma_wait3A = tpu.memref_slice %arg3[%mul3A_2] : memref<320000xi32, #tpu.memory_space<hbm>> -> memref<10000xi32, #tpu.memory_space<hbm>>
    %dma_wait3A_12 = tpu.memref_slice %arg3[%mul3A_2] : memref<320000xi32, #tpu.memory_space<hbm>> -> memref<10000xi32, #tpu.memory_space<hbm>>
    tpu.wait_dma2 semaphore(%arg10 : memref<!tpu.dma_semaphore, #tpu.memory_space<semaphore_mem>>) src(%dma_wait3A_12 : memref<10000xi32, #tpu.memory_space<hbm>>) dst(%arg7 : memref<10000xi32, #tpu.memory_space<vmem>>)
    %dma_wait3A_13 = tpu.memref_slice %arg4[%mul3A_2] : memref<320000xi32, #tpu.memory_space<hbm>> -> memref<10000xi32, #tpu.memory_space<hbm>>
    %dma_wait3A_14 = tpu.memref_slice %arg4[%mul3A_2] : memref<320000xi32, #tpu.memory_space<hbm>> -> memref<10000xi32, #tpu.memory_space<hbm>>
    tpu.wait_dma2 semaphore(%arg10 : memref<!tpu.dma_semaphore, #tpu.memory_space<semaphore_mem>>) src(%dma_wait3A_14 : memref<10000xi32, #tpu.memory_space<hbm>>) dst(%arg8 : memref<10000xi32, #tpu.memory_space<vmem>>)
    %scan3A_15 = arith.constant 0 : i32
    %scan3A_16 = arith.constant 0 : i32
    %scan3A_17 = arith.constant 125 : i32
    %scan3A_18 = arith.addi %scan3A_16, %scan3A_17 : i32
    %scan3A_19 = arith.constant 1 : i32
    scf.for %scan3A_21 = %scan3A_16 to %scan3A_18 step %scan3A_19  : i32 {
      %mul3A_22 = arith.constant 5 : i32
      %mul3A_23 = arith.muli %scan3A_21, %mul3A_22 : i32
      %add3A_24 = arith.constant 0 : i32
      %add3A_25 = arith.addi %mul3A_23, %add3A_24 : i32
      %mul3A_26 = arith.constant 16 : i32
      %mul3A_27 = arith.muli %add3A_25, %mul3A_26 : i32
      %get3A = arith.index_cast %mul3A_27 : i32 to index
      %get3A_28 = tpu.vector_load %arg7[%get3A] {strides = array<i32>} : memref<10000xi32, #tpu.memory_space<vmem>>, vector<16xi32>,
      %mul3A_29 = arith.constant 16 : i32
      %mul3A_30 = arith.muli %add3A_25, %mul3A_29 : i32
      %get3A_31 = arith.index_cast %mul3A_30 : i32 to index
      %get3A_32 = tpu.vector_load %arg8[%get3A_31] {strides = array<i32>} : memref<10000xi32, #tpu.memory_space<vmem>>, vector<16xi32>,
      %gather3A = tpu.vector_load_idx %arg6[%get3A_28] : memref<10000xf32, #tpu.memory_space<vmem>>[vector<16xi32>], vector<16xf32>,
      tpu.vector_store_idx %arg9[%get3A_32], %gather3A {add = true} : memref<10000xf32, #tpu.memory_space<vmem>>[vector<16xi32>], vector<16xf32>,
      %mul3A_33 = arith.constant 5 : i32
      %mul3A_34 = arith.muli %scan3A_21, %mul3A_33 : i32
      %add3A_35 = arith.constant 1 : i32
      %add3A_36 = arith.addi %mul3A_34, %add3A_35 : i32
      %mul3A_37 = arith.constant 16 : i32
      %mul3A_38 = arith.muli %add3A_36, %mul3A_37 : i32
      %get3A_39 = arith.index_cast %mul3A_38 : i32 to index
      %get3A_40 = tpu.vector_load %arg7[%get3A_39] {strides = array<i32>} : memref<10000xi32, #tpu.memory_space<vmem>>, vector<16xi32>,
      %mul3A_41 = arith.constant 16 : i32
      %mul3A_42 = arith.muli %add3A_36, %mul3A_41 : i32
      %get3A_43 = arith.index_cast %mul3A_42 : i32 to index
      %get3A_44 = tpu.vector_load %arg8[%get3A_43] {strides = array<i32>} : memref<10000xi32, #tpu.memory_space<vmem>>, vector<16xi32>,
      %gather3A_45 = tpu.vector_load_idx %arg6[%get3A_40] : memref<10000xf32, #tpu.memory_space<vmem>>[vector<16xi32>], vector<16xf32>,
      tpu.vector_store_idx %arg9[%get3A_44], %gather3A_45 {add = true} : memref<10000xf32, #tpu.memory_space<vmem>>[vector<16xi32>], vector<16xf32>,
      %mul3A_46 = arith.constant 5 : i32
      %mul3A_47 = arith.muli %scan3A_21, %mul3A_46 : i32
      %add3A_48 = arith.constant 2 : i32
      %add3A_49 = arith.addi %mul3A_47, %add3A_48 : i32
      %mul3A_50 = arith.constant 16 : i32
      %mul3A_51 = arith.muli %add3A_49, %mul3A_50 : i32
      %get3A_52 = arith.index_cast %mul3A_51 : i32 to index
      %get3A_53 = tpu.vector_load %arg7[%get3A_52] {strides = array<i32>} : memref<10000xi32, #tpu.memory_space<vmem>>, vector<16xi32>,
      %mul3A_54 = arith.constant 16 : i32
      %mul3A_55 = arith.muli %add3A_49, %mul3A_54 : i32
      %get3A_56 = arith.index_cast %mul3A_55 : i32 to index
      %get3A_57 = tpu.vector_load %arg8[%get3A_56] {strides = array<i32>} : memref<10000xi32, #tpu.memory_space<vmem>>, vector<16xi32>,
      %gather3A_58 = tpu.vector_load_idx %arg6[%get3A_53] : memref<10000xf32, #tpu.memory_space<vmem>>[vector<16xi32>], vector<16xf32>,
      tpu.vector_store_idx %arg9[%get3A_57], %gather3A_58 {add = true} : memref<10000xf32, #tpu.memory_space<vmem>>[vector<16xi32>], vector<16xf32>,
      %mul3A_59 = arith.constant 5 : i32
      %mul3A_60 = arith.muli %scan3A_21, %mul3A_59 : i32
      %add3A_61 = arith.constant 3 : i32
      %add3A_62 = arith.addi %mul3A_60, %add3A_61 : i32
      %mul3A_63 = arith.constant 16 : i32
      %mul3A_64 = arith.muli %add3A_62, %mul3A_63 : i32
      %get3A_65 = arith.index_cast %mul3A_64 : i32 to index
      %get3A_66 = tpu.vector_load %arg7[%get3A_65] {strides = array<i32>} : memref<10000xi32, #tpu.memory_space<vmem>>, vector<16xi32>,
      %mul3A_67 = arith.constant 16 : i32
      %mul3A_68 = arith.muli %add3A_62, %mul3A_67 : i32
      %get3A_69 = arith.index_cast %mul3A_68 : i32 to index
      %get3A_70 = tpu.vector_load %arg8[%get3A_69] {strides = array<i32>} : memref<10000xi32, #tpu.memory_space<vmem>>, vector<16xi32>,
      %gather3A_71 = tpu.vector_load_idx %arg6[%get3A_66] : memref<10000xf32, #tpu.memory_space<vmem>>[vector<16xi32>], vector<16xf32>,
      tpu.vector_store_idx %arg9[%get3A_70], %gather3A_71 {add = true} : memref<10000xf32, #tpu.memory_space<vmem>>[vector<16xi32>], vector<16xf32>,
      %mul3A_72 = arith.constant 5 : i32
      %mul3A_73 = arith.muli %scan3A_21, %mul3A_72 : i32
      %add3A_74 = arith.constant 4 : i32
      %add3A_75 = arith.addi %mul3A_73, %add3A_74 : i32
      %mul3A_76 = arith.constant 16 : i32
      %mul3A_77 = arith.muli %add3A_75, %mul3A_76 : i32
      %get3A_78 = arith.index_cast %mul3A_77 : i32 to index
      %get3A_79 = tpu.vector_load %arg7[%get3A_78] {strides = array<i32>} : memref<10000xi32, #tpu.memory_space<vmem>>, vector<16xi32>,
      %mul3A_80 = arith.constant 16 : i32
      %mul3A_81 = arith.muli %add3A_75, %mul3A_80 : i32
      %get3A_82 = arith.index_cast %mul3A_81 : i32 to index
      %get3A_83 = tpu.vector_load %arg8[%get3A_82] {strides = array<i32>} : memref<10000xi32, #tpu.memory_space<vmem>>, vector<16xi32>,
      %gather3A_84 = tpu.vector_load_idx %arg6[%get3A_79] : memref<10000xf32, #tpu.memory_space<vmem>>[vector<16xi32>], vector<16xf32>,
      tpu.vector_store_idx %arg9[%get3A_83], %gather3A_84 {add = true} : memref<10000xf32, #tpu.memory_space<vmem>>[vector<16xi32>], vector<16xf32>,
    }
    %scan3A_20 = arith.constant 125 : i32
    "tpu.region"() ({
      %run_scoped3A = tpu.sem_alloc : memref<!tpu.dma_semaphore, #tpu.memory_space<semaphore_mem>>
      %dma_start3A_21 = arith.constant 0 : i32
      %dma_start3A_22 = tpu.memref_slice %arg5[%add3A, %dma_start3A_21] : memref<32x10000xf32, #tpu.memory_space<hbm>> -> memref<1x10000xf32, #tpu.memory_space<hbm>>
      %dma_start3A_23 = tpu.memref_squeeze %dma_start3A_22 : memref<1x10000xf32, #tpu.memory_space<hbm>> -> memref<10000xf32, #tpu.memory_space<hbm>>
      %dma_start3A_24 = arith.constant 0 : i32
      %dma_start3A_25 = tpu.memref_slice %arg5[%add3A, %dma_start3A_24] : memref<32x10000xf32, #tpu.memory_space<hbm>> -> memref<1x10000xf32, #tpu.memory_space<hbm>>
      %dma_start3A_26 = tpu.memref_squeeze %dma_start3A_25 : memref<1x10000xf32, #tpu.memory_space<hbm>> -> memref<10000xf32, #tpu.memory_space<hbm>>
      tpu.enqueue_dma source(%arg9 : memref<10000xf32, #tpu.memory_space<vmem>>) target(%dma_start3A_26 : memref<10000xf32, #tpu.memory_space<hbm>>) target_semaphore(%run_scoped3A : memref<!tpu.dma_semaphore, #tpu.memory_space<semaphore_mem>>)
      %dma_wait3A_27 = arith.constant 0 : i32
      %dma_wait3A_28 = tpu.memref_slice %arg5[%add3A, %dma_wait3A_27] : memref<32x10000xf32, #tpu.memory_space<hbm>> -> memref<1x10000xf32, #tpu.memory_space<hbm>>
      %dma_wait3A_29 = tpu.memref_squeeze %dma_wait3A_28 : memref<1x10000xf32, #tpu.memory_space<hbm>> -> memref<10000xf32, #tpu.memory_space<hbm>>
      %dma_wait3A_30 = arith.constant 0 : i32
      %dma_wait3A_31 = tpu.memref_slice %arg5[%add3A, %dma_wait3A_30] : memref<32x10000xf32, #tpu.memory_space<hbm>> -> memref<1x10000xf32, #tpu.memory_space<hbm>>
      %dma_wait3A_32 = tpu.memref_squeeze %dma_wait3A_31 : memref<1x10000xf32, #tpu.memory_space<hbm>> -> memref<10000xf32, #tpu.memory_space<hbm>>
      tpu.wait_dma2 semaphore(%run_scoped3A : memref<!tpu.dma_semaphore, #tpu.memory_space<semaphore_mem>>) src(%arg9 : memref<10000xf32, #tpu.memory_space<vmem>>) dst(%dma_wait3A_32 : memref<10000xf32, #tpu.memory_space<hbm>>)
      tpu.yield
    }) : () -> ()
    return
  }
}

module attributes {stable_mosaic.version = 14 : i64} {
  func.func @f(%arg0: memref<10000x128xf32, #tpu.memory_space<vmem>>, %arg1: memref<128x16xf32, #tpu.memory_space<vmem>>, %arg2: memref<32x10000xf32, #tpu.memory_space<vmem>>, %arg3: memref<10000x16xf32, #tpu.memory_space<vmem>>, %arg4: memref<1x10000xf32, #tpu.memory_space<vmem>>) attributes {dimension_semantics = [], scalar_prefetch = 0 : i64, scratch_operands = 0 : i64, tpu.core_type = #tpu.core_type<tc>} {
    %get3A = arith.constant 0 : index
    %get3A_0 = arith.constant 0 : index
    %get3A_1 = vector.load %arg2[%get3A, %get3A_0] : memref<32x10000xf32, #tpu.memory_space<vmem>>, vector<32x10000xf32>
    %reduce_sum3A = arith.constant dense<0.000000e+00> : vector<10000xf32>
    %reduce_sum3A_2 = vector.multi_reduction <add>, %get3A_1, %reduce_sum3A [0] : vector<32x10000xf32> to vector<10000xf32>
    %broadcast_in_dim3A = vector.shape_cast %reduce_sum3A_2 : vector<10000xf32> to vector<1x10000xf32>
    %add3A = arith.constant 1.000000e+00 : f32
    %add3A_3 = vector.broadcast %add3A : f32 to vector<1x10000xf32>
    %add3A_4 = arith.addf %broadcast_in_dim3A, %add3A_3 : vector<1x10000xf32>
    %rsqrt3A = math.rsqrt %add3A_4 : vector<1x10000xf32>
    %get3A_5 = arith.constant 0 : index
    %get3A_6 = arith.constant 0 : index
    %get3A_7 = vector.load %arg1[%get3A_5, %get3A_6] : memref<128x16xf32, #tpu.memory_space<vmem>>, vector<128x16xf32>
    %get3A_8 = arith.constant 0 : index
    %get3A_9 = arith.constant 0 : index
    %get3A_10 = vector.load %arg0[%get3A_8, %get3A_9] : memref<10000x128xf32, #tpu.memory_space<vmem>>, vector<10000x128xf32>
    %dot_general3A = arith.constant dense<0.000000e+00> : vector<16x10000xf32>
    %dot_general3A_11 = tpu.matmul %get3A_7, %get3A_10, %dot_general3A {dimension_numbers = #tpu.dot_dimension_numbers<[0], [1], [1], [0], [0, 1, 1, 0], [], []>, transpose_lhs_hint = false} : vector<128x16xf32>, vector<10000x128xf32>, vector<16x10000xf32> -> vector<16x10000xf32>
    %mul3A = vector.broadcast %rsqrt3A : vector<1x10000xf32> to vector<16x10000xf32>
    %mul3A_12 = arith.mulf %dot_general3A_11, %mul3A : vector<16x10000xf32>
    %iota3A = tpu.iota {dimensions = array<i32: 0>} : vector<16x16xi32>
    %iota3A_13 = tpu.iota {dimensions = array<i32: 1>} : vector<16x16xi32>
    %eq3A = arith.cmpi eq, %iota3A, %iota3A_13 : vector<16x16xi32>
    %jit3A = arith.constant 1.000000e+00 : f32
    %jit3A_14 = arith.constant 0.000000e+00 : f32
    %broadcast_in_dim3A_15 = vector.broadcast %jit3A : f32 to vector<16x16xf32>
    %broadcast_in_dim3A_16 = vector.broadcast %jit3A_14 : f32 to vector<16x16xf32>
    %select_n3A = arith.select %eq3A, %broadcast_in_dim3A_15, %broadcast_in_dim3A_16 : vector<16x16xi1>, vector<16x16xf32>
    %dot_general3A_17 = arith.constant dense<0.000000e+00> : vector<10000x16xf32>
    %dot_general3A_18 = tpu.matmul %mul3A_12, %select_n3A, %dot_general3A_17 {dimension_numbers = #tpu.dot_dimension_numbers<[0], [0], [1], [1], [0, 1, 1, 1], [], []>, transpose_lhs_hint = false} : vector<16x10000xf32>, vector<16x16xf32>, vector<10000x16xf32> -> vector<10000x16xf32>
    %swap3A = arith.constant 0 : index
    %swap3A_19 = arith.constant 0 : index
    %swap3A_20 = vector.load %arg3[%swap3A, %swap3A_19] : memref<10000x16xf32, #tpu.memory_space<vmem>>, vector<10000x16xf32>
    tpu.vector_store %arg3[%swap3A, %swap3A_19], %dot_general3A_18 {strides = array<i32>} : memref<10000x16xf32, #tpu.memory_space<vmem>>, vector<10000x16xf32>,
    %swap3A_21 = arith.constant 0 : index
    %swap3A_22 = arith.constant 0 : index
    %swap3A_23 = vector.load %arg4[%swap3A_21, %swap3A_22] : memref<1x10000xf32, #tpu.memory_space<vmem>>, vector<1x10000xf32>
    tpu.vector_store %arg4[%swap3A_21, %swap3A_22], %rsqrt3A {strides = array<i32>} : memref<1x10000xf32, #tpu.memory_space<vmem>>, vector<1x10000xf32>,
    return
  }
}

module attributes {stable_mosaic.version = 14 : i64} {
  func.func @f(%arg0: memref<2x10240x16xf32, #tpu.memory_space<vmem>>, %arg1: memref<10000x16xf32, #tpu.memory_space<vmem>>, %arg2: memref<1x10000xf32, #tpu.memory_space<vmem>>, %arg3: memref<16x1xf32, #tpu.memory_space<vmem>>, %arg4: memref<16x1xf32, #tpu.memory_space<vmem>>, %arg5: memref<16x1xf32, #tpu.memory_space<vmem>>, %arg6: memref<1x1xf32, #tpu.memory_space<vmem>>, %arg7: memref<10000x16xf32, #tpu.memory_space<vmem>>, %arg8: memref<1x10000xf32, #tpu.memory_space<vmem>>, %arg9: memref<1x10000xf32, #tpu.memory_space<vmem>>) attributes {dimension_semantics = [], scalar_prefetch = 0 : i64, scratch_operands = 0 : i64, tpu.core_type = #tpu.core_type<tc>} {
    %get3A = arith.constant 0 : index
    %get3A_0 = arith.constant 0 : index
    %get3A_1 = arith.constant 0 : index
    %get3A_2 = vector.load %arg0[%get3A, %get3A_0, %get3A_1] : memref<2x10240x16xf32, #tpu.memory_space<vmem>>, vector<2x10240x16xf32>
    %reduce_sum3A = arith.constant dense<0.000000e+00> : vector<10240x16xf32>
    %reduce_sum3A_3 = vector.multi_reduction <add>, %get3A_2, %reduce_sum3A [0] : vector<2x10240x16xf32> to vector<10240x16xf32>
    %slice3A = vector.extract_strided_slice %reduce_sum3A_3 {offsets = [0, 0], sizes = [10000, 16], strides = [1, 1]} : vector<10240x16xf32> to vector<10000x16xf32>
    %get3A_4 = arith.constant 0 : index
    %get3A_5 = arith.constant 0 : index
    %get3A_6 = vector.load %arg1[%get3A_4, %get3A_5] : memref<10000x16xf32, #tpu.memory_space<vmem>>, vector<10000x16xf32>
    %add3A = arith.addf %slice3A, %get3A_6 : vector<10000x16xf32>
    %iota3A = tpu.iota {dimensions = array<i32: 0>} : vector<16x16xi32>
    %iota3A_7 = tpu.iota {dimensions = array<i32: 1>} : vector<16x16xi32>
    %eq3A = arith.cmpi eq, %iota3A, %iota3A_7 : vector<16x16xi32>
    %jit3A = arith.constant 1.000000e+00 : f32
    %jit3A_8 = arith.constant 0.000000e+00 : f32
    %broadcast_in_dim3A = vector.broadcast %jit3A : f32 to vector<16x16xf32>
    %broadcast_in_dim3A_9 = vector.broadcast %jit3A_8 : f32 to vector<16x16xf32>
    %select_n3A = arith.select %eq3A, %broadcast_in_dim3A, %broadcast_in_dim3A_9 : vector<16x16xi1>, vector<16x16xf32>
    %dot_general3A = arith.constant dense<0.000000e+00> : vector<16x10000xf32>
    %dot_general3A_10 = tpu.matmul %select_n3A, %add3A, %dot_general3A {dimension_numbers = #tpu.dot_dimension_numbers<[1], [1], [0], [0], [0, 0, 1, 0], [], []>, transpose_lhs_hint = false} : vector<16x16xf32>, vector<10000x16xf32>, vector<16x10000xf32> -> vector<16x10000xf32>
    %get3A_11 = arith.constant 0 : index
    %get3A_12 = arith.constant 0 : index
    %get3A_13 = vector.load %arg2[%get3A_11, %get3A_12] : memref<1x10000xf32, #tpu.memory_space<vmem>>, vector<1x10000xf32>
    %mul3A = vector.broadcast %get3A_13 : vector<1x10000xf32> to vector<16x10000xf32>
    %mul3A_14 = arith.mulf %mul3A, %dot_general3A_10 : vector<16x10000xf32>
    %get3A_15 = arith.constant 0 : index
    %get3A_16 = arith.constant 0 : index
    %get3A_17 = vector.load %arg3[%get3A_15, %get3A_16] : memref<16x1xf32, #tpu.memory_space<vmem>>, vector<16x1xf32>
    %add3A_18 = vector.broadcast %get3A_17 : vector<16x1xf32> to vector<16x10000xf32>
    %add3A_19 = arith.addf %mul3A_14, %add3A_18 : vector<16x10000xf32>
    %max3A = arith.constant 0.000000e+00 : f32
    %max3A_20 = vector.broadcast %max3A : f32 to vector<16x10000xf32>
    %max3A_21 = arith.maximumf %add3A_19, %max3A_20 : vector<16x10000xf32>
    %iota3A_22 = tpu.iota {dimensions = array<i32: 0>} : vector<16x16xi32>
    %iota3A_23 = tpu.iota {dimensions = array<i32: 1>} : vector<16x16xi32>
    %eq3A_24 = arith.cmpi eq, %iota3A_22, %iota3A_23 : vector<16x16xi32>
    %jit3A_25 = arith.constant 1.000000e+00 : f32
    %jit3A_26 = arith.constant 0.000000e+00 : f32
    %broadcast_in_dim3A_27 = vector.broadcast %jit3A_25 : f32 to vector<16x16xf32>
    %broadcast_in_dim3A_28 = vector.broadcast %jit3A_26 : f32 to vector<16x16xf32>
    %select_n3A_29 = arith.select %eq3A_24, %broadcast_in_dim3A_27, %broadcast_in_dim3A_28 : vector<16x16xi1>, vector<16x16xf32>
    %dot_general3A_30 = arith.constant dense<0.000000e+00> : vector<10000x16xf32>
    %dot_general3A_31 = tpu.matmul %max3A_21, %select_n3A_29, %dot_general3A_30 {dimension_numbers = #tpu.dot_dimension_numbers<[0], [0], [1], [1], [0, 1, 1, 1], [], []>, transpose_lhs_hint = false} : vector<16x10000xf32>, vector<16x16xf32>, vector<10000x16xf32> -> vector<10000x16xf32>
    %swap3A = arith.constant 0 : index
    %swap3A_32 = arith.constant 0 : index
    %swap3A_33 = vector.load %arg7[%swap3A, %swap3A_32] : memref<10000x16xf32, #tpu.memory_space<vmem>>, vector<10000x16xf32>
    tpu.vector_store %arg7[%swap3A, %swap3A_32], %dot_general3A_31 {strides = array<i32>} : memref<10000x16xf32, #tpu.memory_space<vmem>>, vector<10000x16xf32>,
    %get3A_34 = arith.constant 0 : index
    %get3A_35 = arith.constant 0 : index
    %get3A_36 = vector.load %arg4[%get3A_34, %get3A_35] : memref<16x1xf32, #tpu.memory_space<vmem>>, vector<16x1xf32>
    %dot_general3A_37 = arith.constant dense<0.000000e+00> : vector<1x10000xf32>
    %dot_general3A_38 = tpu.matmul %get3A_36, %max3A_21, %dot_general3A_37 {dimension_numbers = #tpu.dot_dimension_numbers<[0], [0], [1], [1], [0, 1, 1, 1], [], []>, transpose_lhs_hint = false} : vector<16x1xf32>, vector<16x10000xf32>, vector<1x10000xf32> -> vector<1x10000xf32>
    %swap3A_39 = arith.constant 0 : index
    %swap3A_40 = arith.constant 0 : index
    %swap3A_41 = vector.load %arg8[%swap3A_39, %swap3A_40] : memref<1x10000xf32, #tpu.memory_space<vmem>>, vector<1x10000xf32>
    tpu.vector_store %arg8[%swap3A_39, %swap3A_40], %dot_general3A_38 {strides = array<i32>} : memref<1x10000xf32, #tpu.memory_space<vmem>>, vector<1x10000xf32>,
    %get3A_42 = arith.constant 0 : index
    %get3A_43 = arith.constant 0 : index
    %get3A_44 = vector.load %arg5[%get3A_42, %get3A_43] : memref<16x1xf32, #tpu.memory_space<vmem>>, vector<16x1xf32>
    %dot_general3A_45 = arith.constant dense<0.000000e+00> : vector<1x10000xf32>
    %dot_general3A_46 = tpu.matmul %get3A_44, %max3A_21, %dot_general3A_45 {dimension_numbers = #tpu.dot_dimension_numbers<[0], [0], [1], [1], [0, 1, 1, 1], [], []>, transpose_lhs_hint = false} : vector<16x1xf32>, vector<16x10000xf32>, vector<1x10000xf32> -> vector<1x10000xf32>
    %get3A_47 = arith.constant 0 : index
    %get3A_48 = arith.constant 0 : index
    %get3A_49 = vector.load %arg6[%get3A_47, %get3A_48] : memref<1x1xf32, #tpu.memory_space<vmem>>, vector<1x1xf32>
    %add3A_50 = vector.broadcast %get3A_49 : vector<1x1xf32> to vector<1x10000xf32>
    %add3A_51 = arith.addf %dot_general3A_46, %add3A_50 : vector<1x10000xf32>
    %swap3A_52 = arith.constant 0 : index
    %swap3A_53 = arith.constant 0 : index
    %swap3A_54 = vector.load %arg9[%swap3A_52, %swap3A_53] : memref<1x10000xf32, #tpu.memory_space<vmem>>, vector<1x10000xf32>
    tpu.vector_store %arg9[%swap3A_52, %swap3A_53], %add3A_51 {strides = array<i32>} : memref<1x10000xf32, #tpu.memory_space<vmem>>, vector<1x10000xf32>,
    return
  }
}

module attributes {stable_mosaic.version = 14 : i64} {
  func.func @f(%arg0: memref<32x10000xf32, #tpu.memory_space<vmem>>, %arg1: memref<10000x16xf32, #tpu.memory_space<vmem>>, %arg2: memref<10000x16xf32, #tpu.memory_space<vmem>>, %arg3: memref<1x10000xf32, #tpu.memory_space<vmem>>) attributes {dimension_semantics = [], scalar_prefetch = 0 : i64, scratch_operands = 0 : i64, tpu.core_type = #tpu.core_type<tc>} {
    %get3A = arith.constant 0 : index
    %get3A_0 = arith.constant 0 : index
    %get3A_1 = vector.load %arg0[%get3A, %get3A_0] : memref<32x10000xf32, #tpu.memory_space<vmem>>, vector<32x10000xf32>
    %reduce_sum3A = arith.constant dense<0.000000e+00> : vector<10000xf32>
    %reduce_sum3A_2 = vector.multi_reduction <add>, %get3A_1, %reduce_sum3A [0] : vector<32x10000xf32> to vector<10000xf32>
    %broadcast_in_dim3A = vector.shape_cast %reduce_sum3A_2 : vector<10000xf32> to vector<1x10000xf32>
    %add3A = arith.constant 1.000000e+00 : f32
    %add3A_3 = vector.broadcast %add3A : f32 to vector<1x10000xf32>
    %add3A_4 = arith.addf %broadcast_in_dim3A, %add3A_3 : vector<1x10000xf32>
    %rsqrt3A = math.rsqrt %add3A_4 : vector<1x10000xf32>
    %get3A_5 = arith.constant 0 : index
    %get3A_6 = arith.constant 0 : index
    %get3A_7 = vector.load %arg1[%get3A_5, %get3A_6] : memref<10000x16xf32, #tpu.memory_space<vmem>>, vector<10000x16xf32>
    %iota3A = tpu.iota {dimensions = array<i32: 0>} : vector<16x16xi32>
    %iota3A_8 = tpu.iota {dimensions = array<i32: 1>} : vector<16x16xi32>
    %eq3A = arith.cmpi eq, %iota3A, %iota3A_8 : vector<16x16xi32>
    %jit3A = arith.constant 1.000000e+00 : f32
    %jit3A_9 = arith.constant 0.000000e+00 : f32
    %broadcast_in_dim3A_10 = vector.broadcast %jit3A : f32 to vector<16x16xf32>
    %broadcast_in_dim3A_11 = vector.broadcast %jit3A_9 : f32 to vector<16x16xf32>
    %select_n3A = arith.select %eq3A, %broadcast_in_dim3A_10, %broadcast_in_dim3A_11 : vector<16x16xi1>, vector<16x16xf32>
    %dot_general3A = arith.constant dense<0.000000e+00> : vector<16x10000xf32>
    %dot_general3A_12 = tpu.matmul %select_n3A, %get3A_7, %dot_general3A {dimension_numbers = #tpu.dot_dimension_numbers<[1], [1], [0], [0], [0, 0, 1, 0], [], []>, transpose_lhs_hint = false} : vector<16x16xf32>, vector<10000x16xf32>, vector<16x10000xf32> -> vector<16x10000xf32>
    %mul3A = vector.broadcast %rsqrt3A : vector<1x10000xf32> to vector<16x10000xf32>
    %mul3A_13 = arith.mulf %dot_general3A_12, %mul3A : vector<16x10000xf32>
    %iota3A_14 = tpu.iota {dimensions = array<i32: 0>} : vector<16x16xi32>
    %iota3A_15 = tpu.iota {dimensions = array<i32: 1>} : vector<16x16xi32>
    %eq3A_16 = arith.cmpi eq, %iota3A_14, %iota3A_15 : vector<16x16xi32>
    %jit3A_17 = arith.constant 1.000000e+00 : f32
    %jit3A_18 = arith.constant 0.000000e+00 : f32
    %broadcast_in_dim3A_19 = vector.broadcast %jit3A_17 : f32 to vector<16x16xf32>
    %broadcast_in_dim3A_20 = vector.broadcast %jit3A_18 : f32 to vector<16x16xf32>
    %select_n3A_21 = arith.select %eq3A_16, %broadcast_in_dim3A_19, %broadcast_in_dim3A_20 : vector<16x16xi1>, vector<16x16xf32>
    %dot_general3A_22 = arith.constant dense<0.000000e+00> : vector<10000x16xf32>
    %dot_general3A_23 = tpu.matmul %mul3A_13, %select_n3A_21, %dot_general3A_22 {dimension_numbers = #tpu.dot_dimension_numbers<[0], [0], [1], [1], [0, 1, 1, 1], [], []>, transpose_lhs_hint = false} : vector<16x10000xf32>, vector<16x16xf32>, vector<10000x16xf32> -> vector<10000x16xf32>
    %swap3A = arith.constant 0 : index
    %swap3A_24 = arith.constant 0 : index
    %swap3A_25 = vector.load %arg2[%swap3A, %swap3A_24] : memref<10000x16xf32, #tpu.memory_space<vmem>>, vector<10000x16xf32>
    tpu.vector_store %arg2[%swap3A, %swap3A_24], %dot_general3A_23 {strides = array<i32>} : memref<10000x16xf32, #tpu.memory_space<vmem>>, vector<10000x16xf32>,
    %swap3A_26 = arith.constant 0 : index
    %swap3A_27 = arith.constant 0 : index
    %swap3A_28 = vector.load %arg3[%swap3A_26, %swap3A_27] : memref<1x10000xf32, #tpu.memory_space<vmem>>, vector<1x10000xf32>
    tpu.vector_store %arg3[%swap3A_26, %swap3A_27], %rsqrt3A {strides = array<i32>} : memref<1x10000xf32, #tpu.memory_space<vmem>>, vector<1x10000xf32>,
    return
  }
}

module attributes {stable_mosaic.version = 14 : i64} {
  func.func @f(%arg0: memref<32x10000xf32, #tpu.memory_space<vmem>>, %arg1: memref<1x10000xf32, #tpu.memory_space<vmem>>, %arg2: memref<10000x16xf32, #tpu.memory_space<vmem>>, %arg3: memref<16x16xf32, #tpu.memory_space<vmem>>, %arg4: memref<1x10000xf32, #tpu.memory_space<vmem>>, %arg5: memref<10000x16xf32, #tpu.memory_space<vmem>>) attributes {dimension_semantics = [], scalar_prefetch = 0 : i64, scratch_operands = 0 : i64, tpu.core_type = #tpu.core_type<tc>} {
    %get3A = arith.constant 0 : index
    %get3A_0 = arith.constant 0 : index
    %get3A_1 = vector.load %arg0[%get3A, %get3A_0] : memref<32x10000xf32, #tpu.memory_space<vmem>>, vector<32x10000xf32>
    %reduce_sum3A = arith.constant dense<0.000000e+00> : vector<10000xf32>
    %reduce_sum3A_2 = vector.multi_reduction <add>, %get3A_1, %reduce_sum3A [0] : vector<32x10000xf32> to vector<10000xf32>
    %broadcast_in_dim3A = vector.shape_cast %reduce_sum3A_2 : vector<10000xf32> to vector<1x10000xf32>
    %get3A_3 = arith.constant 0 : index
    %get3A_4 = arith.constant 0 : index
    %get3A_5 = vector.load %arg1[%get3A_3, %get3A_4] : memref<1x10000xf32, #tpu.memory_space<vmem>>, vector<1x10000xf32>
    %add3A = arith.addf %broadcast_in_dim3A, %get3A_5 : vector<1x10000xf32>
    %gt3A = arith.constant 0xFF800000 : f32
    %gt3A_6 = vector.broadcast %gt3A : f32 to vector<1x10000xf32>
    %gt3A_7 = arith.cmpf ogt, %add3A, %gt3A_6 : vector<1x10000xf32>
    %bitcast_convert_type3A = tpu.bitcast %add3A : vector<1x10000xf32> -> vector<1x10000xi32>
    %ge3A = arith.constant 0 : i32
    %ge3A_8 = vector.broadcast %ge3A : i32 to vector<1x10000xi32>
    %ge3A_9 = arith.cmpi sge, %bitcast_convert_type3A, %ge3A_8 : vector<1x10000xi32>
    %sub3A = arith.constant -2147483648 : i32
    %sub3A_10 = vector.broadcast %sub3A : i32 to vector<1x10000xi32>
    %sub3A_11 = arith.subi %sub3A_10, %bitcast_convert_type3A : vector<1x10000xi32>
    %select_n3A = arith.select %ge3A_9, %bitcast_convert_type3A, %sub3A_11 : vector<1x10000xi1>, vector<1x10000xi32>
    %ge3A_12 = arith.constant 0 : i32
    %ge3A_13 = vector.broadcast %ge3A_12 : i32 to vector<1x10000xi32>
    %ge3A_14 = arith.cmpi sge, %select_n3A, %ge3A_13 : vector<1x10000xi32>
    %and3A = arith.andi %ge3A_14, %gt3A_7 : vector<1x10000xi1>
    %jit3A = arith.constant 1 : i32
    %jit3A_15 = arith.constant 0 : i32
    %broadcast_in_dim3A_16 = vector.broadcast %jit3A : i32 to vector<1x10000xi32>
    %broadcast_in_dim3A_17 = vector.broadcast %jit3A_15 : i32 to vector<1x10000xi32>
    %select_n3A_18 = arith.select %and3A, %broadcast_in_dim3A_16, %broadcast_in_dim3A_17 : vector<1x10000xi1>, vector<1x10000xi32>
    %reduce_sum3A_19 = vector.shape_cast %select_n3A_18 : vector<1x10000xi32> to vector<1x1x10000xi32>
    %reduce_sum3A_20 = arith.constant dense<0> : vector<1xi32>
    %reduce_sum3A_21 = vector.multi_reduction <add>, %reduce_sum3A_19, %reduce_sum3A_20 [1, 2] : vector<1x1x10000xi32> to vector<1xi32>
    %reduce_sum3A_22 = vector.shape_cast %reduce_sum3A_21 : vector<1xi32> to vector<1x1x1xi32>
    %reduce_sum3A_23 = vector.extract %reduce_sum3A_22[0, 0, 0] : i32 from vector<1x1x1xi32>
    %ge3A_24 = arith.constant 2500 : i32
    %ge3A_25 = arith.cmpi sge, %reduce_sum3A_23, %ge3A_24 : i32
    %jit3A_26 = arith.constant 0 : i32
    %jit3A_27 = arith.constant -2147483648 : i32
    %select_n3A_28 = arith.select %ge3A_25, %jit3A_26, %jit3A_27 : i32
    %scan3A = arith.constant 0 : i32
    %scan3A_29 = arith.constant 31 : i32
    %scan3A_30 = arith.addi %scan3A, %scan3A_29 : i32
    %scan3A_31 = arith.constant 1 : i32
    %scan3A_32 = scf.for %scan3A_104 = %scan3A to %scan3A_30 step %scan3A_31 iter_args(%scan3A_105 = %select_n3A_28) -> (i32)  : i32 {
      %sub3A_106 = arith.constant 30 : i32
      %sub3A_107 = arith.subi %sub3A_106, %scan3A_104 : i32
      %shift_left3A = arith.constant 1 : i32
      %shift_left3A_108 = arith.shli %shift_left3A, %sub3A_107 : i32
      %or3A_109 = arith.ori %scan3A_105, %shift_left3A_108 : i32
      %ge3A_110 = vector.broadcast %or3A_109 : i32 to vector<1x10000xi32>
      %ge3A_111 = arith.cmpi sge, %select_n3A, %ge3A_110 : vector<1x10000xi32>
      %and3A_112 = arith.andi %ge3A_111, %gt3A_7 : vector<1x10000xi1>
      %jit3A_113 = arith.constant 1 : i32
      %jit3A_114 = arith.constant 0 : i32
      %broadcast_in_dim3A_115 = vector.broadcast %jit3A_113 : i32 to vector<1x10000xi32>
      %broadcast_in_dim3A_116 = vector.broadcast %jit3A_114 : i32 to vector<1x10000xi32>
      %select_n3A_117 = arith.select %and3A_112, %broadcast_in_dim3A_115, %broadcast_in_dim3A_116 : vector<1x10000xi1>, vector<1x10000xi32>
      %reduce_sum3A_118 = vector.shape_cast %select_n3A_117 : vector<1x10000xi32> to vector<1x1x10000xi32>
      %reduce_sum3A_119 = arith.constant dense<0> : vector<1xi32>
      %reduce_sum3A_120 = vector.multi_reduction <add>, %reduce_sum3A_118, %reduce_sum3A_119 [1, 2] : vector<1x1x10000xi32> to vector<1xi32>
      %reduce_sum3A_121 = vector.shape_cast %reduce_sum3A_120 : vector<1xi32> to vector<1x1x1xi32>
      %reduce_sum3A_122 = vector.extract %reduce_sum3A_121[0, 0, 0] : i32 from vector<1x1x1xi32>
      %ge3A_123 = arith.constant 2500 : i32
      %ge3A_124 = arith.cmpi sge, %reduce_sum3A_122, %ge3A_123 : i32
      %select_n3A_125 = arith.select %ge3A_124, %or3A_109, %scan3A_105 : i32
      scf.yield %select_n3A_125 : i32
    }
    %scan3A_33 = arith.constant 31 : i32
    %gt3A_34 = vector.broadcast %scan3A_32 : i32 to vector<1x10000xi32>
    %gt3A_35 = arith.cmpi sgt, %select_n3A, %gt3A_34 : vector<1x10000xi32>
    %and3A_36 = arith.andi %gt3A_35, %gt3A_7 : vector<1x10000xi1>
    %jit3A_37 = arith.constant 1 : i32
    %jit3A_38 = arith.constant 0 : i32
    %broadcast_in_dim3A_39 = vector.broadcast %jit3A_37 : i32 to vector<1x10000xi32>
    %broadcast_in_dim3A_40 = vector.broadcast %jit3A_38 : i32 to vector<1x10000xi32>
    %select_n3A_41 = arith.select %and3A_36, %broadcast_in_dim3A_39, %broadcast_in_dim3A_40 : vector<1x10000xi1>, vector<1x10000xi32>
    %reduce_sum3A_42 = vector.shape_cast %select_n3A_41 : vector<1x10000xi32> to vector<1x1x10000xi32>
    %reduce_sum3A_43 = arith.constant dense<0> : vector<1xi32>
    %reduce_sum3A_44 = vector.multi_reduction <add>, %reduce_sum3A_42, %reduce_sum3A_43 [1, 2] : vector<1x1x10000xi32> to vector<1xi32>
    %reduce_sum3A_45 = vector.shape_cast %reduce_sum3A_44 : vector<1xi32> to vector<1x1x1xi32>
    %reduce_sum3A_46 = vector.extract %reduce_sum3A_45[0, 0, 0] : i32 from vector<1x1x1xi32>
    %sub3A_47 = arith.constant 2500 : i32
    %sub3A_48 = arith.subi %sub3A_47, %reduce_sum3A_46 : i32
    %eq3A = vector.broadcast %scan3A_32 : i32 to vector<1x10000xi32>
    %eq3A_49 = arith.cmpi eq, %select_n3A, %eq3A : vector<1x10000xi32>
    %and3A_50 = arith.andi %gt3A_7, %eq3A_49 : vector<1x10000xi1>
    %iota3A = tpu.iota {dimensions = array<i32: 1>} : vector<1x10000xi32>
    %scan3A_51 = arith.constant 0 : i32
    %scan3A_52 = arith.constant 9999 : i32
    %scan3A_53 = arith.constant 0 : i32
    %scan3A_54 = arith.constant 14 : i32
    %scan3A_55 = arith.addi %scan3A_53, %scan3A_54 : i32
    %scan3A_56 = arith.constant 1 : i32
    %scan3A_57:2 = scf.for %scan3A_104 = %scan3A_53 to %scan3A_55 step %scan3A_56 iter_args(%scan3A_105 = %scan3A_51, %scan3A_106 = %scan3A_52) -> (i32, i32)  : i32 {
      %add3A_107 = arith.addi %scan3A_105, %scan3A_106 : i32
      %jit3A_108 = arith.constant 2 : i32
      %div3A = arith.divsi %add3A_107, %jit3A_108 : i32
      %sign3A = arith.constant 0 : i32
      %sign3A_109 = arith.cmpi sgt, %add3A_107, %sign3A : i32
      %sign3A_110 = arith.extui %sign3A_109 : i1 to i32
      %sign3A_111 = arith.constant 0 : i32
      %sign3A_112 = arith.cmpi slt, %add3A_107, %sign3A_111 : i32
      %sign3A_113 = arith.extui %sign3A_112 : i1 to i32
      %sign3A_114 = arith.subi %sign3A_110, %sign3A_113 : i32
      %sign3A_115 = arith.constant 0 : i32
      %sign3A_116 = arith.cmpi sgt, %jit3A_108, %sign3A_115 : i32
      %sign3A_117 = arith.extui %sign3A_116 : i1 to i32
      %sign3A_118 = arith.constant 0 : i32
      %sign3A_119 = arith.cmpi slt, %jit3A_108, %sign3A_118 : i32
      %sign3A_120 = arith.extui %sign3A_119 : i1 to i32
      %sign3A_121 = arith.subi %sign3A_117, %sign3A_120 : i32
      %ne3A = arith.cmpi ne, %sign3A_114, %sign3A_121 : i32
      %rem3A = arith.remsi %add3A_107, %jit3A_108 : i32
      %ne3A_122 = arith.constant 0 : i32
      %ne3A_123 = arith.cmpi ne, %rem3A, %ne3A_122 : i32
      %and3A_124 = arith.andi %ne3A, %ne3A_123 : i1
      %sub3A_125 = arith.constant 1 : i32
      %sub3A_126 = arith.subi %div3A, %sub3A_125 : i32
      %select_n3A_127 = arith.select %and3A_124, %sub3A_126, %div3A : i32
      %le3A_128 = vector.broadcast %select_n3A_127 : i32 to vector<1x10000xi32>
      %le3A_129 = arith.cmpi sle, %iota3A, %le3A_128 : vector<1x10000xi32>
      %and3A_130 = arith.andi %and3A_50, %le3A_129 : vector<1x10000xi1>
      %jit3A_131 = arith.constant 1 : i32
      %jit3A_132 = arith.constant 0 : i32
      %broadcast_in_dim3A_133 = vector.broadcast %jit3A_131 : i32 to vector<1x10000xi32>
      %broadcast_in_dim3A_134 = vector.broadcast %jit3A_132 : i32 to vector<1x10000xi32>
      %select_n3A_135 = arith.select %and3A_130, %broadcast_in_dim3A_133, %broadcast_in_dim3A_134 : vector<1x10000xi1>, vector<1x10000xi32>
      %reduce_sum3A_136 = vector.shape_cast %select_n3A_135 : vector<1x10000xi32> to vector<1x1x10000xi32>
      %reduce_sum3A_137 = arith.constant dense<0> : vector<1xi32>
      %reduce_sum3A_138 = vector.multi_reduction <add>, %reduce_sum3A_136, %reduce_sum3A_137 [1, 2] : vector<1x1x10000xi32> to vector<1xi32>
      %reduce_sum3A_139 = vector.shape_cast %reduce_sum3A_138 : vector<1xi32> to vector<1x1x1xi32>
      %reduce_sum3A_140 = vector.extract %reduce_sum3A_139[0, 0, 0] : i32 from vector<1x1x1xi32>
      %ge3A_141 = arith.cmpi sge, %reduce_sum3A_140, %sub3A_48 : i32
      %add3A_142 = arith.constant 1 : i32
      %add3A_143 = arith.addi %select_n3A_127, %add3A_142 : i32
      %select_n3A_144 = arith.select %ge3A_141, %scan3A_105, %add3A_143 : i32
      %select_n3A_145 = arith.select %ge3A_141, %select_n3A_127, %scan3A_106 : i32
      scf.yield %select_n3A_144, %select_n3A_145 : i32, i32
    }
    %gt3A_58 = vector.broadcast %scan3A_32 : i32 to vector<1x10000xi32>
    %gt3A_59 = arith.cmpi sgt, %select_n3A, %gt3A_58 : vector<1x10000xi32>
    %and3A_60 = arith.andi %gt3A_7, %gt3A_59 : vector<1x10000xi1>
    %le3A = vector.broadcast %scan3A_57#0 : i32 to vector<1x10000xi32>
    %le3A_61 = arith.cmpi sle, %iota3A, %le3A : vector<1x10000xi32>
    %and3A_62 = arith.andi %and3A_50, %le3A_61 : vector<1x10000xi1>
    %or3A = arith.ori %and3A_60, %and3A_62 : vector<1x10000xi1>
    %tanh3A = math.tanh %add3A : vector<1x10000xf32>
    %jit3A_63 = arith.constant 0.000000e+00 : f32
    %broadcast_in_dim3A_64 = vector.broadcast %jit3A_63 : f32 to vector<1x10000xf32>
    %select_n3A_65 = arith.select %or3A, %tanh3A, %broadcast_in_dim3A_64 : vector<1x10000xi1>, vector<1x10000xf32>
    %get3A_66 = arith.constant 0 : index
    %get3A_67 = arith.constant 0 : index
    %get3A_68 = vector.load %arg2[%get3A_66, %get3A_67] : memref<10000x16xf32, #tpu.memory_space<vmem>>, vector<10000x16xf32>
    %iota3A_69 = tpu.iota {dimensions = array<i32: 0>} : vector<16x16xi32>
    %iota3A_70 = tpu.iota {dimensions = array<i32: 1>} : vector<16x16xi32>
    %eq3A_71 = arith.cmpi eq, %iota3A_69, %iota3A_70 : vector<16x16xi32>
    %jit3A_72 = arith.constant 1.000000e+00 : f32
    %jit3A_73 = arith.constant 0.000000e+00 : f32
    %broadcast_in_dim3A_74 = vector.broadcast %jit3A_72 : f32 to vector<16x16xf32>
    %broadcast_in_dim3A_75 = vector.broadcast %jit3A_73 : f32 to vector<16x16xf32>
    %select_n3A_76 = arith.select %eq3A_71, %broadcast_in_dim3A_74, %broadcast_in_dim3A_75 : vector<16x16xi1>, vector<16x16xf32>
    %dot_general3A = arith.constant dense<0.000000e+00> : vector<16x10000xf32>
    %dot_general3A_77 = tpu.matmul %select_n3A_76, %get3A_68, %dot_general3A {dimension_numbers = #tpu.dot_dimension_numbers<[1], [1], [0], [0], [0, 0, 1, 0], [], []>, transpose_lhs_hint = false} : vector<16x16xf32>, vector<10000x16xf32>, vector<16x10000xf32> -> vector<16x10000xf32>
    %mul3A = vector.broadcast %select_n3A_65 : vector<1x10000xf32> to vector<16x10000xf32>
    %mul3A_78 = arith.mulf %dot_general3A_77, %mul3A : vector<16x10000xf32>
    %get3A_79 = arith.constant 0 : index
    %get3A_80 = arith.constant 0 : index
    %get3A_81 = vector.load %arg3[%get3A_79, %get3A_80] : memref<16x16xf32, #tpu.memory_space<vmem>>, vector<16x16xf32>
    %dot_general3A_82 = arith.constant dense<0.000000e+00> : vector<16x10000xf32>
    %dot_general3A_83 = tpu.matmul %get3A_81, %mul3A_78, %dot_general3A_82 {dimension_numbers = #tpu.dot_dimension_numbers<[0], [0], [1], [1], [0, 1, 1, 1], [], []>, transpose_lhs_hint = false} : vector<16x16xf32>, vector<16x10000xf32>, vector<16x10000xf32> -> vector<16x10000xf32>
    %jit3A_84 = arith.constant 1.000000e+00 : f32
    %jit3A_85 = arith.constant 0.000000e+00 : f32
    %broadcast_in_dim3A_86 = vector.broadcast %jit3A_84 : f32 to vector<1x10000xf32>
    %broadcast_in_dim3A_87 = vector.broadcast %jit3A_85 : f32 to vector<1x10000xf32>
    %select_n3A_88 = arith.select %or3A, %broadcast_in_dim3A_86, %broadcast_in_dim3A_87 : vector<1x10000xi1>, vector<1x10000xf32>
    %swap3A = arith.constant 0 : index
    %swap3A_89 = arith.constant 0 : index
    %swap3A_90 = vector.load %arg4[%swap3A, %swap3A_89] : memref<1x10000xf32, #tpu.memory_space<vmem>>, vector<1x10000xf32>
    tpu.vector_store %arg4[%swap3A, %swap3A_89], %select_n3A_88 {strides = array<i32>} : memref<1x10000xf32, #tpu.memory_space<vmem>>, vector<1x10000xf32>,
    %iota3A_91 = tpu.iota {dimensions = array<i32: 0>} : vector<16x16xi32>
    %iota3A_92 = tpu.iota {dimensions = array<i32: 1>} : vector<16x16xi32>
    %eq3A_93 = arith.cmpi eq, %iota3A_91, %iota3A_92 : vector<16x16xi32>
    %jit3A_94 = arith.constant 1.000000e+00 : f32
    %jit3A_95 = arith.constant 0.000000e+00 : f32
    %broadcast_in_dim3A_96 = vector.broadcast %jit3A_94 : f32 to vector<16x16xf32>
    %broadcast_in_dim3A_97 = vector.broadcast %jit3A_95 : f32 to vector<16x16xf32>
    %select_n3A_98 = arith.select %eq3A_93, %broadcast_in_dim3A_96, %broadcast_in_dim3A_97 : vector<16x16xi1>, vector<16x16xf32>
    %dot_general3A_99 = arith.constant dense<0.000000e+00> : vector<10000x16xf32>
    %dot_general3A_100 = tpu.matmul %dot_general3A_83, %select_n3A_98, %dot_general3A_99 {dimension_numbers = #tpu.dot_dimension_numbers<[0], [0], [1], [1], [0, 1, 1, 1], [], []>, transpose_lhs_hint = false} : vector<16x10000xf32>, vector<16x16xf32>, vector<10000x16xf32> -> vector<10000x16xf32>
    %swap3A_101 = arith.constant 0 : index
    %swap3A_102 = arith.constant 0 : index
    %swap3A_103 = vector.load %arg5[%swap3A_101, %swap3A_102] : memref<10000x16xf32, #tpu.memory_space<vmem>>, vector<10000x16xf32>
    tpu.vector_store %arg5[%swap3A_101, %swap3A_102], %dot_general3A_100 {strides = array<i32>} : memref<10000x16xf32, #tpu.memory_space<vmem>>, vector<10000x16xf32>,
    return
  }
}

module attributes {stable_mosaic.version = 14 : i64} {
  func.func @f(%arg0: memref<2x10240x16xf32, #tpu.memory_space<vmem>>, %arg1: memref<10000x16xf32, #tpu.memory_space<vmem>>, %arg2: memref<1x10000xf32, #tpu.memory_space<vmem>>, %arg3: memref<16x1xf32, #tpu.memory_space<vmem>>, %arg4: memref<16x1xf32, #tpu.memory_space<vmem>>, %arg5: memref<16x1xf32, #tpu.memory_space<vmem>>, %arg6: memref<1x1xf32, #tpu.memory_space<vmem>>, %arg7: memref<1x10000xf32, #tpu.memory_space<vmem>>, %arg8: memref<16x10000xf32, #tpu.memory_space<vmem>>, %arg9: memref<1x10000xf32, #tpu.memory_space<vmem>>, %arg10: memref<1x10000xf32, #tpu.memory_space<vmem>>) attributes {dimension_semantics = [], scalar_prefetch = 0 : i64, scratch_operands = 0 : i64, tpu.core_type = #tpu.core_type<tc>} {
    %get3A = arith.constant 0 : index
    %get3A_0 = arith.constant 0 : index
    %get3A_1 = arith.constant 0 : index
    %get3A_2 = vector.load %arg0[%get3A, %get3A_0, %get3A_1] : memref<2x10240x16xf32, #tpu.memory_space<vmem>>, vector<2x10240x16xf32>
    %reduce_sum3A = arith.constant dense<0.000000e+00> : vector<10240x16xf32>
    %reduce_sum3A_3 = vector.multi_reduction <add>, %get3A_2, %reduce_sum3A [0] : vector<2x10240x16xf32> to vector<10240x16xf32>
    %slice3A = vector.extract_strided_slice %reduce_sum3A_3 {offsets = [0, 0], sizes = [10000, 16], strides = [1, 1]} : vector<10240x16xf32> to vector<10000x16xf32>
    %get3A_4 = arith.constant 0 : index
    %get3A_5 = arith.constant 0 : index
    %get3A_6 = vector.load %arg1[%get3A_4, %get3A_5] : memref<10000x16xf32, #tpu.memory_space<vmem>>, vector<10000x16xf32>
    %add3A = arith.addf %slice3A, %get3A_6 : vector<10000x16xf32>
    %get3A_7 = arith.constant 0 : index
    %get3A_8 = arith.constant 0 : index
    %get3A_9 = vector.load %arg2[%get3A_7, %get3A_8] : memref<1x10000xf32, #tpu.memory_space<vmem>>, vector<1x10000xf32>
    %iota3A = tpu.iota {dimensions = array<i32: 0>} : vector<16x16xi32>
    %iota3A_10 = tpu.iota {dimensions = array<i32: 1>} : vector<16x16xi32>
    %eq3A = arith.cmpi eq, %iota3A, %iota3A_10 : vector<16x16xi32>
    %jit3A = arith.constant 1.000000e+00 : f32
    %jit3A_11 = arith.constant 0.000000e+00 : f32
    %broadcast_in_dim3A = vector.broadcast %jit3A : f32 to vector<16x16xf32>
    %broadcast_in_dim3A_12 = vector.broadcast %jit3A_11 : f32 to vector<16x16xf32>
    %select_n3A = arith.select %eq3A, %broadcast_in_dim3A, %broadcast_in_dim3A_12 : vector<16x16xi1>, vector<16x16xf32>
    %dot_general3A = arith.constant dense<0.000000e+00> : vector<16x10000xf32>
    %dot_general3A_13 = tpu.matmul %select_n3A, %add3A, %dot_general3A {dimension_numbers = #tpu.dot_dimension_numbers<[1], [1], [0], [0], [0, 0, 1, 0], [], []>, transpose_lhs_hint = false} : vector<16x16xf32>, vector<10000x16xf32>, vector<16x10000xf32> -> vector<16x10000xf32>
    %mul3A = vector.broadcast %get3A_9 : vector<1x10000xf32> to vector<16x10000xf32>
    %mul3A_14 = arith.mulf %mul3A, %dot_general3A_13 : vector<16x10000xf32>
    %get3A_15 = arith.constant 0 : index
    %get3A_16 = arith.constant 0 : index
    %get3A_17 = vector.load %arg3[%get3A_15, %get3A_16] : memref<16x1xf32, #tpu.memory_space<vmem>>, vector<16x1xf32>
    %add3A_18 = vector.broadcast %get3A_17 : vector<16x1xf32> to vector<16x10000xf32>
    %add3A_19 = arith.addf %mul3A_14, %add3A_18 : vector<16x10000xf32>
    %swap3A = arith.constant 0 : index
    %swap3A_20 = arith.constant 0 : index
    %swap3A_21 = vector.load %arg8[%swap3A, %swap3A_20] : memref<16x10000xf32, #tpu.memory_space<vmem>>, vector<16x10000xf32>
    tpu.vector_store %arg8[%swap3A, %swap3A_20], %add3A_19 {strides = array<i32>} : memref<16x10000xf32, #tpu.memory_space<vmem>>, vector<16x10000xf32>,
    %get3A_22 = arith.constant 0 : index
    %get3A_23 = arith.constant 0 : index
    %get3A_24 = vector.load %arg4[%get3A_22, %get3A_23] : memref<16x1xf32, #tpu.memory_space<vmem>>, vector<16x1xf32>
    %dot_general3A_25 = arith.constant dense<0.000000e+00> : vector<1x10000xf32>
    %dot_general3A_26 = tpu.matmul %get3A_24, %add3A_19, %dot_general3A_25 {dimension_numbers = #tpu.dot_dimension_numbers<[0], [0], [1], [1], [0, 1, 1, 1], [], []>, transpose_lhs_hint = false} : vector<16x1xf32>, vector<16x10000xf32>, vector<1x10000xf32> -> vector<1x10000xf32>
    %get3A_27 = arith.constant 0 : index
    %get3A_28 = arith.constant 0 : index
    %get3A_29 = vector.load %arg7[%get3A_27, %get3A_28] : memref<1x10000xf32, #tpu.memory_space<vmem>>, vector<1x10000xf32>
    %mul3A_30 = arith.mulf %dot_general3A_26, %get3A_29 : vector<1x10000xf32>
    %swap3A_31 = arith.constant 0 : index
    %swap3A_32 = arith.constant 0 : index
    %swap3A_33 = vector.load %arg9[%swap3A_31, %swap3A_32] : memref<1x10000xf32, #tpu.memory_space<vmem>>, vector<1x10000xf32>
    tpu.vector_store %arg9[%swap3A_31, %swap3A_32], %mul3A_30 {strides = array<i32>} : memref<1x10000xf32, #tpu.memory_space<vmem>>, vector<1x10000xf32>,
    %get3A_34 = arith.constant 0 : index
    %get3A_35 = arith.constant 0 : index
    %get3A_36 = vector.load %arg5[%get3A_34, %get3A_35] : memref<16x1xf32, #tpu.memory_space<vmem>>, vector<16x1xf32>
    %dot_general3A_37 = arith.constant dense<0.000000e+00> : vector<1x10000xf32>
    %dot_general3A_38 = tpu.matmul %get3A_36, %add3A_19, %dot_general3A_37 {dimension_numbers = #tpu.dot_dimension_numbers<[0], [0], [1], [1], [0, 1, 1, 1], [], []>, transpose_lhs_hint = false} : vector<16x1xf32>, vector<16x10000xf32>, vector<1x10000xf32> -> vector<1x10000xf32>
    %get3A_39 = arith.constant 0 : index
    %get3A_40 = arith.constant 0 : index
    %get3A_41 = vector.load %arg6[%get3A_39, %get3A_40] : memref<1x1xf32, #tpu.memory_space<vmem>>, vector<1x1xf32>
    %add3A_42 = vector.broadcast %get3A_41 : vector<1x1xf32> to vector<1x10000xf32>
    %add3A_43 = arith.addf %dot_general3A_38, %add3A_42 : vector<1x10000xf32>
    %swap3A_44 = arith.constant 0 : index
    %swap3A_45 = arith.constant 0 : index
    %swap3A_46 = vector.load %arg10[%swap3A_44, %swap3A_45] : memref<1x10000xf32, #tpu.memory_space<vmem>>, vector<1x10000xf32>
    tpu.vector_store %arg10[%swap3A_44, %swap3A_45], %add3A_43 {strides = array<i32>} : memref<1x10000xf32, #tpu.memory_space<vmem>>, vector<1x10000xf32>,
    return
  }
}

module attributes {stable_mosaic.version = 14 : i64} {
  func.func @f(%arg0: memref<32x10000xf32, #tpu.memory_space<vmem>>, %arg1: memref<1x10000xf32, #tpu.memory_space<vmem>>, %arg2: memref<16x10000xf32, #tpu.memory_space<vmem>>, %arg3: memref<1x10000xf32, #tpu.memory_space<vmem>>, %arg4: memref<1x10xf32, #tpu.memory_space<vmem>>) attributes {dimension_semantics = [], scalar_prefetch = 0 : i64, scratch_operands = 0 : i64, tpu.core_type = #tpu.core_type<tc>} {
    %get3A = arith.constant 0 : index
    %get3A_0 = arith.constant 0 : index
    %get3A_1 = vector.load %arg0[%get3A, %get3A_0] : memref<32x10000xf32, #tpu.memory_space<vmem>>, vector<32x10000xf32>
    %reduce_sum3A = arith.constant dense<0.000000e+00> : vector<10000xf32>
    %reduce_sum3A_2 = vector.multi_reduction <add>, %get3A_1, %reduce_sum3A [0] : vector<32x10000xf32> to vector<10000xf32>
    %broadcast_in_dim3A = vector.shape_cast %reduce_sum3A_2 : vector<10000xf32> to vector<1x10000xf32>
    %get3A_3 = arith.constant 0 : index
    %get3A_4 = arith.constant 0 : index
    %get3A_5 = vector.load %arg1[%get3A_3, %get3A_4] : memref<1x10000xf32, #tpu.memory_space<vmem>>, vector<1x10000xf32>
    %add3A = arith.addf %broadcast_in_dim3A, %get3A_5 : vector<1x10000xf32>
    %get3A_6 = arith.constant 0 : index
    %get3A_7 = arith.constant 0 : index
    %get3A_8 = vector.load %arg3[%get3A_6, %get3A_7] : memref<1x10000xf32, #tpu.memory_space<vmem>>, vector<1x10000xf32>
    %gt3A = arith.constant 5.000000e-01 : f32
    %gt3A_9 = vector.broadcast %gt3A : f32 to vector<1x10000xf32>
    %gt3A_10 = arith.cmpf ogt, %get3A_8, %gt3A_9 : vector<1x10000xf32>
    %bitcast_convert_type3A = tpu.bitcast %add3A : vector<1x10000xf32> -> vector<1x10000xi32>
    %ge3A = arith.constant 0 : i32
    %ge3A_11 = vector.broadcast %ge3A : i32 to vector<1x10000xi32>
    %ge3A_12 = arith.cmpi sge, %bitcast_convert_type3A, %ge3A_11 : vector<1x10000xi32>
    %sub3A = arith.constant -2147483648 : i32
    %sub3A_13 = vector.broadcast %sub3A : i32 to vector<1x10000xi32>
    %sub3A_14 = arith.subi %sub3A_13, %bitcast_convert_type3A : vector<1x10000xi32>
    %select_n3A = arith.select %ge3A_12, %bitcast_convert_type3A, %sub3A_14 : vector<1x10000xi1>, vector<1x10000xi32>
    %ge3A_15 = arith.constant 0 : i32
    %ge3A_16 = vector.broadcast %ge3A_15 : i32 to vector<1x10000xi32>
    %ge3A_17 = arith.cmpi sge, %select_n3A, %ge3A_16 : vector<1x10000xi32>
    %and3A = arith.andi %ge3A_17, %gt3A_10 : vector<1x10000xi1>
    %jit3A = arith.constant 1 : i32
    %jit3A_18 = arith.constant 0 : i32
    %broadcast_in_dim3A_19 = vector.broadcast %jit3A : i32 to vector<1x10000xi32>
    %broadcast_in_dim3A_20 = vector.broadcast %jit3A_18 : i32 to vector<1x10000xi32>
    %select_n3A_21 = arith.select %and3A, %broadcast_in_dim3A_19, %broadcast_in_dim3A_20 : vector<1x10000xi1>, vector<1x10000xi32>
    %reduce_sum3A_22 = vector.shape_cast %select_n3A_21 : vector<1x10000xi32> to vector<1x1x10000xi32>
    %reduce_sum3A_23 = arith.constant dense<0> : vector<1xi32>
    %reduce_sum3A_24 = vector.multi_reduction <add>, %reduce_sum3A_22, %reduce_sum3A_23 [1, 2] : vector<1x1x10000xi32> to vector<1xi32>
    %reduce_sum3A_25 = vector.shape_cast %reduce_sum3A_24 : vector<1xi32> to vector<1x1x1xi32>
    %reduce_sum3A_26 = vector.extract %reduce_sum3A_25[0, 0, 0] : i32 from vector<1x1x1xi32>
    %ge3A_27 = arith.constant 625 : i32
    %ge3A_28 = arith.cmpi sge, %reduce_sum3A_26, %ge3A_27 : i32
    %jit3A_29 = arith.constant 0 : i32
    %jit3A_30 = arith.constant -2147483648 : i32
    %select_n3A_31 = arith.select %ge3A_28, %jit3A_29, %jit3A_30 : i32
    %scan3A = arith.constant 0 : i32
    %scan3A_32 = arith.constant 31 : i32
    %scan3A_33 = arith.addi %scan3A, %scan3A_32 : i32
    %scan3A_34 = arith.constant 1 : i32
    %scan3A_35 = scf.for %scan3A_104 = %scan3A to %scan3A_33 step %scan3A_34 iter_args(%scan3A_105 = %select_n3A_31) -> (i32)  : i32 {
      %sub3A_106 = arith.constant 30 : i32
      %sub3A_107 = arith.subi %sub3A_106, %scan3A_104 : i32
      %shift_left3A = arith.constant 1 : i32
      %shift_left3A_108 = arith.shli %shift_left3A, %sub3A_107 : i32
      %or3A_109 = arith.ori %scan3A_105, %shift_left3A_108 : i32
      %ge3A_110 = vector.broadcast %or3A_109 : i32 to vector<1x10000xi32>
      %ge3A_111 = arith.cmpi sge, %select_n3A, %ge3A_110 : vector<1x10000xi32>
      %and3A_112 = arith.andi %ge3A_111, %gt3A_10 : vector<1x10000xi1>
      %jit3A_113 = arith.constant 1 : i32
      %jit3A_114 = arith.constant 0 : i32
      %broadcast_in_dim3A_115 = vector.broadcast %jit3A_113 : i32 to vector<1x10000xi32>
      %broadcast_in_dim3A_116 = vector.broadcast %jit3A_114 : i32 to vector<1x10000xi32>
      %select_n3A_117 = arith.select %and3A_112, %broadcast_in_dim3A_115, %broadcast_in_dim3A_116 : vector<1x10000xi1>, vector<1x10000xi32>
      %reduce_sum3A_118 = vector.shape_cast %select_n3A_117 : vector<1x10000xi32> to vector<1x1x10000xi32>
      %reduce_sum3A_119 = arith.constant dense<0> : vector<1xi32>
      %reduce_sum3A_120 = vector.multi_reduction <add>, %reduce_sum3A_118, %reduce_sum3A_119 [1, 2] : vector<1x1x10000xi32> to vector<1xi32>
      %reduce_sum3A_121 = vector.shape_cast %reduce_sum3A_120 : vector<1xi32> to vector<1x1x1xi32>
      %reduce_sum3A_122 = vector.extract %reduce_sum3A_121[0, 0, 0] : i32 from vector<1x1x1xi32>
      %ge3A_123 = arith.constant 625 : i32
      %ge3A_124 = arith.cmpi sge, %reduce_sum3A_122, %ge3A_123 : i32
      %select_n3A_125 = arith.select %ge3A_124, %or3A_109, %scan3A_105 : i32
      scf.yield %select_n3A_125 : i32
    }
    %scan3A_36 = arith.constant 31 : i32
    %gt3A_37 = vector.broadcast %scan3A_35 : i32 to vector<1x10000xi32>
    %gt3A_38 = arith.cmpi sgt, %select_n3A, %gt3A_37 : vector<1x10000xi32>
    %and3A_39 = arith.andi %gt3A_38, %gt3A_10 : vector<1x10000xi1>
    %jit3A_40 = arith.constant 1 : i32
    %jit3A_41 = arith.constant 0 : i32
    %broadcast_in_dim3A_42 = vector.broadcast %jit3A_40 : i32 to vector<1x10000xi32>
    %broadcast_in_dim3A_43 = vector.broadcast %jit3A_41 : i32 to vector<1x10000xi32>
    %select_n3A_44 = arith.select %and3A_39, %broadcast_in_dim3A_42, %broadcast_in_dim3A_43 : vector<1x10000xi1>, vector<1x10000xi32>
    %reduce_sum3A_45 = vector.shape_cast %select_n3A_44 : vector<1x10000xi32> to vector<1x1x10000xi32>
    %reduce_sum3A_46 = arith.constant dense<0> : vector<1xi32>
    %reduce_sum3A_47 = vector.multi_reduction <add>, %reduce_sum3A_45, %reduce_sum3A_46 [1, 2] : vector<1x1x10000xi32> to vector<1xi32>
    %reduce_sum3A_48 = vector.shape_cast %reduce_sum3A_47 : vector<1xi32> to vector<1x1x1xi32>
    %reduce_sum3A_49 = vector.extract %reduce_sum3A_48[0, 0, 0] : i32 from vector<1x1x1xi32>
    %sub3A_50 = arith.constant 625 : i32
    %sub3A_51 = arith.subi %sub3A_50, %reduce_sum3A_49 : i32
    %eq3A = vector.broadcast %scan3A_35 : i32 to vector<1x10000xi32>
    %eq3A_52 = arith.cmpi eq, %select_n3A, %eq3A : vector<1x10000xi32>
    %and3A_53 = arith.andi %gt3A_10, %eq3A_52 : vector<1x10000xi1>
    %iota3A = tpu.iota {dimensions = array<i32: 1>} : vector<1x10000xi32>
    %scan3A_54 = arith.constant 0 : i32
    %scan3A_55 = arith.constant 9999 : i32
    %scan3A_56 = arith.constant 0 : i32
    %scan3A_57 = arith.constant 14 : i32
    %scan3A_58 = arith.addi %scan3A_56, %scan3A_57 : i32
    %scan3A_59 = arith.constant 1 : i32
    %scan3A_60:2 = scf.for %scan3A_104 = %scan3A_56 to %scan3A_58 step %scan3A_59 iter_args(%scan3A_105 = %scan3A_54, %scan3A_106 = %scan3A_55) -> (i32, i32)  : i32 {
      %add3A_107 = arith.addi %scan3A_105, %scan3A_106 : i32
      %jit3A_108 = arith.constant 2 : i32
      %div3A = arith.divsi %add3A_107, %jit3A_108 : i32
      %sign3A = arith.constant 0 : i32
      %sign3A_109 = arith.cmpi sgt, %add3A_107, %sign3A : i32
      %sign3A_110 = arith.extui %sign3A_109 : i1 to i32
      %sign3A_111 = arith.constant 0 : i32
      %sign3A_112 = arith.cmpi slt, %add3A_107, %sign3A_111 : i32
      %sign3A_113 = arith.extui %sign3A_112 : i1 to i32
      %sign3A_114 = arith.subi %sign3A_110, %sign3A_113 : i32
      %sign3A_115 = arith.constant 0 : i32
      %sign3A_116 = arith.cmpi sgt, %jit3A_108, %sign3A_115 : i32
      %sign3A_117 = arith.extui %sign3A_116 : i1 to i32
      %sign3A_118 = arith.constant 0 : i32
      %sign3A_119 = arith.cmpi slt, %jit3A_108, %sign3A_118 : i32
      %sign3A_120 = arith.extui %sign3A_119 : i1 to i32
      %sign3A_121 = arith.subi %sign3A_117, %sign3A_120 : i32
      %ne3A = arith.cmpi ne, %sign3A_114, %sign3A_121 : i32
      %rem3A = arith.remsi %add3A_107, %jit3A_108 : i32
      %ne3A_122 = arith.constant 0 : i32
      %ne3A_123 = arith.cmpi ne, %rem3A, %ne3A_122 : i32
      %and3A_124 = arith.andi %ne3A, %ne3A_123 : i1
      %sub3A_125 = arith.constant 1 : i32
      %sub3A_126 = arith.subi %div3A, %sub3A_125 : i32
      %select_n3A_127 = arith.select %and3A_124, %sub3A_126, %div3A : i32
      %le3A_128 = vector.broadcast %select_n3A_127 : i32 to vector<1x10000xi32>
      %le3A_129 = arith.cmpi sle, %iota3A, %le3A_128 : vector<1x10000xi32>
      %and3A_130 = arith.andi %and3A_53, %le3A_129 : vector<1x10000xi1>
      %jit3A_131 = arith.constant 1 : i32
      %jit3A_132 = arith.constant 0 : i32
      %broadcast_in_dim3A_133 = vector.broadcast %jit3A_131 : i32 to vector<1x10000xi32>
      %broadcast_in_dim3A_134 = vector.broadcast %jit3A_132 : i32 to vector<1x10000xi32>
      %select_n3A_135 = arith.select %and3A_130, %broadcast_in_dim3A_133, %broadcast_in_dim3A_134 : vector<1x10000xi1>, vector<1x10000xi32>
      %reduce_sum3A_136 = vector.shape_cast %select_n3A_135 : vector<1x10000xi32> to vector<1x1x10000xi32>
      %reduce_sum3A_137 = arith.constant dense<0> : vector<1xi32>
      %reduce_sum3A_138 = vector.multi_reduction <add>, %reduce_sum3A_136, %reduce_sum3A_137 [1, 2] : vector<1x1x10000xi32> to vector<1xi32>
      %reduce_sum3A_139 = vector.shape_cast %reduce_sum3A_138 : vector<1xi32> to vector<1x1x1xi32>
      %reduce_sum3A_140 = vector.extract %reduce_sum3A_139[0, 0, 0] : i32 from vector<1x1x1xi32>
      %ge3A_141 = arith.cmpi sge, %reduce_sum3A_140, %sub3A_51 : i32
      %add3A_142 = arith.constant 1 : i32
      %add3A_143 = arith.addi %select_n3A_127, %add3A_142 : i32
      %select_n3A_144 = arith.select %ge3A_141, %scan3A_105, %add3A_143 : i32
      %select_n3A_145 = arith.select %ge3A_141, %select_n3A_127, %scan3A_106 : i32
      scf.yield %select_n3A_144, %select_n3A_145 : i32, i32
    }
    %gt3A_61 = vector.broadcast %scan3A_35 : i32 to vector<1x10000xi32>
    %gt3A_62 = arith.cmpi sgt, %select_n3A, %gt3A_61 : vector<1x10000xi32>
    %and3A_63 = arith.andi %gt3A_10, %gt3A_62 : vector<1x10000xi1>
    %le3A = vector.broadcast %scan3A_60#0 : i32 to vector<1x10000xi32>
    %le3A_64 = arith.cmpi sle, %iota3A, %le3A : vector<1x10000xi32>
    %and3A_65 = arith.andi %and3A_53, %le3A_64 : vector<1x10000xi1>
    %or3A = arith.ori %and3A_63, %and3A_65 : vector<1x10000xi1>
    %tanh3A = math.tanh %add3A : vector<1x10000xf32>
    %jit3A_66 = arith.constant 0.000000e+00 : f32
    %broadcast_in_dim3A_67 = vector.broadcast %jit3A_66 : f32 to vector<1x10000xf32>
    %select_n3A_68 = arith.select %or3A, %tanh3A, %broadcast_in_dim3A_67 : vector<1x10000xi1>, vector<1x10000xf32>
    %get3A_69 = arith.constant 0 : index
    %get3A_70 = arith.constant 0 : index
    %get3A_71 = vector.load %arg2[%get3A_69, %get3A_70] : memref<16x10000xf32, #tpu.memory_space<vmem>>, vector<16x10000xf32>
    %mul3A = vector.broadcast %select_n3A_68 : vector<1x10000xf32> to vector<16x10000xf32>
    %mul3A_72 = arith.mulf %get3A_71, %mul3A : vector<16x10000xf32>
    %jit3A_73 = arith.constant 0.000000e+00 : f32
    %broadcast_in_dim3A_74 = vector.shape_cast %or3A : vector<1x10000xi1> to vector<1x10000xi1>
    %broadcast_in_dim3A_75 = vector.broadcast %broadcast_in_dim3A_74 : vector<1x10000xi1> to vector<16x10000xi1>
    %broadcast_in_dim3A_76 = vector.broadcast %jit3A_73 : f32 to vector<16x10000xf32>
    %select_n3A_77 = arith.select %broadcast_in_dim3A_75, %mul3A_72, %broadcast_in_dim3A_76 : vector<16x10000xi1>, vector<16x10000xf32>
    %reduce_sum3A_78 = arith.constant dense<0.000000e+00> : vector<16xf32>
    %reduce_sum3A_79 = vector.multi_reduction <add>, %select_n3A_77, %reduce_sum3A_78 [1] : vector<16x10000xf32> to vector<16xf32>
    %broadcast_in_dim3A_80 = vector.shape_cast %reduce_sum3A_79 : vector<16xf32> to vector<16x1xf32>
    %iota3A_81 = tpu.iota {dimensions = array<i32: 0>} : vector<16x16xi32>
    %iota3A_82 = tpu.iota {dimensions = array<i32: 1>} : vector<16x16xi32>
    %eq3A_83 = arith.cmpi eq, %iota3A_81, %iota3A_82 : vector<16x16xi32>
    %jit3A_84 = arith.constant 1.000000e+00 : f32
    %jit3A_85 = arith.constant 0.000000e+00 : f32
    %broadcast_in_dim3A_86 = vector.broadcast %jit3A_84 : f32 to vector<16x16xf32>
    %broadcast_in_dim3A_87 = vector.broadcast %jit3A_85 : f32 to vector<16x16xf32>
    %select_n3A_88 = arith.select %eq3A_83, %broadcast_in_dim3A_86, %broadcast_in_dim3A_87 : vector<16x16xi1>, vector<16x16xf32>
    %dot_general3A = arith.constant dense<0.000000e+00> : vector<1x16xf32>
    %dot_general3A_89 = tpu.matmul %broadcast_in_dim3A_80, %select_n3A_88, %dot_general3A {dimension_numbers = #tpu.dot_dimension_numbers<[0], [0], [1], [1], [0, 1, 1, 1], [], []>, transpose_lhs_hint = false} : vector<16x1xf32>, vector<16x16xf32>, vector<1x16xf32> -> vector<1x16xf32>
    %slice3A = vector.extract_strided_slice %dot_general3A_89 {offsets = [0, 0], sizes = [1, 10], strides = [1, 1]} : vector<1x16xf32> to vector<1x10xf32>
    %mul3A_90 = arith.constant 1.600000e-03 : f32
    %mul3A_91 = vector.broadcast %mul3A_90 : f32 to vector<1x10xf32>
    %mul3A_92 = arith.mulf %slice3A, %mul3A_91 : vector<1x10xf32>
    %reduce_max3A = arith.constant dense<0xFF800000> : vector<1xf32>
    %reduce_max3A_93 = vector.multi_reduction <maximumf>, %mul3A_92, %reduce_max3A [1] : vector<1x10xf32> to vector<1xf32>
    %broadcast_in_dim3A_94 = vector.shape_cast %reduce_max3A_93 : vector<1xf32> to vector<1x1xf32>
    %sub3A_95 = vector.broadcast %broadcast_in_dim3A_94 : vector<1x1xf32> to vector<1x10xf32>
    %sub3A_96 = arith.subf %mul3A_92, %sub3A_95 : vector<1x10xf32>
    %exp3A = math.exp %sub3A_96 : vector<1x10xf32>
    %reduce_sum3A_97 = arith.constant dense<0.000000e+00> : vector<1xf32>
    %reduce_sum3A_98 = vector.multi_reduction <add>, %exp3A, %reduce_sum3A_97 [1] : vector<1x10xf32> to vector<1xf32>
    %broadcast_in_dim3A_99 = vector.shape_cast %reduce_sum3A_98 : vector<1xf32> to vector<1x1xf32>
    %log3A = math.log %broadcast_in_dim3A_99 : vector<1x1xf32>
    %sub3A_100 = vector.broadcast %log3A : vector<1x1xf32> to vector<1x10xf32>
    %sub3A_101 = arith.subf %sub3A_96, %sub3A_100 : vector<1x10xf32>
    %swap3A = arith.constant 0 : index
    %swap3A_102 = arith.constant 0 : index
    %swap3A_103 = vector.load %arg4[%swap3A, %swap3A_102] : memref<1x10xf32, #tpu.memory_space<vmem>>, vector<1x10xf32>
    tpu.vector_store %arg4[%swap3A, %swap3A_102], %sub3A_101 {strides = array<i32>} : memref<1x10xf32, #tpu.memory_space<vmem>>, vector<1x10xf32>,
    return
  }
}

</mosaic_0001>

<sc_bundles>
// kernel: kernel.14.cloned.1.call-start
scs
__scs_entry_jumppad:
0x0: {  	(pc) =	sbr.rel $0x88, $3  }
0x1: {  	(tag) =	ssettag $0x0;
	lr =	simm.s32 $0x1  }
0x2: {  	[smem:$0x3F95] =	sst lr;
	_ =	strace $0xD0000000  }
0x3: {  	_ = 	snop  }
0x4: {  	_ = 	snop  }
0x5: {  	_ = 	snop  }
0x6: {  	_ = 	snop  }
0x7: {  	_ = 	snop  }
__scs_overlays_trampoline_lowered:
0x8: {  	[smem:$0x3FA4] =	sst s0  }
0x9: {  	[smem:$0x3FA5] =	sst s1  }
0xa: {  	[smem:$0x3FA6] =	sst s2  }
0xb: {  	[smem:$0x3FA7] =	sst s3  }
0xc: {  	[smem:$0x3FA8] =	sst s4  }
0xd: {  	[smem:$0x3FA9] =	sst s5  }
0xe: {  	[smem:$0x3FAA] =	sst s6  }
0xf: {  	[smem:$0x3FAB] =	sst s7  }
0x10: {  	[smem:$0x3FAC] =	sst s8  }
0x11: {  	[smem:$0x3FAD] =	sst s9;
	s0 =	simm.s32 @!p0 $0x0  }
0x12: {  	s1 =	sld [smem:$0x3F93];
	s0 =	simm.s32 @p0 $0x1  }
0x13: {  	[smem:$0x3FAE] =	sst s0;
	s0 =	simm.s32 @!p1 $0x0  }
0x14: {  	s2 =	sld [smem:$0x3F92];
	s0 =	simm.s32 @p1 $0x1  }
0x15: {  	[smem:$0x3FAF] =	sst s0;
	s0 =	simm.s32 @!p2 $0x0  }
0x16: {  	s3 =	sld [smem:$0x3FDB];
	s0 =	simm.s32 @p2 $0x1  }
0x17: {  	s4 =	simm.s32 $0x1BF5;
	[smem:$0x3FB1] =	sst s0  }
0x18: {  	s0 =	sld [smem:$0x3F94];
	_ =	swait.ge [sflag:s4], $0x0  }
0x19: {  	s7 =	sld [smem:$0x3F95]  }
0x1a: {  	s8 =	sadd.s32 $0xFFFFE003, lr  }
0x1b: {  	s9 =	sadd.s32 $0xFFFFFEF7, lr;
	s5 =	simm.s32 $0xFFFFFFFF;
	p2 =	slt.u32 s8, $0xFFFFF086  }
0x1c: {  	p1 =	slt.u32 s9, $0xF7A;
	s5 =	simm.s32 @!p2 $0x0  }
0x1d: {  	s5 =	simm.s32 @p1 $0x1;
	p0 =	seq.s32 s7, s2  }
0x1e: {  	s7 =	smul.u32 @!p0 $0xF7A, s2;
	p2 =	seq.s32 @!p0 s5, $0x0  }
0x1f: {  	s9 =	smul.u32 $0xF7A, s1;
	s8 =	simm.s32 @!p0 $0x1BF5;
	p2 =	por !p2, p0  }
0x20: {  	[sflag:s8] =	ssyncset.s32 @!p0 $0xFFFFF086;
	s6 =	sadd.s32 @!p0 s3, s7;
	s7 =	simm.s32 @!p0 $0x108  }
0x21: {  	s3 =	sadd.s32 s3, s9;
	s6 =	sadd.s32 @!p0 $0x88, s6;
	s7 =	simm.s32 @p2 $0x1082  }
0x22: {  	[simem:s7], [sflag:s8] =	dma.local @!p0 [hbm:s6], $0xF7A  }
0x23: {  	s9 =	sor.u32 $0xD0000000, s2;
	s6 =	simm.s32 $0x108;
	_ =	swait.ge @!p0 [sflag:s8], $0x0  }
0x24: {  	s3 =	sadd.s32 $0x88, s3;
	s6 =	simm.s32 @!p1 $0x1082;
	[sflag:s4] =	ssyncset.s32 $0xFFFFF086  }
0x25: {  	[simem:s6], [sflag:s4] =	dma.local [hbm:s3], $0xF7A  }
0x26: {  	[smem:$0x3F95] =	sst s1;
	(tag) =	ssettag s2;
	_ =	strace s9  }
0x27: {  	s1 =	sld [smem:$0x3FA5]  }
0x28: {  	s2 =	sld [smem:$0x3FA6]  }
0x29: {  	s4 =	sld [smem:$0x3FA8]  }
0x2a: {  	p0 =	seq.s32 s5, $0x0;
	s5 =	sld [smem:$0x3FA9]  }
0x2b: {  	s6 =	sld [smem:$0x3FAA]  }
0x2c: {  	s7 =	sld [smem:$0x3FAB]  }
0x2d: {  	s3 =	simm.s32 $0x108;
	s8 =	sld [smem:$0x3FAC]  }
0x2e: {  	s3 =	simm.s32 @!p0 $0x1082;
	s9 =	sld [smem:$0x3FAD]  }
0x2f: {  	lr =	sadd.s32 s0, s3;
	s0 =	sld [smem:$0x3FA4]  }
0x30: {  	s3 =	sld [smem:$0x3FA7]  }
0x31: {  	[smem:$0x3FB0] =	sst s10  }
0x32: {  	s10 =	sld [smem:$0x3FAE];
	_ =	sdelay $0x3  }
0x33: {  	p0 =	seq.s32 s10, $0x1;
	s10 =	sld [smem:$0x3FB0];
	_ =	sdelay $0x3  }
0x34: {  	[smem:$0x3FB0] =	sst s10  }
0x35: {  	s10 =	sld [smem:$0x3FAF];
	_ =	sdelay $0x3  }
0x36: {  	p1 =	seq.s32 s10, $0x1;
	s10 =	sld [smem:$0x3FB0];
	_ =	sdelay $0x3  }
0x37: {  	[smem:$0x3FB0] =	sst s10  }
0x38: {  	s10 =	sld [smem:$0x3FB1]  }
0x39: {  	_ = 	snop;
	(pc) =	sbr.ind lr, $3  }
0x3a: {  	_ = 	snop  }
0x3b: {  	_ = 	snop  }
0x3c: {  	p2 =	seq.s32 s10, $0x1;
	s10 =	sld [smem:$0x3FB0]  }
0x3d: {  	_ =	shalt  }
0x3e: {  	_ =	shalt  }
0x3f: {  	_ =	shalt  }
0x40: {  	_ =	shalt  }
0x41: {  	_ =	shalt  }
0x42: {  	_ =	shalt  }
0x43: {  	_ =	shalt  }
0x44: {  	_ =	shalt  }
0x45: {  	_ =	shalt  }
0x46: {  	_ =	shalt  }
0x47: {  	_ =	shalt  }
0x48: {  	_ =	shalt  }
0x49: {  	_ =	shalt  }
0x4a: {  	_ =	shalt  }
0x4b: {  	_ =	shalt  }
0x4c: {  	_ =	shalt  }
0x4d: {  	_ =	shalt  }
0x4e: {  	_ =	shalt  }
0x4f: {  	_ =	shalt  }
0x50: {  	_ =	shalt  }
0x51: {  	_ =	shalt  }
0x52: {  	_ =	shalt  }
0x53: {  	_ =	shalt  }
0x54: {  	_ =	shalt  }
0x55: {  	_ =	shalt  }
0x56: {  	_ =	shalt  }
0x57: {  	_ =	shalt  }
0x58: {  	_ =	shalt  }
0x59: {  	_ =	shalt  }
0x5a: {  	_ =	shalt  }
0x5b: {  	_ =	shalt  }
0x5c: {  	_ =	shalt  }
0x5d: {  	_ =	shalt  }
0x5e: {  	_ =	shalt  }
0x5f: {  	_ =	shalt  }
0x60: {  	_ =	shalt  }
0x61: {  	_ =	shalt  }
0x62: {  	_ =	shalt  }
0x63: {  	_ =	shalt  }
0x64: {  	_ =	shalt  }
0x65: {  	_ =	shalt  }
0x66: {  	_ =	shalt  }
0x67: {  	_ =	shalt  }
0x68: {  	_ =	shalt  }
0x69: {  	_ =	shalt  }
0x6a: {  	_ =	shalt  }
0x6b: {  	_ =	shalt  }
0x6c: {  	_ =	shalt  }
0x6d: {  	_ =	shalt  }
0x6e: {  	_ =	shalt  }
0x6f: {  	_ =	shalt  }
0x70: {  	_ =	shalt  }
0x71: {  	_ =	shalt  }
0x72: {  	_ =	shalt  }
0x73: {  	_ =	shalt  }
0x74: {  	_ =	shalt  }
0x75: {  	_ =	shalt  }
0x76: {  	_ =	shalt  }
0x77: {  	_ =	shalt  }
0x78: {  	_ =	shalt  }
0x79: {  	_ =	shalt  }
0x7a: {  	_ =	shalt  }
0x7b: {  	_ =	shalt  }
0x7c: {  	_ =	shalt  }
0x7d: {  	_ =	shalt  }
0x7e: {  	_ =	shalt  }
0x7f: {  	_ =	shalt  }
0x80: {  	_ =	shalt  }
0x81: {  	_ =	shalt  }
0x82: {  	_ =	shalt  }
0x83: {  	_ =	shalt  }
0x84: {  	_ =	shalt  }
0x85: {  	_ =	shalt  }
0x86: {  	_ =	shalt  }
0x87: {  	_ =	shalt  }
.Lfunc_end0:
.L_simem_size_0:
called_computation_lowered:
.L_overlay_start_0:
0x88: {  	s2 =	sld [smem:$0x3FD9]  }
0x89: {  	s3 =	sld [smem:$0x3FFE];
	_ =	sdelay $0x1  }
0x8a: {  	s1 =	srdreg.scid  }
0x8b: {  	s0 =	sand.u32 $0x1, s1  }
0x8c: {  	s16 =	sshll.u32 s0, $0xA;
	s2 =	sadd.s32 s3, s2  }
0x8d: {  	s2 =	sadd.s32 s2, s16  }
0x8e: {  	[smem:$0x3FBC] =	sst s2  }
0x8f: {  	_ = 	snop  }
0x90: {  	(tm) =	ssettm $0x1  }
0x91: {  	s17 =	sld [smem:$0x3FFB];
	_ =	sdelay $0x3  }
0x92: {  	_ =	strace s17  }
0x93: {  	s2 =	sld [smem:$0x3FFC];
	_ =	sdelay $0x3  }
0x94: {  	_ =	strace s2  }
0x95: {  	s2 =	sld [smem:$0x3FFD];
	_ =	sdelay $0x3  }
0x96: {  	_ =	strace s2  }
0x97: {  	_ =	strace $0x8FFFFFFF  }
0x98: {  	s18 =	sld [smem:$0x3FDB];
	_ =	sdelay $0x1  }
0x99: {  	s19 =	simm.s32 $_scs_section_size  }
0x9a: {  	s4 =	simm.s32 $_size__tile_overlayer_lowered;
	s5 =	simm.s32 $_tile_overlayer_lowered  }
0x9b: {  	s22 =	simm.s32 $0x1BFF;
	s21 =	sshll.u32 s5, $0x1;
	s2 =	sadd.s32 s19, s18  }
0x9c: {  	s6 =	simm.s32 $0x0;
	s20 =	sshll.u32 s4, $0x1;
	s4 =	sadd.s32 s21, s2  }
0x9d: {  	[timem:s6], [sflag:s22] =	dma.local [hbm:s4], s20  }
0x9e: {  	_ =	swait.ge [sflag:s22], s20  }
0x9f: {  	s3 =	ssub.s32 $0x0, s20;
	[sflag:s22] =	ssyncset.done $0x0  }
0xa0: {  	[sflag:s22] =	ssyncadd.s32 s3;
	_ =	sdelay $0x1  }
0xa1: {  	s23 =	simm.s32 $0x1B8B  }
0xa2: {  	_ =	swait.ge [sflag:s23], $0x1  }
0xa3: {  	[sflag:s23] =	ssyncset.done $0x0  }
0xa4: {  	s25 =	simm.s32 $0x1B8E;
	s24 =	sld [smem:$0x3FFE];
	[sflag:s23] =	ssyncadd.s32 $0xFFFFFFFF  }
0xa5: {  	s26 =	simm.s32 $execute0_lowered;
	[smem:$0x3FD2] =	sst s25  }
0xa6: {  	s4 =	sshll.u32 s26, $0x1;
	_ =	strace $0x80000046;
	[dreg:$0x1] =	wrdreg $0xFFFFFFFF  }
0xa7: {  	s28 =	simm.s32 $_size_execute0_lowered;
	s2 =	sadd.s32 s2, s4;
	[dreg:$0x0] =	wrdreg $0x0  }
0xa8: {  	s4 =	sshll.u32 s28, $0x1;
	[dreg:$0x2] =	wrdreg s2  }
0xa9: {  	[dreg:$0x3] =	wrdreg s4  }
0xaa: {  	[dreg:$0x4] =	wrdreg $0xC0  }
0xab: {  	_ =	task [dreg:s6], $0x5FFFF  }
0xac: {  	[dreg:$0x1] =	wrdreg $0xFFFFFFFF  }
0xad: {  	[dreg:$0x0] =	wrdreg $0x60  }
0xae: {  	[dreg:$0x2] =	wrdreg s24  }
0xaf: {  	[dreg:$0x3] =	wrdreg $0x9  }
0xb0: {  	_ =	task.clear_ibuf [dreg:s6], $0x4FFFF;
	_ =	strace $0x90000046  }
0xb1: {  	s29 =	simm.s32 $0x9;
	_ =	strace $0x80000048  }
0xb2: {  	_ =	swait.ge [sflag:s29], $0x1  }
0xb3: {  	[sflag:s29] =	ssyncadd.s32 $0xFFFFFFFF  }
0xb4: {  	_ =	strace $0x90000048  }
0xb5: {  	_ =	sfence  }
0xb6: {  	s30 =	sld [smem:$0x0];
	_ =	sdelay $0x2  }
0xb7: {  	s31 =	sshll.u32 s1, $0xD;
	s1 =	sshrl.u32 s1, $0x2  }
0xb8: {  	s3 =	sand.u32 $0x4000, s31;
	s1 =	sadd.s32 s1, s30  }
0xb9: {  	s0 =	sor.u32 s3, s0;
	s1 =	sshll.u32 s1, $0x11  }
0xba: {  	s0 =	sor.u32 s1, s0  }
0xbb: {  	s0 =	sadd.s32 $0x8F2B, s0  }
0xbc: {  	[sflag:s0] =	ssyncadd.remote.s32 $0x1  }
0xbd: {  	_ =	sfence.sel $0xFFFF  }
0xbe: {  	[dreg:$0x0] =	wrdreg $0xFFFFFFFF;
	(pc) =	sbr.abs _section_cstart, $3  }
0xbf: {  	[dreg:$0x1] =	wrdreg $0xFFFFFFFF  }
0xc0: {  	_ =	task.clear_ibuf [dreg:s6], $0x2FFFF;
	_ =	strace $0x9FFFFFFF  }
0xc1: {  	(tm) =	ssettm $0x7FFFFFFF  }
tec
execute0_lowered:
.L_overlay_start_1:
0x0: {  	(tag) =	ssettag $0x1  }
0x1: {  	s1 =	srdreg.scid;
	s0 =	stileid.u32  }
0x2: {  	s4 =	rddreg [dreg:$0x0];
	s2 =	simm.s32 $0x0;
	s9 =	simm.s32 $0x4E20  }
0x3: {  	s10 =	simm.s32 $0x1;
	s3 =	sand.u32 $0x1, s1;
	s30 =	sshll.u32 s0, $0x1  }
0x4: {  	s11 =	simm.s32 $0x7530;
	s12 =	simm.s32 $0x2;
	s5 =	sor.u32 s3, s30  }
0x5: {  	s13 =	simm.s32 $0x0;
	[smem:$0x7FF] =	sst s2;
	s5 =	smul.u32 $0x4E2, s5  }
0x6: {  	s1 =	rddreg [dreg:$0x1];
	s6 =	ssub.s32 $0x2, s3;
	_ =	strace $0x80000047  }
0x7: {  	s3 =	sadd.s32 $0x15A00, s4;
	s31 =	sshrl.u32 s6, $0x1;
	s7 =	sadd.s32 s5, s4  }
0x8: {  	s8 =	ssub.s32 s6, s31;
	s4 =	sadd.s32 $0xBC00, s7;
	s5 =	sadd.s32 $0x1E00, s7  }
0x9: {  	v0 =	vimm.f32 $0.0e+00;
	s6 =	sadd.s32 $0x16000, s7;
	s7 =	smax.u32 s8, $0x1;
	s8 =	simm.s32 $0x2710  }
.LBB2_1:
0xa: {  	[tilespmem:s2], [sflag:$0x1] =	stream.linear.gather [hbm4b:s3+s2], $0x2710, $0x38;
	[tilespmem:$0x9C40] =	vst v63  }
0xb: {  	_ = 	snop  }
0xc: {  	[tilespmem:s8], [sflag:$0x1] =	stream.linear.gather [hbm4b:s4+s2], $0x2710, $0x38;
	[tilespmem:$0x9C40] =	vst v63  }
0xd: {  	s15 =	simm.s32 $0x140;
	s14 =	simm.s32 $0x0  }
0xe: {  	[tilespmem:s9], [sflag:$0x1] =	stream.linear.gather [hbm4b:s5+s2], $0x2710, $0x38;
	[tilespmem:$0x9C40] =	vst v63  }
.LBB2_2:
0xf: {  	p0 =	sne.s32 s15, $0x9B00;
	[tilespmem:s14+$0x7570] =	vst v0;
	s16 =	smov.u32 s15;
	s15 =	sadd.s32 $0x140, s15  }
.Ltmp0:
0x10: {  	[tilespmem:s14+$0x7560] =	vst v0;
	(pc) =	sbr.rel @p0 .LBB2_2-.Ltmp0, $4  }
0x11: {  	[tilespmem:s14+$0x7550] =	vst v0  }
0x12: {  	[tilespmem:s14+$0x7530] =	vst v0  }
0x13: {  	[tilespmem:s14+$0x7540] =	vst v0  }
0x14: {  	s14 =	sshra.s32 s16, $0x2  }
0x15: {  	[tilespmem:s14+$0x7570] =	vst v0  }
0x16: {  	[tilespmem:s14+$0x7560] =	vst v0  }
0x17: {  	[tilespmem:s14+$0x7550] =	vst v0  }
0x18: {  	[tilespmem:s14+$0x7530] =	vst v0  }
0x19: {  	[tilespmem:s14+$0x7540] =	vst v0  }
0x1a: {  	_ =	swait.ge [sflag:s10], $0x2710  }
0x1b: {  	[sflag:s10] =	ssyncset.done $0x0  }
0x1c: {  	[sflag:s10] =	ssyncadd.s32 $0xFFFFD8F0  }
0x1d: {  	_ =	swait.ge [sflag:s10], $0x2710  }
0x1e: {  	[sflag:s10] =	ssyncset.done $0x0  }
0x1f: {  	[sflag:s10] =	ssyncadd.s32 $0xFFFFD8F0  }
0x20: {  	_ =	swait.ge [sflag:s10], $0x2710  }
0x21: {  	[sflag:s10] =	ssyncset.done $0x0  }
0x22: {  	s14 =	simm.s32 $0x0;
	[sflag:s10] =	ssyncadd.s32 $0xFFFFD8F0  }
.LBB2_4:
0x23: {  	s15 =	sshra.s32 s14, $0x2  }
0x24: {  	v1 =	vld [tilespmem:s15+$0x2710];
	_ =	sdelay $0x4  }
0x25: {  	v2 =	vld [tilespmem:s15+$0x4E20];
	_ =	sdelay $0x2  }
0x26: {  	v1 =	vld.idx.msk [tilespmem:v1+s2+$0x0], $0xffff;
	_ =	sdelay $0x4  }
0x27: {  	[tilespmem:v2+s11+$0x0] =	vst.idx.add.f32.msk $0xffff, v1  }
0x28: {  	v1 =	vld [tilespmem:s15+$0x2720];
	_ =	sdelay $0x4  }
0x29: {  	v2 =	vld [tilespmem:s15+$0x4E30];
	_ =	sdelay $0x2  }
0x2a: {  	v1 =	vld.idx.msk [tilespmem:v1+s2+$0x0], $0xffff;
	_ =	sdelay $0x4  }
0x2b: {  	[tilespmem:v2+s11+$0x0] =	vst.idx.add.f32.msk $0xffff, v1  }
0x2c: {  	v1 =	vld [tilespmem:s15+$0x2730];
	_ =	sdelay $0x4  }
0x2d: {  	v2 =	vld [tilespmem:s15+$0x4E40];
	_ =	sdelay $0x2  }
0x2e: {  	v1 =	vld.idx.msk [tilespmem:v1+s2+$0x0], $0xffff;
	_ =	sdelay $0x4  }
0x2f: {  	[tilespmem:v2+s11+$0x0] =	vst.idx.add.f32.msk $0xffff, v1  }
0x30: {  	v1 =	vld [tilespmem:s15+$0x2740];
	_ =	sdelay $0x4  }
0x31: {  	v2 =	vld [tilespmem:s15+$0x4E50];
	_ =	sdelay $0x2  }
0x32: {  	v1 =	vld.idx.msk [tilespmem:v1+s2+$0x0], $0xffff;
	_ =	sdelay $0x4  }
0x33: {  	[tilespmem:v2+s11+$0x0] =	vst.idx.add.f32.msk $0xffff, v1  }
0x34: {  	v1 =	vld [tilespmem:s15+$0x2750];
	_ =	sdelay $0x4  }
0x35: {  	v2 =	vld [tilespmem:s15+$0x4E60];
	_ =	sdelay $0x2  }
0x36: {  	p0 =	sne.s32 s14, $0x9B00;
	v1 =	vld.idx.msk [tilespmem:v1+s2+$0x0], $0xffff  }
.Ltmp1:
0x37: {  	_ = 	snop;
	(pc) =	sbr.rel @p0 .LBB2_4-.Ltmp1, $2  }
0x38: {  	_ =	sdelay $0x2  }
0x39: {  	s14 =	sadd.s32 $0x140, s14;
	[tilespmem:v2+s11+$0x0] =	vst.idx.add.f32.msk $0xffff, v1  }
0x3a: {  	s13 =	sadd.s32 $0x1, s13  }
0x3b: {  	p0 =	sne.s32 s13, s7  }
.Ltmp2:
0x3c: {  	_ = 	snop;
	(pc) =	sbr.rel @p0 .LBB2_1-.Ltmp2, $4  }
0x3d: {  	[hbm4b:s6+s2] =	stream.linear.scatter [tilespmem:s11], [sflag:$0x2], $0x2710, $0x38;
	[tilespmem:$0x9C40] =	vst v63  }
0x3e: {  	_ =	swait.ge [sflag:s12], $0x2710  }
0x3f: {  	[sflag:s12] =	ssyncset.done $0x0  }
0x40: {  	[sflag:s12] =	ssyncadd.s32 $0xFFFFD8F0  }
0x41: {  	_ =	sfence.sel $0x180000  }
0x42: {  	[bflag:$0x0] =	sbarrier.arrive $0xFFFF  }
0x43: {  	p0 =	sne.s32 s0, $0x0;
	_ =	strace $0x90000047  }
0x44: {  	s0 =	sadd.s32 @!p0 $0x100000, s1;
	[bflag:$0x2] =	sbarrier.arrive $0xFFFF  }
0x45: {  	[sflag:s0] =	ssyncadd.tile.s32 @!p0 $0x1;
	_ =	shalt  }
.Lfunc_end2:
_tile_overlayer_lowered:
.L_overlay_start_2:
0x46: {  	(tag) =	ssettag $0x2  }
0x47: {  	s0 =	rddreg [dreg:$0x0];
	s2 =	stileid.u32  }
0x48: {  	s1 =	rddreg [dreg:$0x1];
	p0 =	sne.s32 s2, $0x0  }
0x49: {  	s3 =	rddreg [dreg:$0x2];
	[bflag:$0x3] =	sbarrier.arrive $0xFFFF;
	s2 =	simm.s32 @!p0 $0x1C02  }
0x4a: {  	[timem:s3], [sflag:s2] =	dma.local @!p0 [hbm:s0], s1  }
0x4b: {  	s0 =	simm.s32 @!p0 $0x2  }
0x4c: {  	_ =	swait.ge @!p0 [sflag:s0], s1  }
0x4d: {  	s1 =	ssub.s32 @!p0 $0x0, s1;
	[sflag:s0] =	ssyncset.done @!p0 $0x0  }
0x4e: {  	[sflag:s0] =	ssyncadd.s32 @!p0 s1  }
0x4f: {  	[bflag:$0x3] =	sbarrier.arrive $0xFFFF  }
0x50: {  	_ =	shalt  }

// kernel: kernel.17.cloned.1.call-start
scs
__scs_entry_jumppad:
0x0: {  	(pc) =	sbr.rel $0x88, $3  }
0x1: {  	(tag) =	ssettag $0x0;
	lr =	simm.s32 $0x1  }
0x2: {  	[smem:$0x3F95] =	sst lr;
	_ =	strace $0xD0000000  }
0x3: {  	_ = 	snop  }
0x4: {  	_ = 	snop  }
0x5: {  	_ = 	snop  }
0x6: {  	_ = 	snop  }
0x7: {  	_ = 	snop  }
__scs_overlays_trampoline_lowered:
0x8: {  	[smem:$0x3FA4] =	sst s0  }
0x9: {  	[smem:$0x3FA5] =	sst s1  }
0xa: {  	[smem:$0x3FA6] =	sst s2  }
0xb: {  	[smem:$0x3FA7] =	sst s3  }
0xc: {  	[smem:$0x3FA8] =	sst s4  }
0xd: {  	[smem:$0x3FA9] =	sst s5  }
0xe: {  	[smem:$0x3FAA] =	sst s6  }
0xf: {  	[smem:$0x3FAB] =	sst s7  }
0x10: {  	[smem:$0x3FAC] =	sst s8  }
0x11: {  	[smem:$0x3FAD] =	sst s9;
	s0 =	simm.s32 @!p0 $0x0  }
0x12: {  	s1 =	sld [smem:$0x3F93];
	s0 =	simm.s32 @p0 $0x1  }
0x13: {  	[smem:$0x3FAE] =	sst s0;
	s0 =	simm.s32 @!p1 $0x0  }
0x14: {  	s2 =	sld [smem:$0x3F92];
	s0 =	simm.s32 @p1 $0x1  }
0x15: {  	[smem:$0x3FAF] =	sst s0;
	s0 =	simm.s32 @!p2 $0x0  }
0x16: {  	s3 =	sld [smem:$0x3FDB];
	s0 =	simm.s32 @p2 $0x1  }
0x17: {  	s4 =	simm.s32 $0x1BF5;
	[smem:$0x3FB1] =	sst s0  }
0x18: {  	s0 =	sld [smem:$0x3F94];
	_ =	swait.ge [sflag:s4], $0x0  }
0x19: {  	s7 =	sld [smem:$0x3F95]  }
0x1a: {  	s8 =	sadd.s32 $0xFFFFE003, lr  }
0x1b: {  	s9 =	sadd.s32 $0xFFFFFEF7, lr;
	s5 =	simm.s32 $0xFFFFFFFF;
	p2 =	slt.u32 s8, $0xFFFFF086  }
0x1c: {  	p1 =	slt.u32 s9, $0xF7A;
	s5 =	simm.s32 @!p2 $0x0  }
0x1d: {  	s5 =	simm.s32 @p1 $0x1;
	p0 =	seq.s32 s7, s2  }
0x1e: {  	s7 =	smul.u32 @!p0 $0xF7A, s2;
	p2 =	seq.s32 @!p0 s5, $0x0  }
0x1f: {  	s9 =	smul.u32 $0xF7A, s1;
	s8 =	simm.s32 @!p0 $0x1BF5;
	p2 =	por !p2, p0  }
0x20: {  	[sflag:s8] =	ssyncset.s32 @!p0 $0xFFFFF086;
	s6 =	sadd.s32 @!p0 s3, s7;
	s7 =	simm.s32 @!p0 $0x108  }
0x21: {  	s3 =	sadd.s32 s3, s9;
	s6 =	sadd.s32 @!p0 $0x88, s6;
	s7 =	simm.s32 @p2 $0x1082  }
0x22: {  	[simem:s7], [sflag:s8] =	dma.local @!p0 [hbm:s6], $0xF7A  }
0x23: {  	s9 =	sor.u32 $0xD0000000, s2;
	s6 =	simm.s32 $0x108;
	_ =	swait.ge @!p0 [sflag:s8], $0x0  }
0x24: {  	s3 =	sadd.s32 $0x88, s3;
	s6 =	simm.s32 @!p1 $0x1082;
	[sflag:s4] =	ssyncset.s32 $0xFFFFF086  }
0x25: {  	[simem:s6], [sflag:s4] =	dma.local [hbm:s3], $0xF7A  }
0x26: {  	[smem:$0x3F95] =	sst s1;
	(tag) =	ssettag s2;
	_ =	strace s9  }
0x27: {  	s1 =	sld [smem:$0x3FA5]  }
0x28: {  	s2 =	sld [smem:$0x3FA6]  }
0x29: {  	s4 =	sld [smem:$0x3FA8]  }
0x2a: {  	p0 =	seq.s32 s5, $0x0;
	s5 =	sld [smem:$0x3FA9]  }
0x2b: {  	s6 =	sld [smem:$0x3FAA]  }
0x2c: {  	s7 =	sld [smem:$0x3FAB]  }
0x2d: {  	s3 =	simm.s32 $0x108;
	s8 =	sld [smem:$0x3FAC]  }
0x2e: {  	s3 =	simm.s32 @!p0 $0x1082;
	s9 =	sld [smem:$0x3FAD]  }
0x2f: {  	lr =	sadd.s32 s0, s3;
	s0 =	sld [smem:$0x3FA4]  }
0x30: {  	s3 =	sld [smem:$0x3FA7]  }
0x31: {  	[smem:$0x3FB0] =	sst s10  }
0x32: {  	s10 =	sld [smem:$0x3FAE];
	_ =	sdelay $0x3  }
0x33: {  	p0 =	seq.s32 s10, $0x1;
	s10 =	sld [smem:$0x3FB0];
	_ =	sdelay $0x3  }
0x34: {  	[smem:$0x3FB0] =	sst s10  }
0x35: {  	s10 =	sld [smem:$0x3FAF];
	_ =	sdelay $0x3  }
0x36: {  	p1 =	seq.s32 s10, $0x1;
	s10 =	sld [smem:$0x3FB0];
	_ =	sdelay $0x3  }
0x37: {  	[smem:$0x3FB0] =	sst s10  }
0x38: {  	s10 =	sld [smem:$0x3FB1]  }
0x39: {  	_ = 	snop;
	(pc) =	sbr.ind lr, $3  }
0x3a: {  	_ = 	snop  }
0x3b: {  	_ = 	snop  }
0x3c: {  	p2 =	seq.s32 s10, $0x1;
	s10 =	sld [smem:$0x3FB0]  }
0x3d: {  	_ =	shalt  }
0x3e: {  	_ =	shalt  }
0x3f: {  	_ =	shalt  }
0x40: {  	_ =	shalt  }
0x41: {  	_ =	shalt  }
0x42: {  	_ =	shalt  }
0x43: {  	_ =	shalt  }
0x44: {  	_ =	shalt  }
0x45: {  	_ =	shalt  }
0x46: {  	_ =	shalt  }
0x47: {  	_ =	shalt  }
0x48: {  	_ =	shalt  }
0x49: {  	_ =	shalt  }
0x4a: {  	_ =	shalt  }
0x4b: {  	_ =	shalt  }
0x4c: {  	_ =	shalt  }
0x4d: {  	_ =	shalt  }
0x4e: {  	_ =	shalt  }
0x4f: {  	_ =	shalt  }
0x50: {  	_ =	shalt  }
0x51: {  	_ =	shalt  }
0x52: {  	_ =	shalt  }
0x53: {  	_ =	shalt  }
0x54: {  	_ =	shalt  }
0x55: {  	_ =	shalt  }
0x56: {  	_ =	shalt  }
0x57: {  	_ =	shalt  }
0x58: {  	_ =	shalt  }
0x59: {  	_ =	shalt  }
0x5a: {  	_ =	shalt  }
0x5b: {  	_ =	shalt  }
0x5c: {  	_ =	shalt  }
0x5d: {  	_ =	shalt  }
0x5e: {  	_ =	shalt  }
0x5f: {  	_ =	shalt  }
0x60: {  	_ =	shalt  }
0x61: {  	_ =	shalt  }
0x62: {  	_ =	shalt  }
0x63: {  	_ =	shalt  }
0x64: {  	_ =	shalt  }
0x65: {  	_ =	shalt  }
0x66: {  	_ =	shalt  }
0x67: {  	_ =	shalt  }
0x68: {  	_ =	shalt  }
0x69: {  	_ =	shalt  }
0x6a: {  	_ =	shalt  }
0x6b: {  	_ =	shalt  }
0x6c: {  	_ =	shalt  }
0x6d: {  	_ =	shalt  }
0x6e: {  	_ =	shalt  }
0x6f: {  	_ =	shalt  }
0x70: {  	_ =	shalt  }
0x71: {  	_ =	shalt  }
0x72: {  	_ =	shalt  }
0x73: {  	_ =	shalt  }
0x74: {  	_ =	shalt  }
0x75: {  	_ =	shalt  }
0x76: {  	_ =	shalt  }
0x77: {  	_ =	shalt  }
0x78: {  	_ =	shalt  }
0x79: {  	_ =	shalt  }
0x7a: {  	_ =	shalt  }
0x7b: {  	_ =	shalt  }
0x7c: {  	_ =	shalt  }
0x7d: {  	_ =	shalt  }
0x7e: {  	_ =	shalt  }
0x7f: {  	_ =	shalt  }
0x80: {  	_ =	shalt  }
0x81: {  	_ =	shalt  }
0x82: {  	_ =	shalt  }
0x83: {  	_ =	shalt  }
0x84: {  	_ =	shalt  }
0x85: {  	_ =	shalt  }
0x86: {  	_ =	shalt  }
0x87: {  	_ =	shalt  }
.Lfunc_end0:
.L_simem_size_0:
called_computation.1_lowered:
.L_overlay_start_0:
0x88: {  	s2 =	sld [smem:$0x3FD9]  }
0x89: {  	s3 =	sld [smem:$0x3FFE];
	_ =	sdelay $0x1  }
0x8a: {  	s1 =	srdreg.scid  }
0x8b: {  	s0 =	sand.u32 $0x1, s1  }
0x8c: {  	s16 =	sshll.u32 s0, $0xA;
	s2 =	sadd.s32 s3, s2  }
0x8d: {  	s2 =	sadd.s32 s2, s16  }
0x8e: {  	[smem:$0x3FBC] =	sst s2  }
0x8f: {  	_ = 	snop  }
0x90: {  	(tm) =	ssettm $0x1  }
0x91: {  	s17 =	sld [smem:$0x3FFB];
	_ =	sdelay $0x3  }
0x92: {  	_ =	strace s17  }
0x93: {  	s2 =	sld [smem:$0x3FFC];
	_ =	sdelay $0x3  }
0x94: {  	_ =	strace s2  }
0x95: {  	s2 =	sld [smem:$0x3FFD];
	_ =	sdelay $0x3  }
0x96: {  	_ =	strace s2  }
0x97: {  	_ =	strace $0x8FFFFFFF  }
0x98: {  	s18 =	sld [smem:$0x3FDB];
	_ =	sdelay $0x1  }
0x99: {  	s19 =	simm.s32 $_scs_section_size  }
0x9a: {  	s4 =	simm.s32 $_size__tile_overlayer_lowered;
	s5 =	simm.s32 $_tile_overlayer_lowered  }
0x9b: {  	s22 =	simm.s32 $0x1BFF;
	s21 =	sshll.u32 s5, $0x1;
	s2 =	sadd.s32 s19, s18  }
0x9c: {  	s6 =	simm.s32 $0x0;
	s20 =	sshll.u32 s4, $0x1;
	s4 =	sadd.s32 s21, s2  }
0x9d: {  	[timem:s6], [sflag:s22] =	dma.local [hbm:s4], s20  }
0x9e: {  	_ =	swait.ge [sflag:s22], s20  }
0x9f: {  	s3 =	ssub.s32 $0x0, s20;
	[sflag:s22] =	ssyncset.done $0x0  }
0xa0: {  	[sflag:s22] =	ssyncadd.s32 s3;
	_ =	sdelay $0x1  }
0xa1: {  	s23 =	simm.s32 $0x1B8B  }
0xa2: {  	_ =	swait.ge [sflag:s23], $0x1  }
0xa3: {  	[sflag:s23] =	ssyncset.done $0x0  }
0xa4: {  	s25 =	simm.s32 $0x1B8E;
	s24 =	sld [smem:$0x3FFE];
	[sflag:s23] =	ssyncadd.s32 $0xFFFFFFFF  }
0xa5: {  	s26 =	simm.s32 $execute0_lowered;
	[smem:$0x3FD2] =	sst s25  }
0xa6: {  	s4 =	sshll.u32 s26, $0x1;
	_ =	strace $0x80000049;
	[dreg:$0x1] =	wrdreg $0xFFFFFFFF  }
0xa7: {  	s28 =	simm.s32 $_size_execute0_lowered;
	s2 =	sadd.s32 s2, s4;
	[dreg:$0x0] =	wrdreg $0x0  }
0xa8: {  	s4 =	sshll.u32 s28, $0x1;
	[dreg:$0x2] =	wrdreg s2  }
0xa9: {  	[dreg:$0x3] =	wrdreg s4  }
0xaa: {  	[dreg:$0x4] =	wrdreg $0xC0  }
0xab: {  	_ =	task [dreg:s6], $0x5FFFF  }
0xac: {  	[dreg:$0x1] =	wrdreg $0xFFFFFFFF  }
0xad: {  	[dreg:$0x0] =	wrdreg $0x60  }
0xae: {  	[dreg:$0x2] =	wrdreg s24  }
0xaf: {  	[dreg:$0x3] =	wrdreg $0xCD000  }
0xb0: {  	[dreg:$0x4] =	wrdreg $0x9  }
0xb1: {  	_ =	task.clear_ibuf [dreg:s6], $0x5FFFF;
	_ =	strace $0x90000049  }
0xb2: {  	s29 =	simm.s32 $0x9;
	_ =	strace $0x8000004B  }
0xb3: {  	_ =	swait.ge [sflag:s29], $0x1  }
0xb4: {  	[sflag:s29] =	ssyncadd.s32 $0xFFFFFFFF  }
0xb5: {  	_ =	strace $0x9000004B  }
0xb6: {  	_ =	sfence  }
0xb7: {  	s30 =	sld [smem:$0x0];
	_ =	sdelay $0x2  }
0xb8: {  	s31 =	sshll.u32 s1, $0xD;
	s1 =	sshrl.u32 s1, $0x2  }
0xb9: {  	s3 =	sand.u32 $0x4000, s31;
	s1 =	sadd.s32 s1, s30  }
0xba: {  	s0 =	sor.u32 s3, s0;
	s1 =	sshll.u32 s1, $0x11  }
0xbb: {  	s0 =	sor.u32 s1, s0  }
0xbc: {  	s0 =	sadd.s32 $0x8F2B, s0  }
0xbd: {  	[sflag:s0] =	ssyncadd.remote.s32 $0x1  }
0xbe: {  	_ =	sfence.sel $0xFFFF  }
0xbf: {  	[dreg:$0x0] =	wrdreg $0xFFFFFFFF;
	(pc) =	sbr.abs _section_cstart, $3  }
0xc0: {  	[dreg:$0x1] =	wrdreg $0xFFFFFFFF  }
0xc1: {  	_ =	task.clear_ibuf [dreg:s6], $0x2FFFF;
	_ =	strace $0x9FFFFFFF  }
0xc2: {  	(tm) =	ssettm $0x7FFFFFFF  }
0xc3: {  	_ =	shalt  }
tec
execute0_lowered:
.L_overlay_start_1:
0x0: {  	(tag) =	ssettag $0x1  }
0x1: {  	s0 =	rddreg [dreg:$0x0];
	s1 =	srdreg.scid  }
0x2: {  	s10 =	stileid.u32;
	s2 =	rddreg [dreg:$0x1]  }
0x3: {  	s4 =	simm.s32 $0x0;
	s13 =	simm.s32 $0x1;
	s14 =	simm.s32 $0x2  }
0x4: {  	s15 =	simm.s32 $0x3;
	s16 =	simm.s32 $0x7D;
	s17 =	simm.s32 $0x5000  }
0x5: {  	s18 =	simm.s32 $0x57D0;
	s19 =	simm.s32 $0x5FA0;
	s20 =	simm.s32 $0x6770  }
0x6: {  	s21 =	simm.s32 $0x6F40;
	s22 =	simm.s32 $0x7710;
	s28 =	simm.s32 $0x9650  }
0x7: {  	s29 =	simm.s32 $0x9E20;
	s30 =	simm.s32 $0xA5F0;
	s31 =	simm.s32 $0xADC0  }
0x8: {  	s11 =	simm.s32 $0xC530;
	s1 =	sand.u32 $0x1, s1;
	s3 =	sshll.u32 s10, $0x1  }
0x9: {  	[smem:$0x7FF] =	sst s4;
	s5 =	smul.u32 $0x2800, s10;
	s4 =	sadd.s32 $0x15A00, s0  }
0xa: {  	s3 =	sor.u32 s1, s3;
	_ =	strace $0x8000004A;
	s6 =	smul.u32 $0x5000, s1  }
0xb: {  	s1 =	ssub.s32 $0x2, s1;
	s3 =	smul.u32 $0x500, s3;
	s8 =	sshrl.u32 s5, $0x3  }
0xc: {  	s7 =	sshrl.u32 s1, $0x1;
	s24 =	sadd.s32 s5, s2;
	s5 =	simm.s32 $0x0  }
0xd: {  	s9 =	sadd.s32 s8, s0;
	s1 =	ssub.s32 s1, s7;
	s7 =	sshll.u32 s10, $0x6  }
0xe: {  	s12 =	sshrl.u32 s24, $0x3;
	s3 =	sadd.s32 s3, s0;
	s25 =	sadd.s32 $0x1AA00, s9  }
0xf: {  	s0 =	sadd.s32 s6, s0;
	s26 =	sor.u32 $0x1C03, s7;
	[dreg:$0x5] =	wrdreg s25  }
0x10: {  	s1 =	smax.u32 s1, $0x1;
	s23 =	sadd.s32 $0x29E00, s3;
	[dreg:$0x6] =	wrdreg s26  }
0x11: {  	s3 =	sadd.s32 $0x1FE00, s3;
	s0 =	sadd.s32 $0x33E00, s0;
	[dreg:$0x7] =	wrdreg s1  }
0x12: {  	s25 =	simm.s32 $0x86B0;
	s26 =	simm.s32 $0x8E80;
	[dreg:$0x3] =	wrdreg s23  }
0x13: {  	s1 =	simm.s32 $0xB590;
	[dreg:$0x4] =	wrdreg s3;
	s23 =	simm.s32 $0x7EE0  }
0x14: {  	s24 =	sadd.s32 s8, s0;
	s0 =	simm.s32 $0xBD60;
	s3 =	simm.s32 $0x4  }
.LBB2_1:
0x15: {  	s6 =	simm.s32 $0x0;
	s8 =	rddreg [dreg:$0x3]  }
0x16: {  	[tilespmem:s6], [sflag:$0x1] =	stream.linear.gather [hbm4b:s8+s6], $0x2800, $0x38;
	[tilespmem:$0xF500] =	vst v63  }
0x17: {  	s10 =	rddreg [dreg:$0x4];
	s9 =	simm.s32 $0x2800  }
0x18: {  	[tilespmem:s9], [sflag:$0x2] =	stream.linear.gather [hbm4b:s10+s6], $0x2800, $0x38;
	[tilespmem:$0xF500] =	vst v63  }
0x19: {  	s9 =	rddreg [dreg:$0x5]  }
0x1a: {  	s10 =	rddreg [dreg:$0x6]  }
0x1b: {  	[spmem:s12], [sflag:s10] =	dma.local [hbm:s9], $0x500  }
0x1c: {  	_ =	swait.ge [sflag:s13], $0x2800  }
0x1d: {  	[sflag:s13] =	ssyncset.done $0x0  }
0x1e: {  	[sflag:s13] =	ssyncadd.s32 $0xFFFFD800  }
0x1f: {  	_ =	swait.ge [sflag:s14], $0x2800  }
0x20: {  	[sflag:s14] =	ssyncset.done $0x0  }
0x21: {  	[sflag:s14] =	ssyncadd.s32 $0xFFFFD800  }
0x22: {  	_ =	swait.ge [sflag:s15], $0x500  }
0x23: {  	[sflag:s15] =	ssyncset.done $0x0  }
0x24: {  	[sflag:s15] =	ssyncadd.s32 $0xFFFFFB00  }
0x25: {  	s9 =	simm.s32 $0x0;
	[bflag:$0x0] =	sbarrier.arrive $0xFFFF  }
0x26: {  	[tilespmem:s17], [sflag:$0x1] =	stream.indirect.gather [hbm4b:s4+s16], $0x10, s9, s16, $0xb8;
	[tilespmem:$0xF500] =	vst v63  }
0x27: {  	s10 =	simm.s32 $0x80  }
0x28: {  	[tilespmem:s18], [sflag:$0x1] =	stream.indirect.gather [hbm4b:s4+s16], $0x10, s10, s16, $0xb8;
	[tilespmem:$0xF500] =	vst v63  }
0x29: {  	s8 =	simm.s32 $0x100  }
0x2a: {  	[tilespmem:s19], [sflag:$0x1] =	stream.indirect.gather [hbm4b:s4+s16], $0x10, s8, s16, $0xb8;
	[tilespmem:$0xF500] =	vst v63  }
0x2b: {  	s9 =	simm.s32 $0x180  }
0x2c: {  	[tilespmem:s20], [sflag:$0x1] =	stream.indirect.gather [hbm4b:s4+s16], $0x10, s9, s16, $0xb8;
	[tilespmem:$0xF500] =	vst v63  }
0x2d: {  	s10 =	simm.s32 $0x200  }
0x2e: {  	[tilespmem:s21], [sflag:$0x1] =	stream.indirect.gather [hbm4b:s4+s16], $0x10, s10, s16, $0xb8;
	[tilespmem:$0xF500] =	vst v63  }
0x2f: {  	s8 =	simm.s32 $0x280  }
0x30: {  	[tilespmem:s22], [sflag:$0x1] =	stream.indirect.gather [hbm4b:s4+s16], $0x10, s8, s16, $0xb8;
	[tilespmem:$0xF500] =	vst v63  }
0x31: {  	s9 =	simm.s32 $0x300  }
0x32: {  	[tilespmem:s23], [sflag:$0x1] =	stream.indirect.gather [hbm4b:s4+s16], $0x10, s9, s16, $0xb8;
	[tilespmem:$0xF500] =	vst v63  }
0x33: {  	s10 =	simm.s32 $0x380  }
0x34: {  	[tilespmem:s25], [sflag:$0x1] =	stream.indirect.gather [hbm4b:s4+s16], $0x10, s10, s16, $0xb8;
	[tilespmem:$0xF500] =	vst v63  }
0x35: {  	s8 =	simm.s32 $0x400  }
0x36: {  	[tilespmem:s26], [sflag:$0x2] =	stream.indirect.gather [hbm4b:s4+s16], $0x10, s8, s16, $0xb8;
	[tilespmem:$0xF500] =	vst v63  }
0x37: {  	s9 =	simm.s32 $0x480  }
0x38: {  	[tilespmem:s28], [sflag:$0x2] =	stream.indirect.gather [hbm4b:s4+s16], $0x10, s9, s16, $0xb8;
	[tilespmem:$0xF500] =	vst v63  }
0x39: {  	s10 =	simm.s32 $0x500  }
0x3a: {  	[tilespmem:s29], [sflag:$0x2] =	stream.indirect.gather [hbm4b:s4+s16], $0x10, s10, s16, $0xb8;
	[tilespmem:$0xF500] =	vst v63  }
0x3b: {  	s8 =	simm.s32 $0x580  }
0x3c: {  	[tilespmem:s30], [sflag:$0x2] =	stream.indirect.gather [hbm4b:s4+s16], $0x10, s8, s16, $0xb8;
	[tilespmem:$0xF500] =	vst v63  }
0x3d: {  	s9 =	simm.s32 $0x600  }
0x3e: {  	[tilespmem:s31], [sflag:$0x2] =	stream.indirect.gather [hbm4b:s4+s16], $0x10, s9, s16, $0xb8;
	[tilespmem:$0xF500] =	vst v63  }
0x3f: {  	s10 =	simm.s32 $0x680  }
0x40: {  	[tilespmem:s1], [sflag:$0x2] =	stream.indirect.gather [hbm4b:s4+s16], $0x10, s10, s16, $0xb8;
	[tilespmem:$0xF500] =	vst v63  }
0x41: {  	s8 =	simm.s32 $0x700  }
0x42: {  	[tilespmem:s0], [sflag:$0x2] =	stream.indirect.gather [hbm4b:s4+s16], $0x10, s8, s16, $0xb8;
	[tilespmem:$0xF500] =	vst v63  }
0x43: {  	s9 =	simm.s32 $0x780  }
0x44: {  	[tilespmem:s11], [sflag:$0x2] =	stream.indirect.gather [hbm4b:s4+s16], $0x10, s9, s16, $0xb8;
	[tilespmem:$0xF500] =	vst v63  }
0x45: {  	_ =	swait.ge [sflag:s13], $0x7D0  }
0x46: {  	[sflag:s13] =	ssyncset.done $0x0  }
0x47: {  	[sflag:s13] =	ssyncadd.s32 $0xFFFFF830  }
0x48: {  	_ =	swait.ge [sflag:s13], $0x7D0  }
0x49: {  	[sflag:s13] =	ssyncset.done $0x0  }
0x4a: {  	[sflag:s13] =	ssyncadd.s32 $0xFFFFF830  }
0x4b: {  	_ =	swait.ge [sflag:s13], $0x7D0  }
0x4c: {  	[sflag:s13] =	ssyncset.done $0x0  }
0x4d: {  	[sflag:s13] =	ssyncadd.s32 $0xFFFFF830  }
0x4e: {  	_ =	swait.ge [sflag:s13], $0x7D0  }
0x4f: {  	[sflag:s13] =	ssyncset.done $0x0  }
0x50: {  	[sflag:s13] =	ssyncadd.s32 $0xFFFFF830  }
0x51: {  	_ =	swait.ge [sflag:s13], $0x7D0  }
0x52: {  	[sflag:s13] =	ssyncset.done $0x0  }
0x53: {  	[sflag:s13] =	ssyncadd.s32 $0xFFFFF830  }
0x54: {  	_ =	swait.ge [sflag:s13], $0x7D0  }
0x55: {  	[sflag:s13] =	ssyncset.done $0x0  }
0x56: {  	[sflag:s13] =	ssyncadd.s32 $0xFFFFF830  }
0x57: {  	_ =	swait.ge [sflag:s13], $0x7D0  }
0x58: {  	[sflag:s13] =	ssyncset.done $0x0  }
0x59: {  	[sflag:s13] =	ssyncadd.s32 $0xFFFFF830  }
0x5a: {  	_ =	swait.ge [sflag:s13], $0x7D0  }
0x5b: {  	[sflag:s13] =	ssyncset.done $0x0  }
0x5c: {  	s10 =	simm.s32 $0x2800;
	[sflag:s13] =	ssyncadd.s32 $0xFFFFF830  }
0x5d: {  	[spmem:s2] =	stream.indirect.scatter.add.f32 [tilespmem:s17], [sflag:$0x3], $0x10, s10, s16, $0xb8;
	[tilespmem:$0xF500] =	vst v63  }
0x5e: {  	s8 =	simm.s32 $0x2880  }
0x5f: {  	[spmem:s2] =	stream.indirect.scatter.add.f32 [tilespmem:s18], [sflag:$0x3], $0x10, s8, s16, $0xb8;
	[tilespmem:$0xF500] =	vst v63  }
0x60: {  	s9 =	simm.s32 $0x2900  }
0x61: {  	[spmem:s2] =	stream.indirect.scatter.add.f32 [tilespmem:s19], [sflag:$0x3], $0x10, s9, s16, $0xb8;
	[tilespmem:$0xF500] =	vst v63  }
0x62: {  	s10 =	simm.s32 $0x2980  }
0x63: {  	[spmem:s2] =	stream.indirect.scatter.add.f32 [tilespmem:s20], [sflag:$0x3], $0x10, s10, s16, $0xb8;
	[tilespmem:$0xF500] =	vst v63  }
0x64: {  	s8 =	simm.s32 $0x2A00  }
0x65: {  	[spmem:s2] =	stream.indirect.scatter.add.f32 [tilespmem:s21], [sflag:$0x3], $0x10, s8, s16, $0xb8;
	[tilespmem:$0xF500] =	vst v63  }
0x66: {  	s9 =	simm.s32 $0x2A80  }
0x67: {  	[spmem:s2] =	stream.indirect.scatter.add.f32 [tilespmem:s22], [sflag:$0x3], $0x10, s9, s16, $0xb8;
	[tilespmem:$0xF500] =	vst v63  }
0x68: {  	s10 =	simm.s32 $0x2B00  }
0x69: {  	[spmem:s2] =	stream.indirect.scatter.add.f32 [tilespmem:s23], [sflag:$0x3], $0x10, s10, s16, $0xb8;
	[tilespmem:$0xF500] =	vst v63  }
0x6a: {  	s8 =	simm.s32 $0x2B80  }
0x6b: {  	[spmem:s2] =	stream.indirect.scatter.add.f32 [tilespmem:s25], [sflag:$0x3], $0x10, s8, s16, $0xb8;
	[tilespmem:$0xF500] =	vst v63  }
0x6c: {  	_ =	swait.ge [sflag:s14], $0x7D0  }
0x6d: {  	[sflag:s14] =	ssyncset.done $0x0  }
0x6e: {  	[sflag:s14] =	ssyncadd.s32 $0xFFFFF830  }
0x6f: {  	_ =	swait.ge [sflag:s14], $0x7D0  }
0x70: {  	[sflag:s14] =	ssyncset.done $0x0  }
0x71: {  	[sflag:s14] =	ssyncadd.s32 $0xFFFFF830  }
0x72: {  	_ =	swait.ge [sflag:s14], $0x7D0  }
0x73: {  	[sflag:s14] =	ssyncset.done $0x0  }
0x74: {  	[sflag:s14] =	ssyncadd.s32 $0xFFFFF830  }
0x75: {  	_ =	swait.ge [sflag:s14], $0x7D0  }
0x76: {  	[sflag:s14] =	ssyncset.done $0x0  }
0x77: {  	[sflag:s14] =	ssyncadd.s32 $0xFFFFF830  }
0x78: {  	_ =	swait.ge [sflag:s14], $0x7D0  }
0x79: {  	[sflag:s14] =	ssyncset.done $0x0  }
0x7a: {  	[sflag:s14] =	ssyncadd.s32 $0xFFFFF830  }
0x7b: {  	_ =	swait.ge [sflag:s14], $0x7D0  }
0x7c: {  	[sflag:s14] =	ssyncset.done $0x0  }
0x7d: {  	[sflag:s14] =	ssyncadd.s32 $0xFFFFF830  }
0x7e: {  	_ =	swait.ge [sflag:s14], $0x7D0  }
0x7f: {  	[sflag:s14] =	ssyncset.done $0x0  }
0x80: {  	[sflag:s14] =	ssyncadd.s32 $0xFFFFF830  }
0x81: {  	_ =	swait.ge [sflag:s14], $0x7D0  }
0x82: {  	[sflag:s14] =	ssyncset.done $0x0  }
0x83: {  	s9 =	simm.s32 $0x2C00;
	[sflag:s14] =	ssyncadd.s32 $0xFFFFF830  }
0x84: {  	[spmem:s2] =	stream.indirect.scatter.add.f32 [tilespmem:s26], [sflag:$0x3], $0x10, s9, s16, $0xb8;
	[tilespmem:$0xF500] =	vst v63  }
0x85: {  	s10 =	simm.s32 $0x2C80  }
0x86: {  	[spmem:s2] =	stream.indirect.scatter.add.f32 [tilespmem:s28], [sflag:$0x3], $0x10, s10, s16, $0xb8;
	[tilespmem:$0xF500] =	vst v63  }
0x87: {  	s8 =	simm.s32 $0x2D00  }
0x88: {  	[spmem:s2] =	stream.indirect.scatter.add.f32 [tilespmem:s29], [sflag:$0x3], $0x10, s8, s16, $0xb8;
	[tilespmem:$0xF500] =	vst v63  }
0x89: {  	s9 =	simm.s32 $0x2D80  }
0x8a: {  	[spmem:s2] =	stream.indirect.scatter.add.f32 [tilespmem:s30], [sflag:$0x3], $0x10, s9, s16, $0xb8;
	[tilespmem:$0xF500] =	vst v63  }
0x8b: {  	s10 =	simm.s32 $0x2E00  }
0x8c: {  	[spmem:s2] =	stream.indirect.scatter.add.f32 [tilespmem:s31], [sflag:$0x3], $0x10, s10, s16, $0xb8;
	[tilespmem:$0xF500] =	vst v63  }
0x8d: {  	s8 =	simm.s32 $0x2E80  }
0x8e: {  	[spmem:s2] =	stream.indirect.scatter.add.f32 [tilespmem:s1], [sflag:$0x3], $0x10, s8, s16, $0xb8;
	[tilespmem:$0xF500] =	vst v63  }
0x8f: {  	s9 =	simm.s32 $0x2F00  }
0x90: {  	[spmem:s2] =	stream.indirect.scatter.add.f32 [tilespmem:s0], [sflag:$0x3], $0x10, s9, s16, $0xb8;
	[tilespmem:$0xF500] =	vst v63  }
0x91: {  	s10 =	simm.s32 $0x2F80  }
0x92: {  	[spmem:s2] =	stream.indirect.scatter.add.f32 [tilespmem:s11], [sflag:$0x3], $0x10, s10, s16, $0xb8;
	[tilespmem:$0xF500] =	vst v63  }
0x93: {  	_ =	swait.ge [sflag:s15], $0x7D0  }
0x94: {  	[sflag:s15] =	ssyncset.done $0x0  }
0x95: {  	[sflag:s15] =	ssyncadd.s32 $0xFFFFF830  }
0x96: {  	_ =	swait.ge [sflag:s15], $0x7D0  }
0x97: {  	[sflag:s15] =	ssyncset.done $0x0  }
0x98: {  	[sflag:s15] =	ssyncadd.s32 $0xFFFFF830  }
0x99: {  	_ =	swait.ge [sflag:s15], $0x7D0  }
0x9a: {  	[sflag:s15] =	ssyncset.done $0x0  }
0x9b: {  	[sflag:s15] =	ssyncadd.s32 $0xFFFFF830  }
0x9c: {  	_ =	swait.ge [sflag:s15], $0x7D0  }
0x9d: {  	[sflag:s15] =	ssyncset.done $0x0  }
0x9e: {  	[sflag:s15] =	ssyncadd.s32 $0xFFFFF830  }
0x9f: {  	_ =	swait.ge [sflag:s15], $0x7D0  }
0xa0: {  	[sflag:s15] =	ssyncset.done $0x0  }
0xa1: {  	[sflag:s15] =	ssyncadd.s32 $0xFFFFF830  }
0xa2: {  	_ =	swait.ge [sflag:s15], $0x7D0  }
0xa3: {  	[sflag:s15] =	ssyncset.done $0x0  }
0xa4: {  	[sflag:s15] =	ssyncadd.s32 $0xFFFFF830  }
0xa5: {  	_ =	swait.ge [sflag:s15], $0x7D0  }
0xa6: {  	[sflag:s15] =	ssyncset.done $0x0  }
0xa7: {  	[sflag:s15] =	ssyncadd.s32 $0xFFFFF830  }
0xa8: {  	_ =	swait.ge [sflag:s15], $0x7D0  }
0xa9: {  	[sflag:s15] =	ssyncset.done $0x0  }
0xaa: {  	[sflag:s15] =	ssyncadd.s32 $0xFFFFF830  }
0xab: {  	_ =	swait.ge [sflag:s15], $0x7D0  }
0xac: {  	[sflag:s15] =	ssyncset.done $0x0  }
0xad: {  	[sflag:s15] =	ssyncadd.s32 $0xFFFFF830  }
0xae: {  	_ =	swait.ge [sflag:s15], $0x7D0  }
0xaf: {  	[sflag:s15] =	ssyncset.done $0x0  }
0xb0: {  	[sflag:s15] =	ssyncadd.s32 $0xFFFFF830  }
0xb1: {  	_ =	swait.ge [sflag:s15], $0x7D0  }
0xb2: {  	[sflag:s15] =	ssyncset.done $0x0  }
0xb3: {  	[sflag:s15] =	ssyncadd.s32 $0xFFFFF830  }
0xb4: {  	_ =	swait.ge [sflag:s15], $0x7D0  }
0xb5: {  	[sflag:s15] =	ssyncset.done $0x0  }
0xb6: {  	[sflag:s15] =	ssyncadd.s32 $0xFFFFF830  }
0xb7: {  	_ =	swait.ge [sflag:s15], $0x7D0  }
0xb8: {  	[sflag:s15] =	ssyncset.done $0x0  }
0xb9: {  	[sflag:s15] =	ssyncadd.s32 $0xFFFFF830  }
0xba: {  	_ =	swait.ge [sflag:s15], $0x7D0  }
0xbb: {  	[sflag:s15] =	ssyncset.done $0x0  }
0xbc: {  	[sflag:s15] =	ssyncadd.s32 $0xFFFFF830  }
0xbd: {  	_ =	swait.ge [sflag:s15], $0x7D0  }
0xbe: {  	[sflag:s15] =	ssyncset.done $0x0  }
0xbf: {  	[sflag:s15] =	ssyncadd.s32 $0xFFFFF830  }
0xc0: {  	_ =	swait.ge [sflag:s15], $0x7D0  }
0xc1: {  	s6 =	simm.s32 $0x2000;
	s8 =	simm.s32 $0x4000;
	[sflag:s15] =	ssyncset.done $0x0  }
.LBB2_2:
0xc2: {  	s9 =	sshra.s32 s6, $0x2  }
0xc3: {  	[sflag:s15] =	ssyncadd.s32 $0xFFFFF830;
	s6 =	smov.u32 s8;
	s10 =	sadd.s32 $0x2000, s8  }
0xc4: {  	[tilespmem:s17], [sflag:$0x1] =	stream.indirect.gather [hbm4b:s4+s16], $0x10, s9, s16, $0xb8;
	[tilespmem:$0xF500] =	vst v63  }
0xc5: {  	p0 =	sne.s32 s8, $0x8000;
	s8 =	sadd.s32 $0x80, s9  }
0xc6: {  	[tilespmem:s18], [sflag:$0x1] =	stream.indirect.gather [hbm4b:s4+s16], $0x10, s8, s16, $0xb8;
	[tilespmem:$0xF500] =	vst v63  }
0xc7: {  	s8 =	sadd.s32 $0x100, s9  }
0xc8: {  	[tilespmem:s19], [sflag:$0x1] =	stream.indirect.gather [hbm4b:s4+s16], $0x10, s8, s16, $0xb8;
	[tilespmem:$0xF500] =	vst v63  }
0xc9: {  	s8 =	sadd.s32 $0x180, s9  }
0xca: {  	[tilespmem:s20], [sflag:$0x1] =	stream.indirect.gather [hbm4b:s4+s16], $0x10, s8, s16, $0xb8;
	[tilespmem:$0xF500] =	vst v63  }
0xcb: {  	s8 =	sadd.s32 $0x200, s9  }
0xcc: {  	[tilespmem:s21], [sflag:$0x1] =	stream.indirect.gather [hbm4b:s4+s16], $0x10, s8, s16, $0xb8;
	[tilespmem:$0xF500] =	vst v63  }
0xcd: {  	s8 =	sadd.s32 $0x280, s9  }
0xce: {  	[tilespmem:s22], [sflag:$0x1] =	stream.indirect.gather [hbm4b:s4+s16], $0x10, s8, s16, $0xb8;
	[tilespmem:$0xF500] =	vst v63  }
0xcf: {  	s8 =	sadd.s32 $0x300, s9  }
0xd0: {  	[tilespmem:s23], [sflag:$0x1] =	stream.indirect.gather [hbm4b:s4+s16], $0x10, s8, s16, $0xb8;
	[tilespmem:$0xF500] =	vst v63  }
0xd1: {  	s8 =	sadd.s32 $0x380, s9  }
0xd2: {  	[tilespmem:s25], [sflag:$0x1] =	stream.indirect.gather [hbm4b:s4+s16], $0x10, s8, s16, $0xb8;
	[tilespmem:$0xF500] =	vst v63  }
0xd3: {  	s8 =	sadd.s32 $0x400, s9  }
0xd4: {  	[tilespmem:s26], [sflag:$0x2] =	stream.indirect.gather [hbm4b:s4+s16], $0x10, s8, s16, $0xb8;
	[tilespmem:$0xF500] =	vst v63  }
0xd5: {  	s8 =	sadd.s32 $0x480, s9  }
0xd6: {  	[tilespmem:s28], [sflag:$0x2] =	stream.indirect.gather [hbm4b:s4+s16], $0x10, s8, s16, $0xb8;
	[tilespmem:$0xF500] =	vst v63  }
0xd7: {  	s8 =	sadd.s32 $0x500, s9  }
0xd8: {  	[tilespmem:s29], [sflag:$0x2] =	stream.indirect.gather [hbm4b:s4+s16], $0x10, s8, s16, $0xb8;
	[tilespmem:$0xF500] =	vst v63  }
0xd9: {  	s8 =	sadd.s32 $0x580, s9  }
0xda: {  	[tilespmem:s30], [sflag:$0x2] =	stream.indirect.gather [hbm4b:s4+s16], $0x10, s8, s16, $0xb8;
	[tilespmem:$0xF500] =	vst v63  }
0xdb: {  	s8 =	sadd.s32 $0x600, s9  }
0xdc: {  	[tilespmem:s31], [sflag:$0x2] =	stream.indirect.gather [hbm4b:s4+s16], $0x10, s8, s16, $0xb8;
	[tilespmem:$0xF500] =	vst v63  }
0xdd: {  	s8 =	sadd.s32 $0x680, s9  }
0xde: {  	[tilespmem:s1], [sflag:$0x2] =	stream.indirect.gather [hbm4b:s4+s16], $0x10, s8, s16, $0xb8;
	[tilespmem:$0xF500] =	vst v63  }
0xdf: {  	s8 =	sadd.s32 $0x700, s9  }
0xe0: {  	[tilespmem:s0], [sflag:$0x2] =	stream.indirect.gather [hbm4b:s4+s16], $0x10, s8, s16, $0xb8;
	[tilespmem:$0xF500] =	vst v63  }
0xe1: {  	s8 =	sadd.s32 $0x780, s9  }
0xe2: {  	[tilespmem:s11], [sflag:$0x2] =	stream.indirect.gather [hbm4b:s4+s16], $0x10, s8, s16, $0xb8;
	[tilespmem:$0xF500] =	vst v63  }
0xe3: {  	_ =	swait.ge [sflag:s13], $0x7D0  }
0xe4: {  	[sflag:s13] =	ssyncset.done $0x0  }
0xe5: {  	[sflag:s13] =	ssyncadd.s32 $0xFFFFF830  }
0xe6: {  	_ =	swait.ge [sflag:s13], $0x7D0  }
0xe7: {  	[sflag:s13] =	ssyncset.done $0x0  }
0xe8: {  	[sflag:s13] =	ssyncadd.s32 $0xFFFFF830  }
0xe9: {  	_ =	swait.ge [sflag:s13], $0x7D0  }
0xea: {  	[sflag:s13] =	ssyncset.done $0x0  }
0xeb: {  	[sflag:s13] =	ssyncadd.s32 $0xFFFFF830  }
0xec: {  	_ =	swait.ge [sflag:s13], $0x7D0  }
0xed: {  	[sflag:s13] =	ssyncset.done $0x0  }
0xee: {  	[sflag:s13] =	ssyncadd.s32 $0xFFFFF830  }
0xef: {  	_ =	swait.ge [sflag:s13], $0x7D0  }
0xf0: {  	[sflag:s13] =	ssyncset.done $0x0  }
0xf1: {  	[sflag:s13] =	ssyncadd.s32 $0xFFFFF830  }
0xf2: {  	_ =	swait.ge [sflag:s13], $0x7D0  }
0xf3: {  	[sflag:s13] =	ssyncset.done $0x0  }
0xf4: {  	[sflag:s13] =	ssyncadd.s32 $0xFFFFF830  }
0xf5: {  	_ =	swait.ge [sflag:s13], $0x7D0  }
0xf6: {  	[sflag:s13] =	ssyncset.done $0x0  }
0xf7: {  	[sflag:s13] =	ssyncadd.s32 $0xFFFFF830  }
0xf8: {  	_ =	swait.ge [sflag:s13], $0x7D0  }
0xf9: {  	[sflag:s13] =	ssyncset.done $0x0  }
0xfa: {  	s8 =	sadd.s32 $0x2800, s9;
	[sflag:s13] =	ssyncadd.s32 $0xFFFFF830  }
0xfb: {  	[spmem:s2] =	stream.indirect.scatter.add.f32 [tilespmem:s17], [sflag:$0x3], $0x10, s8, s16, $0xb8;
	[tilespmem:$0xF500] =	vst v63  }
0xfc: {  	s8 =	sadd.s32 $0x2880, s9  }
0xfd: {  	[spmem:s2] =	stream.indirect.scatter.add.f32 [tilespmem:s18], [sflag:$0x3], $0x10, s8, s16, $0xb8;
	[tilespmem:$0xF500] =	vst v63  }
0xfe: {  	s8 =	sadd.s32 $0x2900, s9  }
0xff: {  	[spmem:s2] =	stream.indirect.scatter.add.f32 [tilespmem:s19], [sflag:$0x3], $0x10, s8, s16, $0xb8;
	[tilespmem:$0xF500] =	vst v63  }
0x100: {  	s8 =	sadd.s32 $0x2980, s9  }
0x101: {  	[spmem:s2] =	stream.indirect.scatter.add.f32 [tilespmem:s20], [sflag:$0x3], $0x10, s8, s16, $0xb8;
	[tilespmem:$0xF500] =	vst v63  }
0x102: {  	s8 =	sadd.s32 $0x2A00, s9  }
0x103: {  	[spmem:s2] =	stream.indirect.scatter.add.f32 [tilespmem:s21], [sflag:$0x3], $0x10, s8, s16, $0xb8;
	[tilespmem:$0xF500] =	vst v63  }
0x104: {  	s8 =	sadd.s32 $0x2A80, s9  }
0x105: {  	[spmem:s2] =	stream.indirect.scatter.add.f32 [tilespmem:s22], [sflag:$0x3], $0x10, s8, s16, $0xb8;
	[tilespmem:$0xF500] =	vst v63  }
0x106: {  	s8 =	sadd.s32 $0x2B00, s9  }
0x107: {  	[spmem:s2] =	stream.indirect.scatter.add.f32 [tilespmem:s23], [sflag:$0x3], $0x10, s8, s16, $0xb8;
	[tilespmem:$0xF500] =	vst v63  }
0x108: {  	s8 =	sadd.s32 $0x2B80, s9  }
0x109: {  	[spmem:s2] =	stream.indirect.scatter.add.f32 [tilespmem:s25], [sflag:$0x3], $0x10, s8, s16, $0xb8;
	[tilespmem:$0xF500] =	vst v63  }
0x10a: {  	_ =	swait.ge [sflag:s14], $0x7D0  }
0x10b: {  	[sflag:s14] =	ssyncset.done $0x0  }
0x10c: {  	[sflag:s14] =	ssyncadd.s32 $0xFFFFF830  }
0x10d: {  	_ =	swait.ge [sflag:s14], $0x7D0  }
0x10e: {  	[sflag:s14] =	ssyncset.done $0x0  }
0x10f: {  	[sflag:s14] =	ssyncadd.s32 $0xFFFFF830  }
0x110: {  	_ =	swait.ge [sflag:s14], $0x7D0  }
0x111: {  	[sflag:s14] =	ssyncset.done $0x0  }
0x112: {  	[sflag:s14] =	ssyncadd.s32 $0xFFFFF830  }
0x113: {  	_ =	swait.ge [sflag:s14], $0x7D0  }
0x114: {  	[sflag:s14] =	ssyncset.done $0x0  }
0x115: {  	[sflag:s14] =	ssyncadd.s32 $0xFFFFF830  }
0x116: {  	_ =	swait.ge [sflag:s14], $0x7D0  }
0x117: {  	[sflag:s14] =	ssyncset.done $0x0  }
0x118: {  	[sflag:s14] =	ssyncadd.s32 $0xFFFFF830  }
0x119: {  	_ =	swait.ge [sflag:s14], $0x7D0  }
0x11a: {  	[sflag:s14] =	ssyncset.done $0x0  }
0x11b: {  	[sflag:s14] =	ssyncadd.s32 $0xFFFFF830  }
0x11c: {  	_ =	swait.ge [sflag:s14], $0x7D0  }
0x11d: {  	[sflag:s14] =	ssyncset.done $0x0  }
0x11e: {  	[sflag:s14] =	ssyncadd.s32 $0xFFFFF830  }
0x11f: {  	_ =	swait.ge [sflag:s14], $0x7D0  }
0x120: {  	[sflag:s14] =	ssyncset.done $0x0  }
0x121: {  	s8 =	sadd.s32 $0x2C00, s9;
	[sflag:s14] =	ssyncadd.s32 $0xFFFFF830  }
0x122: {  	[spmem:s2] =	stream.indirect.scatter.add.f32 [tilespmem:s26], [sflag:$0x3], $0x10, s8, s16, $0xb8;
	[tilespmem:$0xF500] =	vst v63  }
0x123: {  	s8 =	sadd.s32 $0x2C80, s9  }
0x124: {  	[spmem:s2] =	stream.indirect.scatter.add.f32 [tilespmem:s28], [sflag:$0x3], $0x10, s8, s16, $0xb8;
	[tilespmem:$0xF500] =	vst v63  }
0x125: {  	s8 =	sadd.s32 $0x2D00, s9  }
0x126: {  	[spmem:s2] =	stream.indirect.scatter.add.f32 [tilespmem:s29], [sflag:$0x3], $0x10, s8, s16, $0xb8;
	[tilespmem:$0xF500] =	vst v63  }
0x127: {  	s8 =	sadd.s32 $0x2D80, s9  }
0x128: {  	[spmem:s2] =	stream.indirect.scatter.add.f32 [tilespmem:s30], [sflag:$0x3], $0x10, s8, s16, $0xb8;
	[tilespmem:$0xF500] =	vst v63  }
0x129: {  	s8 =	sadd.s32 $0x2E00, s9  }
0x12a: {  	[spmem:s2] =	stream.indirect.scatter.add.f32 [tilespmem:s31], [sflag:$0x3], $0x10, s8, s16, $0xb8;
	[tilespmem:$0xF500] =	vst v63  }
0x12b: {  	s8 =	sadd.s32 $0x2E80, s9  }
0x12c: {  	[spmem:s2] =	stream.indirect.scatter.add.f32 [tilespmem:s1], [sflag:$0x3], $0x10, s8, s16, $0xb8;
	[tilespmem:$0xF500] =	vst v63  }
0x12d: {  	s8 =	sadd.s32 $0x2F00, s9  }
0x12e: {  	[spmem:s2] =	stream.indirect.scatter.add.f32 [tilespmem:s0], [sflag:$0x3], $0x10, s8, s16, $0xb8;
	[tilespmem:$0xF500] =	vst v63  }
0x12f: {  	s8 =	sadd.s32 $0x2F80, s9  }
0x130: {  	[spmem:s2] =	stream.indirect.scatter.add.f32 [tilespmem:s11], [sflag:$0x3], $0x10, s8, s16, $0xb8;
	[tilespmem:$0xF500] =	vst v63  }
0x131: {  	_ =	swait.ge [sflag:s15], $0x7D0  }
0x132: {  	[sflag:s15] =	ssyncset.done $0x0  }
0x133: {  	[sflag:s15] =	ssyncadd.s32 $0xFFFFF830  }
0x134: {  	_ =	swait.ge [sflag:s15], $0x7D0  }
0x135: {  	[sflag:s15] =	ssyncset.done $0x0  }
0x136: {  	[sflag:s15] =	ssyncadd.s32 $0xFFFFF830  }
0x137: {  	_ =	swait.ge [sflag:s15], $0x7D0  }
0x138: {  	[sflag:s15] =	ssyncset.done $0x0  }
0x139: {  	[sflag:s15] =	ssyncadd.s32 $0xFFFFF830  }
0x13a: {  	_ =	swait.ge [sflag:s15], $0x7D0  }
0x13b: {  	[sflag:s15] =	ssyncset.done $0x0  }
0x13c: {  	[sflag:s15] =	ssyncadd.s32 $0xFFFFF830  }
0x13d: {  	_ =	swait.ge [sflag:s15], $0x7D0  }
0x13e: {  	[sflag:s15] =	ssyncset.done $0x0  }
0x13f: {  	[sflag:s15] =	ssyncadd.s32 $0xFFFFF830  }
0x140: {  	_ =	swait.ge [sflag:s15], $0x7D0  }
0x141: {  	[sflag:s15] =	ssyncset.done $0x0  }
0x142: {  	[sflag:s15] =	ssyncadd.s32 $0xFFFFF830  }
0x143: {  	_ =	swait.ge [sflag:s15], $0x7D0  }
0x144: {  	[sflag:s15] =	ssyncset.done $0x0  }
0x145: {  	[sflag:s15] =	ssyncadd.s32 $0xFFFFF830  }
0x146: {  	_ =	swait.ge [sflag:s15], $0x7D0  }
0x147: {  	[sflag:s15] =	ssyncset.done $0x0  }
0x148: {  	[sflag:s15] =	ssyncadd.s32 $0xFFFFF830  }
0x149: {  	_ =	swait.ge [sflag:s15], $0x7D0  }
0x14a: {  	[sflag:s15] =	ssyncset.done $0x0  }
0x14b: {  	[sflag:s15] =	ssyncadd.s32 $0xFFFFF830  }
0x14c: {  	_ =	swait.ge [sflag:s15], $0x7D0  }
0x14d: {  	[sflag:s15] =	ssyncset.done $0x0  }
0x14e: {  	[sflag:s15] =	ssyncadd.s32 $0xFFFFF830  }
0x14f: {  	_ =	swait.ge [sflag:s15], $0x7D0  }
0x150: {  	[sflag:s15] =	ssyncset.done $0x0  }
0x151: {  	[sflag:s15] =	ssyncadd.s32 $0xFFFFF830  }
0x152: {  	_ =	swait.ge [sflag:s15], $0x7D0  }
0x153: {  	[sflag:s15] =	ssyncset.done $0x0  }
0x154: {  	[sflag:s15] =	ssyncadd.s32 $0xFFFFF830  }
0x155: {  	_ =	swait.ge [sflag:s15], $0x7D0  }
0x156: {  	[sflag:s15] =	ssyncset.done $0x0  }
0x157: {  	[sflag:s15] =	ssyncadd.s32 $0xFFFFF830  }
0x158: {  	_ =	swait.ge [sflag:s15], $0x7D0  }
0x159: {  	[sflag:s15] =	ssyncset.done $0x0  }
0x15a: {  	[sflag:s15] =	ssyncadd.s32 $0xFFFFF830  }
.Ltmp0:
0x15b: {  	_ =	swait.ge [sflag:s15], $0x7D0;
	(pc) =	sbr.rel @p0 .LBB2_2-.Ltmp0, $4  }
0x15c: {  	[sflag:s15] =	ssyncset.done $0x0  }
0x15d: {  	[sflag:s15] =	ssyncadd.s32 $0xFFFFF830  }
0x15e: {  	_ =	swait.ge [sflag:s15], $0x7D0  }
0x15f: {  	s8 =	smov.u32 s10;
	[sflag:s15] =	ssyncset.done $0x0  }
0x160: {  	s6 =	sshra.s32 s6, $0x2;
	[sflag:s15] =	ssyncadd.s32 $0xFFFFF830  }
0x161: {  	[tilespmem:s17], [sflag:$0x1] =	stream.indirect.gather [hbm4b:s4+s16], $0x10, s6, s16, $0xb8;
	[tilespmem:$0xF500] =	vst v63  }
0x162: {  	s8 =	sadd.s32 $0x80, s6  }
0x163: {  	[tilespmem:s18], [sflag:$0x1] =	stream.indirect.gather [hbm4b:s4+s16], $0x10, s8, s16, $0xb8;
	[tilespmem:$0xF500] =	vst v63  }
0x164: {  	s10 =	sadd.s32 $0x100, s6  }
0x165: {  	[tilespmem:s19], [sflag:$0x1] =	stream.indirect.gather [hbm4b:s4+s16], $0x10, s10, s16, $0xb8;
	[tilespmem:$0xF500] =	vst v63  }
0x166: {  	s9 =	sadd.s32 $0x180, s6  }
0x167: {  	[tilespmem:s20], [sflag:$0x1] =	stream.indirect.gather [hbm4b:s4+s16], $0x10, s9, s16, $0xb8;
	[tilespmem:$0xF500] =	vst v63  }
0x168: {  	s10 =	sadd.s32 $0x200, s6  }
0x169: {  	[tilespmem:s21], [sflag:$0x1] =	stream.indirect.gather [hbm4b:s4+s16], $0x10, s10, s16, $0xb8;
	[tilespmem:$0xF500] =	vst v63  }
0x16a: {  	s9 =	sadd.s32 $0x280, s6  }
0x16b: {  	[tilespmem:s22], [sflag:$0x1] =	stream.indirect.gather [hbm4b:s4+s16], $0x10, s9, s16, $0xb8;
	[tilespmem:$0xF500] =	vst v63  }
0x16c: {  	s10 =	sadd.s32 $0x300, s6  }
0x16d: {  	[tilespmem:s23], [sflag:$0x1] =	stream.indirect.gather [hbm4b:s4+s16], $0x10, s10, s16, $0xb8;
	[tilespmem:$0xF500] =	vst v63  }
0x16e: {  	s9 =	sadd.s32 $0x380, s6  }
0x16f: {  	[tilespmem:s25], [sflag:$0x1] =	stream.indirect.gather [hbm4b:s4+s16], $0x10, s9, s16, $0xb8;
	[tilespmem:$0xF500] =	vst v63  }
0x170: {  	s10 =	sadd.s32 $0x400, s6  }
0x171: {  	[tilespmem:s26], [sflag:$0x2] =	stream.indirect.gather [hbm4b:s4+s16], $0x10, s10, s16, $0xb8;
	[tilespmem:$0xF500] =	vst v63  }
0x172: {  	s9 =	sadd.s32 $0x480, s6  }
0x173: {  	[tilespmem:s28], [sflag:$0x2] =	stream.indirect.gather [hbm4b:s4+s16], $0x10, s9, s16, $0xb8;
	[tilespmem:$0xF500] =	vst v63  }
0x174: {  	s10 =	sadd.s32 $0x500, s6  }
0x175: {  	[tilespmem:s29], [sflag:$0x2] =	stream.indirect.gather [hbm4b:s4+s16], $0x10, s10, s16, $0xb8;
	[tilespmem:$0xF500] =	vst v63  }
0x176: {  	s9 =	sadd.s32 $0x580, s6  }
0x177: {  	[tilespmem:s30], [sflag:$0x2] =	stream.indirect.gather [hbm4b:s4+s16], $0x10, s9, s16, $0xb8;
	[tilespmem:$0xF500] =	vst v63  }
0x178: {  	s10 =	sadd.s32 $0x600, s6  }
0x179: {  	[tilespmem:s31], [sflag:$0x2] =	stream.indirect.gather [hbm4b:s4+s16], $0x10, s10, s16, $0xb8;
	[tilespmem:$0xF500] =	vst v63  }
0x17a: {  	s9 =	sadd.s32 $0x680, s6  }
0x17b: {  	[tilespmem:s1], [sflag:$0x2] =	stream.indirect.gather [hbm4b:s4+s16], $0x10, s9, s16, $0xb8;
	[tilespmem:$0xF500] =	vst v63  }
0x17c: {  	s10 =	sadd.s32 $0x700, s6  }
0x17d: {  	[tilespmem:s0], [sflag:$0x2] =	stream.indirect.gather [hbm4b:s4+s16], $0x10, s10, s16, $0xb8;
	[tilespmem:$0xF500] =	vst v63  }
0x17e: {  	s9 =	sadd.s32 $0x780, s6  }
0x17f: {  	[tilespmem:s11], [sflag:$0x2] =	stream.indirect.gather [hbm4b:s4+s16], $0x10, s9, s16, $0xb8;
	[tilespmem:$0xF500] =	vst v63  }
0x180: {  	_ =	swait.ge [sflag:s13], $0x7D0  }
0x181: {  	[sflag:s13] =	ssyncset.done $0x0  }
0x182: {  	[sflag:s13] =	ssyncadd.s32 $0xFFFFF830  }
0x183: {  	_ =	swait.ge [sflag:s13], $0x7D0  }
0x184: {  	[sflag:s13] =	ssyncset.done $0x0  }
0x185: {  	[sflag:s13] =	ssyncadd.s32 $0xFFFFF830  }
0x186: {  	_ =	swait.ge [sflag:s13], $0x7D0  }
0x187: {  	[sflag:s13] =	ssyncset.done $0x0  }
0x188: {  	[sflag:s13] =	ssyncadd.s32 $0xFFFFF830  }
0x189: {  	_ =	swait.ge [sflag:s13], $0x7D0  }
0x18a: {  	[sflag:s13] =	ssyncset.done $0x0  }
0x18b: {  	[sflag:s13] =	ssyncadd.s32 $0xFFFFF830  }
0x18c: {  	_ =	swait.ge [sflag:s13], $0x7D0  }
0x18d: {  	[sflag:s13] =	ssyncset.done $0x0  }
0x18e: {  	[sflag:s13] =	ssyncadd.s32 $0xFFFFF830  }
0x18f: {  	_ =	swait.ge [sflag:s13], $0x7D0  }
0x190: {  	[sflag:s13] =	ssyncset.done $0x0  }
0x191: {  	[sflag:s13] =	ssyncadd.s32 $0xFFFFF830  }
0x192: {  	_ =	swait.ge [sflag:s13], $0x7D0  }
0x193: {  	[sflag:s13] =	ssyncset.done $0x0  }
0x194: {  	[sflag:s13] =	ssyncadd.s32 $0xFFFFF830  }
0x195: {  	_ =	swait.ge [sflag:s13], $0x7D0  }
0x196: {  	[sflag:s13] =	ssyncset.done $0x0  }
0x197: {  	s10 =	sadd.s32 $0x2800, s6;
	[sflag:s13] =	ssyncadd.s32 $0xFFFFF830  }
0x198: {  	[spmem:s2] =	stream.indirect.scatter.add.f32 [tilespmem:s17], [sflag:$0x3], $0x10, s10, s16, $0xb8;
	[tilespmem:$0xF500] =	vst v63  }
0x199: {  	s9 =	sadd.s32 $0x2880, s6  }
0x19a: {  	[spmem:s2] =	stream.indirect.scatter.add.f32 [tilespmem:s18], [sflag:$0x3], $0x10, s9, s16, $0xb8;
	[tilespmem:$0xF500] =	vst v63  }
0x19b: {  	s10 =	sadd.s32 $0x2900, s6  }
0x19c: {  	[spmem:s2] =	stream.indirect.scatter.add.f32 [tilespmem:s19], [sflag:$0x3], $0x10, s10, s16, $0xb8;
	[tilespmem:$0xF500] =	vst v63  }
0x19d: {  	s9 =	sadd.s32 $0x2980, s6  }
0x19e: {  	[spmem:s2] =	stream.indirect.scatter.add.f32 [tilespmem:s20], [sflag:$0x3], $0x10, s9, s16, $0xb8;
	[tilespmem:$0xF500] =	vst v63  }
0x19f: {  	s10 =	sadd.s32 $0x2A00, s6  }
0x1a0: {  	[spmem:s2] =	stream.indirect.scatter.add.f32 [tilespmem:s21], [sflag:$0x3], $0x10, s10, s16, $0xb8;
	[tilespmem:$0xF500] =	vst v63  }
0x1a1: {  	s9 =	sadd.s32 $0x2A80, s6  }
0x1a2: {  	[spmem:s2] =	stream.indirect.scatter.add.f32 [tilespmem:s22], [sflag:$0x3], $0x10, s9, s16, $0xb8;
	[tilespmem:$0xF500] =	vst v63  }
0x1a3: {  	s10 =	sadd.s32 $0x2B00, s6  }
0x1a4: {  	[spmem:s2] =	stream.indirect.scatter.add.f32 [tilespmem:s23], [sflag:$0x3], $0x10, s10, s16, $0xb8;
	[tilespmem:$0xF500] =	vst v63  }
0x1a5: {  	s9 =	sadd.s32 $0x2B80, s6  }
0x1a6: {  	[spmem:s2] =	stream.indirect.scatter.add.f32 [tilespmem:s25], [sflag:$0x3], $0x10, s9, s16, $0xb8;
	[tilespmem:$0xF500] =	vst v63  }
0x1a7: {  	_ =	swait.ge [sflag:s14], $0x7D0  }
0x1a8: {  	[sflag:s14] =	ssyncset.done $0x0  }
0x1a9: {  	[sflag:s14] =	ssyncadd.s32 $0xFFFFF830  }
0x1aa: {  	_ =	swait.ge [sflag:s14], $0x7D0  }
0x1ab: {  	[sflag:s14] =	ssyncset.done $0x0  }
0x1ac: {  	[sflag:s14] =	ssyncadd.s32 $0xFFFFF830  }
0x1ad: {  	_ =	swait.ge [sflag:s14], $0x7D0  }
0x1ae: {  	[sflag:s14] =	ssyncset.done $0x0  }
0x1af: {  	[sflag:s14] =	ssyncadd.s32 $0xFFFFF830  }
0x1b0: {  	_ =	swait.ge [sflag:s14], $0x7D0  }
0x1b1: {  	[sflag:s14] =	ssyncset.done $0x0  }
0x1b2: {  	[sflag:s14] =	ssyncadd.s32 $0xFFFFF830  }
0x1b3: {  	_ =	swait.ge [sflag:s14], $0x7D0  }
0x1b4: {  	[sflag:s14] =	ssyncset.done $0x0  }
0x1b5: {  	[sflag:s14] =	ssyncadd.s32 $0xFFFFF830  }
0x1b6: {  	_ =	swait.ge [sflag:s14], $0x7D0  }
0x1b7: {  	[sflag:s14] =	ssyncset.done $0x0  }
0x1b8: {  	[sflag:s14] =	ssyncadd.s32 $0xFFFFF830  }
0x1b9: {  	_ =	swait.ge [sflag:s14], $0x7D0  }
0x1ba: {  	[sflag:s14] =	ssyncset.done $0x0  }
0x1bb: {  	[sflag:s14] =	ssyncadd.s32 $0xFFFFF830  }
0x1bc: {  	_ =	swait.ge [sflag:s14], $0x7D0  }
0x1bd: {  	[sflag:s14] =	ssyncset.done $0x0  }
0x1be: {  	s10 =	sadd.s32 $0x2C00, s6;
	[sflag:s14] =	ssyncadd.s32 $0xFFFFF830  }
0x1bf: {  	[spmem:s2] =	stream.indirect.scatter.add.f32 [tilespmem:s26], [sflag:$0x3], $0x10, s10, s16, $0xb8;
	[tilespmem:$0xF500] =	vst v63  }
0x1c0: {  	s9 =	sadd.s32 $0x2C80, s6  }
0x1c1: {  	[spmem:s2] =	stream.indirect.scatter.add.f32 [tilespmem:s28], [sflag:$0x3], $0x10, s9, s16, $0xb8;
	[tilespmem:$0xF500] =	vst v63  }
0x1c2: {  	s10 =	sadd.s32 $0x2D00, s6  }
0x1c3: {  	[spmem:s2] =	stream.indirect.scatter.add.f32 [tilespmem:s29], [sflag:$0x3], $0x10, s10, s16, $0xb8;
	[tilespmem:$0xF500] =	vst v63  }
0x1c4: {  	s9 =	sadd.s32 $0x2D80, s6  }
0x1c5: {  	[spmem:s2] =	stream.indirect.scatter.add.f32 [tilespmem:s30], [sflag:$0x3], $0x10, s9, s16, $0xb8;
	[tilespmem:$0xF500] =	vst v63  }
0x1c6: {  	s10 =	sadd.s32 $0x2E00, s6  }
0x1c7: {  	[spmem:s2] =	stream.indirect.scatter.add.f32 [tilespmem:s31], [sflag:$0x3], $0x10, s10, s16, $0xb8;
	[tilespmem:$0xF500] =	vst v63  }
0x1c8: {  	s9 =	sadd.s32 $0x2E80, s6  }
0x1c9: {  	[spmem:s2] =	stream.indirect.scatter.add.f32 [tilespmem:s1], [sflag:$0x3], $0x10, s9, s16, $0xb8;
	[tilespmem:$0xF500] =	vst v63  }
0x1ca: {  	s10 =	sadd.s32 $0x2F00, s6  }
0x1cb: {  	[spmem:s2] =	stream.indirect.scatter.add.f32 [tilespmem:s0], [sflag:$0x3], $0x10, s10, s16, $0xb8;
	[tilespmem:$0xF500] =	vst v63  }
0x1cc: {  	s6 =	sadd.s32 $0x2F80, s6  }
0x1cd: {  	[spmem:s2] =	stream.indirect.scatter.add.f32 [tilespmem:s11], [sflag:$0x3], $0x10, s6, s16, $0xb8;
	[tilespmem:$0xF500] =	vst v63  }
0x1ce: {  	_ =	swait.ge [sflag:s15], $0x7D0  }
0x1cf: {  	[sflag:s15] =	ssyncset.done $0x0  }
0x1d0: {  	[sflag:s15] =	ssyncadd.s32 $0xFFFFF830  }
0x1d1: {  	_ =	swait.ge [sflag:s15], $0x7D0  }
0x1d2: {  	[sflag:s15] =	ssyncset.done $0x0  }
0x1d3: {  	[sflag:s15] =	ssyncadd.s32 $0xFFFFF830  }
0x1d4: {  	_ =	swait.ge [sflag:s15], $0x7D0  }
0x1d5: {  	[sflag:s15] =	ssyncset.done $0x0  }
0x1d6: {  	[sflag:s15] =	ssyncadd.s32 $0xFFFFF830  }
0x1d7: {  	_ =	swait.ge [sflag:s15], $0x7D0  }
0x1d8: {  	[sflag:s15] =	ssyncset.done $0x0  }
0x1d9: {  	[sflag:s15] =	ssyncadd.s32 $0xFFFFF830  }
0x1da: {  	_ =	swait.ge [sflag:s15], $0x7D0  }
0x1db: {  	[sflag:s15] =	ssyncset.done $0x0  }
0x1dc: {  	[sflag:s15] =	ssyncadd.s32 $0xFFFFF830  }
0x1dd: {  	_ =	swait.ge [sflag:s15], $0x7D0  }
0x1de: {  	[sflag:s15] =	ssyncset.done $0x0  }
0x1df: {  	[sflag:s15] =	ssyncadd.s32 $0xFFFFF830  }
0x1e0: {  	_ =	swait.ge [sflag:s15], $0x7D0  }
0x1e1: {  	[sflag:s15] =	ssyncset.done $0x0  }
0x1e2: {  	[sflag:s15] =	ssyncadd.s32 $0xFFFFF830  }
0x1e3: {  	_ =	swait.ge [sflag:s15], $0x7D0  }
0x1e4: {  	[sflag:s15] =	ssyncset.done $0x0  }
0x1e5: {  	[sflag:s15] =	ssyncadd.s32 $0xFFFFF830  }
0x1e6: {  	_ =	swait.ge [sflag:s15], $0x7D0  }
0x1e7: {  	[sflag:s15] =	ssyncset.done $0x0  }
0x1e8: {  	[sflag:s15] =	ssyncadd.s32 $0xFFFFF830  }
0x1e9: {  	_ =	swait.ge [sflag:s15], $0x7D0  }
0x1ea: {  	[sflag:s15] =	ssyncset.done $0x0  }
0x1eb: {  	[sflag:s15] =	ssyncadd.s32 $0xFFFFF830  }
0x1ec: {  	_ =	swait.ge [sflag:s15], $0x7D0  }
0x1ed: {  	[sflag:s15] =	ssyncset.done $0x0  }
0x1ee: {  	[sflag:s15] =	ssyncadd.s32 $0xFFFFF830  }
0x1ef: {  	_ =	swait.ge [sflag:s15], $0x7D0  }
0x1f0: {  	[sflag:s15] =	ssyncset.done $0x0  }
0x1f1: {  	[sflag:s15] =	ssyncadd.s32 $0xFFFFF830  }
0x1f2: {  	_ =	swait.ge [sflag:s15], $0x7D0  }
0x1f3: {  	[sflag:s15] =	ssyncset.done $0x0  }
0x1f4: {  	[sflag:s15] =	ssyncadd.s32 $0xFFFFF830  }
0x1f5: {  	_ =	swait.ge [sflag:s15], $0x7D0  }
0x1f6: {  	[sflag:s15] =	ssyncset.done $0x0  }
0x1f7: {  	[sflag:s15] =	ssyncadd.s32 $0xFFFFF830  }
0x1f8: {  	_ =	swait.ge [sflag:s15], $0x7D0  }
0x1f9: {  	[sflag:s15] =	ssyncset.done $0x0  }
0x1fa: {  	[sflag:s15] =	ssyncadd.s32 $0xFFFFF830  }
0x1fb: {  	_ =	swait.ge [sflag:s15], $0x7D0  }
0x1fc: {  	[sflag:s15] =	ssyncset.done $0x0  }
0x1fd: {  	[sflag:s15] =	ssyncadd.s32 $0xFFFFF830  }
0x1fe: {  	s9 =	sor.u32 $0x1C04, s7;
	[bflag:$0x0] =	sbarrier.arrive $0xFFFF  }
0x1ff: {  	[hbm:s24], [sflag:s9] =	dma.local [spmem:s12], $0x500  }
0x200: {  	_ =	swait.ge [sflag:s3], $0x500  }
0x201: {  	s5 =	sadd.s32 $0x1, s5;
	s10 =	rddreg [dreg:$0x7]  }
0x202: {  	p0 =	sne.s32 s5, s10  }
.Ltmp1:
0x203: {  	_ = 	snop;
	(pc) =	sbr.rel @p0 .LBB2_1-.Ltmp1, $3  }
0x204: {  	_ =	sdelay $0x1  }
0x205: {  	[sflag:s3] =	ssyncset.done $0x0  }
0x206: {  	[sflag:s3] =	ssyncadd.s32 $0xFFFFFB00  }
0x207: {  	_ =	sfence.sel $0x180000  }
0x208: {  	[bflag:$0x0] =	sbarrier.arrive $0xFFFF  }
0x209: {  	_ =	strace $0x9000004A  }
0x20a: {  	s0 =	stileid.u32;
	[bflag:$0x2] =	sbarrier.arrive $0xFFFF  }
0x20b: {  	p0 =	sne.s32 s0, $0x0;
	s0 =	rddreg [dreg:$0x2]  }
0x20c: {  	s0 =	sadd.s32 @!p0 $0x100000, s0  }
0x20d: {  	[sflag:s0] =	ssyncadd.tile.s32 @!p0 $0x1;
	_ =	shalt  }
.Lfunc_end2:
_tile_overlayer_lowered:
.L_overlay_start_2:
0x20e: {  	(tag) =	ssettag $0x2  }
0x20f: {  	s0 =	rddreg [dreg:$0x0];
	s2 =	stileid.u32  }
0x210: {  	s1 =	rddreg [dreg:$0x1];
	p0 =	sne.s32 s2, $0x0  }
0x211: {  	s3 =	rddreg [dreg:$0x2];
	[bflag:$0x3] =	sbarrier.arrive $0xFFFF;
	s2 =	simm.s32 @!p0 $0x1C04  }
0x212: {  	[timem:s3], [sflag:s2] =	dma.local @!p0 [hbm:s0], s1  }
0x213: {  	s0 =	simm.s32 @!p0 $0x4  }
0x214: {  	_ =	swait.ge @!p0 [sflag:s0], s1  }
0x215: {  	s1 =	ssub.s32 @!p0 $0x0, s1;
	[sflag:s0] =	ssyncset.done @!p0 $0x0  }
0x216: {  	[sflag:s0] =	ssyncadd.s32 @!p0 s1  }
0x217: {  	[bflag:$0x3] =	sbarrier.arrive $0xFFFF  }
0x218: {  	_ =	shalt  }

// kernel: kernel.20.cloned.1.call-start
scs
__scs_entry_jumppad:
0x0: {  	(pc) =	sbr.rel $0x88, $3  }
0x1: {  	(tag) =	ssettag $0x0;
	lr =	simm.s32 $0x1  }
0x2: {  	[smem:$0x3F95] =	sst lr;
	_ =	strace $0xD0000000  }
0x3: {  	_ = 	snop  }
0x4: {  	_ = 	snop  }
0x5: {  	_ = 	snop  }
0x6: {  	_ = 	snop  }
0x7: {  	_ = 	snop  }
__scs_overlays_trampoline_lowered:
0x8: {  	[smem:$0x3FA4] =	sst s0  }
0x9: {  	[smem:$0x3FA5] =	sst s1  }
0xa: {  	[smem:$0x3FA6] =	sst s2  }
0xb: {  	[smem:$0x3FA7] =	sst s3  }
0xc: {  	[smem:$0x3FA8] =	sst s4  }
0xd: {  	[smem:$0x3FA9] =	sst s5  }
0xe: {  	[smem:$0x3FAA] =	sst s6  }
0xf: {  	[smem:$0x3FAB] =	sst s7  }
0x10: {  	[smem:$0x3FAC] =	sst s8  }
0x11: {  	[smem:$0x3FAD] =	sst s9;
	s0 =	simm.s32 @!p0 $0x0  }
0x12: {  	s1 =	sld [smem:$0x3F93];
	s0 =	simm.s32 @p0 $0x1  }
0x13: {  	[smem:$0x3FAE] =	sst s0;
	s0 =	simm.s32 @!p1 $0x0  }
0x14: {  	s2 =	sld [smem:$0x3F92];
	s0 =	simm.s32 @p1 $0x1  }
0x15: {  	[smem:$0x3FAF] =	sst s0;
	s0 =	simm.s32 @!p2 $0x0  }
0x16: {  	s3 =	sld [smem:$0x3FDB];
	s0 =	simm.s32 @p2 $0x1  }
0x17: {  	s4 =	simm.s32 $0x1BF5;
	[smem:$0x3FB1] =	sst s0  }
0x18: {  	s0 =	sld [smem:$0x3F94];
	_ =	swait.ge [sflag:s4], $0x0  }
0x19: {  	s7 =	sld [smem:$0x3F95]  }
0x1a: {  	s8 =	sadd.s32 $0xFFFFE003, lr  }
0x1b: {  	s9 =	sadd.s32 $0xFFFFFEF7, lr;
	s5 =	simm.s32 $0xFFFFFFFF;
	p2 =	slt.u32 s8, $0xFFFFF086  }
0x1c: {  	p1 =	slt.u32 s9, $0xF7A;
	s5 =	simm.s32 @!p2 $0x0  }
0x1d: {  	s5 =	simm.s32 @p1 $0x1;
	p0 =	seq.s32 s7, s2  }
0x1e: {  	s7 =	smul.u32 @!p0 $0xF7A, s2;
	p2 =	seq.s32 @!p0 s5, $0x0  }
0x1f: {  	s9 =	smul.u32 $0xF7A, s1;
	s8 =	simm.s32 @!p0 $0x1BF5;
	p2 =	por !p2, p0  }
0x20: {  	[sflag:s8] =	ssyncset.s32 @!p0 $0xFFFFF086;
	s6 =	sadd.s32 @!p0 s3, s7;
	s7 =	simm.s32 @!p0 $0x108  }
0x21: {  	s3 =	sadd.s32 s3, s9;
	s6 =	sadd.s32 @!p0 $0x88, s6;
	s7 =	simm.s32 @p2 $0x1082  }
0x22: {  	[simem:s7], [sflag:s8] =	dma.local @!p0 [hbm:s6], $0xF7A  }
0x23: {  	s9 =	sor.u32 $0xD0000000, s2;
	s6 =	simm.s32 $0x108;
	_ =	swait.ge @!p0 [sflag:s8], $0x0  }
0x24: {  	s3 =	sadd.s32 $0x88, s3;
	s6 =	simm.s32 @!p1 $0x1082;
	[sflag:s4] =	ssyncset.s32 $0xFFFFF086  }
0x25: {  	[simem:s6], [sflag:s4] =	dma.local [hbm:s3], $0xF7A  }
0x26: {  	[smem:$0x3F95] =	sst s1;
	(tag) =	ssettag s2;
	_ =	strace s9  }
0x27: {  	s1 =	sld [smem:$0x3FA5]  }
0x28: {  	s2 =	sld [smem:$0x3FA6]  }
0x29: {  	s4 =	sld [smem:$0x3FA8]  }
0x2a: {  	p0 =	seq.s32 s5, $0x0;
	s5 =	sld [smem:$0x3FA9]  }
0x2b: {  	s6 =	sld [smem:$0x3FAA]  }
0x2c: {  	s7 =	sld [smem:$0x3FAB]  }
0x2d: {  	s3 =	simm.s32 $0x108;
	s8 =	sld [smem:$0x3FAC]  }
0x2e: {  	s3 =	simm.s32 @!p0 $0x1082;
	s9 =	sld [smem:$0x3FAD]  }
0x2f: {  	lr =	sadd.s32 s0, s3;
	s0 =	sld [smem:$0x3FA4]  }
0x30: {  	s3 =	sld [smem:$0x3FA7]  }
0x31: {  	[smem:$0x3FB0] =	sst s10  }
0x32: {  	s10 =	sld [smem:$0x3FAE];
	_ =	sdelay $0x3  }
0x33: {  	p0 =	seq.s32 s10, $0x1;
	s10 =	sld [smem:$0x3FB0];
	_ =	sdelay $0x3  }
0x34: {  	[smem:$0x3FB0] =	sst s10  }
0x35: {  	s10 =	sld [smem:$0x3FAF];
	_ =	sdelay $0x3  }
0x36: {  	p1 =	seq.s32 s10, $0x1;
	s10 =	sld [smem:$0x3FB0];
	_ =	sdelay $0x3  }
0x37: {  	[smem:$0x3FB0] =	sst s10  }
0x38: {  	s10 =	sld [smem:$0x3FB1]  }
0x39: {  	_ = 	snop;
	(pc) =	sbr.ind lr, $3  }
0x3a: {  	_ = 	snop  }
0x3b: {  	_ = 	snop  }
0x3c: {  	p2 =	seq.s32 s10, $0x1;
	s10 =	sld [smem:$0x3FB0]  }
0x3d: {  	_ =	shalt  }
0x3e: {  	_ =	shalt  }
0x3f: {  	_ =	shalt  }
0x40: {  	_ =	shalt  }
0x41: {  	_ =	shalt  }
0x42: {  	_ =	shalt  }
0x43: {  	_ =	shalt  }
0x44: {  	_ =	shalt  }
0x45: {  	_ =	shalt  }
0x46: {  	_ =	shalt  }
0x47: {  	_ =	shalt  }
0x48: {  	_ =	shalt  }
0x49: {  	_ =	shalt  }
0x4a: {  	_ =	shalt  }
0x4b: {  	_ =	shalt  }
0x4c: {  	_ =	shalt  }
0x4d: {  	_ =	shalt  }
0x4e: {  	_ =	shalt  }
0x4f: {  	_ =	shalt  }
0x50: {  	_ =	shalt  }
0x51: {  	_ =	shalt  }
0x52: {  	_ =	shalt  }
0x53: {  	_ =	shalt  }
0x54: {  	_ =	shalt  }
0x55: {  	_ =	shalt  }
0x56: {  	_ =	shalt  }
0x57: {  	_ =	shalt  }
0x58: {  	_ =	shalt  }
0x59: {  	_ =	shalt  }
0x5a: {  	_ =	shalt  }
0x5b: {  	_ =	shalt  }
0x5c: {  	_ =	shalt  }
0x5d: {  	_ =	shalt  }
0x5e: {  	_ =	shalt  }
0x5f: {  	_ =	shalt  }
0x60: {  	_ =	shalt  }
0x61: {  	_ =	shalt  }
0x62: {  	_ =	shalt  }
0x63: {  	_ =	shalt  }
0x64: {  	_ =	shalt  }
0x65: {  	_ =	shalt  }
0x66: {  	_ =	shalt  }
0x67: {  	_ =	shalt  }
0x68: {  	_ =	shalt  }
0x69: {  	_ =	shalt  }
0x6a: {  	_ =	shalt  }
0x6b: {  	_ =	shalt  }
0x6c: {  	_ =	shalt  }
0x6d: {  	_ =	shalt  }
0x6e: {  	_ =	shalt  }
0x6f: {  	_ =	shalt  }
0x70: {  	_ =	shalt  }
0x71: {  	_ =	shalt  }
0x72: {  	_ =	shalt  }
0x73: {  	_ =	shalt  }
0x74: {  	_ =	shalt  }
0x75: {  	_ =	shalt  }
0x76: {  	_ =	shalt  }
0x77: {  	_ =	shalt  }
0x78: {  	_ =	shalt  }
0x79: {  	_ =	shalt  }
0x7a: {  	_ =	shalt  }
0x7b: {  	_ =	shalt  }
0x7c: {  	_ =	shalt  }
0x7d: {  	_ =	shalt  }
0x7e: {  	_ =	shalt  }
0x7f: {  	_ =	shalt  }
0x80: {  	_ =	shalt  }
0x81: {  	_ =	shalt  }
0x82: {  	_ =	shalt  }
0x83: {  	_ =	shalt  }
0x84: {  	_ =	shalt  }
0x85: {  	_ =	shalt  }
0x86: {  	_ =	shalt  }
0x87: {  	_ =	shalt  }
.Lfunc_end0:
.L_simem_size_0:
called_computation.2_lowered:
.L_overlay_start_0:
0x88: {  	s2 =	sld [smem:$0x3FD9]  }
0x89: {  	s3 =	sld [smem:$0x3FFE];
	_ =	sdelay $0x1  }
0x8a: {  	s1 =	srdreg.scid  }
0x8b: {  	s0 =	sand.u32 $0x1, s1  }
0x8c: {  	s16 =	sshll.u32 s0, $0xA;
	s2 =	sadd.s32 s3, s2  }
0x8d: {  	s2 =	sadd.s32 s2, s16  }
0x8e: {  	[smem:$0x3FBC] =	sst s2  }
0x8f: {  	_ = 	snop  }
0x90: {  	(tm) =	ssettm $0x1  }
0x91: {  	s17 =	sld [smem:$0x3FFB];
	_ =	sdelay $0x3  }
0x92: {  	_ =	strace s17  }
0x93: {  	s2 =	sld [smem:$0x3FFC];
	_ =	sdelay $0x3  }
0x94: {  	_ =	strace s2  }
0x95: {  	s2 =	sld [smem:$0x3FFD];
	_ =	sdelay $0x3  }
0x96: {  	_ =	strace s2  }
0x97: {  	_ =	strace $0x8FFFFFFF  }
0x98: {  	s18 =	sld [smem:$0x3FDB];
	_ =	sdelay $0x1  }
0x99: {  	s19 =	simm.s32 $_scs_section_size  }
0x9a: {  	s4 =	simm.s32 $_size__tile_overlayer_lowered;
	s5 =	simm.s32 $_tile_overlayer_lowered  }
0x9b: {  	s22 =	simm.s32 $0x1BFF;
	s21 =	sshll.u32 s5, $0x1;
	s2 =	sadd.s32 s19, s18  }
0x9c: {  	s6 =	simm.s32 $0x0;
	s20 =	sshll.u32 s4, $0x1;
	s4 =	sadd.s32 s21, s2  }
0x9d: {  	[timem:s6], [sflag:s22] =	dma.local [hbm:s4], s20  }
0x9e: {  	_ =	swait.ge [sflag:s22], s20  }
0x9f: {  	s3 =	ssub.s32 $0x0, s20;
	[sflag:s22] =	ssyncset.done $0x0  }
0xa0: {  	[sflag:s22] =	ssyncadd.s32 s3;
	_ =	sdelay $0x1  }
0xa1: {  	s23 =	simm.s32 $0x1B8B  }
0xa2: {  	_ =	swait.ge [sflag:s23], $0x1  }
0xa3: {  	[sflag:s23] =	ssyncset.done $0x0  }
0xa4: {  	s25 =	simm.s32 $0x1B8E;
	s24 =	sld [smem:$0x3FFE];
	[sflag:s23] =	ssyncadd.s32 $0xFFFFFFFF  }
0xa5: {  	s26 =	simm.s32 $execute0_lowered;
	[smem:$0x3FD2] =	sst s25  }
0xa6: {  	s4 =	sshll.u32 s26, $0x1;
	_ =	strace $0x8000004C;
	[dreg:$0x1] =	wrdreg $0xFFFFFFFF  }
0xa7: {  	s28 =	simm.s32 $_size_execute0_lowered;
	s2 =	sadd.s32 s2, s4;
	[dreg:$0x0] =	wrdreg $0x0  }
0xa8: {  	s4 =	sshll.u32 s28, $0x1;
	[dreg:$0x2] =	wrdreg s2  }
0xa9: {  	[dreg:$0x3] =	wrdreg s4  }
0xaa: {  	[dreg:$0x4] =	wrdreg $0xC0  }
0xab: {  	_ =	task [dreg:s6], $0x5FFFF  }
0xac: {  	[dreg:$0x1] =	wrdreg $0xFFFFFFFF  }
0xad: {  	[dreg:$0x0] =	wrdreg $0x60  }
0xae: {  	[dreg:$0x2] =	wrdreg s24  }
0xaf: {  	[dreg:$0x3] =	wrdreg $0x9  }
0xb0: {  	_ =	task.clear_ibuf [dreg:s6], $0x4FFFF;
	_ =	strace $0x9000004C  }
0xb1: {  	s29 =	simm.s32 $0x9;
	_ =	strace $0x8000004E  }
0xb2: {  	_ =	swait.ge [sflag:s29], $0x1  }
0xb3: {  	[sflag:s29] =	ssyncadd.s32 $0xFFFFFFFF  }
0xb4: {  	_ =	strace $0x9000004E  }
0xb5: {  	_ =	sfence  }
0xb6: {  	s30 =	sld [smem:$0x0];
	_ =	sdelay $0x2  }
0xb7: {  	s31 =	sshll.u32 s1, $0xD;
	s1 =	sshrl.u32 s1, $0x2  }
0xb8: {  	s3 =	sand.u32 $0x4000, s31;
	s1 =	sadd.s32 s1, s30  }
0xb9: {  	s0 =	sor.u32 s3, s0;
	s1 =	sshll.u32 s1, $0x11  }
0xba: {  	s0 =	sor.u32 s1, s0  }
0xbb: {  	s0 =	sadd.s32 $0x8F2B, s0  }
0xbc: {  	[sflag:s0] =	ssyncadd.remote.s32 $0x1  }
0xbd: {  	_ =	sfence.sel $0xFFFF  }
0xbe: {  	[dreg:$0x0] =	wrdreg $0xFFFFFFFF;
	(pc) =	sbr.abs _section_cstart, $3  }
0xbf: {  	[dreg:$0x1] =	wrdreg $0xFFFFFFFF  }
0xc0: {  	_ =	task.clear_ibuf [dreg:s6], $0x2FFFF;
	_ =	strace $0x9FFFFFFF  }
0xc1: {  	(tm) =	ssettm $0x7FFFFFFF  }
tec
execute0_lowered:
.L_overlay_start_1:
0x0: {  	(tag) =	ssettag $0x1  }
0x1: {  	s1 =	srdreg.scid;
	s0 =	stileid.u32  }
0x2: {  	s4 =	rddreg [dreg:$0x0];
	s2 =	simm.s32 $0x0;
	s9 =	simm.s32 $0x4E20  }
0x3: {  	s10 =	simm.s32 $0x1;
	s3 =	sand.u32 $0x1, s1;
	s30 =	sshll.u32 s0, $0x1  }
0x4: {  	s11 =	simm.s32 $0x7530;
	s12 =	simm.s32 $0x2;
	s5 =	sor.u32 s3, s30  }
0x5: {  	s13 =	simm.s32 $0x0;
	[smem:$0x7FF] =	sst s2;
	s5 =	smul.u32 $0x4E2, s5  }
0x6: {  	s1 =	rddreg [dreg:$0x1];
	s6 =	ssub.s32 $0x2, s3;
	_ =	strace $0x8000004D  }
0x7: {  	s3 =	sadd.s32 $0x15A00, s4;
	s31 =	sshrl.u32 s6, $0x1;
	s7 =	sadd.s32 s5, s4  }
0x8: {  	s8 =	ssub.s32 s6, s31;
	s4 =	sadd.s32 $0xBC00, s7;
	s5 =	sadd.s32 $0x1E00, s7  }
0x9: {  	v0 =	vimm.f32 $0.0e+00;
	s6 =	sadd.s32 $0x33E00, s7;
	s7 =	smax.u32 s8, $0x1;
	s8 =	simm.s32 $0x2710  }
.LBB2_1:
0xa: {  	[tilespmem:s2], [sflag:$0x1] =	stream.linear.gather [hbm4b:s3+s2], $0x2710, $0x38;
	[tilespmem:$0x9C40] =	vst v63  }
0xb: {  	_ = 	snop  }
0xc: {  	[tilespmem:s8], [sflag:$0x1] =	stream.linear.gather [hbm4b:s4+s2], $0x2710, $0x38;
	[tilespmem:$0x9C40] =	vst v63  }
0xd: {  	s15 =	simm.s32 $0x140;
	s14 =	simm.s32 $0x0  }
0xe: {  	[tilespmem:s9], [sflag:$0x1] =	stream.linear.gather [hbm4b:s5+s2], $0x2710, $0x38;
	[tilespmem:$0x9C40] =	vst v63  }
.LBB2_2:
0xf: {  	p0 =	sne.s32 s15, $0x9B00;
	[tilespmem:s14+$0x7570] =	vst v0;
	s16 =	smov.u32 s15;
	s15 =	sadd.s32 $0x140, s15  }
.Ltmp0:
0x10: {  	[tilespmem:s14+$0x7560] =	vst v0;
	(pc) =	sbr.rel @p0 .LBB2_2-.Ltmp0, $4  }
0x11: {  	[tilespmem:s14+$0x7550] =	vst v0  }
0x12: {  	[tilespmem:s14+$0x7530] =	vst v0  }
0x13: {  	[tilespmem:s14+$0x7540] =	vst v0  }
0x14: {  	s14 =	sshra.s32 s16, $0x2  }
0x15: {  	[tilespmem:s14+$0x7570] =	vst v0  }
0x16: {  	[tilespmem:s14+$0x7560] =	vst v0  }
0x17: {  	[tilespmem:s14+$0x7550] =	vst v0  }
0x18: {  	[tilespmem:s14+$0x7530] =	vst v0  }
0x19: {  	[tilespmem:s14+$0x7540] =	vst v0  }
0x1a: {  	_ =	swait.ge [sflag:s10], $0x2710  }
0x1b: {  	[sflag:s10] =	ssyncset.done $0x0  }
0x1c: {  	[sflag:s10] =	ssyncadd.s32 $0xFFFFD8F0  }
0x1d: {  	_ =	swait.ge [sflag:s10], $0x2710  }
0x1e: {  	[sflag:s10] =	ssyncset.done $0x0  }
0x1f: {  	[sflag:s10] =	ssyncadd.s32 $0xFFFFD8F0  }
0x20: {  	_ =	swait.ge [sflag:s10], $0x2710  }
0x21: {  	[sflag:s10] =	ssyncset.done $0x0  }
0x22: {  	s14 =	simm.s32 $0x0;
	[sflag:s10] =	ssyncadd.s32 $0xFFFFD8F0  }
.LBB2_4:
0x23: {  	s15 =	sshra.s32 s14, $0x2  }
0x24: {  	v1 =	vld [tilespmem:s15+$0x2710];
	_ =	sdelay $0x4  }
0x25: {  	v2 =	vld [tilespmem:s15+$0x4E20];
	_ =	sdelay $0x2  }
0x26: {  	v1 =	vld.idx.msk [tilespmem:v1+s2+$0x0], $0xffff;
	_ =	sdelay $0x4  }
0x27: {  	[tilespmem:v2+s11+$0x0] =	vst.idx.add.f32.msk $0xffff, v1  }
0x28: {  	v1 =	vld [tilespmem:s15+$0x2720];
	_ =	sdelay $0x4  }
0x29: {  	v2 =	vld [tilespmem:s15+$0x4E30];
	_ =	sdelay $0x2  }
0x2a: {  	v1 =	vld.idx.msk [tilespmem:v1+s2+$0x0], $0xffff;
	_ =	sdelay $0x4  }
0x2b: {  	[tilespmem:v2+s11+$0x0] =	vst.idx.add.f32.msk $0xffff, v1  }
0x2c: {  	v1 =	vld [tilespmem:s15+$0x2730];
	_ =	sdelay $0x4  }
0x2d: {  	v2 =	vld [tilespmem:s15+$0x4E40];
	_ =	sdelay $0x2  }
0x2e: {  	v1 =	vld.idx.msk [tilespmem:v1+s2+$0x0], $0xffff;
	_ =	sdelay $0x4  }
0x2f: {  	[tilespmem:v2+s11+$0x0] =	vst.idx.add.f32.msk $0xffff, v1  }
0x30: {  	v1 =	vld [tilespmem:s15+$0x2740];
	_ =	sdelay $0x4  }
0x31: {  	v2 =	vld [tilespmem:s15+$0x4E50];
	_ =	sdelay $0x2  }
0x32: {  	v1 =	vld.idx.msk [tilespmem:v1+s2+$0x0], $0xffff;
	_ =	sdelay $0x4  }
0x33: {  	[tilespmem:v2+s11+$0x0] =	vst.idx.add.f32.msk $0xffff, v1  }
0x34: {  	v1 =	vld [tilespmem:s15+$0x2750];
	_ =	sdelay $0x4  }
0x35: {  	v2 =	vld [tilespmem:s15+$0x4E60];
	_ =	sdelay $0x2  }
0x36: {  	p0 =	sne.s32 s14, $0x9B00;
	v1 =	vld.idx.msk [tilespmem:v1+s2+$0x0], $0xffff  }
.Ltmp1:
0x37: {  	_ = 	snop;
	(pc) =	sbr.rel @p0 .LBB2_4-.Ltmp1, $2  }
0x38: {  	_ =	sdelay $0x2  }
0x39: {  	s14 =	sadd.s32 $0x140, s14;
	[tilespmem:v2+s11+$0x0] =	vst.idx.add.f32.msk $0xffff, v1  }
0x3a: {  	s13 =	sadd.s32 $0x1, s13  }
0x3b: {  	p0 =	sne.s32 s13, s7  }
.Ltmp2:
0x3c: {  	_ = 	snop;
	(pc) =	sbr.rel @p0 .LBB2_1-.Ltmp2, $4  }
0x3d: {  	[hbm4b:s6+s2] =	stream.linear.scatter [tilespmem:s11], [sflag:$0x2], $0x2710, $0x38;
	[tilespmem:$0x9C40] =	vst v63  }
0x3e: {  	_ =	swait.ge [sflag:s12], $0x2710  }
0x3f: {  	[sflag:s12] =	ssyncset.done $0x0  }
0x40: {  	[sflag:s12] =	ssyncadd.s32 $0xFFFFD8F0  }
0x41: {  	_ =	sfence.sel $0x180000  }
0x42: {  	[bflag:$0x0] =	sbarrier.arrive $0xFFFF  }
0x43: {  	p0 =	sne.s32 s0, $0x0;
	_ =	strace $0x9000004D  }
0x44: {  	s0 =	sadd.s32 @!p0 $0x100000, s1;
	[bflag:$0x2] =	sbarrier.arrive $0xFFFF  }
0x45: {  	[sflag:s0] =	ssyncadd.tile.s32 @!p0 $0x1;
	_ =	shalt  }
.Lfunc_end2:
_tile_overlayer_lowered:
.L_overlay_start_2:
0x46: {  	(tag) =	ssettag $0x2  }
0x47: {  	s0 =	rddreg [dreg:$0x0];
	s2 =	stileid.u32  }
0x48: {  	s1 =	rddreg [dreg:$0x1];
	p0 =	sne.s32 s2, $0x0  }
0x49: {  	s3 =	rddreg [dreg:$0x2];
	[bflag:$0x3] =	sbarrier.arrive $0xFFFF;
	s2 =	simm.s32 @!p0 $0x1C02  }
0x4a: {  	[timem:s3], [sflag:s2] =	dma.local @!p0 [hbm:s0], s1  }
0x4b: {  	s0 =	simm.s32 @!p0 $0x2  }
0x4c: {  	_ =	swait.ge @!p0 [sflag:s0], s1  }
0x4d: {  	s1 =	ssub.s32 @!p0 $0x0, s1;
	[sflag:s0] =	ssyncset.done @!p0 $0x0  }
0x4e: {  	[sflag:s0] =	ssyncadd.s32 @!p0 s1  }
0x4f: {  	[bflag:$0x3] =	sbarrier.arrive $0xFFFF  }
0x50: {  	_ =	shalt  }

// kernel: kernel.23.cloned.1.call-start
scs
__scs_entry_jumppad:
0x0: {  	(pc) =	sbr.rel $0x88, $3  }
0x1: {  	(tag) =	ssettag $0x0;
	lr =	simm.s32 $0x1  }
0x2: {  	[smem:$0x3F95] =	sst lr;
	_ =	strace $0xD0000000  }
0x3: {  	_ = 	snop  }
0x4: {  	_ = 	snop  }
0x5: {  	_ = 	snop  }
0x6: {  	_ = 	snop  }
0x7: {  	_ = 	snop  }
__scs_overlays_trampoline_lowered:
0x8: {  	[smem:$0x3FA4] =	sst s0  }
0x9: {  	[smem:$0x3FA5] =	sst s1  }
0xa: {  	[smem:$0x3FA6] =	sst s2  }
0xb: {  	[smem:$0x3FA7] =	sst s3  }
0xc: {  	[smem:$0x3FA8] =	sst s4  }
0xd: {  	[smem:$0x3FA9] =	sst s5  }
0xe: {  	[smem:$0x3FAA] =	sst s6  }
0xf: {  	[smem:$0x3FAB] =	sst s7  }
0x10: {  	[smem:$0x3FAC] =	sst s8  }
0x11: {  	[smem:$0x3FAD] =	sst s9;
	s0 =	simm.s32 @!p0 $0x0  }
0x12: {  	s1 =	sld [smem:$0x3F93];
	s0 =	simm.s32 @p0 $0x1  }
0x13: {  	[smem:$0x3FAE] =	sst s0;
	s0 =	simm.s32 @!p1 $0x0  }
0x14: {  	s2 =	sld [smem:$0x3F92];
	s0 =	simm.s32 @p1 $0x1  }
0x15: {  	[smem:$0x3FAF] =	sst s0;
	s0 =	simm.s32 @!p2 $0x0  }
0x16: {  	s3 =	sld [smem:$0x3FDB];
	s0 =	simm.s32 @p2 $0x1  }
0x17: {  	s4 =	simm.s32 $0x1BF5;
	[smem:$0x3FB1] =	sst s0  }
0x18: {  	s0 =	sld [smem:$0x3F94];
	_ =	swait.ge [sflag:s4], $0x0  }
0x19: {  	s7 =	sld [smem:$0x3F95]  }
0x1a: {  	s8 =	sadd.s32 $0xFFFFE003, lr  }
0x1b: {  	s9 =	sadd.s32 $0xFFFFFEF7, lr;
	s5 =	simm.s32 $0xFFFFFFFF;
	p2 =	slt.u32 s8, $0xFFFFF086  }
0x1c: {  	p1 =	slt.u32 s9, $0xF7A;
	s5 =	simm.s32 @!p2 $0x0  }
0x1d: {  	s5 =	simm.s32 @p1 $0x1;
	p0 =	seq.s32 s7, s2  }
0x1e: {  	s7 =	smul.u32 @!p0 $0xF7A, s2;
	p2 =	seq.s32 @!p0 s5, $0x0  }
0x1f: {  	s9 =	smul.u32 $0xF7A, s1;
	s8 =	simm.s32 @!p0 $0x1BF5;
	p2 =	por !p2, p0  }
0x20: {  	[sflag:s8] =	ssyncset.s32 @!p0 $0xFFFFF086;
	s6 =	sadd.s32 @!p0 s3, s7;
	s7 =	simm.s32 @!p0 $0x108  }
0x21: {  	s3 =	sadd.s32 s3, s9;
	s6 =	sadd.s32 @!p0 $0x88, s6;
	s7 =	simm.s32 @p2 $0x1082  }
0x22: {  	[simem:s7], [sflag:s8] =	dma.local @!p0 [hbm:s6], $0xF7A  }
0x23: {  	s9 =	sor.u32 $0xD0000000, s2;
	s6 =	simm.s32 $0x108;
	_ =	swait.ge @!p0 [sflag:s8], $0x0  }
0x24: {  	s3 =	sadd.s32 $0x88, s3;
	s6 =	simm.s32 @!p1 $0x1082;
	[sflag:s4] =	ssyncset.s32 $0xFFFFF086  }
0x25: {  	[simem:s6], [sflag:s4] =	dma.local [hbm:s3], $0xF7A  }
0x26: {  	[smem:$0x3F95] =	sst s1;
	(tag) =	ssettag s2;
	_ =	strace s9  }
0x27: {  	s1 =	sld [smem:$0x3FA5]  }
0x28: {  	s2 =	sld [smem:$0x3FA6]  }
0x29: {  	s4 =	sld [smem:$0x3FA8]  }
0x2a: {  	p0 =	seq.s32 s5, $0x0;
	s5 =	sld [smem:$0x3FA9]  }
0x2b: {  	s6 =	sld [smem:$0x3FAA]  }
0x2c: {  	s7 =	sld [smem:$0x3FAB]  }
0x2d: {  	s3 =	simm.s32 $0x108;
	s8 =	sld [smem:$0x3FAC]  }
0x2e: {  	s3 =	simm.s32 @!p0 $0x1082;
	s9 =	sld [smem:$0x3FAD]  }
0x2f: {  	lr =	sadd.s32 s0, s3;
	s0 =	sld [smem:$0x3FA4]  }
0x30: {  	s3 =	sld [smem:$0x3FA7]  }
0x31: {  	[smem:$0x3FB0] =	sst s10  }
0x32: {  	s10 =	sld [smem:$0x3FAE];
	_ =	sdelay $0x3  }
0x33: {  	p0 =	seq.s32 s10, $0x1;
	s10 =	sld [smem:$0x3FB0];
	_ =	sdelay $0x3  }
0x34: {  	[smem:$0x3FB0] =	sst s10  }
0x35: {  	s10 =	sld [smem:$0x3FAF];
	_ =	sdelay $0x3  }
0x36: {  	p1 =	seq.s32 s10, $0x1;
	s10 =	sld [smem:$0x3FB0];
	_ =	sdelay $0x3  }
0x37: {  	[smem:$0x3FB0] =	sst s10  }
0x38: {  	s10 =	sld [smem:$0x3FB1]  }
0x39: {  	_ = 	snop;
	(pc) =	sbr.ind lr, $3  }
0x3a: {  	_ = 	snop  }
0x3b: {  	_ = 	snop  }
0x3c: {  	p2 =	seq.s32 s10, $0x1;
	s10 =	sld [smem:$0x3FB0]  }
0x3d: {  	_ =	shalt  }
0x3e: {  	_ =	shalt  }
0x3f: {  	_ =	shalt  }
0x40: {  	_ =	shalt  }
0x41: {  	_ =	shalt  }
0x42: {  	_ =	shalt  }
0x43: {  	_ =	shalt  }
0x44: {  	_ =	shalt  }
0x45: {  	_ =	shalt  }
0x46: {  	_ =	shalt  }
0x47: {  	_ =	shalt  }
0x48: {  	_ =	shalt  }
0x49: {  	_ =	shalt  }
0x4a: {  	_ =	shalt  }
0x4b: {  	_ =	shalt  }
0x4c: {  	_ =	shalt  }
0x4d: {  	_ =	shalt  }
0x4e: {  	_ =	shalt  }
0x4f: {  	_ =	shalt  }
0x50: {  	_ =	shalt  }
0x51: {  	_ =	shalt  }
0x52: {  	_ =	shalt  }
0x53: {  	_ =	shalt  }
0x54: {  	_ =	shalt  }
0x55: {  	_ =	shalt  }
0x56: {  	_ =	shalt  }
0x57: {  	_ =	shalt  }
0x58: {  	_ =	shalt  }
0x59: {  	_ =	shalt  }
0x5a: {  	_ =	shalt  }
0x5b: {  	_ =	shalt  }
0x5c: {  	_ =	shalt  }
0x5d: {  	_ =	shalt  }
0x5e: {  	_ =	shalt  }
0x5f: {  	_ =	shalt  }
0x60: {  	_ =	shalt  }
0x61: {  	_ =	shalt  }
0x62: {  	_ =	shalt  }
0x63: {  	_ =	shalt  }
0x64: {  	_ =	shalt  }
0x65: {  	_ =	shalt  }
0x66: {  	_ =	shalt  }
0x67: {  	_ =	shalt  }
0x68: {  	_ =	shalt  }
0x69: {  	_ =	shalt  }
0x6a: {  	_ =	shalt  }
0x6b: {  	_ =	shalt  }
0x6c: {  	_ =	shalt  }
0x6d: {  	_ =	shalt  }
0x6e: {  	_ =	shalt  }
0x6f: {  	_ =	shalt  }
0x70: {  	_ =	shalt  }
0x71: {  	_ =	shalt  }
0x72: {  	_ =	shalt  }
0x73: {  	_ =	shalt  }
0x74: {  	_ =	shalt  }
0x75: {  	_ =	shalt  }
0x76: {  	_ =	shalt  }
0x77: {  	_ =	shalt  }
0x78: {  	_ =	shalt  }
0x79: {  	_ =	shalt  }
0x7a: {  	_ =	shalt  }
0x7b: {  	_ =	shalt  }
0x7c: {  	_ =	shalt  }
0x7d: {  	_ =	shalt  }
0x7e: {  	_ =	shalt  }
0x7f: {  	_ =	shalt  }
0x80: {  	_ =	shalt  }
0x81: {  	_ =	shalt  }
0x82: {  	_ =	shalt  }
0x83: {  	_ =	shalt  }
0x84: {  	_ =	shalt  }
0x85: {  	_ =	shalt  }
0x86: {  	_ =	shalt  }
0x87: {  	_ =	shalt  }
.Lfunc_end0:
.L_simem_size_0:
called_computation.3_lowered:
.L_overlay_start_0:
0x88: {  	s2 =	sld [smem:$0x3FD9]  }
0x89: {  	s3 =	sld [smem:$0x3FFE];
	_ =	sdelay $0x1  }
0x8a: {  	s1 =	srdreg.scid  }
0x8b: {  	s0 =	sand.u32 $0x1, s1  }
0x8c: {  	s16 =	sshll.u32 s0, $0xA;
	s2 =	sadd.s32 s3, s2  }
0x8d: {  	s2 =	sadd.s32 s2, s16  }
0x8e: {  	[smem:$0x3FBC] =	sst s2  }
0x8f: {  	_ = 	snop  }
0x90: {  	(tm) =	ssettm $0x1  }
0x91: {  	s17 =	sld [smem:$0x3FFB];
	_ =	sdelay $0x3  }
0x92: {  	_ =	strace s17  }
0x93: {  	s2 =	sld [smem:$0x3FFC];
	_ =	sdelay $0x3  }
0x94: {  	_ =	strace s2  }
0x95: {  	s2 =	sld [smem:$0x3FFD];
	_ =	sdelay $0x3  }
0x96: {  	_ =	strace s2  }
0x97: {  	_ =	strace $0x8FFFFFFF  }
0x98: {  	s18 =	sld [smem:$0x3FDB];
	_ =	sdelay $0x1  }
0x99: {  	s19 =	simm.s32 $_scs_section_size  }
0x9a: {  	s4 =	simm.s32 $_size__tile_overlayer_lowered;
	s5 =	simm.s32 $_tile_overlayer_lowered  }
0x9b: {  	s22 =	simm.s32 $0x1BFF;
	s21 =	sshll.u32 s5, $0x1;
	s2 =	sadd.s32 s19, s18  }
0x9c: {  	s6 =	simm.s32 $0x0;
	s20 =	sshll.u32 s4, $0x1;
	s4 =	sadd.s32 s21, s2  }
0x9d: {  	[timem:s6], [sflag:s22] =	dma.local [hbm:s4], s20  }
0x9e: {  	_ =	swait.ge [sflag:s22], s20  }
0x9f: {  	s3 =	ssub.s32 $0x0, s20;
	[sflag:s22] =	ssyncset.done $0x0  }
0xa0: {  	[sflag:s22] =	ssyncadd.s32 s3;
	_ =	sdelay $0x1  }
0xa1: {  	s23 =	simm.s32 $0x1B8B  }
0xa2: {  	_ =	swait.ge [sflag:s23], $0x1  }
0xa3: {  	[sflag:s23] =	ssyncset.done $0x0  }
0xa4: {  	s25 =	simm.s32 $0x1B8E;
	s24 =	sld [smem:$0x3FFE];
	[sflag:s23] =	ssyncadd.s32 $0xFFFFFFFF  }
0xa5: {  	s26 =	simm.s32 $execute0_lowered;
	[smem:$0x3FD2] =	sst s25  }
0xa6: {  	s4 =	sshll.u32 s26, $0x1;
	_ =	strace $0x8000004F;
	[dreg:$0x1] =	wrdreg $0xFFFFFFFF  }
0xa7: {  	s28 =	simm.s32 $_size_execute0_lowered;
	s2 =	sadd.s32 s2, s4;
	[dreg:$0x0] =	wrdreg $0x0  }
0xa8: {  	s4 =	sshll.u32 s28, $0x1;
	[dreg:$0x2] =	wrdreg s2  }
0xa9: {  	[dreg:$0x3] =	wrdreg s4  }
0xaa: {  	[dreg:$0x4] =	wrdreg $0xC0  }
0xab: {  	_ =	task [dreg:s6], $0x5FFFF  }
0xac: {  	[dreg:$0x1] =	wrdreg $0xFFFFFFFF  }
0xad: {  	[dreg:$0x0] =	wrdreg $0x60  }
0xae: {  	[dreg:$0x2] =	wrdreg s24  }
0xaf: {  	[dreg:$0x3] =	wrdreg $0x9  }
0xb0: {  	_ =	task.clear_ibuf [dreg:s6], $0x4FFFF;
	_ =	strace $0x9000004F  }
0xb1: {  	s29 =	simm.s32 $0x9;
	_ =	strace $0x80000051  }
0xb2: {  	_ =	swait.ge [sflag:s29], $0x1  }
0xb3: {  	[sflag:s29] =	ssyncadd.s32 $0xFFFFFFFF  }
0xb4: {  	_ =	strace $0x90000051  }
0xb5: {  	_ =	sfence  }
0xb6: {  	s30 =	sld [smem:$0x0];
	_ =	sdelay $0x2  }
0xb7: {  	s31 =	sshll.u32 s1, $0xD;
	s1 =	sshrl.u32 s1, $0x2  }
0xb8: {  	s3 =	sand.u32 $0x4000, s31;
	s1 =	sadd.s32 s1, s30  }
0xb9: {  	s0 =	sor.u32 s3, s0;
	s1 =	sshll.u32 s1, $0x11  }
0xba: {  	s0 =	sor.u32 s1, s0  }
0xbb: {  	s0 =	sadd.s32 $0x8F2B, s0  }
0xbc: {  	[sflag:s0] =	ssyncadd.remote.s32 $0x1  }
0xbd: {  	_ =	sfence.sel $0xFFFF  }
0xbe: {  	[dreg:$0x0] =	wrdreg $0xFFFFFFFF;
	(pc) =	sbr.abs _section_cstart, $3  }
0xbf: {  	[dreg:$0x1] =	wrdreg $0xFFFFFFFF  }
0xc0: {  	_ =	task.clear_ibuf [dreg:s6], $0x2FFFF;
	_ =	strace $0x9FFFFFFF  }
0xc1: {  	(tm) =	ssettm $0x7FFFFFFF  }
tec
execute0_lowered:
.L_overlay_start_1:
0x0: {  	(tag) =	ssettag $0x1  }
0x1: {  	s1 =	srdreg.scid;
	s0 =	stileid.u32  }
0x2: {  	s4 =	rddreg [dreg:$0x0];
	s2 =	simm.s32 $0x0;
	s9 =	simm.s32 $0x4E20  }
0x3: {  	s10 =	simm.s32 $0x1;
	s3 =	sand.u32 $0x1, s1;
	s30 =	sshll.u32 s0, $0x1  }
0x4: {  	s11 =	simm.s32 $0x7530;
	s12 =	simm.s32 $0x2;
	s5 =	sor.u32 s3, s30  }
0x5: {  	s13 =	simm.s32 $0x0;
	[smem:$0x7FF] =	sst s2;
	s5 =	smul.u32 $0x4E2, s5  }
0x6: {  	s1 =	rddreg [dreg:$0x1];
	s6 =	ssub.s32 $0x2, s3;
	_ =	strace $0x80000050  }
0x7: {  	s3 =	sadd.s32 $0x15A00, s4;
	s31 =	sshrl.u32 s6, $0x1;
	s7 =	sadd.s32 s5, s4  }
0x8: {  	s8 =	ssub.s32 s6, s31;
	s4 =	sadd.s32 $0xBC00, s7;
	s5 =	sadd.s32 $0x1E00, s7  }
0x9: {  	v0 =	vimm.f32 $0.0e+00;
	s6 =	sadd.s32 $0x33E00, s7;
	s7 =	smax.u32 s8, $0x1;
	s8 =	simm.s32 $0x2710  }
.LBB2_1:
0xa: {  	[tilespmem:s2], [sflag:$0x1] =	stream.linear.gather [hbm4b:s3+s2], $0x2710, $0x38;
	[tilespmem:$0x9C40] =	vst v63  }
0xb: {  	_ = 	snop  }
0xc: {  	[tilespmem:s8], [sflag:$0x1] =	stream.linear.gather [hbm4b:s4+s2], $0x2710, $0x38;
	[tilespmem:$0x9C40] =	vst v63  }
0xd: {  	s15 =	simm.s32 $0x140;
	s14 =	simm.s32 $0x0  }
0xe: {  	[tilespmem:s9], [sflag:$0x1] =	stream.linear.gather [hbm4b:s5+s2], $0x2710, $0x38;
	[tilespmem:$0x9C40] =	vst v63  }
.LBB2_2:
0xf: {  	p0 =	sne.s32 s15, $0x9B00;
	[tilespmem:s14+$0x7570] =	vst v0;
	s16 =	smov.u32 s15;
	s15 =	sadd.s32 $0x140, s15  }
.Ltmp0:
0x10: {  	[tilespmem:s14+$0x7560] =	vst v0;
	(pc) =	sbr.rel @p0 .LBB2_2-.Ltmp0, $4  }
0x11: {  	[tilespmem:s14+$0x7550] =	vst v0  }
0x12: {  	[tilespmem:s14+$0x7530] =	vst v0  }
0x13: {  	[tilespmem:s14+$0x7540] =	vst v0  }
0x14: {  	s14 =	sshra.s32 s16, $0x2  }
0x15: {  	[tilespmem:s14+$0x7570] =	vst v0  }
0x16: {  	[tilespmem:s14+$0x7560] =	vst v0  }
0x17: {  	[tilespmem:s14+$0x7550] =	vst v0  }
0x18: {  	[tilespmem:s14+$0x7530] =	vst v0  }
0x19: {  	[tilespmem:s14+$0x7540] =	vst v0  }
0x1a: {  	_ =	swait.ge [sflag:s10], $0x2710  }
0x1b: {  	[sflag:s10] =	ssyncset.done $0x0  }
0x1c: {  	[sflag:s10] =	ssyncadd.s32 $0xFFFFD8F0  }
0x1d: {  	_ =	swait.ge [sflag:s10], $0x2710  }
0x1e: {  	[sflag:s10] =	ssyncset.done $0x0  }
0x1f: {  	[sflag:s10] =	ssyncadd.s32 $0xFFFFD8F0  }
0x20: {  	_ =	swait.ge [sflag:s10], $0x2710  }
0x21: {  	[sflag:s10] =	ssyncset.done $0x0  }
0x22: {  	s14 =	simm.s32 $0x0;
	[sflag:s10] =	ssyncadd.s32 $0xFFFFD8F0  }
.LBB2_4:
0x23: {  	s15 =	sshra.s32 s14, $0x2  }
0x24: {  	v1 =	vld [tilespmem:s15+$0x2710];
	_ =	sdelay $0x4  }
0x25: {  	v2 =	vld [tilespmem:s15+$0x4E20];
	_ =	sdelay $0x2  }
0x26: {  	v1 =	vld.idx.msk [tilespmem:v1+s2+$0x0], $0xffff;
	_ =	sdelay $0x4  }
0x27: {  	[tilespmem:v2+s11+$0x0] =	vst.idx.add.f32.msk $0xffff, v1  }
0x28: {  	v1 =	vld [tilespmem:s15+$0x2720];
	_ =	sdelay $0x4  }
0x29: {  	v2 =	vld [tilespmem:s15+$0x4E30];
	_ =	sdelay $0x2  }
0x2a: {  	v1 =	vld.idx.msk [tilespmem:v1+s2+$0x0], $0xffff;
	_ =	sdelay $0x4  }
0x2b: {  	[tilespmem:v2+s11+$0x0] =	vst.idx.add.f32.msk $0xffff, v1  }
0x2c: {  	v1 =	vld [tilespmem:s15+$0x2730];
	_ =	sdelay $0x4  }
0x2d: {  	v2 =	vld [tilespmem:s15+$0x4E40];
	_ =	sdelay $0x2  }
0x2e: {  	v1 =	vld.idx.msk [tilespmem:v1+s2+$0x0], $0xffff;
	_ =	sdelay $0x4  }
0x2f: {  	[tilespmem:v2+s11+$0x0] =	vst.idx.add.f32.msk $0xffff, v1  }
0x30: {  	v1 =	vld [tilespmem:s15+$0x2740];
	_ =	sdelay $0x4  }
0x31: {  	v2 =	vld [tilespmem:s15+$0x4E50];
	_ =	sdelay $0x2  }
0x32: {  	v1 =	vld.idx.msk [tilespmem:v1+s2+$0x0], $0xffff;
	_ =	sdelay $0x4  }
0x33: {  	[tilespmem:v2+s11+$0x0] =	vst.idx.add.f32.msk $0xffff, v1  }
0x34: {  	v1 =	vld [tilespmem:s15+$0x2750];
	_ =	sdelay $0x4  }
0x35: {  	v2 =	vld [tilespmem:s15+$0x4E60];
	_ =	sdelay $0x2  }
0x36: {  	p0 =	sne.s32 s14, $0x9B00;
	v1 =	vld.idx.msk [tilespmem:v1+s2+$0x0], $0xffff  }
.Ltmp1:
0x37: {  	_ = 	snop;
	(pc) =	sbr.rel @p0 .LBB2_4-.Ltmp1, $2  }
0x38: {  	_ =	sdelay $0x2  }
0x39: {  	s14 =	sadd.s32 $0x140, s14;
	[tilespmem:v2+s11+$0x0] =	vst.idx.add.f32.msk $0xffff, v1  }
0x3a: {  	s13 =	sadd.s32 $0x1, s13  }
0x3b: {  	p0 =	sne.s32 s13, s7  }
.Ltmp2:
0x3c: {  	_ = 	snop;
	(pc) =	sbr.rel @p0 .LBB2_1-.Ltmp2, $4  }
0x3d: {  	[hbm4b:s6+s2] =	stream.linear.scatter [tilespmem:s11], [sflag:$0x2], $0x2710, $0x38;
	[tilespmem:$0x9C40] =	vst v63  }
0x3e: {  	_ =	swait.ge [sflag:s12], $0x2710  }
0x3f: {  	[sflag:s12] =	ssyncset.done $0x0  }
0x40: {  	[sflag:s12] =	ssyncadd.s32 $0xFFFFD8F0  }
0x41: {  	_ =	sfence.sel $0x180000  }
0x42: {  	[bflag:$0x0] =	sbarrier.arrive $0xFFFF  }
0x43: {  	p0 =	sne.s32 s0, $0x0;
	_ =	strace $0x90000050  }
0x44: {  	s0 =	sadd.s32 @!p0 $0x100000, s1;
	[bflag:$0x2] =	sbarrier.arrive $0xFFFF  }
0x45: {  	[sflag:s0] =	ssyncadd.tile.s32 @!p0 $0x1;
	_ =	shalt  }
.Lfunc_end2:
_tile_overlayer_lowered:
.L_overlay_start_2:
0x46: {  	(tag) =	ssettag $0x2  }
0x47: {  	s0 =	rddreg [dreg:$0x0];
	s2 =	stileid.u32  }
0x48: {  	s1 =	rddreg [dreg:$0x1];
	p0 =	sne.s32 s2, $0x0  }
0x49: {  	s3 =	rddreg [dreg:$0x2];
	[bflag:$0x3] =	sbarrier.arrive $0xFFFF;
	s2 =	simm.s32 @!p0 $0x1C02  }
0x4a: {  	[timem:s3], [sflag:s2] =	dma.local @!p0 [hbm:s0], s1  }
0x4b: {  	s0 =	simm.s32 @!p0 $0x2  }
0x4c: {  	_ =	swait.ge @!p0 [sflag:s0], s1  }
0x4d: {  	s1 =	ssub.s32 @!p0 $0x0, s1;
	[sflag:s0] =	ssyncset.done @!p0 $0x0  }
0x4e: {  	[sflag:s0] =	ssyncadd.s32 @!p0 s1  }
0x4f: {  	[bflag:$0x3] =	sbarrier.arrive $0xFFFF  }
0x50: {  	_ =	shalt  }

// kernel: kernel.26.cloned.1.call-start
scs
__scs_entry_jumppad:
0x0: {  	(pc) =	sbr.rel $0x88, $3  }
0x1: {  	(tag) =	ssettag $0x0;
	lr =	simm.s32 $0x1  }
0x2: {  	[smem:$0x3F95] =	sst lr;
	_ =	strace $0xD0000000  }
0x3: {  	_ = 	snop  }
0x4: {  	_ = 	snop  }
0x5: {  	_ = 	snop  }
0x6: {  	_ = 	snop  }
0x7: {  	_ = 	snop  }
__scs_overlays_trampoline_lowered:
0x8: {  	[smem:$0x3FA4] =	sst s0  }
0x9: {  	[smem:$0x3FA5] =	sst s1  }
0xa: {  	[smem:$0x3FA6] =	sst s2  }
0xb: {  	[smem:$0x3FA7] =	sst s3  }
0xc: {  	[smem:$0x3FA8] =	sst s4  }
0xd: {  	[smem:$0x3FA9] =	sst s5  }
0xe: {  	[smem:$0x3FAA] =	sst s6  }
0xf: {  	[smem:$0x3FAB] =	sst s7  }
0x10: {  	[smem:$0x3FAC] =	sst s8  }
0x11: {  	[smem:$0x3FAD] =	sst s9;
	s0 =	simm.s32 @!p0 $0x0  }
0x12: {  	s1 =	sld [smem:$0x3F93];
	s0 =	simm.s32 @p0 $0x1  }
0x13: {  	[smem:$0x3FAE] =	sst s0;
	s0 =	simm.s32 @!p1 $0x0  }
0x14: {  	s2 =	sld [smem:$0x3F92];
	s0 =	simm.s32 @p1 $0x1  }
0x15: {  	[smem:$0x3FAF] =	sst s0;
	s0 =	simm.s32 @!p2 $0x0  }
0x16: {  	s3 =	sld [smem:$0x3FDB];
	s0 =	simm.s32 @p2 $0x1  }
0x17: {  	s4 =	simm.s32 $0x1BF5;
	[smem:$0x3FB1] =	sst s0  }
0x18: {  	s0 =	sld [smem:$0x3F94];
	_ =	swait.ge [sflag:s4], $0x0  }
0x19: {  	s7 =	sld [smem:$0x3F95]  }
0x1a: {  	s8 =	sadd.s32 $0xFFFFE003, lr  }
0x1b: {  	s9 =	sadd.s32 $0xFFFFFEF7, lr;
	s5 =	simm.s32 $0xFFFFFFFF;
	p2 =	slt.u32 s8, $0xFFFFF086  }
0x1c: {  	p1 =	slt.u32 s9, $0xF7A;
	s5 =	simm.s32 @!p2 $0x0  }
0x1d: {  	s5 =	simm.s32 @p1 $0x1;
	p0 =	seq.s32 s7, s2  }
0x1e: {  	s7 =	smul.u32 @!p0 $0xF7A, s2;
	p2 =	seq.s32 @!p0 s5, $0x0  }
0x1f: {  	s9 =	smul.u32 $0xF7A, s1;
	s8 =	simm.s32 @!p0 $0x1BF5;
	p2 =	por !p2, p0  }
0x20: {  	[sflag:s8] =	ssyncset.s32 @!p0 $0xFFFFF086;
	s6 =	sadd.s32 @!p0 s3, s7;
	s7 =	simm.s32 @!p0 $0x108  }
0x21: {  	s3 =	sadd.s32 s3, s9;
	s6 =	sadd.s32 @!p0 $0x88, s6;
	s7 =	simm.s32 @p2 $0x1082  }
0x22: {  	[simem:s7], [sflag:s8] =	dma.local @!p0 [hbm:s6], $0xF7A  }
0x23: {  	s9 =	sor.u32 $0xD0000000, s2;
	s6 =	simm.s32 $0x108;
	_ =	swait.ge @!p0 [sflag:s8], $0x0  }
0x24: {  	s3 =	sadd.s32 $0x88, s3;
	s6 =	simm.s32 @!p1 $0x1082;
	[sflag:s4] =	ssyncset.s32 $0xFFFFF086  }
0x25: {  	[simem:s6], [sflag:s4] =	dma.local [hbm:s3], $0xF7A  }
0x26: {  	[smem:$0x3F95] =	sst s1;
	(tag) =	ssettag s2;
	_ =	strace s9  }
0x27: {  	s1 =	sld [smem:$0x3FA5]  }
0x28: {  	s2 =	sld [smem:$0x3FA6]  }
0x29: {  	s4 =	sld [smem:$0x3FA8]  }
0x2a: {  	p0 =	seq.s32 s5, $0x0;
	s5 =	sld [smem:$0x3FA9]  }
0x2b: {  	s6 =	sld [smem:$0x3FAA]  }
0x2c: {  	s7 =	sld [smem:$0x3FAB]  }
0x2d: {  	s3 =	simm.s32 $0x108;
	s8 =	sld [smem:$0x3FAC]  }
0x2e: {  	s3 =	simm.s32 @!p0 $0x1082;
	s9 =	sld [smem:$0x3FAD]  }
0x2f: {  	lr =	sadd.s32 s0, s3;
	s0 =	sld [smem:$0x3FA4]  }
0x30: {  	s3 =	sld [smem:$0x3FA7]  }
0x31: {  	[smem:$0x3FB0] =	sst s10  }
0x32: {  	s10 =	sld [smem:$0x3FAE];
	_ =	sdelay $0x3  }
0x33: {  	p0 =	seq.s32 s10, $0x1;
	s10 =	sld [smem:$0x3FB0];
	_ =	sdelay $0x3  }
0x34: {  	[smem:$0x3FB0] =	sst s10  }
0x35: {  	s10 =	sld [smem:$0x3FAF];
	_ =	sdelay $0x3  }
0x36: {  	p1 =	seq.s32 s10, $0x1;
	s10 =	sld [smem:$0x3FB0];
	_ =	sdelay $0x3  }
0x37: {  	[smem:$0x3FB0] =	sst s10  }
0x38: {  	s10 =	sld [smem:$0x3FB1]  }
0x39: {  	_ = 	snop;
	(pc) =	sbr.ind lr, $3  }
0x3a: {  	_ = 	snop  }
0x3b: {  	_ = 	snop  }
0x3c: {  	p2 =	seq.s32 s10, $0x1;
	s10 =	sld [smem:$0x3FB0]  }
0x3d: {  	_ =	shalt  }
0x3e: {  	_ =	shalt  }
0x3f: {  	_ =	shalt  }
0x40: {  	_ =	shalt  }
0x41: {  	_ =	shalt  }
0x42: {  	_ =	shalt  }
0x43: {  	_ =	shalt  }
0x44: {  	_ =	shalt  }
0x45: {  	_ =	shalt  }
0x46: {  	_ =	shalt  }
0x47: {  	_ =	shalt  }
0x48: {  	_ =	shalt  }
0x49: {  	_ =	shalt  }
0x4a: {  	_ =	shalt  }
0x4b: {  	_ =	shalt  }
0x4c: {  	_ =	shalt  }
0x4d: {  	_ =	shalt  }
0x4e: {  	_ =	shalt  }
0x4f: {  	_ =	shalt  }
0x50: {  	_ =	shalt  }
0x51: {  	_ =	shalt  }
0x52: {  	_ =	shalt  }
0x53: {  	_ =	shalt  }
0x54: {  	_ =	shalt  }
0x55: {  	_ =	shalt  }
0x56: {  	_ =	shalt  }
0x57: {  	_ =	shalt  }
0x58: {  	_ =	shalt  }
0x59: {  	_ =	shalt  }
0x5a: {  	_ =	shalt  }
0x5b: {  	_ =	shalt  }
0x5c: {  	_ =	shalt  }
0x5d: {  	_ =	shalt  }
0x5e: {  	_ =	shalt  }
0x5f: {  	_ =	shalt  }
0x60: {  	_ =	shalt  }
0x61: {  	_ =	shalt  }
0x62: {  	_ =	shalt  }
0x63: {  	_ =	shalt  }
0x64: {  	_ =	shalt  }
0x65: {  	_ =	shalt  }
0x66: {  	_ =	shalt  }
0x67: {  	_ =	shalt  }
0x68: {  	_ =	shalt  }
0x69: {  	_ =	shalt  }
0x6a: {  	_ =	shalt  }
0x6b: {  	_ =	shalt  }
0x6c: {  	_ =	shalt  }
0x6d: {  	_ =	shalt  }
0x6e: {  	_ =	shalt  }
0x6f: {  	_ =	shalt  }
0x70: {  	_ =	shalt  }
0x71: {  	_ =	shalt  }
0x72: {  	_ =	shalt  }
0x73: {  	_ =	shalt  }
0x74: {  	_ =	shalt  }
0x75: {  	_ =	shalt  }
0x76: {  	_ =	shalt  }
0x77: {  	_ =	shalt  }
0x78: {  	_ =	shalt  }
0x79: {  	_ =	shalt  }
0x7a: {  	_ =	shalt  }
0x7b: {  	_ =	shalt  }
0x7c: {  	_ =	shalt  }
0x7d: {  	_ =	shalt  }
0x7e: {  	_ =	shalt  }
0x7f: {  	_ =	shalt  }
0x80: {  	_ =	shalt  }
0x81: {  	_ =	shalt  }
0x82: {  	_ =	shalt  }
0x83: {  	_ =	shalt  }
0x84: {  	_ =	shalt  }
0x85: {  	_ =	shalt  }
0x86: {  	_ =	shalt  }
0x87: {  	_ =	shalt  }
.Lfunc_end0:
.L_simem_size_0:
called_computation.4_lowered:
.L_overlay_start_0:
0x88: {  	s2 =	sld [smem:$0x3FD9]  }
0x89: {  	s3 =	sld [smem:$0x3FFE];
	_ =	sdelay $0x1  }
0x8a: {  	s1 =	srdreg.scid  }
0x8b: {  	s0 =	sand.u32 $0x1, s1  }
0x8c: {  	s16 =	sshll.u32 s0, $0xA;
	s2 =	sadd.s32 s3, s2  }
0x8d: {  	s2 =	sadd.s32 s2, s16  }
0x8e: {  	[smem:$0x3FBC] =	sst s2  }
0x8f: {  	_ = 	snop  }
0x90: {  	(tm) =	ssettm $0x1  }
0x91: {  	s17 =	sld [smem:$0x3FFB];
	_ =	sdelay $0x3  }
0x92: {  	_ =	strace s17  }
0x93: {  	s2 =	sld [smem:$0x3FFC];
	_ =	sdelay $0x3  }
0x94: {  	_ =	strace s2  }
0x95: {  	s2 =	sld [smem:$0x3FFD];
	_ =	sdelay $0x3  }
0x96: {  	_ =	strace s2  }
0x97: {  	_ =	strace $0x8FFFFFFF  }
0x98: {  	s18 =	sld [smem:$0x3FDB];
	_ =	sdelay $0x1  }
0x99: {  	s19 =	simm.s32 $_scs_section_size  }
0x9a: {  	s4 =	simm.s32 $_size__tile_overlayer_lowered;
	s5 =	simm.s32 $_tile_overlayer_lowered  }
0x9b: {  	s22 =	simm.s32 $0x1BFF;
	s21 =	sshll.u32 s5, $0x1;
	s2 =	sadd.s32 s19, s18  }
0x9c: {  	s6 =	simm.s32 $0x0;
	s20 =	sshll.u32 s4, $0x1;
	s4 =	sadd.s32 s21, s2  }
0x9d: {  	[timem:s6], [sflag:s22] =	dma.local [hbm:s4], s20  }
0x9e: {  	_ =	swait.ge [sflag:s22], s20  }
0x9f: {  	s3 =	ssub.s32 $0x0, s20;
	[sflag:s22] =	ssyncset.done $0x0  }
0xa0: {  	[sflag:s22] =	ssyncadd.s32 s3;
	_ =	sdelay $0x1  }
0xa1: {  	s23 =	simm.s32 $0x1B8B  }
0xa2: {  	_ =	swait.ge [sflag:s23], $0x1  }
0xa3: {  	[sflag:s23] =	ssyncset.done $0x0  }
0xa4: {  	s25 =	simm.s32 $0x1B8E;
	s24 =	sld [smem:$0x3FFE];
	[sflag:s23] =	ssyncadd.s32 $0xFFFFFFFF  }
0xa5: {  	s26 =	simm.s32 $execute0_lowered;
	[smem:$0x3FD2] =	sst s25  }
0xa6: {  	s4 =	sshll.u32 s26, $0x1;
	_ =	strace $0x80000052;
	[dreg:$0x1] =	wrdreg $0xFFFFFFFF  }
0xa7: {  	s28 =	simm.s32 $_size_execute0_lowered;
	s2 =	sadd.s32 s2, s4;
	[dreg:$0x0] =	wrdreg $0x0  }
0xa8: {  	s4 =	sshll.u32 s28, $0x1;
	[dreg:$0x2] =	wrdreg s2  }
0xa9: {  	[dreg:$0x3] =	wrdreg s4  }
0xaa: {  	[dreg:$0x4] =	wrdreg $0xC0  }
0xab: {  	_ =	task [dreg:s6], $0x5FFFF  }
0xac: {  	[dreg:$0x1] =	wrdreg $0xFFFFFFFF  }
0xad: {  	[dreg:$0x0] =	wrdreg $0x60  }
0xae: {  	[dreg:$0x2] =	wrdreg s24  }
0xaf: {  	[dreg:$0x3] =	wrdreg $0xCD000  }
0xb0: {  	[dreg:$0x4] =	wrdreg $0x9  }
0xb1: {  	_ =	task.clear_ibuf [dreg:s6], $0x5FFFF;
	_ =	strace $0x90000052  }
0xb2: {  	s29 =	simm.s32 $0x9;
	_ =	strace $0x80000054  }
0xb3: {  	_ =	swait.ge [sflag:s29], $0x1  }
0xb4: {  	[sflag:s29] =	ssyncadd.s32 $0xFFFFFFFF  }
0xb5: {  	_ =	strace $0x90000054  }
0xb6: {  	_ =	sfence  }
0xb7: {  	s30 =	sld [smem:$0x0];
	_ =	sdelay $0x2  }
0xb8: {  	s31 =	sshll.u32 s1, $0xD;
	s1 =	sshrl.u32 s1, $0x2  }
0xb9: {  	s3 =	sand.u32 $0x4000, s31;
	s1 =	sadd.s32 s1, s30  }
0xba: {  	s0 =	sor.u32 s3, s0;
	s1 =	sshll.u32 s1, $0x11  }
0xbb: {  	s0 =	sor.u32 s1, s0  }
0xbc: {  	s0 =	sadd.s32 $0x8F2B, s0  }
0xbd: {  	[sflag:s0] =	ssyncadd.remote.s32 $0x1  }
0xbe: {  	_ =	sfence.sel $0xFFFF  }
0xbf: {  	[dreg:$0x0] =	wrdreg $0xFFFFFFFF;
	(pc) =	sbr.abs _section_cstart, $3  }
0xc0: {  	[dreg:$0x1] =	wrdreg $0xFFFFFFFF  }
0xc1: {  	_ =	task.clear_ibuf [dreg:s6], $0x2FFFF;
	_ =	strace $0x9FFFFFFF  }
0xc2: {  	(tm) =	ssettm $0x7FFFFFFF  }
0xc3: {  	_ =	shalt  }
tec
execute0_lowered:
.L_overlay_start_1:
0x0: {  	(tag) =	ssettag $0x1  }
0x1: {  	s0 =	rddreg [dreg:$0x0];
	s1 =	srdreg.scid  }
0x2: {  	s10 =	stileid.u32;
	s2 =	rddreg [dreg:$0x1]  }
0x3: {  	s4 =	simm.s32 $0x0;
	s13 =	simm.s32 $0x1;
	s14 =	simm.s32 $0x2  }
0x4: {  	s15 =	simm.s32 $0x3;
	s16 =	simm.s32 $0x7D;
	s17 =	simm.s32 $0x5000  }
0x5: {  	s18 =	simm.s32 $0x57D0;
	s19 =	simm.s32 $0x5FA0;
	s20 =	simm.s32 $0x6770  }
0x6: {  	s21 =	simm.s32 $0x6F40;
	s22 =	simm.s32 $0x7710;
	s28 =	simm.s32 $0x9650  }
0x7: {  	s29 =	simm.s32 $0x9E20;
	s30 =	simm.s32 $0xA5F0;
	s31 =	simm.s32 $0xADC0  }
0x8: {  	s11 =	simm.s32 $0xC530;
	s1 =	sand.u32 $0x1, s1;
	s3 =	sshll.u32 s10, $0x1  }
0x9: {  	[smem:$0x7FF] =	sst s4;
	s5 =	smul.u32 $0x2800, s10;
	s4 =	sadd.s32 $0x15A00, s0  }
0xa: {  	s3 =	sor.u32 s1, s3;
	_ =	strace $0x80000053;
	s6 =	smul.u32 $0x5000, s1  }
0xb: {  	s1 =	ssub.s32 $0x2, s1;
	s3 =	smul.u32 $0x500, s3;
	s8 =	sshrl.u32 s5, $0x3  }
0xc: {  	s7 =	sshrl.u32 s1, $0x1;
	s24 =	sadd.s32 s5, s2;
	s5 =	simm.s32 $0x0  }
0xd: {  	s9 =	sadd.s32 s8, s0;
	s1 =	ssub.s32 s1, s7;
	s7 =	sshll.u32 s10, $0x6  }
0xe: {  	s12 =	sshrl.u32 s24, $0x3;
	s3 =	sadd.s32 s3, s0;
	s25 =	sadd.s32 $0x1AA00, s9  }
0xf: {  	s0 =	sadd.s32 s6, s0;
	s26 =	sor.u32 $0x1C03, s7;
	[dreg:$0x5] =	wrdreg s25  }
0x10: {  	s1 =	smax.u32 s1, $0x1;
	s23 =	sadd.s32 $0x29E00, s3;
	[dreg:$0x6] =	wrdreg s26  }
0x11: {  	s3 =	sadd.s32 $0x1FE00, s3;
	s0 =	sadd.s32 $0x33E00, s0;
	[dreg:$0x7] =	wrdreg s1  }
0x12: {  	s25 =	simm.s32 $0x86B0;
	s26 =	simm.s32 $0x8E80;
	[dreg:$0x3] =	wrdreg s23  }
0x13: {  	s1 =	simm.s32 $0xB590;
	[dreg:$0x4] =	wrdreg s3;
	s23 =	simm.s32 $0x7EE0  }
0x14: {  	s24 =	sadd.s32 s8, s0;
	s0 =	simm.s32 $0xBD60;
	s3 =	simm.s32 $0x4  }
.LBB2_1:
0x15: {  	s6 =	simm.s32 $0x0;
	s8 =	rddreg [dreg:$0x3]  }
0x16: {  	[tilespmem:s6], [sflag:$0x1] =	stream.linear.gather [hbm4b:s8+s6], $0x2800, $0x38;
	[tilespmem:$0xF500] =	vst v63  }
0x17: {  	s10 =	rddreg [dreg:$0x4];
	s9 =	simm.s32 $0x2800  }
0x18: {  	[tilespmem:s9], [sflag:$0x2] =	stream.linear.gather [hbm4b:s10+s6], $0x2800, $0x38;
	[tilespmem:$0xF500] =	vst v63  }
0x19: {  	s9 =	rddreg [dreg:$0x5]  }
0x1a: {  	s10 =	rddreg [dreg:$0x6]  }
0x1b: {  	[spmem:s12], [sflag:s10] =	dma.local [hbm:s9], $0x500  }
0x1c: {  	_ =	swait.ge [sflag:s13], $0x2800  }
0x1d: {  	[sflag:s13] =	ssyncset.done $0x0  }
0x1e: {  	[sflag:s13] =	ssyncadd.s32 $0xFFFFD800  }
0x1f: {  	_ =	swait.ge [sflag:s14], $0x2800  }
0x20: {  	[sflag:s14] =	ssyncset.done $0x0  }
0x21: {  	[sflag:s14] =	ssyncadd.s32 $0xFFFFD800  }
0x22: {  	_ =	swait.ge [sflag:s15], $0x500  }
0x23: {  	[sflag:s15] =	ssyncset.done $0x0  }
0x24: {  	[sflag:s15] =	ssyncadd.s32 $0xFFFFFB00  }
0x25: {  	s9 =	simm.s32 $0x0;
	[bflag:$0x0] =	sbarrier.arrive $0xFFFF  }
0x26: {  	[tilespmem:s17], [sflag:$0x1] =	stream.indirect.gather [hbm4b:s4+s16], $0x10, s9, s16, $0xb8;
	[tilespmem:$0xF500] =	vst v63  }
0x27: {  	s10 =	simm.s32 $0x80  }
0x28: {  	[tilespmem:s18], [sflag:$0x1] =	stream.indirect.gather [hbm4b:s4+s16], $0x10, s10, s16, $0xb8;
	[tilespmem:$0xF500] =	vst v63  }
0x29: {  	s8 =	simm.s32 $0x100  }
0x2a: {  	[tilespmem:s19], [sflag:$0x1] =	stream.indirect.gather [hbm4b:s4+s16], $0x10, s8, s16, $0xb8;
	[tilespmem:$0xF500] =	vst v63  }
0x2b: {  	s9 =	simm.s32 $0x180  }
0x2c: {  	[tilespmem:s20], [sflag:$0x1] =	stream.indirect.gather [hbm4b:s4+s16], $0x10, s9, s16, $0xb8;
	[tilespmem:$0xF500] =	vst v63  }
0x2d: {  	s10 =	simm.s32 $0x200  }
0x2e: {  	[tilespmem:s21], [sflag:$0x1] =	stream.indirect.gather [hbm4b:s4+s16], $0x10, s10, s16, $0xb8;
	[tilespmem:$0xF500] =	vst v63  }
0x2f: {  	s8 =	simm.s32 $0x280  }
0x30: {  	[tilespmem:s22], [sflag:$0x1] =	stream.indirect.gather [hbm4b:s4+s16], $0x10, s8, s16, $0xb8;
	[tilespmem:$0xF500] =	vst v63  }
0x31: {  	s9 =	simm.s32 $0x300  }
0x32: {  	[tilespmem:s23], [sflag:$0x1] =	stream.indirect.gather [hbm4b:s4+s16], $0x10, s9, s16, $0xb8;
	[tilespmem:$0xF500] =	vst v63  }
0x33: {  	s10 =	simm.s32 $0x380  }
0x34: {  	[tilespmem:s25], [sflag:$0x1] =	stream.indirect.gather [hbm4b:s4+s16], $0x10, s10, s16, $0xb8;
	[tilespmem:$0xF500] =	vst v63  }
0x35: {  	s8 =	simm.s32 $0x400  }
0x36: {  	[tilespmem:s26], [sflag:$0x2] =	stream.indirect.gather [hbm4b:s4+s16], $0x10, s8, s16, $0xb8;
	[tilespmem:$0xF500] =	vst v63  }
0x37: {  	s9 =	simm.s32 $0x480  }
0x38: {  	[tilespmem:s28], [sflag:$0x2] =	stream.indirect.gather [hbm4b:s4+s16], $0x10, s9, s16, $0xb8;
	[tilespmem:$0xF500] =	vst v63  }
0x39: {  	s10 =	simm.s32 $0x500  }
0x3a: {  	[tilespmem:s29], [sflag:$0x2] =	stream.indirect.gather [hbm4b:s4+s16], $0x10, s10, s16, $0xb8;
	[tilespmem:$0xF500] =	vst v63  }
0x3b: {  	s8 =	simm.s32 $0x580  }
0x3c: {  	[tilespmem:s30], [sflag:$0x2] =	stream.indirect.gather [hbm4b:s4+s16], $0x10, s8, s16, $0xb8;
	[tilespmem:$0xF500] =	vst v63  }
0x3d: {  	s9 =	simm.s32 $0x600  }
0x3e: {  	[tilespmem:s31], [sflag:$0x2] =	stream.indirect.gather [hbm4b:s4+s16], $0x10, s9, s16, $0xb8;
	[tilespmem:$0xF500] =	vst v63  }
0x3f: {  	s10 =	simm.s32 $0x680  }
0x40: {  	[tilespmem:s1], [sflag:$0x2] =	stream.indirect.gather [hbm4b:s4+s16], $0x10, s10, s16, $0xb8;
	[tilespmem:$0xF500] =	vst v63  }
0x41: {  	s8 =	simm.s32 $0x700  }
0x42: {  	[tilespmem:s0], [sflag:$0x2] =	stream.indirect.gather [hbm4b:s4+s16], $0x10, s8, s16, $0xb8;
	[tilespmem:$0xF500] =	vst v63  }
0x43: {  	s9 =	simm.s32 $0x780  }
0x44: {  	[tilespmem:s11], [sflag:$0x2] =	stream.indirect.gather [hbm4b:s4+s16], $0x10, s9, s16, $0xb8;
	[tilespmem:$0xF500] =	vst v63  }
0x45: {  	_ =	swait.ge [sflag:s13], $0x7D0  }
0x46: {  	[sflag:s13] =	ssyncset.done $0x0  }
0x47: {  	[sflag:s13] =	ssyncadd.s32 $0xFFFFF830  }
0x48: {  	_ =	swait.ge [sflag:s13], $0x7D0  }
0x49: {  	[sflag:s13] =	ssyncset.done $0x0  }
0x4a: {  	[sflag:s13] =	ssyncadd.s32 $0xFFFFF830  }
0x4b: {  	_ =	swait.ge [sflag:s13], $0x7D0  }
0x4c: {  	[sflag:s13] =	ssyncset.done $0x0  }
0x4d: {  	[sflag:s13] =	ssyncadd.s32 $0xFFFFF830  }
0x4e: {  	_ =	swait.ge [sflag:s13], $0x7D0  }
0x4f: {  	[sflag:s13] =	ssyncset.done $0x0  }
0x50: {  	[sflag:s13] =	ssyncadd.s32 $0xFFFFF830  }
0x51: {  	_ =	swait.ge [sflag:s13], $0x7D0  }
0x52: {  	[sflag:s13] =	ssyncset.done $0x0  }
0x53: {  	[sflag:s13] =	ssyncadd.s32 $0xFFFFF830  }
0x54: {  	_ =	swait.ge [sflag:s13], $0x7D0  }
0x55: {  	[sflag:s13] =	ssyncset.done $0x0  }
0x56: {  	[sflag:s13] =	ssyncadd.s32 $0xFFFFF830  }
0x57: {  	_ =	swait.ge [sflag:s13], $0x7D0  }
0x58: {  	[sflag:s13] =	ssyncset.done $0x0  }
0x59: {  	[sflag:s13] =	ssyncadd.s32 $0xFFFFF830  }
0x5a: {  	_ =	swait.ge [sflag:s13], $0x7D0  }
0x5b: {  	[sflag:s13] =	ssyncset.done $0x0  }
0x5c: {  	s10 =	simm.s32 $0x2800;
	[sflag:s13] =	ssyncadd.s32 $0xFFFFF830  }
0x5d: {  	[spmem:s2] =	stream.indirect.scatter.add.f32 [tilespmem:s17], [sflag:$0x3], $0x10, s10, s16, $0xb8;
	[tilespmem:$0xF500] =	vst v63  }
0x5e: {  	s8 =	simm.s32 $0x2880  }
0x5f: {  	[spmem:s2] =	stream.indirect.scatter.add.f32 [tilespmem:s18], [sflag:$0x3], $0x10, s8, s16, $0xb8;
	[tilespmem:$0xF500] =	vst v63  }
0x60: {  	s9 =	simm.s32 $0x2900  }
0x61: {  	[spmem:s2] =	stream.indirect.scatter.add.f32 [tilespmem:s19], [sflag:$0x3], $0x10, s9, s16, $0xb8;
	[tilespmem:$0xF500] =	vst v63  }
0x62: {  	s10 =	simm.s32 $0x2980  }
0x63: {  	[spmem:s2] =	stream.indirect.scatter.add.f32 [tilespmem:s20], [sflag:$0x3], $0x10, s10, s16, $0xb8;
	[tilespmem:$0xF500] =	vst v63  }
0x64: {  	s8 =	simm.s32 $0x2A00  }
0x65: {  	[spmem:s2] =	stream.indirect.scatter.add.f32 [tilespmem:s21], [sflag:$0x3], $0x10, s8, s16, $0xb8;
	[tilespmem:$0xF500] =	vst v63  }
0x66: {  	s9 =	simm.s32 $0x2A80  }
0x67: {  	[spmem:s2] =	stream.indirect.scatter.add.f32 [tilespmem:s22], [sflag:$0x3], $0x10, s9, s16, $0xb8;
	[tilespmem:$0xF500] =	vst v63  }
0x68: {  	s10 =	simm.s32 $0x2B00  }
0x69: {  	[spmem:s2] =	stream.indirect.scatter.add.f32 [tilespmem:s23], [sflag:$0x3], $0x10, s10, s16, $0xb8;
	[tilespmem:$0xF500] =	vst v63  }
0x6a: {  	s8 =	simm.s32 $0x2B80  }
0x6b: {  	[spmem:s2] =	stream.indirect.scatter.add.f32 [tilespmem:s25], [sflag:$0x3], $0x10, s8, s16, $0xb8;
	[tilespmem:$0xF500] =	vst v63  }
0x6c: {  	_ =	swait.ge [sflag:s14], $0x7D0  }
0x6d: {  	[sflag:s14] =	ssyncset.done $0x0  }
0x6e: {  	[sflag:s14] =	ssyncadd.s32 $0xFFFFF830  }
0x6f: {  	_ =	swait.ge [sflag:s14], $0x7D0  }
0x70: {  	[sflag:s14] =	ssyncset.done $0x0  }
0x71: {  	[sflag:s14] =	ssyncadd.s32 $0xFFFFF830  }
0x72: {  	_ =	swait.ge [sflag:s14], $0x7D0  }
0x73: {  	[sflag:s14] =	ssyncset.done $0x0  }
0x74: {  	[sflag:s14] =	ssyncadd.s32 $0xFFFFF830  }
0x75: {  	_ =	swait.ge [sflag:s14], $0x7D0  }
0x76: {  	[sflag:s14] =	ssyncset.done $0x0  }
0x77: {  	[sflag:s14] =	ssyncadd.s32 $0xFFFFF830  }
0x78: {  	_ =	swait.ge [sflag:s14], $0x7D0  }
0x79: {  	[sflag:s14] =	ssyncset.done $0x0  }
0x7a: {  	[sflag:s14] =	ssyncadd.s32 $0xFFFFF830  }
0x7b: {  	_ =	swait.ge [sflag:s14], $0x7D0  }
0x7c: {  	[sflag:s14] =	ssyncset.done $0x0  }
0x7d: {  	[sflag:s14] =	ssyncadd.s32 $0xFFFFF830  }
0x7e: {  	_ =	swait.ge [sflag:s14], $0x7D0  }
0x7f: {  	[sflag:s14] =	ssyncset.done $0x0  }
0x80: {  	[sflag:s14] =	ssyncadd.s32 $0xFFFFF830  }
0x81: {  	_ =	swait.ge [sflag:s14], $0x7D0  }
0x82: {  	[sflag:s14] =	ssyncset.done $0x0  }
0x83: {  	s9 =	simm.s32 $0x2C00;
	[sflag:s14] =	ssyncadd.s32 $0xFFFFF830  }
0x84: {  	[spmem:s2] =	stream.indirect.scatter.add.f32 [tilespmem:s26], [sflag:$0x3], $0x10, s9, s16, $0xb8;
	[tilespmem:$0xF500] =	vst v63  }
0x85: {  	s10 =	simm.s32 $0x2C80  }
0x86: {  	[spmem:s2] =	stream.indirect.scatter.add.f32 [tilespmem:s28], [sflag:$0x3], $0x10, s10, s16, $0xb8;
	[tilespmem:$0xF500] =	vst v63  }
0x87: {  	s8 =	simm.s32 $0x2D00  }
0x88: {  	[spmem:s2] =	stream.indirect.scatter.add.f32 [tilespmem:s29], [sflag:$0x3], $0x10, s8, s16, $0xb8;
	[tilespmem:$0xF500] =	vst v63  }
0x89: {  	s9 =	simm.s32 $0x2D80  }
0x8a: {  	[spmem:s2] =	stream.indirect.scatter.add.f32 [tilespmem:s30], [sflag:$0x3], $0x10, s9, s16, $0xb8;
	[tilespmem:$0xF500] =	vst v63  }
0x8b: {  	s10 =	simm.s32 $0x2E00  }
0x8c: {  	[spmem:s2] =	stream.indirect.scatter.add.f32 [tilespmem:s31], [sflag:$0x3], $0x10, s10, s16, $0xb8;
	[tilespmem:$0xF500] =	vst v63  }
0x8d: {  	s8 =	simm.s32 $0x2E80  }
0x8e: {  	[spmem:s2] =	stream.indirect.scatter.add.f32 [tilespmem:s1], [sflag:$0x3], $0x10, s8, s16, $0xb8;
	[tilespmem:$0xF500] =	vst v63  }
0x8f: {  	s9 =	simm.s32 $0x2F00  }
0x90: {  	[spmem:s2] =	stream.indirect.scatter.add.f32 [tilespmem:s0], [sflag:$0x3], $0x10, s9, s16, $0xb8;
	[tilespmem:$0xF500] =	vst v63  }
0x91: {  	s10 =	simm.s32 $0x2F80  }
0x92: {  	[spmem:s2] =	stream.indirect.scatter.add.f32 [tilespmem:s11], [sflag:$0x3], $0x10, s10, s16, $0xb8;
	[tilespmem:$0xF500] =	vst v63  }
0x93: {  	_ =	swait.ge [sflag:s15], $0x7D0  }
0x94: {  	[sflag:s15] =	ssyncset.done $0x0  }
0x95: {  	[sflag:s15] =	ssyncadd.s32 $0xFFFFF830  }
0x96: {  	_ =	swait.ge [sflag:s15], $0x7D0  }
0x97: {  	[sflag:s15] =	ssyncset.done $0x0  }
0x98: {  	[sflag:s15] =	ssyncadd.s32 $0xFFFFF830  }
0x99: {  	_ =	swait.ge [sflag:s15], $0x7D0  }
0x9a: {  	[sflag:s15] =	ssyncset.done $0x0  }
0x9b: {  	[sflag:s15] =	ssyncadd.s32 $0xFFFFF830  }
0x9c: {  	_ =	swait.ge [sflag:s15], $0x7D0  }
0x9d: {  	[sflag:s15] =	ssyncset.done $0x0  }
0x9e: {  	[sflag:s15] =	ssyncadd.s32 $0xFFFFF830  }
0x9f: {  	_ =	swait.ge [sflag:s15], $0x7D0  }
0xa0: {  	[sflag:s15] =	ssyncset.done $0x0  }
0xa1: {  	[sflag:s15] =	ssyncadd.s32 $0xFFFFF830  }
0xa2: {  	_ =	swait.ge [sflag:s15], $0x7D0  }
0xa3: {  	[sflag:s15] =	ssyncset.done $0x0  }
0xa4: {  	[sflag:s15] =	ssyncadd.s32 $0xFFFFF830  }
0xa5: {  	_ =	swait.ge [sflag:s15], $0x7D0  }
0xa6: {  	[sflag:s15] =	ssyncset.done $0x0  }
0xa7: {  	[sflag:s15] =	ssyncadd.s32 $0xFFFFF830  }
0xa8: {  	_ =	swait.ge [sflag:s15], $0x7D0  }
0xa9: {  	[sflag:s15] =	ssyncset.done $0x0  }
0xaa: {  	[sflag:s15] =	ssyncadd.s32 $0xFFFFF830  }
0xab: {  	_ =	swait.ge [sflag:s15], $0x7D0  }
0xac: {  	[sflag:s15] =	ssyncset.done $0x0  }
0xad: {  	[sflag:s15] =	ssyncadd.s32 $0xFFFFF830  }
0xae: {  	_ =	swait.ge [sflag:s15], $0x7D0  }
0xaf: {  	[sflag:s15] =	ssyncset.done $0x0  }
0xb0: {  	[sflag:s15] =	ssyncadd.s32 $0xFFFFF830  }
0xb1: {  	_ =	swait.ge [sflag:s15], $0x7D0  }
0xb2: {  	[sflag:s15] =	ssyncset.done $0x0  }
0xb3: {  	[sflag:s15] =	ssyncadd.s32 $0xFFFFF830  }
0xb4: {  	_ =	swait.ge [sflag:s15], $0x7D0  }
0xb5: {  	[sflag:s15] =	ssyncset.done $0x0  }
0xb6: {  	[sflag:s15] =	ssyncadd.s32 $0xFFFFF830  }
0xb7: {  	_ =	swait.ge [sflag:s15], $0x7D0  }
0xb8: {  	[sflag:s15] =	ssyncset.done $0x0  }
0xb9: {  	[sflag:s15] =	ssyncadd.s32 $0xFFFFF830  }
0xba: {  	_ =	swait.ge [sflag:s15], $0x7D0  }
0xbb: {  	[sflag:s15] =	ssyncset.done $0x0  }
0xbc: {  	[sflag:s15] =	ssyncadd.s32 $0xFFFFF830  }
0xbd: {  	_ =	swait.ge [sflag:s15], $0x7D0  }
0xbe: {  	[sflag:s15] =	ssyncset.done $0x0  }
0xbf: {  	[sflag:s15] =	ssyncadd.s32 $0xFFFFF830  }
0xc0: {  	_ =	swait.ge [sflag:s15], $0x7D0  }
0xc1: {  	s6 =	simm.s32 $0x2000;
	s8 =	simm.s32 $0x4000;
	[sflag:s15] =	ssyncset.done $0x0  }
.LBB2_2:
0xc2: {  	s9 =	sshra.s32 s6, $0x2  }
0xc3: {  	[sflag:s15] =	ssyncadd.s32 $0xFFFFF830;
	s6 =	smov.u32 s8;
	s10 =	sadd.s32 $0x2000, s8  }
0xc4: {  	[tilespmem:s17], [sflag:$0x1] =	stream.indirect.gather [hbm4b:s4+s16], $0x10, s9, s16, $0xb8;
	[tilespmem:$0xF500] =	vst v63  }
0xc5: {  	p0 =	sne.s32 s8, $0x8000;
	s8 =	sadd.s32 $0x80, s9  }
0xc6: {  	[tilespmem:s18], [sflag:$0x1] =	stream.indirect.gather [hbm4b:s4+s16], $0x10, s8, s16, $0xb8;
	[tilespmem:$0xF500] =	vst v63  }
0xc7: {  	s8 =	sadd.s32 $0x100, s9  }
0xc8: {  	[tilespmem:s19], [sflag:$0x1] =	stream.indirect.gather [hbm4b:s4+s16], $0x10, s8, s16, $0xb8;
	[tilespmem:$0xF500] =	vst v63  }
0xc9: {  	s8 =	sadd.s32 $0x180, s9  }
0xca: {  	[tilespmem:s20], [sflag:$0x1] =	stream.indirect.gather [hbm4b:s4+s16], $0x10, s8, s16, $0xb8;
	[tilespmem:$0xF500] =	vst v63  }
0xcb: {  	s8 =	sadd.s32 $0x200, s9  }
0xcc: {  	[tilespmem:s21], [sflag:$0x1] =	stream.indirect.gather [hbm4b:s4+s16], $0x10, s8, s16, $0xb8;
	[tilespmem:$0xF500] =	vst v63  }
0xcd: {  	s8 =	sadd.s32 $0x280, s9  }
0xce: {  	[tilespmem:s22], [sflag:$0x1] =	stream.indirect.gather [hbm4b:s4+s16], $0x10, s8, s16, $0xb8;
	[tilespmem:$0xF500] =	vst v63  }
0xcf: {  	s8 =	sadd.s32 $0x300, s9  }
0xd0: {  	[tilespmem:s23], [sflag:$0x1] =	stream.indirect.gather [hbm4b:s4+s16], $0x10, s8, s16, $0xb8;
	[tilespmem:$0xF500] =	vst v63  }
0xd1: {  	s8 =	sadd.s32 $0x380, s9  }
0xd2: {  	[tilespmem:s25], [sflag:$0x1] =	stream.indirect.gather [hbm4b:s4+s16], $0x10, s8, s16, $0xb8;
	[tilespmem:$0xF500] =	vst v63  }
0xd3: {  	s8 =	sadd.s32 $0x400, s9  }
0xd4: {  	[tilespmem:s26], [sflag:$0x2] =	stream.indirect.gather [hbm4b:s4+s16], $0x10, s8, s16, $0xb8;
	[tilespmem:$0xF500] =	vst v63  }
0xd5: {  	s8 =	sadd.s32 $0x480, s9  }
0xd6: {  	[tilespmem:s28], [sflag:$0x2] =	stream.indirect.gather [hbm4b:s4+s16], $0x10, s8, s16, $0xb8;
	[tilespmem:$0xF500] =	vst v63  }
0xd7: {  	s8 =	sadd.s32 $0x500, s9  }
0xd8: {  	[tilespmem:s29], [sflag:$0x2] =	stream.indirect.gather [hbm4b:s4+s16], $0x10, s8, s16, $0xb8;
	[tilespmem:$0xF500] =	vst v63  }
0xd9: {  	s8 =	sadd.s32 $0x580, s9  }
0xda: {  	[tilespmem:s30], [sflag:$0x2] =	stream.indirect.gather [hbm4b:s4+s16], $0x10, s8, s16, $0xb8;
	[tilespmem:$0xF500] =	vst v63  }
0xdb: {  	s8 =	sadd.s32 $0x600, s9  }
0xdc: {  	[tilespmem:s31], [sflag:$0x2] =	stream.indirect.gather [hbm4b:s4+s16], $0x10, s8, s16, $0xb8;
	[tilespmem:$0xF500] =	vst v63  }
0xdd: {  	s8 =	sadd.s32 $0x680, s9  }
0xde: {  	[tilespmem:s1], [sflag:$0x2] =	stream.indirect.gather [hbm4b:s4+s16], $0x10, s8, s16, $0xb8;
	[tilespmem:$0xF500] =	vst v63  }
0xdf: {  	s8 =	sadd.s32 $0x700, s9  }
0xe0: {  	[tilespmem:s0], [sflag:$0x2] =	stream.indirect.gather [hbm4b:s4+s16], $0x10, s8, s16, $0xb8;
	[tilespmem:$0xF500] =	vst v63  }
0xe1: {  	s8 =	sadd.s32 $0x780, s9  }
0xe2: {  	[tilespmem:s11], [sflag:$0x2] =	stream.indirect.gather [hbm4b:s4+s16], $0x10, s8, s16, $0xb8;
	[tilespmem:$0xF500] =	vst v63  }
0xe3: {  	_ =	swait.ge [sflag:s13], $0x7D0  }
0xe4: {  	[sflag:s13] =	ssyncset.done $0x0  }
0xe5: {  	[sflag:s13] =	ssyncadd.s32 $0xFFFFF830  }
0xe6: {  	_ =	swait.ge [sflag:s13], $0x7D0  }
0xe7: {  	[sflag:s13] =	ssyncset.done $0x0  }
0xe8: {  	[sflag:s13] =	ssyncadd.s32 $0xFFFFF830  }
0xe9: {  	_ =	swait.ge [sflag:s13], $0x7D0  }
0xea: {  	[sflag:s13] =	ssyncset.done $0x0  }
0xeb: {  	[sflag:s13] =	ssyncadd.s32 $0xFFFFF830  }
0xec: {  	_ =	swait.ge [sflag:s13], $0x7D0  }
0xed: {  	[sflag:s13] =	ssyncset.done $0x0  }
0xee: {  	[sflag:s13] =	ssyncadd.s32 $0xFFFFF830  }
0xef: {  	_ =	swait.ge [sflag:s13], $0x7D0  }
0xf0: {  	[sflag:s13] =	ssyncset.done $0x0  }
0xf1: {  	[sflag:s13] =	ssyncadd.s32 $0xFFFFF830  }
0xf2: {  	_ =	swait.ge [sflag:s13], $0x7D0  }
0xf3: {  	[sflag:s13] =	ssyncset.done $0x0  }
0xf4: {  	[sflag:s13] =	ssyncadd.s32 $0xFFFFF830  }
0xf5: {  	_ =	swait.ge [sflag:s13], $0x7D0  }
0xf6: {  	[sflag:s13] =	ssyncset.done $0x0  }
0xf7: {  	[sflag:s13] =	ssyncadd.s32 $0xFFFFF830  }
0xf8: {  	_ =	swait.ge [sflag:s13], $0x7D0  }
0xf9: {  	[sflag:s13] =	ssyncset.done $0x0  }
0xfa: {  	s8 =	sadd.s32 $0x2800, s9;
	[sflag:s13] =	ssyncadd.s32 $0xFFFFF830  }
0xfb: {  	[spmem:s2] =	stream.indirect.scatter.add.f32 [tilespmem:s17], [sflag:$0x3], $0x10, s8, s16, $0xb8;
	[tilespmem:$0xF500] =	vst v63  }
0xfc: {  	s8 =	sadd.s32 $0x2880, s9  }
0xfd: {  	[spmem:s2] =	stream.indirect.scatter.add.f32 [tilespmem:s18], [sflag:$0x3], $0x10, s8, s16, $0xb8;
	[tilespmem:$0xF500] =	vst v63  }
0xfe: {  	s8 =	sadd.s32 $0x2900, s9  }
0xff: {  	[spmem:s2] =	stream.indirect.scatter.add.f32 [tilespmem:s19], [sflag:$0x3], $0x10, s8, s16, $0xb8;
	[tilespmem:$0xF500] =	vst v63  }
0x100: {  	s8 =	sadd.s32 $0x2980, s9  }
0x101: {  	[spmem:s2] =	stream.indirect.scatter.add.f32 [tilespmem:s20], [sflag:$0x3], $0x10, s8, s16, $0xb8;
	[tilespmem:$0xF500] =	vst v63  }
0x102: {  	s8 =	sadd.s32 $0x2A00, s9  }
0x103: {  	[spmem:s2] =	stream.indirect.scatter.add.f32 [tilespmem:s21], [sflag:$0x3], $0x10, s8, s16, $0xb8;
	[tilespmem:$0xF500] =	vst v63  }
0x104: {  	s8 =	sadd.s32 $0x2A80, s9  }
0x105: {  	[spmem:s2] =	stream.indirect.scatter.add.f32 [tilespmem:s22], [sflag:$0x3], $0x10, s8, s16, $0xb8;
	[tilespmem:$0xF500] =	vst v63  }
0x106: {  	s8 =	sadd.s32 $0x2B00, s9  }
0x107: {  	[spmem:s2] =	stream.indirect.scatter.add.f32 [tilespmem:s23], [sflag:$0x3], $0x10, s8, s16, $0xb8;
	[tilespmem:$0xF500] =	vst v63  }
0x108: {  	s8 =	sadd.s32 $0x2B80, s9  }
0x109: {  	[spmem:s2] =	stream.indirect.scatter.add.f32 [tilespmem:s25], [sflag:$0x3], $0x10, s8, s16, $0xb8;
	[tilespmem:$0xF500] =	vst v63  }
0x10a: {  	_ =	swait.ge [sflag:s14], $0x7D0  }
0x10b: {  	[sflag:s14] =	ssyncset.done $0x0  }
0x10c: {  	[sflag:s14] =	ssyncadd.s32 $0xFFFFF830  }
0x10d: {  	_ =	swait.ge [sflag:s14], $0x7D0  }
0x10e: {  	[sflag:s14] =	ssyncset.done $0x0  }
0x10f: {  	[sflag:s14] =	ssyncadd.s32 $0xFFFFF830  }
0x110: {  	_ =	swait.ge [sflag:s14], $0x7D0  }
0x111: {  	[sflag:s14] =	ssyncset.done $0x0  }
0x112: {  	[sflag:s14] =	ssyncadd.s32 $0xFFFFF830  }
0x113: {  	_ =	swait.ge [sflag:s14], $0x7D0  }
0x114: {  	[sflag:s14] =	ssyncset.done $0x0  }
0x115: {  	[sflag:s14] =	ssyncadd.s32 $0xFFFFF830  }
0x116: {  	_ =	swait.ge [sflag:s14], $0x7D0  }
0x117: {  	[sflag:s14] =	ssyncset.done $0x0  }
0x118: {  	[sflag:s14] =	ssyncadd.s32 $0xFFFFF830  }
0x119: {  	_ =	swait.ge [sflag:s14], $0x7D0  }
0x11a: {  	[sflag:s14] =	ssyncset.done $0x0  }
0x11b: {  	[sflag:s14] =	ssyncadd.s32 $0xFFFFF830  }
0x11c: {  	_ =	swait.ge [sflag:s14], $0x7D0  }
0x11d: {  	[sflag:s14] =	ssyncset.done $0x0  }
0x11e: {  	[sflag:s14] =	ssyncadd.s32 $0xFFFFF830  }
0x11f: {  	_ =	swait.ge [sflag:s14], $0x7D0  }
0x120: {  	[sflag:s14] =	ssyncset.done $0x0  }
0x121: {  	s8 =	sadd.s32 $0x2C00, s9;
	[sflag:s14] =	ssyncadd.s32 $0xFFFFF830  }
0x122: {  	[spmem:s2] =	stream.indirect.scatter.add.f32 [tilespmem:s26], [sflag:$0x3], $0x10, s8, s16, $0xb8;
	[tilespmem:$0xF500] =	vst v63  }
0x123: {  	s8 =	sadd.s32 $0x2C80, s9  }
0x124: {  	[spmem:s2] =	stream.indirect.scatter.add.f32 [tilespmem:s28], [sflag:$0x3], $0x10, s8, s16, $0xb8;
	[tilespmem:$0xF500] =	vst v63  }
0x125: {  	s8 =	sadd.s32 $0x2D00, s9  }
0x126: {  	[spmem:s2] =	stream.indirect.scatter.add.f32 [tilespmem:s29], [sflag:$0x3], $0x10, s8, s16, $0xb8;
	[tilespmem:$0xF500] =	vst v63  }
0x127: {  	s8 =	sadd.s32 $0x2D80, s9  }
0x128: {  	[spmem:s2] =	stream.indirect.scatter.add.f32 [tilespmem:s30], [sflag:$0x3], $0x10, s8, s16, $0xb8;
	[tilespmem:$0xF500] =	vst v63  }
0x129: {  	s8 =	sadd.s32 $0x2E00, s9  }
0x12a: {  	[spmem:s2] =	stream.indirect.scatter.add.f32 [tilespmem:s31], [sflag:$0x3], $0x10, s8, s16, $0xb8;
	[tilespmem:$0xF500] =	vst v63  }
0x12b: {  	s8 =	sadd.s32 $0x2E80, s9  }
0x12c: {  	[spmem:s2] =	stream.indirect.scatter.add.f32 [tilespmem:s1], [sflag:$0x3], $0x10, s8, s16, $0xb8;
	[tilespmem:$0xF500] =	vst v63  }
0x12d: {  	s8 =	sadd.s32 $0x2F00, s9  }
0x12e: {  	[spmem:s2] =	stream.indirect.scatter.add.f32 [tilespmem:s0], [sflag:$0x3], $0x10, s8, s16, $0xb8;
	[tilespmem:$0xF500] =	vst v63  }
0x12f: {  	s8 =	sadd.s32 $0x2F80, s9  }
0x130: {  	[spmem:s2] =	stream.indirect.scatter.add.f32 [tilespmem:s11], [sflag:$0x3], $0x10, s8, s16, $0xb8;
	[tilespmem:$0xF500] =	vst v63  }
0x131: {  	_ =	swait.ge [sflag:s15], $0x7D0  }
0x132: {  	[sflag:s15] =	ssyncset.done $0x0  }
0x133: {  	[sflag:s15] =	ssyncadd.s32 $0xFFFFF830  }
0x134: {  	_ =	swait.ge [sflag:s15], $0x7D0  }
0x135: {  	[sflag:s15] =	ssyncset.done $0x0  }
0x136: {  	[sflag:s15] =	ssyncadd.s32 $0xFFFFF830  }
0x137: {  	_ =	swait.ge [sflag:s15], $0x7D0  }
0x138: {  	[sflag:s15] =	ssyncset.done $0x0  }
0x139: {  	[sflag:s15] =	ssyncadd.s32 $0xFFFFF830  }
0x13a: {  	_ =	swait.ge [sflag:s15], $0x7D0  }
0x13b: {  	[sflag:s15] =	ssyncset.done $0x0  }
0x13c: {  	[sflag:s15] =	ssyncadd.s32 $0xFFFFF830  }
0x13d: {  	_ =	swait.ge [sflag:s15], $0x7D0  }
0x13e: {  	[sflag:s15] =	ssyncset.done $0x0  }
0x13f: {  	[sflag:s15] =	ssyncadd.s32 $0xFFFFF830  }
0x140: {  	_ =	swait.ge [sflag:s15], $0x7D0  }
0x141: {  	[sflag:s15] =	ssyncset.done $0x0  }
0x142: {  	[sflag:s15] =	ssyncadd.s32 $0xFFFFF830  }
0x143: {  	_ =	swait.ge [sflag:s15], $0x7D0  }
0x144: {  	[sflag:s15] =	ssyncset.done $0x0  }
0x145: {  	[sflag:s15] =	ssyncadd.s32 $0xFFFFF830  }
0x146: {  	_ =	swait.ge [sflag:s15], $0x7D0  }
0x147: {  	[sflag:s15] =	ssyncset.done $0x0  }
0x148: {  	[sflag:s15] =	ssyncadd.s32 $0xFFFFF830  }
0x149: {  	_ =	swait.ge [sflag:s15], $0x7D0  }
0x14a: {  	[sflag:s15] =	ssyncset.done $0x0  }
0x14b: {  	[sflag:s15] =	ssyncadd.s32 $0xFFFFF830  }
0x14c: {  	_ =	swait.ge [sflag:s15], $0x7D0  }
0x14d: {  	[sflag:s15] =	ssyncset.done $0x0  }
0x14e: {  	[sflag:s15] =	ssyncadd.s32 $0xFFFFF830  }
0x14f: {  	_ =	swait.ge [sflag:s15], $0x7D0  }
0x150: {  	[sflag:s15] =	ssyncset.done $0x0  }
0x151: {  	[sflag:s15] =	ssyncadd.s32 $0xFFFFF830  }
0x152: {  	_ =	swait.ge [sflag:s15], $0x7D0  }
0x153: {  	[sflag:s15] =	ssyncset.done $0x0  }
0x154: {  	[sflag:s15] =	ssyncadd.s32 $0xFFFFF830  }
0x155: {  	_ =	swait.ge [sflag:s15], $0x7D0  }
0x156: {  	[sflag:s15] =	ssyncset.done $0x0  }
0x157: {  	[sflag:s15] =	ssyncadd.s32 $0xFFFFF830  }
0x158: {  	_ =	swait.ge [sflag:s15], $0x7D0  }
0x159: {  	[sflag:s15] =	ssyncset.done $0x0  }
0x15a: {  	[sflag:s15] =	ssyncadd.s32 $0xFFFFF830  }
.Ltmp0:
0x15b: {  	_ =	swait.ge [sflag:s15], $0x7D0;
	(pc) =	sbr.rel @p0 .LBB2_2-.Ltmp0, $4  }
0x15c: {  	[sflag:s15] =	ssyncset.done $0x0  }
0x15d: {  	[sflag:s15] =	ssyncadd.s32 $0xFFFFF830  }
0x15e: {  	_ =	swait.ge [sflag:s15], $0x7D0  }
0x15f: {  	s8 =	smov.u32 s10;
	[sflag:s15] =	ssyncset.done $0x0  }
0x160: {  	s6 =	sshra.s32 s6, $0x2;
	[sflag:s15] =	ssyncadd.s32 $0xFFFFF830  }
0x161: {  	[tilespmem:s17], [sflag:$0x1] =	stream.indirect.gather [hbm4b:s4+s16], $0x10, s6, s16, $0xb8;
	[tilespmem:$0xF500] =	vst v63  }
0x162: {  	s8 =	sadd.s32 $0x80, s6  }
0x163: {  	[tilespmem:s18], [sflag:$0x1] =	stream.indirect.gather [hbm4b:s4+s16], $0x10, s8, s16, $0xb8;
	[tilespmem:$0xF500] =	vst v63  }
0x164: {  	s10 =	sadd.s32 $0x100, s6  }
0x165: {  	[tilespmem:s19], [sflag:$0x1] =	stream.indirect.gather [hbm4b:s4+s16], $0x10, s10, s16, $0xb8;
	[tilespmem:$0xF500] =	vst v63  }
0x166: {  	s9 =	sadd.s32 $0x180, s6  }
0x167: {  	[tilespmem:s20], [sflag:$0x1] =	stream.indirect.gather [hbm4b:s4+s16], $0x10, s9, s16, $0xb8;
	[tilespmem:$0xF500] =	vst v63  }
0x168: {  	s10 =	sadd.s32 $0x200, s6  }
0x169: {  	[tilespmem:s21], [sflag:$0x1] =	stream.indirect.gather [hbm4b:s4+s16], $0x10, s10, s16, $0xb8;
	[tilespmem:$0xF500] =	vst v63  }
0x16a: {  	s9 =	sadd.s32 $0x280, s6  }
0x16b: {  	[tilespmem:s22], [sflag:$0x1] =	stream.indirect.gather [hbm4b:s4+s16], $0x10, s9, s16, $0xb8;
	[tilespmem:$0xF500] =	vst v63  }
0x16c: {  	s10 =	sadd.s32 $0x300, s6  }
0x16d: {  	[tilespmem:s23], [sflag:$0x1] =	stream.indirect.gather [hbm4b:s4+s16], $0x10, s10, s16, $0xb8;
	[tilespmem:$0xF500] =	vst v63  }
0x16e: {  	s9 =	sadd.s32 $0x380, s6  }
0x16f: {  	[tilespmem:s25], [sflag:$0x1] =	stream.indirect.gather [hbm4b:s4+s16], $0x10, s9, s16, $0xb8;
	[tilespmem:$0xF500] =	vst v63  }
0x170: {  	s10 =	sadd.s32 $0x400, s6  }
0x171: {  	[tilespmem:s26], [sflag:$0x2] =	stream.indirect.gather [hbm4b:s4+s16], $0x10, s10, s16, $0xb8;
	[tilespmem:$0xF500] =	vst v63  }
0x172: {  	s9 =	sadd.s32 $0x480, s6  }
0x173: {  	[tilespmem:s28], [sflag:$0x2] =	stream.indirect.gather [hbm4b:s4+s16], $0x10, s9, s16, $0xb8;
	[tilespmem:$0xF500] =	vst v63  }
0x174: {  	s10 =	sadd.s32 $0x500, s6  }
0x175: {  	[tilespmem:s29], [sflag:$0x2] =	stream.indirect.gather [hbm4b:s4+s16], $0x10, s10, s16, $0xb8;
	[tilespmem:$0xF500] =	vst v63  }
0x176: {  	s9 =	sadd.s32 $0x580, s6  }
0x177: {  	[tilespmem:s30], [sflag:$0x2] =	stream.indirect.gather [hbm4b:s4+s16], $0x10, s9, s16, $0xb8;
	[tilespmem:$0xF500] =	vst v63  }
0x178: {  	s10 =	sadd.s32 $0x600, s6  }
0x179: {  	[tilespmem:s31], [sflag:$0x2] =	stream.indirect.gather [hbm4b:s4+s16], $0x10, s10, s16, $0xb8;
	[tilespmem:$0xF500] =	vst v63  }
0x17a: {  	s9 =	sadd.s32 $0x680, s6  }
0x17b: {  	[tilespmem:s1], [sflag:$0x2] =	stream.indirect.gather [hbm4b:s4+s16], $0x10, s9, s16, $0xb8;
	[tilespmem:$0xF500] =	vst v63  }
0x17c: {  	s10 =	sadd.s32 $0x700, s6  }
0x17d: {  	[tilespmem:s0], [sflag:$0x2] =	stream.indirect.gather [hbm4b:s4+s16], $0x10, s10, s16, $0xb8;
	[tilespmem:$0xF500] =	vst v63  }
0x17e: {  	s9 =	sadd.s32 $0x780, s6  }
0x17f: {  	[tilespmem:s11], [sflag:$0x2] =	stream.indirect.gather [hbm4b:s4+s16], $0x10, s9, s16, $0xb8;
	[tilespmem:$0xF500] =	vst v63  }
0x180: {  	_ =	swait.ge [sflag:s13], $0x7D0  }
0x181: {  	[sflag:s13] =	ssyncset.done $0x0  }
0x182: {  	[sflag:s13] =	ssyncadd.s32 $0xFFFFF830  }
0x183: {  	_ =	swait.ge [sflag:s13], $0x7D0  }
0x184: {  	[sflag:s13] =	ssyncset.done $0x0  }
0x185: {  	[sflag:s13] =	ssyncadd.s32 $0xFFFFF830  }
0x186: {  	_ =	swait.ge [sflag:s13], $0x7D0  }
0x187: {  	[sflag:s13] =	ssyncset.done $0x0  }
0x188: {  	[sflag:s13] =	ssyncadd.s32 $0xFFFFF830  }
0x189: {  	_ =	swait.ge [sflag:s13], $0x7D0  }
0x18a: {  	[sflag:s13] =	ssyncset.done $0x0  }
0x18b: {  	[sflag:s13] =	ssyncadd.s32 $0xFFFFF830  }
0x18c: {  	_ =	swait.ge [sflag:s13], $0x7D0  }
0x18d: {  	[sflag:s13] =	ssyncset.done $0x0  }
0x18e: {  	[sflag:s13] =	ssyncadd.s32 $0xFFFFF830  }
0x18f: {  	_ =	swait.ge [sflag:s13], $0x7D0  }
0x190: {  	[sflag:s13] =	ssyncset.done $0x0  }
0x191: {  	[sflag:s13] =	ssyncadd.s32 $0xFFFFF830  }
0x192: {  	_ =	swait.ge [sflag:s13], $0x7D0  }
0x193: {  	[sflag:s13] =	ssyncset.done $0x0  }
0x194: {  	[sflag:s13] =	ssyncadd.s32 $0xFFFFF830  }
0x195: {  	_ =	swait.ge [sflag:s13], $0x7D0  }
0x196: {  	[sflag:s13] =	ssyncset.done $0x0  }
0x197: {  	s10 =	sadd.s32 $0x2800, s6;
	[sflag:s13] =	ssyncadd.s32 $0xFFFFF830  }
0x198: {  	[spmem:s2] =	stream.indirect.scatter.add.f32 [tilespmem:s17], [sflag:$0x3], $0x10, s10, s16, $0xb8;
	[tilespmem:$0xF500] =	vst v63  }
0x199: {  	s9 =	sadd.s32 $0x2880, s6  }
0x19a: {  	[spmem:s2] =	stream.indirect.scatter.add.f32 [tilespmem:s18], [sflag:$0x3], $0x10, s9, s16, $0xb8;
	[tilespmem:$0xF500] =	vst v63  }
0x19b: {  	s10 =	sadd.s32 $0x2900, s6  }
0x19c: {  	[spmem:s2] =	stream.indirect.scatter.add.f32 [tilespmem:s19], [sflag:$0x3], $0x10, s10, s16, $0xb8;
	[tilespmem:$0xF500] =	vst v63  }
0x19d: {  	s9 =	sadd.s32 $0x2980, s6  }
0x19e: {  	[spmem:s2] =	stream.indirect.scatter.add.f32 [tilespmem:s20], [sflag:$0x3], $0x10, s9, s16, $0xb8;
	[tilespmem:$0xF500] =	vst v63  }
0x19f: {  	s10 =	sadd.s32 $0x2A00, s6  }
0x1a0: {  	[spmem:s2] =	stream.indirect.scatter.add.f32 [tilespmem:s21], [sflag:$0x3], $0x10, s10, s16, $0xb8;
	[tilespmem:$0xF500] =	vst v63  }
0x1a1: {  	s9 =	sadd.s32 $0x2A80, s6  }
0x1a2: {  	[spmem:s2] =	stream.indirect.scatter.add.f32 [tilespmem:s22], [sflag:$0x3], $0x10, s9, s16, $0xb8;
	[tilespmem:$0xF500] =	vst v63  }
0x1a3: {  	s10 =	sadd.s32 $0x2B00, s6  }
0x1a4: {  	[spmem:s2] =	stream.indirect.scatter.add.f32 [tilespmem:s23], [sflag:$0x3], $0x10, s10, s16, $0xb8;
	[tilespmem:$0xF500] =	vst v63  }
0x1a5: {  	s9 =	sadd.s32 $0x2B80, s6  }
0x1a6: {  	[spmem:s2] =	stream.indirect.scatter.add.f32 [tilespmem:s25], [sflag:$0x3], $0x10, s9, s16, $0xb8;
	[tilespmem:$0xF500] =	vst v63  }
0x1a7: {  	_ =	swait.ge [sflag:s14], $0x7D0  }
0x1a8: {  	[sflag:s14] =	ssyncset.done $0x0  }
0x1a9: {  	[sflag:s14] =	ssyncadd.s32 $0xFFFFF830  }
0x1aa: {  	_ =	swait.ge [sflag:s14], $0x7D0  }
0x1ab: {  	[sflag:s14] =	ssyncset.done $0x0  }
0x1ac: {  	[sflag:s14] =	ssyncadd.s32 $0xFFFFF830  }
0x1ad: {  	_ =	swait.ge [sflag:s14], $0x7D0  }
0x1ae: {  	[sflag:s14] =	ssyncset.done $0x0  }
0x1af: {  	[sflag:s14] =	ssyncadd.s32 $0xFFFFF830  }
0x1b0: {  	_ =	swait.ge [sflag:s14], $0x7D0  }
0x1b1: {  	[sflag:s14] =	ssyncset.done $0x0  }
0x1b2: {  	[sflag:s14] =	ssyncadd.s32 $0xFFFFF830  }
0x1b3: {  	_ =	swait.ge [sflag:s14], $0x7D0  }
0x1b4: {  	[sflag:s14] =	ssyncset.done $0x0  }
0x1b5: {  	[sflag:s14] =	ssyncadd.s32 $0xFFFFF830  }
0x1b6: {  	_ =	swait.ge [sflag:s14], $0x7D0  }
0x1b7: {  	[sflag:s14] =	ssyncset.done $0x0  }
0x1b8: {  	[sflag:s14] =	ssyncadd.s32 $0xFFFFF830  }
0x1b9: {  	_ =	swait.ge [sflag:s14], $0x7D0  }
0x1ba: {  	[sflag:s14] =	ssyncset.done $0x0  }
0x1bb: {  	[sflag:s14] =	ssyncadd.s32 $0xFFFFF830  }
0x1bc: {  	_ =	swait.ge [sflag:s14], $0x7D0  }
0x1bd: {  	[sflag:s14] =	ssyncset.done $0x0  }
0x1be: {  	s10 =	sadd.s32 $0x2C00, s6;
	[sflag:s14] =	ssyncadd.s32 $0xFFFFF830  }
0x1bf: {  	[spmem:s2] =	stream.indirect.scatter.add.f32 [tilespmem:s26], [sflag:$0x3], $0x10, s10, s16, $0xb8;
	[tilespmem:$0xF500] =	vst v63  }
0x1c0: {  	s9 =	sadd.s32 $0x2C80, s6  }
0x1c1: {  	[spmem:s2] =	stream.indirect.scatter.add.f32 [tilespmem:s28], [sflag:$0x3], $0x10, s9, s16, $0xb8;
	[tilespmem:$0xF500] =	vst v63  }
0x1c2: {  	s10 =	sadd.s32 $0x2D00, s6  }
0x1c3: {  	[spmem:s2] =	stream.indirect.scatter.add.f32 [tilespmem:s29], [sflag:$0x3], $0x10, s10, s16, $0xb8;
	[tilespmem:$0xF500] =	vst v63  }
0x1c4: {  	s9 =	sadd.s32 $0x2D80, s6  }
0x1c5: {  	[spmem:s2] =	stream.indirect.scatter.add.f32 [tilespmem:s30], [sflag:$0x3], $0x10, s9, s16, $0xb8;
	[tilespmem:$0xF500] =	vst v63  }
0x1c6: {  	s10 =	sadd.s32 $0x2E00, s6  }
0x1c7: {  	[spmem:s2] =	stream.indirect.scatter.add.f32 [tilespmem:s31], [sflag:$0x3], $0x10, s10, s16, $0xb8;
	[tilespmem:$0xF500] =	vst v63  }
0x1c8: {  	s9 =	sadd.s32 $0x2E80, s6  }
0x1c9: {  	[spmem:s2] =	stream.indirect.scatter.add.f32 [tilespmem:s1], [sflag:$0x3], $0x10, s9, s16, $0xb8;
	[tilespmem:$0xF500] =	vst v63  }
0x1ca: {  	s10 =	sadd.s32 $0x2F00, s6  }
0x1cb: {  	[spmem:s2] =	stream.indirect.scatter.add.f32 [tilespmem:s0], [sflag:$0x3], $0x10, s10, s16, $0xb8;
	[tilespmem:$0xF500] =	vst v63  }
0x1cc: {  	s6 =	sadd.s32 $0x2F80, s6  }
0x1cd: {  	[spmem:s2] =	stream.indirect.scatter.add.f32 [tilespmem:s11], [sflag:$0x3], $0x10, s6, s16, $0xb8;
	[tilespmem:$0xF500] =	vst v63  }
0x1ce: {  	_ =	swait.ge [sflag:s15], $0x7D0  }
0x1cf: {  	[sflag:s15] =	ssyncset.done $0x0  }
0x1d0: {  	[sflag:s15] =	ssyncadd.s32 $0xFFFFF830  }
0x1d1: {  	_ =	swait.ge [sflag:s15], $0x7D0  }
0x1d2: {  	[sflag:s15] =	ssyncset.done $0x0  }
0x1d3: {  	[sflag:s15] =	ssyncadd.s32 $0xFFFFF830  }
0x1d4: {  	_ =	swait.ge [sflag:s15], $0x7D0  }
0x1d5: {  	[sflag:s15] =	ssyncset.done $0x0  }
0x1d6: {  	[sflag:s15] =	ssyncadd.s32 $0xFFFFF830  }
0x1d7: {  	_ =	swait.ge [sflag:s15], $0x7D0  }
0x1d8: {  	[sflag:s15] =	ssyncset.done $0x0  }
0x1d9: {  	[sflag:s15] =	ssyncadd.s32 $0xFFFFF830  }
0x1da: {  	_ =	swait.ge [sflag:s15], $0x7D0  }
0x1db: {  	[sflag:s15] =	ssyncset.done $0x0  }
0x1dc: {  	[sflag:s15] =	ssyncadd.s32 $0xFFFFF830  }
0x1dd: {  	_ =	swait.ge [sflag:s15], $0x7D0  }
0x1de: {  	[sflag:s15] =	ssyncset.done $0x0  }
0x1df: {  	[sflag:s15] =	ssyncadd.s32 $0xFFFFF830  }
0x1e0: {  	_ =	swait.ge [sflag:s15], $0x7D0  }
0x1e1: {  	[sflag:s15] =	ssyncset.done $0x0  }
0x1e2: {  	[sflag:s15] =	ssyncadd.s32 $0xFFFFF830  }
0x1e3: {  	_ =	swait.ge [sflag:s15], $0x7D0  }
0x1e4: {  	[sflag:s15] =	ssyncset.done $0x0  }
0x1e5: {  	[sflag:s15] =	ssyncadd.s32 $0xFFFFF830  }
0x1e6: {  	_ =	swait.ge [sflag:s15], $0x7D0  }
0x1e7: {  	[sflag:s15] =	ssyncset.done $0x0  }
0x1e8: {  	[sflag:s15] =	ssyncadd.s32 $0xFFFFF830  }
0x1e9: {  	_ =	swait.ge [sflag:s15], $0x7D0  }
0x1ea: {  	[sflag:s15] =	ssyncset.done $0x0  }
0x1eb: {  	[sflag:s15] =	ssyncadd.s32 $0xFFFFF830  }
0x1ec: {  	_ =	swait.ge [sflag:s15], $0x7D0  }
0x1ed: {  	[sflag:s15] =	ssyncset.done $0x0  }
0x1ee: {  	[sflag:s15] =	ssyncadd.s32 $0xFFFFF830  }
0x1ef: {  	_ =	swait.ge [sflag:s15], $0x7D0  }
0x1f0: {  	[sflag:s15] =	ssyncset.done $0x0  }
0x1f1: {  	[sflag:s15] =	ssyncadd.s32 $0xFFFFF830  }
0x1f2: {  	_ =	swait.ge [sflag:s15], $0x7D0  }
0x1f3: {  	[sflag:s15] =	ssyncset.done $0x0  }
0x1f4: {  	[sflag:s15] =	ssyncadd.s32 $0xFFFFF830  }
0x1f5: {  	_ =	swait.ge [sflag:s15], $0x7D0  }
0x1f6: {  	[sflag:s15] =	ssyncset.done $0x0  }
0x1f7: {  	[sflag:s15] =	ssyncadd.s32 $0xFFFFF830  }
0x1f8: {  	_ =	swait.ge [sflag:s15], $0x7D0  }
0x1f9: {  	[sflag:s15] =	ssyncset.done $0x0  }
0x1fa: {  	[sflag:s15] =	ssyncadd.s32 $0xFFFFF830  }
0x1fb: {  	_ =	swait.ge [sflag:s15], $0x7D0  }
0x1fc: {  	[sflag:s15] =	ssyncset.done $0x0  }
0x1fd: {  	[sflag:s15] =	ssyncadd.s32 $0xFFFFF830  }
0x1fe: {  	s9 =	sor.u32 $0x1C04, s7;
	[bflag:$0x0] =	sbarrier.arrive $0xFFFF  }
0x1ff: {  	[hbm:s24], [sflag:s9] =	dma.local [spmem:s12], $0x500  }
0x200: {  	_ =	swait.ge [sflag:s3], $0x500  }
0x201: {  	s5 =	sadd.s32 $0x1, s5;
	s10 =	rddreg [dreg:$0x7]  }
0x202: {  	p0 =	sne.s32 s5, s10  }
.Ltmp1:
0x203: {  	_ = 	snop;
	(pc) =	sbr.rel @p0 .LBB2_1-.Ltmp1, $3  }
0x204: {  	_ =	sdelay $0x1  }
0x205: {  	[sflag:s3] =	ssyncset.done $0x0  }
0x206: {  	[sflag:s3] =	ssyncadd.s32 $0xFFFFFB00  }
0x207: {  	_ =	sfence.sel $0x180000  }
0x208: {  	[bflag:$0x0] =	sbarrier.arrive $0xFFFF  }
0x209: {  	_ =	strace $0x90000053  }
0x20a: {  	s0 =	stileid.u32;
	[bflag:$0x2] =	sbarrier.arrive $0xFFFF  }
0x20b: {  	p0 =	sne.s32 s0, $0x0;
	s0 =	rddreg [dreg:$0x2]  }
0x20c: {  	s0 =	sadd.s32 @!p0 $0x100000, s0  }
0x20d: {  	[sflag:s0] =	ssyncadd.tile.s32 @!p0 $0x1;
	_ =	shalt  }
.Lfunc_end2:
_tile_overlayer_lowered:
.L_overlay_start_2:
0x20e: {  	(tag) =	ssettag $0x2  }
0x20f: {  	s0 =	rddreg [dreg:$0x0];
	s2 =	stileid.u32  }
0x210: {  	s1 =	rddreg [dreg:$0x1];
	p0 =	sne.s32 s2, $0x0  }
0x211: {  	s3 =	rddreg [dreg:$0x2];
	[bflag:$0x3] =	sbarrier.arrive $0xFFFF;
	s2 =	simm.s32 @!p0 $0x1C04  }
0x212: {  	[timem:s3], [sflag:s2] =	dma.local @!p0 [hbm:s0], s1  }
0x213: {  	s0 =	simm.s32 @!p0 $0x4  }
0x214: {  	_ =	swait.ge @!p0 [sflag:s0], s1  }
0x215: {  	s1 =	ssub.s32 @!p0 $0x0, s1;
	[sflag:s0] =	ssyncset.done @!p0 $0x0  }
0x216: {  	[sflag:s0] =	ssyncadd.s32 @!p0 s1  }
0x217: {  	[bflag:$0x3] =	sbarrier.arrive $0xFFFF  }
0x218: {  	_ =	shalt  }

// kernel: kernel.29.cloned.1.call-start
scs
__scs_entry_jumppad:
0x0: {  	(pc) =	sbr.rel $0x88, $3  }
0x1: {  	(tag) =	ssettag $0x0;
	lr =	simm.s32 $0x1  }
0x2: {  	[smem:$0x3F95] =	sst lr;
	_ =	strace $0xD0000000  }
0x3: {  	_ = 	snop  }
0x4: {  	_ = 	snop  }
0x5: {  	_ = 	snop  }
0x6: {  	_ = 	snop  }
0x7: {  	_ = 	snop  }
__scs_overlays_trampoline_lowered:
0x8: {  	[smem:$0x3FA4] =	sst s0  }
0x9: {  	[smem:$0x3FA5] =	sst s1  }
0xa: {  	[smem:$0x3FA6] =	sst s2  }
0xb: {  	[smem:$0x3FA7] =	sst s3  }
0xc: {  	[smem:$0x3FA8] =	sst s4  }
0xd: {  	[smem:$0x3FA9] =	sst s5  }
0xe: {  	[smem:$0x3FAA] =	sst s6  }
0xf: {  	[smem:$0x3FAB] =	sst s7  }
0x10: {  	[smem:$0x3FAC] =	sst s8  }
0x11: {  	[smem:$0x3FAD] =	sst s9;
	s0 =	simm.s32 @!p0 $0x0  }
0x12: {  	s1 =	sld [smem:$0x3F93];
	s0 =	simm.s32 @p0 $0x1  }
0x13: {  	[smem:$0x3FAE] =	sst s0;
	s0 =	simm.s32 @!p1 $0x0  }
0x14: {  	s2 =	sld [smem:$0x3F92];
	s0 =	simm.s32 @p1 $0x1  }
0x15: {  	[smem:$0x3FAF] =	sst s0;
	s0 =	simm.s32 @!p2 $0x0  }
0x16: {  	s3 =	sld [smem:$0x3FDB];
	s0 =	simm.s32 @p2 $0x1  }
0x17: {  	s4 =	simm.s32 $0x1BF5;
	[smem:$0x3FB1] =	sst s0  }
0x18: {  	s0 =	sld [smem:$0x3F94];
	_ =	swait.ge [sflag:s4], $0x0  }
0x19: {  	s7 =	sld [smem:$0x3F95]  }
0x1a: {  	s8 =	sadd.s32 $0xFFFFE003, lr  }
0x1b: {  	s9 =	sadd.s32 $0xFFFFFEF7, lr;
	s5 =	simm.s32 $0xFFFFFFFF;
	p2 =	slt.u32 s8, $0xFFFFF086  }
0x1c: {  	p1 =	slt.u32 s9, $0xF7A;
	s5 =	simm.s32 @!p2 $0x0  }
0x1d: {  	s5 =	simm.s32 @p1 $0x1;
	p0 =	seq.s32 s7, s2  }
0x1e: {  	s7 =	smul.u32 @!p0 $0xF7A, s2;
	p2 =	seq.s32 @!p0 s5, $0x0  }
0x1f: {  	s9 =	smul.u32 $0xF7A, s1;
	s8 =	simm.s32 @!p0 $0x1BF5;
	p2 =	por !p2, p0  }
0x20: {  	[sflag:s8] =	ssyncset.s32 @!p0 $0xFFFFF086;
	s6 =	sadd.s32 @!p0 s3, s7;
	s7 =	simm.s32 @!p0 $0x108  }
0x21: {  	s3 =	sadd.s32 s3, s9;
	s6 =	sadd.s32 @!p0 $0x88, s6;
	s7 =	simm.s32 @p2 $0x1082  }
0x22: {  	[simem:s7], [sflag:s8] =	dma.local @!p0 [hbm:s6], $0xF7A  }
0x23: {  	s9 =	sor.u32 $0xD0000000, s2;
	s6 =	simm.s32 $0x108;
	_ =	swait.ge @!p0 [sflag:s8], $0x0  }
0x24: {  	s3 =	sadd.s32 $0x88, s3;
	s6 =	simm.s32 @!p1 $0x1082;
	[sflag:s4] =	ssyncset.s32 $0xFFFFF086  }
0x25: {  	[simem:s6], [sflag:s4] =	dma.local [hbm:s3], $0xF7A  }
0x26: {  	[smem:$0x3F95] =	sst s1;
	(tag) =	ssettag s2;
	_ =	strace s9  }
0x27: {  	s1 =	sld [smem:$0x3FA5]  }
0x28: {  	s2 =	sld [smem:$0x3FA6]  }
0x29: {  	s4 =	sld [smem:$0x3FA8]  }
0x2a: {  	p0 =	seq.s32 s5, $0x0;
	s5 =	sld [smem:$0x3FA9]  }
0x2b: {  	s6 =	sld [smem:$0x3FAA]  }
0x2c: {  	s7 =	sld [smem:$0x3FAB]  }
0x2d: {  	s3 =	simm.s32 $0x108;
	s8 =	sld [smem:$0x3FAC]  }
0x2e: {  	s3 =	simm.s32 @!p0 $0x1082;
	s9 =	sld [smem:$0x3FAD]  }
0x2f: {  	lr =	sadd.s32 s0, s3;
	s0 =	sld [smem:$0x3FA4]  }
0x30: {  	s3 =	sld [smem:$0x3FA7]  }
0x31: {  	[smem:$0x3FB0] =	sst s10  }
0x32: {  	s10 =	sld [smem:$0x3FAE];
	_ =	sdelay $0x3  }
0x33: {  	p0 =	seq.s32 s10, $0x1;
	s10 =	sld [smem:$0x3FB0];
	_ =	sdelay $0x3  }
0x34: {  	[smem:$0x3FB0] =	sst s10  }
0x35: {  	s10 =	sld [smem:$0x3FAF];
	_ =	sdelay $0x3  }
0x36: {  	p1 =	seq.s32 s10, $0x1;
	s10 =	sld [smem:$0x3FB0];
	_ =	sdelay $0x3  }
0x37: {  	[smem:$0x3FB0] =	sst s10  }
0x38: {  	s10 =	sld [smem:$0x3FB1]  }
0x39: {  	_ = 	snop;
	(pc) =	sbr.ind lr, $3  }
0x3a: {  	_ = 	snop  }
0x3b: {  	_ = 	snop  }
0x3c: {  	p2 =	seq.s32 s10, $0x1;
	s10 =	sld [smem:$0x3FB0]  }
0x3d: {  	_ =	shalt  }
0x3e: {  	_ =	shalt  }
0x3f: {  	_ =	shalt  }
0x40: {  	_ =	shalt  }
0x41: {  	_ =	shalt  }
0x42: {  	_ =	shalt  }
0x43: {  	_ =	shalt  }
0x44: {  	_ =	shalt  }
0x45: {  	_ =	shalt  }
0x46: {  	_ =	shalt  }
0x47: {  	_ =	shalt  }
0x48: {  	_ =	shalt  }
0x49: {  	_ =	shalt  }
0x4a: {  	_ =	shalt  }
0x4b: {  	_ =	shalt  }
0x4c: {  	_ =	shalt  }
0x4d: {  	_ =	shalt  }
0x4e: {  	_ =	shalt  }
0x4f: {  	_ =	shalt  }
0x50: {  	_ =	shalt  }
0x51: {  	_ =	shalt  }
0x52: {  	_ =	shalt  }
0x53: {  	_ =	shalt  }
0x54: {  	_ =	shalt  }
0x55: {  	_ =	shalt  }
0x56: {  	_ =	shalt  }
0x57: {  	_ =	shalt  }
0x58: {  	_ =	shalt  }
0x59: {  	_ =	shalt  }
0x5a: {  	_ =	shalt  }
0x5b: {  	_ =	shalt  }
0x5c: {  	_ =	shalt  }
0x5d: {  	_ =	shalt  }
0x5e: {  	_ =	shalt  }
0x5f: {  	_ =	shalt  }
0x60: {  	_ =	shalt  }
0x61: {  	_ =	shalt  }
0x62: {  	_ =	shalt  }
0x63: {  	_ =	shalt  }
0x64: {  	_ =	shalt  }
0x65: {  	_ =	shalt  }
0x66: {  	_ =	shalt  }
0x67: {  	_ =	shalt  }
0x68: {  	_ =	shalt  }
0x69: {  	_ =	shalt  }
0x6a: {  	_ =	shalt  }
0x6b: {  	_ =	shalt  }
0x6c: {  	_ =	shalt  }
0x6d: {  	_ =	shalt  }
0x6e: {  	_ =	shalt  }
0x6f: {  	_ =	shalt  }
0x70: {  	_ =	shalt  }
0x71: {  	_ =	shalt  }
0x72: {  	_ =	shalt  }
0x73: {  	_ =	shalt  }
0x74: {  	_ =	shalt  }
0x75: {  	_ =	shalt  }
0x76: {  	_ =	shalt  }
0x77: {  	_ =	shalt  }
0x78: {  	_ =	shalt  }
0x79: {  	_ =	shalt  }
0x7a: {  	_ =	shalt  }
0x7b: {  	_ =	shalt  }
0x7c: {  	_ =	shalt  }
0x7d: {  	_ =	shalt  }
0x7e: {  	_ =	shalt  }
0x7f: {  	_ =	shalt  }
0x80: {  	_ =	shalt  }
0x81: {  	_ =	shalt  }
0x82: {  	_ =	shalt  }
0x83: {  	_ =	shalt  }
0x84: {  	_ =	shalt  }
0x85: {  	_ =	shalt  }
0x86: {  	_ =	shalt  }
0x87: {  	_ =	shalt  }
.Lfunc_end0:
.L_simem_size_0:
called_computation.5_lowered:
.L_overlay_start_0:
0x88: {  	s2 =	sld [smem:$0x3FD9]  }
0x89: {  	s3 =	sld [smem:$0x3FFE];
	_ =	sdelay $0x1  }
0x8a: {  	s1 =	srdreg.scid  }
0x8b: {  	s0 =	sand.u32 $0x1, s1  }
0x8c: {  	s16 =	sshll.u32 s0, $0xA;
	s2 =	sadd.s32 s3, s2  }
0x8d: {  	s2 =	sadd.s32 s2, s16  }
0x8e: {  	[smem:$0x3FBC] =	sst s2  }
0x8f: {  	_ = 	snop  }
0x90: {  	(tm) =	ssettm $0x1  }
0x91: {  	s17 =	sld [smem:$0x3FFB];
	_ =	sdelay $0x3  }
0x92: {  	_ =	strace s17  }
0x93: {  	s2 =	sld [smem:$0x3FFC];
	_ =	sdelay $0x3  }
0x94: {  	_ =	strace s2  }
0x95: {  	s2 =	sld [smem:$0x3FFD];
	_ =	sdelay $0x3  }
0x96: {  	_ =	strace s2  }
0x97: {  	_ =	strace $0x8FFFFFFF  }
0x98: {  	s18 =	sld [smem:$0x3FDB];
	_ =	sdelay $0x1  }
0x99: {  	s19 =	simm.s32 $_scs_section_size  }
0x9a: {  	s4 =	simm.s32 $_size__tile_overlayer_lowered;
	s5 =	simm.s32 $_tile_overlayer_lowered  }
0x9b: {  	s22 =	simm.s32 $0x1BFF;
	s21 =	sshll.u32 s5, $0x1;
	s2 =	sadd.s32 s19, s18  }
0x9c: {  	s6 =	simm.s32 $0x0;
	s20 =	sshll.u32 s4, $0x1;
	s4 =	sadd.s32 s21, s2  }
0x9d: {  	[timem:s6], [sflag:s22] =	dma.local [hbm:s4], s20  }
0x9e: {  	_ =	swait.ge [sflag:s22], s20  }
0x9f: {  	s3 =	ssub.s32 $0x0, s20;
	[sflag:s22] =	ssyncset.done $0x0  }
0xa0: {  	[sflag:s22] =	ssyncadd.s32 s3;
	_ =	sdelay $0x1  }
0xa1: {  	s23 =	simm.s32 $0x1B8B  }
0xa2: {  	_ =	swait.ge [sflag:s23], $0x1  }
0xa3: {  	[sflag:s23] =	ssyncset.done $0x0  }
0xa4: {  	s25 =	simm.s32 $0x1B8E;
	s24 =	sld [smem:$0x3FFE];
	[sflag:s23] =	ssyncadd.s32 $0xFFFFFFFF  }
0xa5: {  	s26 =	simm.s32 $execute0_lowered;
	[smem:$0x3FD2] =	sst s25  }
0xa6: {  	s4 =	sshll.u32 s26, $0x1;
	_ =	strace $0x80000055;
	[dreg:$0x1] =	wrdreg $0xFFFFFFFF  }
0xa7: {  	s28 =	simm.s32 $_size_execute0_lowered;
	s2 =	sadd.s32 s2, s4;
	[dreg:$0x0] =	wrdreg $0x0  }
0xa8: {  	s4 =	sshll.u32 s28, $0x1;
	[dreg:$0x2] =	wrdreg s2  }
0xa9: {  	[dreg:$0x3] =	wrdreg s4  }
0xaa: {  	[dreg:$0x4] =	wrdreg $0xC0  }
0xab: {  	_ =	task [dreg:s6], $0x5FFFF  }
0xac: {  	[dreg:$0x1] =	wrdreg $0xFFFFFFFF  }
0xad: {  	[dreg:$0x0] =	wrdreg $0x60  }
0xae: {  	[dreg:$0x2] =	wrdreg s24  }
0xaf: {  	[dreg:$0x3] =	wrdreg $0x9  }
0xb0: {  	_ =	task.clear_ibuf [dreg:s6], $0x4FFFF;
	_ =	strace $0x90000055  }
0xb1: {  	s29 =	simm.s32 $0x9;
	_ =	strace $0x80000057  }
0xb2: {  	_ =	swait.ge [sflag:s29], $0x1  }
0xb3: {  	[sflag:s29] =	ssyncadd.s32 $0xFFFFFFFF  }
0xb4: {  	_ =	strace $0x90000057  }
0xb5: {  	_ =	sfence  }
0xb6: {  	s30 =	sld [smem:$0x0];
	_ =	sdelay $0x2  }
0xb7: {  	s31 =	sshll.u32 s1, $0xD;
	s1 =	sshrl.u32 s1, $0x2  }
0xb8: {  	s3 =	sand.u32 $0x4000, s31;
	s1 =	sadd.s32 s1, s30  }
0xb9: {  	s0 =	sor.u32 s3, s0;
	s1 =	sshll.u32 s1, $0x11  }
0xba: {  	s0 =	sor.u32 s1, s0  }
0xbb: {  	s0 =	sadd.s32 $0x8F2B, s0  }
0xbc: {  	[sflag:s0] =	ssyncadd.remote.s32 $0x1  }
0xbd: {  	_ =	sfence.sel $0xFFFF  }
0xbe: {  	[dreg:$0x0] =	wrdreg $0xFFFFFFFF;
	(pc) =	sbr.abs _section_cstart, $3  }
0xbf: {  	[dreg:$0x1] =	wrdreg $0xFFFFFFFF  }
0xc0: {  	_ =	task.clear_ibuf [dreg:s6], $0x2FFFF;
	_ =	strace $0x9FFFFFFF  }
0xc1: {  	(tm) =	ssettm $0x7FFFFFFF  }
tec
execute0_lowered:
.L_overlay_start_1:
0x0: {  	(tag) =	ssettag $0x1  }
0x1: {  	s1 =	srdreg.scid;
	s0 =	stileid.u32  }
0x2: {  	s4 =	rddreg [dreg:$0x0];
	s2 =	simm.s32 $0x0;
	s9 =	simm.s32 $0x4E20  }
0x3: {  	s10 =	simm.s32 $0x1;
	s3 =	sand.u32 $0x1, s1;
	s30 =	sshll.u32 s0, $0x1  }
0x4: {  	s11 =	simm.s32 $0x7530;
	s12 =	simm.s32 $0x2;
	s5 =	sor.u32 s3, s30  }
0x5: {  	s13 =	simm.s32 $0x0;
	[smem:$0x7FF] =	sst s2;
	s5 =	smul.u32 $0x4E2, s5  }
0x6: {  	s1 =	rddreg [dreg:$0x1];
	s6 =	ssub.s32 $0x2, s3;
	_ =	strace $0x80000056  }
0x7: {  	s3 =	sadd.s32 $0x15A00, s4;
	s31 =	sshrl.u32 s6, $0x1;
	s7 =	sadd.s32 s5, s4  }
0x8: {  	s8 =	ssub.s32 s6, s31;
	s4 =	sadd.s32 $0xBC00, s7;
	s5 =	sadd.s32 $0x1E00, s7  }
0x9: {  	v0 =	vimm.f32 $0.0e+00;
	s6 =	sadd.s32 $0x16000, s7;
	s7 =	smax.u32 s8, $0x1;
	s8 =	simm.s32 $0x2710  }
.LBB2_1:
0xa: {  	[tilespmem:s2], [sflag:$0x1] =	stream.linear.gather [hbm4b:s3+s2], $0x2710, $0x38;
	[tilespmem:$0x9C40] =	vst v63  }
0xb: {  	_ = 	snop  }
0xc: {  	[tilespmem:s8], [sflag:$0x1] =	stream.linear.gather [hbm4b:s4+s2], $0x2710, $0x38;
	[tilespmem:$0x9C40] =	vst v63  }
0xd: {  	s15 =	simm.s32 $0x140;
	s14 =	simm.s32 $0x0  }
0xe: {  	[tilespmem:s9], [sflag:$0x1] =	stream.linear.gather [hbm4b:s5+s2], $0x2710, $0x38;
	[tilespmem:$0x9C40] =	vst v63  }
.LBB2_2:
0xf: {  	p0 =	sne.s32 s15, $0x9B00;
	[tilespmem:s14+$0x7570] =	vst v0;
	s16 =	smov.u32 s15;
	s15 =	sadd.s32 $0x140, s15  }
.Ltmp0:
0x10: {  	[tilespmem:s14+$0x7560] =	vst v0;
	(pc) =	sbr.rel @p0 .LBB2_2-.Ltmp0, $4  }
0x11: {  	[tilespmem:s14+$0x7550] =	vst v0  }
0x12: {  	[tilespmem:s14+$0x7530] =	vst v0  }
0x13: {  	[tilespmem:s14+$0x7540] =	vst v0  }
0x14: {  	s14 =	sshra.s32 s16, $0x2  }
0x15: {  	[tilespmem:s14+$0x7570] =	vst v0  }
0x16: {  	[tilespmem:s14+$0x7560] =	vst v0  }
0x17: {  	[tilespmem:s14+$0x7550] =	vst v0  }
0x18: {  	[tilespmem:s14+$0x7530] =	vst v0  }
0x19: {  	[tilespmem:s14+$0x7540] =	vst v0  }
0x1a: {  	_ =	swait.ge [sflag:s10], $0x2710  }
0x1b: {  	[sflag:s10] =	ssyncset.done $0x0  }
0x1c: {  	[sflag:s10] =	ssyncadd.s32 $0xFFFFD8F0  }
0x1d: {  	_ =	swait.ge [sflag:s10], $0x2710  }
0x1e: {  	[sflag:s10] =	ssyncset.done $0x0  }
0x1f: {  	[sflag:s10] =	ssyncadd.s32 $0xFFFFD8F0  }
0x20: {  	_ =	swait.ge [sflag:s10], $0x2710  }
0x21: {  	[sflag:s10] =	ssyncset.done $0x0  }
0x22: {  	s14 =	simm.s32 $0x0;
	[sflag:s10] =	ssyncadd.s32 $0xFFFFD8F0  }
.LBB2_4:
0x23: {  	s15 =	sshra.s32 s14, $0x2  }
0x24: {  	v1 =	vld [tilespmem:s15+$0x2710];
	_ =	sdelay $0x4  }
0x25: {  	v2 =	vld [tilespmem:s15+$0x4E20];
	_ =	sdelay $0x2  }
0x26: {  	v1 =	vld.idx.msk [tilespmem:v1+s2+$0x0], $0xffff;
	_ =	sdelay $0x4  }
0x27: {  	[tilespmem:v2+s11+$0x0] =	vst.idx.add.f32.msk $0xffff, v1  }
0x28: {  	v1 =	vld [tilespmem:s15+$0x2720];
	_ =	sdelay $0x4  }
0x29: {  	v2 =	vld [tilespmem:s15+$0x4E30];
	_ =	sdelay $0x2  }
0x2a: {  	v1 =	vld.idx.msk [tilespmem:v1+s2+$0x0], $0xffff;
	_ =	sdelay $0x4  }
0x2b: {  	[tilespmem:v2+s11+$0x0] =	vst.idx.add.f32.msk $0xffff, v1  }
0x2c: {  	v1 =	vld [tilespmem:s15+$0x2730];
	_ =	sdelay $0x4  }
0x2d: {  	v2 =	vld [tilespmem:s15+$0x4E40];
	_ =	sdelay $0x2  }
0x2e: {  	v1 =	vld.idx.msk [tilespmem:v1+s2+$0x0], $0xffff;
	_ =	sdelay $0x4  }
0x2f: {  	[tilespmem:v2+s11+$0x0] =	vst.idx.add.f32.msk $0xffff, v1  }
0x30: {  	v1 =	vld [tilespmem:s15+$0x2740];
	_ =	sdelay $0x4  }
0x31: {  	v2 =	vld [tilespmem:s15+$0x4E50];
	_ =	sdelay $0x2  }
0x32: {  	v1 =	vld.idx.msk [tilespmem:v1+s2+$0x0], $0xffff;
	_ =	sdelay $0x4  }
0x33: {  	[tilespmem:v2+s11+$0x0] =	vst.idx.add.f32.msk $0xffff, v1  }
0x34: {  	v1 =	vld [tilespmem:s15+$0x2750];
	_ =	sdelay $0x4  }
0x35: {  	v2 =	vld [tilespmem:s15+$0x4E60];
	_ =	sdelay $0x2  }
0x36: {  	p0 =	sne.s32 s14, $0x9B00;
	v1 =	vld.idx.msk [tilespmem:v1+s2+$0x0], $0xffff  }
.Ltmp1:
0x37: {  	_ = 	snop;
	(pc) =	sbr.rel @p0 .LBB2_4-.Ltmp1, $2  }
0x38: {  	_ =	sdelay $0x2  }
0x39: {  	s14 =	sadd.s32 $0x140, s14;
	[tilespmem:v2+s11+$0x0] =	vst.idx.add.f32.msk $0xffff, v1  }
0x3a: {  	s13 =	sadd.s32 $0x1, s13  }
0x3b: {  	p0 =	sne.s32 s13, s7  }
.Ltmp2:
0x3c: {  	_ = 	snop;
	(pc) =	sbr.rel @p0 .LBB2_1-.Ltmp2, $4  }
0x3d: {  	[hbm4b:s6+s2] =	stream.linear.scatter [tilespmem:s11], [sflag:$0x2], $0x2710, $0x38;
	[tilespmem:$0x9C40] =	vst v63  }
0x3e: {  	_ =	swait.ge [sflag:s12], $0x2710  }
0x3f: {  	[sflag:s12] =	ssyncset.done $0x0  }
0x40: {  	[sflag:s12] =	ssyncadd.s32 $0xFFFFD8F0  }
0x41: {  	_ =	sfence.sel $0x180000  }
0x42: {  	[bflag:$0x0] =	sbarrier.arrive $0xFFFF  }
0x43: {  	p0 =	sne.s32 s0, $0x0;
	_ =	strace $0x90000056  }
0x44: {  	s0 =	sadd.s32 @!p0 $0x100000, s1;
	[bflag:$0x2] =	sbarrier.arrive $0xFFFF  }
0x45: {  	[sflag:s0] =	ssyncadd.tile.s32 @!p0 $0x1;
	_ =	shalt  }
.Lfunc_end2:
_tile_overlayer_lowered:
.L_overlay_start_2:
0x46: {  	(tag) =	ssettag $0x2  }
0x47: {  	s0 =	rddreg [dreg:$0x0];
	s2 =	stileid.u32  }
0x48: {  	s1 =	rddreg [dreg:$0x1];
	p0 =	sne.s32 s2, $0x0  }
0x49: {  	s3 =	rddreg [dreg:$0x2];
	[bflag:$0x3] =	sbarrier.arrive $0xFFFF;
	s2 =	simm.s32 @!p0 $0x1C02  }
0x4a: {  	[timem:s3], [sflag:s2] =	dma.local @!p0 [hbm:s0], s1  }
0x4b: {  	s0 =	simm.s32 @!p0 $0x2  }
0x4c: {  	_ =	swait.ge @!p0 [sflag:s0], s1  }
0x4d: {  	s1 =	ssub.s32 @!p0 $0x0, s1;
	[sflag:s0] =	ssyncset.done @!p0 $0x0  }
0x4e: {  	[sflag:s0] =	ssyncadd.s32 @!p0 s1  }
0x4f: {  	[bflag:$0x3] =	sbarrier.arrive $0xFFFF  }
0x50: {  	_ =	shalt  }

</sc_bundles>
